<compile_context>
chip_gen: v7x
topology: tpu7x:2x2x1
jax: 0.10.2.dev20260603
libtpu: 0.0.44.dev20260713+nightly
codegen_flags: <defaults>
</compile_context>

<pallas_src>
import functools

import jax
import jax.numpy as jnp
from jax import lax
from jax.experimental import pallas as pl
from jax.experimental.pallas import tpu as pltpu
from jax.experimental.pallas import tpu_sc as plsc

DEG = 32
F = 128
N_WORKERS = 32

NS_SC = 2560
NODES_PW = NS_SC // N_WORKERS
CHUNK = 8

TC1_BLOCK = 744
TC2_BLOCK = 512


def _agg1_body(h_ref, nei_ref, wt_ref, b_ref, out_ref, *, inv_count):
    s = jnp.sum(nei_ref[...], axis=1) + h_ref[...]
    agg = s * inv_count
    out_ref[...] = (
        jnp.dot(agg, wt_ref[...], preferred_element_type=jnp.float32) + b_ref[...]
    )


def _agg2_body(h_ref, part_ref, wt_ref, b_ref, out_ref, *, inv_count):
    agg = (part_ref[...] + h_ref[...]) * inv_count
    out_ref[...] = (
        jnp.dot(agg, wt_ref[...], preferred_element_type=jnp.float32) + b_ref[...]
    )


def _sc_mailbox_sum(nei2, nt):
    mesh = plsc.VectorSubcoreMesh(core_axis_name="c", subcore_axis_name="s")

    nsteps = NODES_PW // CHUNK

    @functools.partial(
        pl.kernel,
        out_type=jax.ShapeDtypeStruct((NS_SC, F), jnp.float32),
        mesh=mesh,
        scratch_types=[
            pltpu.VMEM((CHUNK * DEG, F), jnp.float32),
            pltpu.VMEM((CHUNK * DEG, F), jnp.float32),
            pltpu.VMEM((CHUNK, F), jnp.float32),
            pltpu.VMEM((CHUNK, F), jnp.float32),
            pltpu.SemaphoreType.DMA,
            pltpu.SemaphoreType.DMA,
            pltpu.SemaphoreType.DMA,
            pltpu.SemaphoreType.DMA,
        ],
    )
    def sc_sum(nei_hbm, out_hbm, buf0, buf1, obuf0, obuf1, s0, s1, os0, os1):
        wid = lax.axis_index("s") * 2 + lax.axis_index("c")
        base = wid * NODES_PW

        def in_copy(step, buf, sem):
            node0 = base + step * CHUNK
            return pltpu.make_async_copy(
                nei_hbm.at[pl.ds((nt + node0) * DEG, CHUNK * DEG)], buf, sem
            )

        def out_copy(step, obuf, sem):
            node0 = base + step * CHUNK
            return pltpu.make_async_copy(obuf, out_hbm.at[pl.ds(node0, CHUNK)], sem)

        def reduce_chunk(buf, obuf):
            @pl.loop(0, CHUNK)
            def _(g):
                for c1 in range(0, F, 16):
                    vals = [
                        buf.at[pl.ds(g * DEG + d, 1), pl.ds(c1, 16)][...]
                        for d in range(DEG)
                    ]
                    while len(vals) > 1:
                        nxt = [
                            vals[i] + vals[i + 1] for i in range(0, len(vals) - 1, 2)
                        ]
                        if len(vals) % 2:
                            nxt.append(vals[-1])
                        vals = nxt
                    obuf.at[pl.ds(g, 1), pl.ds(c1, 16)][...] = vals[0]

        in_copy(0, buf0, s0).start()

        @pl.loop(0, nsteps, step=2)
        def _(s):
            in_copy(s + 1, buf1, s1).start()
            in_copy(s, buf0, s0).wait()

            @pl.when(s >= 2)
            def _():
                out_copy(s - 2, obuf0, os0).wait()

            reduce_chunk(buf0, obuf0)
            out_copy(s, obuf0, os0).start()

            @pl.when(s + 2 < nsteps)
            def _():
                in_copy(s + 2, buf0, s0).start()

            in_copy(s + 1, buf1, s1).wait()

            @pl.when(s >= 2)
            def _():
                out_copy(s - 1, obuf1, os1).wait()

            reduce_chunk(buf1, obuf1)
            out_copy(s + 1, obuf1, os1).start()

        out_copy(nsteps - 2, obuf0, os0).wait()
        out_copy(nsteps - 1, obuf1, os1).wait()

    return sc_sum(nei2)


@jax.jit
def kernel(h, nei, W, b):
    n, in_feats = h.shape
    deg = nei.shape[1]
    out_feats = W.shape[0]
    nt = n - NS_SC
    inv_count = float(1.0 / (deg + 1))

    wt = W.T
    b2 = b.reshape(1, out_feats)
    nei2 = nei.reshape(n * deg, in_feats)

    part = _sc_mailbox_sum(nei2, nt)

    body1 = functools.partial(_agg1_body, inv_count=inv_count)
    out1 = pl.pallas_call(
        body1,
        grid=(nt // TC1_BLOCK,),
        in_specs=[
            pl.BlockSpec((TC1_BLOCK, in_feats), lambda i: (i, 0)),
            pl.BlockSpec((TC1_BLOCK, deg, in_feats), lambda i: (i, 0, 0)),
            pl.BlockSpec((in_feats, out_feats), lambda i: (0, 0)),
            pl.BlockSpec((1, out_feats), lambda i: (0, 0)),
        ],
        out_specs=pl.BlockSpec((TC1_BLOCK, out_feats), lambda i: (i, 0)),
        out_shape=jax.ShapeDtypeStruct((nt, out_feats), jnp.float32),
    )(h, nei, wt, b2)

    h_tail = lax.slice(h, (nt, 0), (n, in_feats))
    body2 = functools.partial(_agg2_body, inv_count=inv_count)
    out2 = pl.pallas_call(
        body2,
        grid=(NS_SC // TC2_BLOCK,),
        in_specs=[
            pl.BlockSpec((TC2_BLOCK, in_feats), lambda i: (i, 0)),
            pl.BlockSpec((TC2_BLOCK, in_feats), lambda i: (i, 0)),
            pl.BlockSpec((in_feats, out_feats), lambda i: (0, 0)),
            pl.BlockSpec((1, out_feats), lambda i: (0, 0)),
        ],
        out_specs=pl.BlockSpec((TC2_BLOCK, out_feats), lambda i: (i, 0)),
        out_shape=jax.ShapeDtypeStruct((NS_SC, out_feats), jnp.float32),
    )(h_tail, part, wt, b2)

    return jnp.concatenate([out1, out2], axis=0)

# --- scband reference (transcript-rebuilt; emitter-appended) ---
"""Pipeline reference for scband-aggregator-22548578304241 (READ-ONLY COPY).

The authoritative reference and input builder live on the scoring server;
editing this copy changes nothing except your own understanding.
"""

import jax, jax.numpy as jnp
import numpy as np

N = 10000
DEG = 32
IN_FEATS = 128
OUT_FEATS = 128


def setup_inputs(seed: int = 0) -> dict:
    key = jax.random.key(seed)
    k1, k2, k3, k4 = jax.random.split(key, 4)
    h = jax.random.normal(k1, (N, IN_FEATS), dtype=jnp.float32)
    nei = jax.random.normal(k2, (N, DEG, IN_FEATS), dtype=jnp.float32)
    # xavier_uniform_ with gain = calculate_gain('relu') = sqrt(2)
    gain = np.sqrt(2.0)
    limit = gain * np.sqrt(6.0 / (IN_FEATS + OUT_FEATS))
    W = jax.random.uniform(k3, (OUT_FEATS, IN_FEATS), dtype=jnp.float32, minval=-limit, maxval=limit)
    # nn.Linear default bias init: U(-1/sqrt(fan_in), 1/sqrt(fan_in))
    bb = 1.0 / np.sqrt(IN_FEATS)
    b = jax.random.uniform(k4, (OUT_FEATS,), dtype=jnp.float32, minval=-bb, maxval=bb)
    return {"h": h, "nei": nei, "W": W, "b": b}


def reference(h, nei, W, b):
    # concat (MeanAggregator semantics, as in the DGL GraphSAGE example this class is from):
    # stack self feature with neighbor mailbox and take the mean over (deg + 1) entries.
    concatenate = jnp.concatenate([nei, h[:, None, :]], axis=1)  # [N, DEG+1, d]
    agg = jnp.sum(concatenate, axis=1) / jnp.float32(concatenate.shape[1])  # [N, d]
    # linear
    out = agg @ W.T + b  # [N, out_feats]
    # activation is None -> skipped
    # norm computation (present in original forward, result discarded)
    norm = jnp.power(out, 2)
    norm = jnp.sum(norm, axis=1, keepdims=True)
    norm = jnp.power(norm, -0.5)
    norm = jnp.where(jnp.isinf(norm), jnp.float32(0.0), norm)
    _ = norm  # not used downstream, matches original which returns only 'h'
    return out

if __name__ == "__main__":
    import jax
    _d = setup_inputs()
    print(jax.jit(kernel)(*tuple(_d.values())))

</pallas_src>

<mosaic_0001>
#map = affine_map<(d0, d1) -> (0, 0)>
module attributes {stable_mosaic.version = 14 : i64} {
  func.func @sc_sum(%arg0: i32, %arg1: i32, %arg2: memref<320000x128xf32, #tpu.memory_space<hbm>>, %arg3: memref<2560x128xf32, #tpu.memory_space<hbm>>, %arg4: memref<256x128xf32, #tpu.memory_space<vmem>>, %arg5: memref<256x128xf32, #tpu.memory_space<vmem>>, %arg6: memref<8x128xf32, #tpu.memory_space<vmem>>, %arg7: memref<8x128xf32, #tpu.memory_space<vmem>>, %arg8: memref<!tpu.dma_semaphore, #tpu.memory_space<semaphore_mem>>, %arg9: memref<!tpu.dma_semaphore, #tpu.memory_space<semaphore_mem>>, %arg10: memref<!tpu.dma_semaphore, #tpu.memory_space<semaphore_mem>>, %arg11: memref<!tpu.dma_semaphore, #tpu.memory_space<semaphore_mem>>) attributes {dimension_semantics = [#tpu.dimension_semantics<core_parallel>, #tpu.dimension_semantics<subcore_parallel>], iteration_bounds = array<i64: 2, 16>, scalar_prefetch = 0 : i64, scratch_operands = 8 : i64, tpu.core_type = #tpu.core_type<sc_vector_subcore>, window_params = [{transform_indices = #map}, {transform_indices = #map}]} {
    %mul3A = arith.constant 2 : i32
    %mul3A_0 = arith.muli %arg1, %mul3A : i32
    %add3A = arith.addi %mul3A_0, %arg0 : i32
    %mul3A_1 = arith.constant 80 : i32
    %mul3A_2 = arith.muli %add3A, %mul3A_1 : i32
    %add3A_3 = arith.constant 0 : i32
    %add3A_4 = arith.addi %mul3A_2, %add3A_3 : i32
    %add3A_5 = arith.constant 7440 : i32
    %add3A_6 = arith.addi %add3A_5, %add3A_4 : i32
    %mul3A_7 = arith.constant 32 : i32
    %mul3A_8 = arith.muli %add3A_6, %mul3A_7 : i32
    %dma_start3A = arith.constant 0 : i32
    %dma_start3A_9 = tpu.memref_slice %arg2[%mul3A_8, %dma_start3A] : memref<320000x128xf32, #tpu.memory_space<hbm>> -> memref<256x128xf32, #tpu.memory_space<hbm>>
    %dma_start3A_10 = arith.constant 0 : i32
    %dma_start3A_11 = tpu.memref_slice %arg2[%mul3A_8, %dma_start3A_10] : memref<320000x128xf32, #tpu.memory_space<hbm>> -> memref<256x128xf32, #tpu.memory_space<hbm>>
    tpu.enqueue_dma source(%dma_start3A_11 : memref<256x128xf32, #tpu.memory_space<hbm>>) target(%arg4 : memref<256x128xf32, #tpu.memory_space<vmem>>) target_semaphore(%arg8 : memref<!tpu.dma_semaphore, #tpu.memory_space<semaphore_mem>>)
    %scan3A = arith.constant 0 : i32
    %scan3A_12 = arith.constant 5 : i32
    %scan3A_13 = arith.addi %scan3A, %scan3A_12 : i32
    %scan3A_14 = arith.constant 1 : i32
    scf.for %scan3A_27 = %scan3A to %scan3A_13 step %scan3A_14  : i32 {
      %mul3A_28 = arith.constant 2 : i32
      %mul3A_29 = arith.muli %scan3A_27, %mul3A_28 : i32
      %add3A_30 = arith.constant 0 : i32
      %add3A_31 = arith.addi %add3A_30, %mul3A_29 : i32
      %add3A_32 = arith.constant 1 : i32
      %add3A_33 = arith.addi %add3A_31, %add3A_32 : i32
      %mul3A_34 = arith.constant 8 : i32
      %mul3A_35 = arith.muli %add3A_33, %mul3A_34 : i32
      %add3A_36 = arith.addi %mul3A_2, %mul3A_35 : i32
      %add3A_37 = arith.constant 7440 : i32
      %add3A_38 = arith.addi %add3A_37, %add3A_36 : i32
      %mul3A_39 = arith.constant 32 : i32
      %mul3A_40 = arith.muli %add3A_38, %mul3A_39 : i32
      %dma_start3A_41 = arith.constant 0 : i32
      %dma_start3A_42 = tpu.memref_slice %arg2[%mul3A_40, %dma_start3A_41] : memref<320000x128xf32, #tpu.memory_space<hbm>> -> memref<256x128xf32, #tpu.memory_space<hbm>>
      %dma_start3A_43 = arith.constant 0 : i32
      %dma_start3A_44 = tpu.memref_slice %arg2[%mul3A_40, %dma_start3A_43] : memref<320000x128xf32, #tpu.memory_space<hbm>> -> memref<256x128xf32, #tpu.memory_space<hbm>>
      tpu.enqueue_dma source(%dma_start3A_44 : memref<256x128xf32, #tpu.memory_space<hbm>>) target(%arg5 : memref<256x128xf32, #tpu.memory_space<vmem>>) target_semaphore(%arg9 : memref<!tpu.dma_semaphore, #tpu.memory_space<semaphore_mem>>)
      %mul3A_45 = arith.constant 8 : i32
      %mul3A_46 = arith.muli %add3A_31, %mul3A_45 : i32
      %add3A_47 = arith.addi %mul3A_2, %mul3A_46 : i32
      %add3A_48 = arith.constant 7440 : i32
      %add3A_49 = arith.addi %add3A_48, %add3A_47 : i32
      %mul3A_50 = arith.constant 32 : i32
      %mul3A_51 = arith.muli %add3A_49, %mul3A_50 : i32
      %dma_wait3A_52 = arith.constant 0 : i32
      %dma_wait3A_53 = tpu.memref_slice %arg2[%mul3A_51, %dma_wait3A_52] : memref<320000x128xf32, #tpu.memory_space<hbm>> -> memref<256x128xf32, #tpu.memory_space<hbm>>
      %dma_wait3A_54 = arith.constant 0 : i32
      %dma_wait3A_55 = tpu.memref_slice %arg2[%mul3A_51, %dma_wait3A_54] : memref<320000x128xf32, #tpu.memory_space<hbm>> -> memref<256x128xf32, #tpu.memory_space<hbm>>
      tpu.wait_dma2 semaphore(%arg8 : memref<!tpu.dma_semaphore, #tpu.memory_space<semaphore_mem>>) src(%dma_wait3A_55 : memref<256x128xf32, #tpu.memory_space<hbm>>) dst(%arg4 : memref<256x128xf32, #tpu.memory_space<vmem>>)
      %ge3A = arith.constant 2 : i32
      %ge3A_56 = arith.cmpi sge, %add3A_31, %ge3A : i32
      %convert_element_type3A = arith.extui %ge3A_56 : i1 to i32
      %cond3A = arith.constant 0 : i32
      %cond3A_57 = arith.cmpi ne, %convert_element_type3A, %cond3A : i32
      scf.if %cond3A_57 {
        %sub3A = arith.constant 2 : i32
        %sub3A_108 = arith.subi %add3A_31, %sub3A : i32
        %mul3A_109 = arith.constant 8 : i32
        %mul3A_110 = arith.muli %sub3A_108, %mul3A_109 : i32
        %add3A_111 = arith.addi %mul3A_2, %mul3A_110 : i32
        %dma_wait3A_112 = arith.constant 0 : i32
        %dma_wait3A_113 = tpu.memref_slice %arg3[%add3A_111, %dma_wait3A_112] : memref<2560x128xf32, #tpu.memory_space<hbm>> -> memref<8x128xf32, #tpu.memory_space<hbm>>
        %dma_wait3A_114 = arith.constant 0 : i32
        %dma_wait3A_115 = tpu.memref_slice %arg3[%add3A_111, %dma_wait3A_114] : memref<2560x128xf32, #tpu.memory_space<hbm>> -> memref<8x128xf32, #tpu.memory_space<hbm>>
        tpu.wait_dma2 semaphore(%arg10 : memref<!tpu.dma_semaphore, #tpu.memory_space<semaphore_mem>>) src(%arg6 : memref<8x128xf32, #tpu.memory_space<vmem>>) dst(%dma_wait3A_115 : memref<8x128xf32, #tpu.memory_space<hbm>>)
      } else {
      }
      %scan3A_58 = arith.constant 0 : i32
      %scan3A_59 = arith.constant 8 : i32
      %scan3A_60 = arith.addi %scan3A_58, %scan3A_59 : i32
      %scan3A_61 = arith.constant 1 : i32
      scf.for %scan3A_108 = %scan3A_58 to %scan3A_60 step %scan3A_61  : i32 {
        %mul3A_109 = arith.constant 1 : i32
        %mul3A_110 = arith.muli %scan3A_108, %mul3A_109 : i32
        %add3A_111 = arith.constant 0 : i32
        %add3A_112 = arith.addi %add3A_111, %mul3A_110 : i32
        %mul3A_113 = arith.constant 32 : i32
        %mul3A_114 = arith.muli %add3A_112, %mul3A_113 : i32
        %add3A_115 = arith.constant 0 : i32
        %add3A_116 = arith.addi %mul3A_114, %add3A_115 : i32
        %get3A = arith.index_cast %add3A_116 : i32 to index
        %get3A_117 = arith.constant 0 : index
        %get3A_118 = tpu.vector_load %arg4[%get3A, %get3A_117] {strides = array<i32>} : memref<256x128xf32, #tpu.memory_space<vmem>>, vector<1x16xf32>,
        %get3A_119 = vector.shape_cast %get3A_118 : vector<1x16xf32> to vector<1x16xf32>
        %mul3A_120 = arith.constant 32 : i32
        %mul3A_121 = arith.muli %add3A_112, %mul3A_120 : i32
        %add3A_122 = arith.constant 1 : i32
        %add3A_123 = arith.addi %mul3A_121, %add3A_122 : i32
        %get3A_124 = arith.index_cast %add3A_123 : i32 to index
        %get3A_125 = arith.constant 0 : index
        %get3A_126 = tpu.vector_load %arg4[%get3A_124, %get3A_125] {strides = array<i32>} : memref<256x128xf32, #tpu.memory_space<vmem>>, vector<1x16xf32>,
        %get3A_127 = vector.shape_cast %get3A_126 : vector<1x16xf32> to vector<1x16xf32>
        %mul3A_128 = arith.constant 32 : i32
        %mul3A_129 = arith.muli %add3A_112, %mul3A_128 : i32
        %add3A_130 = arith.constant 2 : i32
        %add3A_131 = arith.addi %mul3A_129, %add3A_130 : i32
        %get3A_132 = arith.index_cast %add3A_131 : i32 to index
        %get3A_133 = arith.constant 0 : index
        %get3A_134 = tpu.vector_load %arg4[%get3A_132, %get3A_133] {strides = array<i32>} : memref<256x128xf32, #tpu.memory_space<vmem>>, vector<1x16xf32>,
        %get3A_135 = vector.shape_cast %get3A_134 : vector<1x16xf32> to vector<1x16xf32>
        %mul3A_136 = arith.constant 32 : i32
        %mul3A_137 = arith.muli %add3A_112, %mul3A_136 : i32
        %add3A_138 = arith.constant 3 : i32
        %add3A_139 = arith.addi %mul3A_137, %add3A_138 : i32
        %get3A_140 = arith.index_cast %add3A_139 : i32 to index
        %get3A_141 = arith.constant 0 : index
        %get3A_142 = tpu.vector_load %arg4[%get3A_140, %get3A_141] {strides = array<i32>} : memref<256x128xf32, #tpu.memory_space<vmem>>, vector<1x16xf32>,
        %get3A_143 = vector.shape_cast %get3A_142 : vector<1x16xf32> to vector<1x16xf32>
        %mul3A_144 = arith.constant 32 : i32
        %mul3A_145 = arith.muli %add3A_112, %mul3A_144 : i32
        %add3A_146 = arith.constant 4 : i32
        %add3A_147 = arith.addi %mul3A_145, %add3A_146 : i32
        %get3A_148 = arith.index_cast %add3A_147 : i32 to index
        %get3A_149 = arith.constant 0 : index
        %get3A_150 = tpu.vector_load %arg4[%get3A_148, %get3A_149] {strides = array<i32>} : memref<256x128xf32, #tpu.memory_space<vmem>>, vector<1x16xf32>,
        %get3A_151 = vector.shape_cast %get3A_150 : vector<1x16xf32> to vector<1x16xf32>
        %mul3A_152 = arith.constant 32 : i32
        %mul3A_153 = arith.muli %add3A_112, %mul3A_152 : i32
        %add3A_154 = arith.constant 5 : i32
        %add3A_155 = arith.addi %mul3A_153, %add3A_154 : i32
        %get3A_156 = arith.index_cast %add3A_155 : i32 to index
        %get3A_157 = arith.constant 0 : index
        %get3A_158 = tpu.vector_load %arg4[%get3A_156, %get3A_157] {strides = array<i32>} : memref<256x128xf32, #tpu.memory_space<vmem>>, vector<1x16xf32>,
        %get3A_159 = vector.shape_cast %get3A_158 : vector<1x16xf32> to vector<1x16xf32>
        %mul3A_160 = arith.constant 32 : i32
        %mul3A_161 = arith.muli %add3A_112, %mul3A_160 : i32
        %add3A_162 = arith.constant 6 : i32
        %add3A_163 = arith.addi %mul3A_161, %add3A_162 : i32
        %get3A_164 = arith.index_cast %add3A_163 : i32 to index
        %get3A_165 = arith.constant 0 : index
        %get3A_166 = tpu.vector_load %arg4[%get3A_164, %get3A_165] {strides = array<i32>} : memref<256x128xf32, #tpu.memory_space<vmem>>, vector<1x16xf32>,
        %get3A_167 = vector.shape_cast %get3A_166 : vector<1x16xf32> to vector<1x16xf32>
        %mul3A_168 = arith.constant 32 : i32
        %mul3A_169 = arith.muli %add3A_112, %mul3A_168 : i32
        %add3A_170 = arith.constant 7 : i32
        %add3A_171 = arith.addi %mul3A_169, %add3A_170 : i32
        %get3A_172 = arith.index_cast %add3A_171 : i32 to index
        %get3A_173 = arith.constant 0 : index
        %get3A_174 = tpu.vector_load %arg4[%get3A_172, %get3A_173] {strides = array<i32>} : memref<256x128xf32, #tpu.memory_space<vmem>>, vector<1x16xf32>,
        %get3A_175 = vector.shape_cast %get3A_174 : vector<1x16xf32> to vector<1x16xf32>
        %mul3A_176 = arith.constant 32 : i32
        %mul3A_177 = arith.muli %add3A_112, %mul3A_176 : i32
        %add3A_178 = arith.constant 8 : i32
        %add3A_179 = arith.addi %mul3A_177, %add3A_178 : i32
        %get3A_180 = arith.index_cast %add3A_179 : i32 to index
        %get3A_181 = arith.constant 0 : index
        %get3A_182 = tpu.vector_load %arg4[%get3A_180, %get3A_181] {strides = array<i32>} : memref<256x128xf32, #tpu.memory_space<vmem>>, vector<1x16xf32>,
        %get3A_183 = vector.shape_cast %get3A_182 : vector<1x16xf32> to vector<1x16xf32>
        %mul3A_184 = arith.constant 32 : i32
        %mul3A_185 = arith.muli %add3A_112, %mul3A_184 : i32
        %add3A_186 = arith.constant 9 : i32
        %add3A_187 = arith.addi %mul3A_185, %add3A_186 : i32
        %get3A_188 = arith.index_cast %add3A_187 : i32 to index
        %get3A_189 = arith.constant 0 : index
        %get3A_190 = tpu.vector_load %arg4[%get3A_188, %get3A_189] {strides = array<i32>} : memref<256x128xf32, #tpu.memory_space<vmem>>, vector<1x16xf32>,
        %get3A_191 = vector.shape_cast %get3A_190 : vector<1x16xf32> to vector<1x16xf32>
        %mul3A_192 = arith.constant 32 : i32
        %mul3A_193 = arith.muli %add3A_112, %mul3A_192 : i32
        %add3A_194 = arith.constant 10 : i32
        %add3A_195 = arith.addi %mul3A_193, %add3A_194 : i32
        %get3A_196 = arith.index_cast %add3A_195 : i32 to index
        %get3A_197 = arith.constant 0 : index
        %get3A_198 = tpu.vector_load %arg4[%get3A_196, %get3A_197] {strides = array<i32>} : memref<256x128xf32, #tpu.memory_space<vmem>>, vector<1x16xf32>,
        %get3A_199 = vector.shape_cast %get3A_198 : vector<1x16xf32> to vector<1x16xf32>
        %mul3A_200 = arith.constant 32 : i32
        %mul3A_201 = arith.muli %add3A_112, %mul3A_200 : i32
        %add3A_202 = arith.constant 11 : i32
        %add3A_203 = arith.addi %mul3A_201, %add3A_202 : i32
        %get3A_204 = arith.index_cast %add3A_203 : i32 to index
        %get3A_205 = arith.constant 0 : index
        %get3A_206 = tpu.vector_load %arg4[%get3A_204, %get3A_205] {strides = array<i32>} : memref<256x128xf32, #tpu.memory_space<vmem>>, vector<1x16xf32>,
        %get3A_207 = vector.shape_cast %get3A_206 : vector<1x16xf32> to vector<1x16xf32>
        %mul3A_208 = arith.constant 32 : i32
        %mul3A_209 = arith.muli %add3A_112, %mul3A_208 : i32
        %add3A_210 = arith.constant 12 : i32
        %add3A_211 = arith.addi %mul3A_209, %add3A_210 : i32
        %get3A_212 = arith.index_cast %add3A_211 : i32 to index
        %get3A_213 = arith.constant 0 : index
        %get3A_214 = tpu.vector_load %arg4[%get3A_212, %get3A_213] {strides = array<i32>} : memref<256x128xf32, #tpu.memory_space<vmem>>, vector<1x16xf32>,
        %get3A_215 = vector.shape_cast %get3A_214 : vector<1x16xf32> to vector<1x16xf32>
        %mul3A_216 = arith.constant 32 : i32
        %mul3A_217 = arith.muli %add3A_112, %mul3A_216 : i32
        %add3A_218 = arith.constant 13 : i32
        %add3A_219 = arith.addi %mul3A_217, %add3A_218 : i32
        %get3A_220 = arith.index_cast %add3A_219 : i32 to index
        %get3A_221 = arith.constant 0 : index
        %get3A_222 = tpu.vector_load %arg4[%get3A_220, %get3A_221] {strides = array<i32>} : memref<256x128xf32, #tpu.memory_space<vmem>>, vector<1x16xf32>,
        %get3A_223 = vector.shape_cast %get3A_222 : vector<1x16xf32> to vector<1x16xf32>
        %mul3A_224 = arith.constant 32 : i32
        %mul3A_225 = arith.muli %add3A_112, %mul3A_224 : i32
        %add3A_226 = arith.constant 14 : i32
        %add3A_227 = arith.addi %mul3A_225, %add3A_226 : i32
        %get3A_228 = arith.index_cast %add3A_227 : i32 to index
        %get3A_229 = arith.constant 0 : index
        %get3A_230 = tpu.vector_load %arg4[%get3A_228, %get3A_229] {strides = array<i32>} : memref<256x128xf32, #tpu.memory_space<vmem>>, vector<1x16xf32>,
        %get3A_231 = vector.shape_cast %get3A_230 : vector<1x16xf32> to vector<1x16xf32>
        %mul3A_232 = arith.constant 32 : i32
        %mul3A_233 = arith.muli %add3A_112, %mul3A_232 : i32
        %add3A_234 = arith.constant 15 : i32
        %add3A_235 = arith.addi %mul3A_233, %add3A_234 : i32
        %get3A_236 = arith.index_cast %add3A_235 : i32 to index
        %get3A_237 = arith.constant 0 : index
        %get3A_238 = tpu.vector_load %arg4[%get3A_236, %get3A_237] {strides = array<i32>} : memref<256x128xf32, #tpu.memory_space<vmem>>, vector<1x16xf32>,
        %get3A_239 = vector.shape_cast %get3A_238 : vector<1x16xf32> to vector<1x16xf32>
        %mul3A_240 = arith.constant 32 : i32
        %mul3A_241 = arith.muli %add3A_112, %mul3A_240 : i32
        %add3A_242 = arith.constant 16 : i32
        %add3A_243 = arith.addi %mul3A_241, %add3A_242 : i32
        %get3A_244 = arith.index_cast %add3A_243 : i32 to index
        %get3A_245 = arith.constant 0 : index
        %get3A_246 = tpu.vector_load %arg4[%get3A_244, %get3A_245] {strides = array<i32>} : memref<256x128xf32, #tpu.memory_space<vmem>>, vector<1x16xf32>,
        %get3A_247 = vector.shape_cast %get3A_246 : vector<1x16xf32> to vector<1x16xf32>
        %mul3A_248 = arith.constant 32 : i32
        %mul3A_249 = arith.muli %add3A_112, %mul3A_248 : i32
        %add3A_250 = arith.constant 17 : i32
        %add3A_251 = arith.addi %mul3A_249, %add3A_250 : i32
        %get3A_252 = arith.index_cast %add3A_251 : i32 to index
        %get3A_253 = arith.constant 0 : index
        %get3A_254 = tpu.vector_load %arg4[%get3A_252, %get3A_253] {strides = array<i32>} : memref<256x128xf32, #tpu.memory_space<vmem>>, vector<1x16xf32>,
        %get3A_255 = vector.shape_cast %get3A_254 : vector<1x16xf32> to vector<1x16xf32>
        %mul3A_256 = arith.constant 32 : i32
        %mul3A_257 = arith.muli %add3A_112, %mul3A_256 : i32
        %add3A_258 = arith.constant 18 : i32
        %add3A_259 = arith.addi %mul3A_257, %add3A_258 : i32
        %get3A_260 = arith.index_cast %add3A_259 : i32 to index
        %get3A_261 = arith.constant 0 : index
        %get3A_262 = tpu.vector_load %arg4[%get3A_260, %get3A_261] {strides = array<i32>} : memref<256x128xf32, #tpu.memory_space<vmem>>, vector<1x16xf32>,
        %get3A_263 = vector.shape_cast %get3A_262 : vector<1x16xf32> to vector<1x16xf32>
        %mul3A_264 = arith.constant 32 : i32
        %mul3A_265 = arith.muli %add3A_112, %mul3A_264 : i32
        %add3A_266 = arith.constant 19 : i32
        %add3A_267 = arith.addi %mul3A_265, %add3A_266 : i32
        %get3A_268 = arith.index_cast %add3A_267 : i32 to index
        %get3A_269 = arith.constant 0 : index
        %get3A_270 = tpu.vector_load %arg4[%get3A_268, %get3A_269] {strides = array<i32>} : memref<256x128xf32, #tpu.memory_space<vmem>>, vector<1x16xf32>,
        %get3A_271 = vector.shape_cast %get3A_270 : vector<1x16xf32> to vector<1x16xf32>
        %mul3A_272 = arith.constant 32 : i32
        %mul3A_273 = arith.muli %add3A_112, %mul3A_272 : i32
        %add3A_274 = arith.constant 20 : i32
        %add3A_275 = arith.addi %mul3A_273, %add3A_274 : i32
        %get3A_276 = arith.index_cast %add3A_275 : i32 to index
        %get3A_277 = arith.constant 0 : index
        %get3A_278 = tpu.vector_load %arg4[%get3A_276, %get3A_277] {strides = array<i32>} : memref<256x128xf32, #tpu.memory_space<vmem>>, vector<1x16xf32>,
        %get3A_279 = vector.shape_cast %get3A_278 : vector<1x16xf32> to vector<1x16xf32>
        %mul3A_280 = arith.constant 32 : i32
        %mul3A_281 = arith.muli %add3A_112, %mul3A_280 : i32
        %add3A_282 = arith.constant 21 : i32
        %add3A_283 = arith.addi %mul3A_281, %add3A_282 : i32
        %get3A_284 = arith.index_cast %add3A_283 : i32 to index
        %get3A_285 = arith.constant 0 : index
        %get3A_286 = tpu.vector_load %arg4[%get3A_284, %get3A_285] {strides = array<i32>} : memref<256x128xf32, #tpu.memory_space<vmem>>, vector<1x16xf32>,
        %get3A_287 = vector.shape_cast %get3A_286 : vector<1x16xf32> to vector<1x16xf32>
        %mul3A_288 = arith.constant 32 : i32
        %mul3A_289 = arith.muli %add3A_112, %mul3A_288 : i32
        %add3A_290 = arith.constant 22 : i32
        %add3A_291 = arith.addi %mul3A_289, %add3A_290 : i32
        %get3A_292 = arith.index_cast %add3A_291 : i32 to index
        %get3A_293 = arith.constant 0 : index
        %get3A_294 = tpu.vector_load %arg4[%get3A_292, %get3A_293] {strides = array<i32>} : memref<256x128xf32, #tpu.memory_space<vmem>>, vector<1x16xf32>,
        %get3A_295 = vector.shape_cast %get3A_294 : vector<1x16xf32> to vector<1x16xf32>
        %mul3A_296 = arith.constant 32 : i32
        %mul3A_297 = arith.muli %add3A_112, %mul3A_296 : i32
        %add3A_298 = arith.constant 23 : i32
        %add3A_299 = arith.addi %mul3A_297, %add3A_298 : i32
        %get3A_300 = arith.index_cast %add3A_299 : i32 to index
        %get3A_301 = arith.constant 0 : index
        %get3A_302 = tpu.vector_load %arg4[%get3A_300, %get3A_301] {strides = array<i32>} : memref<256x128xf32, #tpu.memory_space<vmem>>, vector<1x16xf32>,
        %get3A_303 = vector.shape_cast %get3A_302 : vector<1x16xf32> to vector<1x16xf32>
        %mul3A_304 = arith.constant 32 : i32
        %mul3A_305 = arith.muli %add3A_112, %mul3A_304 : i32
        %add3A_306 = arith.constant 24 : i32
        %add3A_307 = arith.addi %mul3A_305, %add3A_306 : i32
        %get3A_308 = arith.index_cast %add3A_307 : i32 to index
        %get3A_309 = arith.constant 0 : index
        %get3A_310 = tpu.vector_load %arg4[%get3A_308, %get3A_309] {strides = array<i32>} : memref<256x128xf32, #tpu.memory_space<vmem>>, vector<1x16xf32>,
        %get3A_311 = vector.shape_cast %get3A_310 : vector<1x16xf32> to vector<1x16xf32>
        %mul3A_312 = arith.constant 32 : i32
        %mul3A_313 = arith.muli %add3A_112, %mul3A_312 : i32
        %add3A_314 = arith.constant 25 : i32
        %add3A_315 = arith.addi %mul3A_313, %add3A_314 : i32
        %get3A_316 = arith.index_cast %add3A_315 : i32 to index
        %get3A_317 = arith.constant 0 : index
        %get3A_318 = tpu.vector_load %arg4[%get3A_316, %get3A_317] {strides = array<i32>} : memref<256x128xf32, #tpu.memory_space<vmem>>, vector<1x16xf32>,
        %get3A_319 = vector.shape_cast %get3A_318 : vector<1x16xf32> to vector<1x16xf32>
        %mul3A_320 = arith.constant 32 : i32
        %mul3A_321 = arith.muli %add3A_112, %mul3A_320 : i32
        %add3A_322 = arith.constant 26 : i32
        %add3A_323 = arith.addi %mul3A_321, %add3A_322 : i32
        %get3A_324 = arith.index_cast %add3A_323 : i32 to index
        %get3A_325 = arith.constant 0 : index
        %get3A_326 = tpu.vector_load %arg4[%get3A_324, %get3A_325] {strides = array<i32>} : memref<256x128xf32, #tpu.memory_space<vmem>>, vector<1x16xf32>,
        %get3A_327 = vector.shape_cast %get3A_326 : vector<1x16xf32> to vector<1x16xf32>
        %mul3A_328 = arith.constant 32 : i32
        %mul3A_329 = arith.muli %add3A_112, %mul3A_328 : i32
        %add3A_330 = arith.constant 27 : i32
        %add3A_331 = arith.addi %mul3A_329, %add3A_330 : i32
        %get3A_332 = arith.index_cast %add3A_331 : i32 to index
        %get3A_333 = arith.constant 0 : index
        %get3A_334 = tpu.vector_load %arg4[%get3A_332, %get3A_333] {strides = array<i32>} : memref<256x128xf32, #tpu.memory_space<vmem>>, vector<1x16xf32>,
        %get3A_335 = vector.shape_cast %get3A_334 : vector<1x16xf32> to vector<1x16xf32>
        %mul3A_336 = arith.constant 32 : i32
        %mul3A_337 = arith.muli %add3A_112, %mul3A_336 : i32
        %add3A_338 = arith.constant 28 : i32
        %add3A_339 = arith.addi %mul3A_337, %add3A_338 : i32
        %get3A_340 = arith.index_cast %add3A_339 : i32 to index
        %get3A_341 = arith.constant 0 : index
        %get3A_342 = tpu.vector_load %arg4[%get3A_340, %get3A_341] {strides = array<i32>} : memref<256x128xf32, #tpu.memory_space<vmem>>, vector<1x16xf32>,
        %get3A_343 = vector.shape_cast %get3A_342 : vector<1x16xf32> to vector<1x16xf32>
        %mul3A_344 = arith.constant 32 : i32
        %mul3A_345 = arith.muli %add3A_112, %mul3A_344 : i32
        %add3A_346 = arith.constant 29 : i32
        %add3A_347 = arith.addi %mul3A_345, %add3A_346 : i32
        %get3A_348 = arith.index_cast %add3A_347 : i32 to index
        %get3A_349 = arith.constant 0 : index
        %get3A_350 = tpu.vector_load %arg4[%get3A_348, %get3A_349] {strides = array<i32>} : memref<256x128xf32, #tpu.memory_space<vmem>>, vector<1x16xf32>,
        %get3A_351 = vector.shape_cast %get3A_350 : vector<1x16xf32> to vector<1x16xf32>
        %mul3A_352 = arith.constant 32 : i32
        %mul3A_353 = arith.muli %add3A_112, %mul3A_352 : i32
        %add3A_354 = arith.constant 30 : i32
        %add3A_355 = arith.addi %mul3A_353, %add3A_354 : i32
        %get3A_356 = arith.index_cast %add3A_355 : i32 to index
        %get3A_357 = arith.constant 0 : index
        %get3A_358 = tpu.vector_load %arg4[%get3A_356, %get3A_357] {strides = array<i32>} : memref<256x128xf32, #tpu.memory_space<vmem>>, vector<1x16xf32>,
        %get3A_359 = vector.shape_cast %get3A_358 : vector<1x16xf32> to vector<1x16xf32>
        %mul3A_360 = arith.constant 32 : i32
        %mul3A_361 = arith.muli %add3A_112, %mul3A_360 : i32
        %add3A_362 = arith.constant 31 : i32
        %add3A_363 = arith.addi %mul3A_361, %add3A_362 : i32
        %get3A_364 = arith.index_cast %add3A_363 : i32 to index
        %get3A_365 = arith.constant 0 : index
        %get3A_366 = tpu.vector_load %arg4[%get3A_364, %get3A_365] {strides = array<i32>} : memref<256x128xf32, #tpu.memory_space<vmem>>, vector<1x16xf32>,
        %get3A_367 = vector.shape_cast %get3A_366 : vector<1x16xf32> to vector<1x16xf32>
        %add3A_368 = arith.addf %get3A_119, %get3A_127 : vector<1x16xf32>
        %add3A_369 = arith.addf %get3A_135, %get3A_143 : vector<1x16xf32>
        %add3A_370 = arith.addf %get3A_151, %get3A_159 : vector<1x16xf32>
        %add3A_371 = arith.addf %get3A_167, %get3A_175 : vector<1x16xf32>
        %add3A_372 = arith.addf %get3A_183, %get3A_191 : vector<1x16xf32>
        %add3A_373 = arith.addf %get3A_199, %get3A_207 : vector<1x16xf32>
        %add3A_374 = arith.addf %get3A_215, %get3A_223 : vector<1x16xf32>
        %add3A_375 = arith.addf %get3A_231, %get3A_239 : vector<1x16xf32>
        %add3A_376 = arith.addf %get3A_247, %get3A_255 : vector<1x16xf32>
        %add3A_377 = arith.addf %get3A_263, %get3A_271 : vector<1x16xf32>
        %add3A_378 = arith.addf %get3A_279, %get3A_287 : vector<1x16xf32>
        %add3A_379 = arith.addf %get3A_295, %get3A_303 : vector<1x16xf32>
        %add3A_380 = arith.addf %get3A_311, %get3A_319 : vector<1x16xf32>
        %add3A_381 = arith.addf %get3A_327, %get3A_335 : vector<1x16xf32>
        %add3A_382 = arith.addf %get3A_343, %get3A_351 : vector<1x16xf32>
        %add3A_383 = arith.addf %get3A_359, %get3A_367 : vector<1x16xf32>
        %add3A_384 = arith.addf %add3A_368, %add3A_369 : vector<1x16xf32>
        %add3A_385 = arith.addf %add3A_370, %add3A_371 : vector<1x16xf32>
        %add3A_386 = arith.addf %add3A_372, %add3A_373 : vector<1x16xf32>
        %add3A_387 = arith.addf %add3A_374, %add3A_375 : vector<1x16xf32>
        %add3A_388 = arith.addf %add3A_376, %add3A_377 : vector<1x16xf32>
        %add3A_389 = arith.addf %add3A_378, %add3A_379 : vector<1x16xf32>
        %add3A_390 = arith.addf %add3A_380, %add3A_381 : vector<1x16xf32>
        %add3A_391 = arith.addf %add3A_382, %add3A_383 : vector<1x16xf32>
        %add3A_392 = arith.addf %add3A_384, %add3A_385 : vector<1x16xf32>
        %add3A_393 = arith.addf %add3A_386, %add3A_387 : vector<1x16xf32>
        %add3A_394 = arith.addf %add3A_388, %add3A_389 : vector<1x16xf32>
        %add3A_395 = arith.addf %add3A_390, %add3A_391 : vector<1x16xf32>
        %add3A_396 = arith.addf %add3A_392, %add3A_393 : vector<1x16xf32>
        %add3A_397 = arith.addf %add3A_394, %add3A_395 : vector<1x16xf32>
        %add3A_398 = arith.addf %add3A_396, %add3A_397 : vector<1x16xf32>
        %swap3A = arith.index_cast %add3A_112 : i32 to index
        %swap3A_399 = arith.constant 0 : index
        %swap3A_400 = tpu.vector_load %arg6[%swap3A, %swap3A_399] {strides = array<i32>} : memref<8x128xf32, #tpu.memory_space<vmem>>, vector<1x16xf32>,
        %swap3A_401 = vector.shape_cast %swap3A_400 : vector<1x16xf32> to vector<1x16xf32>
        %swap3A_402 = vector.shape_cast %add3A_398 : vector<1x16xf32> to vector<1x16xf32>
        tpu.vector_store %arg6[%swap3A, %swap3A_399], %swap3A_402 {strides = array<i32>} : memref<8x128xf32, #tpu.memory_space<vmem>>, vector<1x16xf32>,
        %mul3A_403 = arith.constant 32 : i32
        %mul3A_404 = arith.muli %add3A_112, %mul3A_403 : i32
        %add3A_405 = arith.constant 0 : i32
        %add3A_406 = arith.addi %mul3A_404, %add3A_405 : i32
        %get3A_407 = arith.index_cast %add3A_406 : i32 to index
        %get3A_408 = arith.constant 16 : index
        %get3A_409 = tpu.vector_load %arg4[%get3A_407, %get3A_408] {strides = array<i32>} : memref<256x128xf32, #tpu.memory_space<vmem>>, vector<1x16xf32>,
        %get3A_410 = vector.shape_cast %get3A_409 : vector<1x16xf32> to vector<1x16xf32>
        %mul3A_411 = arith.constant 32 : i32
        %mul3A_412 = arith.muli %add3A_112, %mul3A_411 : i32
        %add3A_413 = arith.constant 1 : i32
        %add3A_414 = arith.addi %mul3A_412, %add3A_413 : i32
        %get3A_415 = arith.index_cast %add3A_414 : i32 to index
        %get3A_416 = arith.constant 16 : index
        %get3A_417 = tpu.vector_load %arg4[%get3A_415, %get3A_416] {strides = array<i32>} : memref<256x128xf32, #tpu.memory_space<vmem>>, vector<1x16xf32>,
        %get3A_418 = vector.shape_cast %get3A_417 : vector<1x16xf32> to vector<1x16xf32>
        %mul3A_419 = arith.constant 32 : i32
        %mul3A_420 = arith.muli %add3A_112, %mul3A_419 : i32
        %add3A_421 = arith.constant 2 : i32
        %add3A_422 = arith.addi %mul3A_420, %add3A_421 : i32
        %get3A_423 = arith.index_cast %add3A_422 : i32 to index
        %get3A_424 = arith.constant 16 : index
        %get3A_425 = tpu.vector_load %arg4[%get3A_423, %get3A_424] {strides = array<i32>} : memref<256x128xf32, #tpu.memory_space<vmem>>, vector<1x16xf32>,
        %get3A_426 = vector.shape_cast %get3A_425 : vector<1x16xf32> to vector<1x16xf32>
        %mul3A_427 = arith.constant 32 : i32
        %mul3A_428 = arith.muli %add3A_112, %mul3A_427 : i32
        %add3A_429 = arith.constant 3 : i32
        %add3A_430 = arith.addi %mul3A_428, %add3A_429 : i32
        %get3A_431 = arith.index_cast %add3A_430 : i32 to index
        %get3A_432 = arith.constant 16 : index
        %get3A_433 = tpu.vector_load %arg4[%get3A_431, %get3A_432] {strides = array<i32>} : memref<256x128xf32, #tpu.memory_space<vmem>>, vector<1x16xf32>,
        %get3A_434 = vector.shape_cast %get3A_433 : vector<1x16xf32> to vector<1x16xf32>
        %mul3A_435 = arith.constant 32 : i32
        %mul3A_436 = arith.muli %add3A_112, %mul3A_435 : i32
        %add3A_437 = arith.constant 4 : i32
        %add3A_438 = arith.addi %mul3A_436, %add3A_437 : i32
        %get3A_439 = arith.index_cast %add3A_438 : i32 to index
        %get3A_440 = arith.constant 16 : index
        %get3A_441 = tpu.vector_load %arg4[%get3A_439, %get3A_440] {strides = array<i32>} : memref<256x128xf32, #tpu.memory_space<vmem>>, vector<1x16xf32>,
        %get3A_442 = vector.shape_cast %get3A_441 : vector<1x16xf32> to vector<1x16xf32>
        %mul3A_443 = arith.constant 32 : i32
        %mul3A_444 = arith.muli %add3A_112, %mul3A_443 : i32
        %add3A_445 = arith.constant 5 : i32
        %add3A_446 = arith.addi %mul3A_444, %add3A_445 : i32
        %get3A_447 = arith.index_cast %add3A_446 : i32 to index
        %get3A_448 = arith.constant 16 : index
        %get3A_449 = tpu.vector_load %arg4[%get3A_447, %get3A_448] {strides = array<i32>} : memref<256x128xf32, #tpu.memory_space<vmem>>, vector<1x16xf32>,
        %get3A_450 = vector.shape_cast %get3A_449 : vector<1x16xf32> to vector<1x16xf32>
        %mul3A_451 = arith.constant 32 : i32
        %mul3A_452 = arith.muli %add3A_112, %mul3A_451 : i32
        %add3A_453 = arith.constant 6 : i32
        %add3A_454 = arith.addi %mul3A_452, %add3A_453 : i32
        %get3A_455 = arith.index_cast %add3A_454 : i32 to index
        %get3A_456 = arith.constant 16 : index
        %get3A_457 = tpu.vector_load %arg4[%get3A_455, %get3A_456] {strides = array<i32>} : memref<256x128xf32, #tpu.memory_space<vmem>>, vector<1x16xf32>,
        %get3A_458 = vector.shape_cast %get3A_457 : vector<1x16xf32> to vector<1x16xf32>
        %mul3A_459 = arith.constant 32 : i32
        %mul3A_460 = arith.muli %add3A_112, %mul3A_459 : i32
        %add3A_461 = arith.constant 7 : i32
        %add3A_462 = arith.addi %mul3A_460, %add3A_461 : i32
        %get3A_463 = arith.index_cast %add3A_462 : i32 to index
        %get3A_464 = arith.constant 16 : index
        %get3A_465 = tpu.vector_load %arg4[%get3A_463, %get3A_464] {strides = array<i32>} : memref<256x128xf32, #tpu.memory_space<vmem>>, vector<1x16xf32>,
        %get3A_466 = vector.shape_cast %get3A_465 : vector<1x16xf32> to vector<1x16xf32>
        %mul3A_467 = arith.constant 32 : i32
        %mul3A_468 = arith.muli %add3A_112, %mul3A_467 : i32
        %add3A_469 = arith.constant 8 : i32
        %add3A_470 = arith.addi %mul3A_468, %add3A_469 : i32
        %get3A_471 = arith.index_cast %add3A_470 : i32 to index
        %get3A_472 = arith.constant 16 : index
        %get3A_473 = tpu.vector_load %arg4[%get3A_471, %get3A_472] {strides = array<i32>} : memref<256x128xf32, #tpu.memory_space<vmem>>, vector<1x16xf32>,
        %get3A_474 = vector.shape_cast %get3A_473 : vector<1x16xf32> to vector<1x16xf32>
        %mul3A_475 = arith.constant 32 : i32
        %mul3A_476 = arith.muli %add3A_112, %mul3A_475 : i32
        %add3A_477 = arith.constant 9 : i32
        %add3A_478 = arith.addi %mul3A_476, %add3A_477 : i32
        %get3A_479 = arith.index_cast %add3A_478 : i32 to index
        %get3A_480 = arith.constant 16 : index
        %get3A_481 = tpu.vector_load %arg4[%get3A_479, %get3A_480] {strides = array<i32>} : memref<256x128xf32, #tpu.memory_space<vmem>>, vector<1x16xf32>,
        %get3A_482 = vector.shape_cast %get3A_481 : vector<1x16xf32> to vector<1x16xf32>
        %mul3A_483 = arith.constant 32 : i32
        %mul3A_484 = arith.muli %add3A_112, %mul3A_483 : i32
        %add3A_485 = arith.constant 10 : i32
        %add3A_486 = arith.addi %mul3A_484, %add3A_485 : i32
        %get3A_487 = arith.index_cast %add3A_486 : i32 to index
        %get3A_488 = arith.constant 16 : index
        %get3A_489 = tpu.vector_load %arg4[%get3A_487, %get3A_488] {strides = array<i32>} : memref<256x128xf32, #tpu.memory_space<vmem>>, vector<1x16xf32>,
        %get3A_490 = vector.shape_cast %get3A_489 : vector<1x16xf32> to vector<1x16xf32>
        %mul3A_491 = arith.constant 32 : i32
        %mul3A_492 = arith.muli %add3A_112, %mul3A_491 : i32
        %add3A_493 = arith.constant 11 : i32
        %add3A_494 = arith.addi %mul3A_492, %add3A_493 : i32
        %get3A_495 = arith.index_cast %add3A_494 : i32 to index
        %get3A_496 = arith.constant 16 : index
        %get3A_497 = tpu.vector_load %arg4[%get3A_495, %get3A_496] {strides = array<i32>} : memref<256x128xf32, #tpu.memory_space<vmem>>, vector<1x16xf32>,
        %get3A_498 = vector.shape_cast %get3A_497 : vector<1x16xf32> to vector<1x16xf32>
        %mul3A_499 = arith.constant 32 : i32
        %mul3A_500 = arith.muli %add3A_112, %mul3A_499 : i32
        %add3A_501 = arith.constant 12 : i32
        %add3A_502 = arith.addi %mul3A_500, %add3A_501 : i32
        %get3A_503 = arith.index_cast %add3A_502 : i32 to index
        %get3A_504 = arith.constant 16 : index
        %get3A_505 = tpu.vector_load %arg4[%get3A_503, %get3A_504] {strides = array<i32>} : memref<256x128xf32, #tpu.memory_space<vmem>>, vector<1x16xf32>,
        %get3A_506 = vector.shape_cast %get3A_505 : vector<1x16xf32> to vector<1x16xf32>
        %mul3A_507 = arith.constant 32 : i32
        %mul3A_508 = arith.muli %add3A_112, %mul3A_507 : i32
        %add3A_509 = arith.constant 13 : i32
        %add3A_510 = arith.addi %mul3A_508, %add3A_509 : i32
        %get3A_511 = arith.index_cast %add3A_510 : i32 to index
        %get3A_512 = arith.constant 16 : index
        %get3A_513 = tpu.vector_load %arg4[%get3A_511, %get3A_512] {strides = array<i32>} : memref<256x128xf32, #tpu.memory_space<vmem>>, vector<1x16xf32>,
        %get3A_514 = vector.shape_cast %get3A_513 : vector<1x16xf32> to vector<1x16xf32>
        %mul3A_515 = arith.constant 32 : i32
        %mul3A_516 = arith.muli %add3A_112, %mul3A_515 : i32
        %add3A_517 = arith.constant 14 : i32
        %add3A_518 = arith.addi %mul3A_516, %add3A_517 : i32
        %get3A_519 = arith.index_cast %add3A_518 : i32 to index
        %get3A_520 = arith.constant 16 : index
        %get3A_521 = tpu.vector_load %arg4[%get3A_519, %get3A_520] {strides = array<i32>} : memref<256x128xf32, #tpu.memory_space<vmem>>, vector<1x16xf32>,
        %get3A_522 = vector.shape_cast %get3A_521 : vector<1x16xf32> to vector<1x16xf32>
        %mul3A_523 = arith.constant 32 : i32
        %mul3A_524 = arith.muli %add3A_112, %mul3A_523 : i32
        %add3A_525 = arith.constant 15 : i32
        %add3A_526 = arith.addi %mul3A_524, %add3A_525 : i32
        %get3A_527 = arith.index_cast %add3A_526 : i32 to index
        %get3A_528 = arith.constant 16 : index
        %get3A_529 = tpu.vector_load %arg4[%get3A_527, %get3A_528] {strides = array<i32>} : memref<256x128xf32, #tpu.memory_space<vmem>>, vector<1x16xf32>,
        %get3A_530 = vector.shape_cast %get3A_529 : vector<1x16xf32> to vector<1x16xf32>
        %mul3A_531 = arith.constant 32 : i32
        %mul3A_532 = arith.muli %add3A_112, %mul3A_531 : i32
        %add3A_533 = arith.constant 16 : i32
        %add3A_534 = arith.addi %mul3A_532, %add3A_533 : i32
        %get3A_535 = arith.index_cast %add3A_534 : i32 to index
        %get3A_536 = arith.constant 16 : index
        %get3A_537 = tpu.vector_load %arg4[%get3A_535, %get3A_536] {strides = array<i32>} : memref<256x128xf32, #tpu.memory_space<vmem>>, vector<1x16xf32>,
        %get3A_538 = vector.shape_cast %get3A_537 : vector<1x16xf32> to vector<1x16xf32>
        %mul3A_539 = arith.constant 32 : i32
        %mul3A_540 = arith.muli %add3A_112, %mul3A_539 : i32
        %add3A_541 = arith.constant 17 : i32
        %add3A_542 = arith.addi %mul3A_540, %add3A_541 : i32
        %get3A_543 = arith.index_cast %add3A_542 : i32 to index
        %get3A_544 = arith.constant 16 : index
        %get3A_545 = tpu.vector_load %arg4[%get3A_543, %get3A_544] {strides = array<i32>} : memref<256x128xf32, #tpu.memory_space<vmem>>, vector<1x16xf32>,
        %get3A_546 = vector.shape_cast %get3A_545 : vector<1x16xf32> to vector<1x16xf32>
        %mul3A_547 = arith.constant 32 : i32
        %mul3A_548 = arith.muli %add3A_112, %mul3A_547 : i32
        %add3A_549 = arith.constant 18 : i32
        %add3A_550 = arith.addi %mul3A_548, %add3A_549 : i32
        %get3A_551 = arith.index_cast %add3A_550 : i32 to index
        %get3A_552 = arith.constant 16 : index
        %get3A_553 = tpu.vector_load %arg4[%get3A_551, %get3A_552] {strides = array<i32>} : memref<256x128xf32, #tpu.memory_space<vmem>>, vector<1x16xf32>,
        %get3A_554 = vector.shape_cast %get3A_553 : vector<1x16xf32> to vector<1x16xf32>
        %mul3A_555 = arith.constant 32 : i32
        %mul3A_556 = arith.muli %add3A_112, %mul3A_555 : i32
        %add3A_557 = arith.constant 19 : i32
        %add3A_558 = arith.addi %mul3A_556, %add3A_557 : i32
        %get3A_559 = arith.index_cast %add3A_558 : i32 to index
        %get3A_560 = arith.constant 16 : index
        %get3A_561 = tpu.vector_load %arg4[%get3A_559, %get3A_560] {strides = array<i32>} : memref<256x128xf32, #tpu.memory_space<vmem>>, vector<1x16xf32>,
        %get3A_562 = vector.shape_cast %get3A_561 : vector<1x16xf32> to vector<1x16xf32>
        %mul3A_563 = arith.constant 32 : i32
        %mul3A_564 = arith.muli %add3A_112, %mul3A_563 : i32
        %add3A_565 = arith.constant 20 : i32
        %add3A_566 = arith.addi %mul3A_564, %add3A_565 : i32
        %get3A_567 = arith.index_cast %add3A_566 : i32 to index
        %get3A_568 = arith.constant 16 : index
        %get3A_569 = tpu.vector_load %arg4[%get3A_567, %get3A_568] {strides = array<i32>} : memref<256x128xf32, #tpu.memory_space<vmem>>, vector<1x16xf32>,
        %get3A_570 = vector.shape_cast %get3A_569 : vector<1x16xf32> to vector<1x16xf32>
        %mul3A_571 = arith.constant 32 : i32
        %mul3A_572 = arith.muli %add3A_112, %mul3A_571 : i32
        %add3A_573 = arith.constant 21 : i32
        %add3A_574 = arith.addi %mul3A_572, %add3A_573 : i32
        %get3A_575 = arith.index_cast %add3A_574 : i32 to index
        %get3A_576 = arith.constant 16 : index
        %get3A_577 = tpu.vector_load %arg4[%get3A_575, %get3A_576] {strides = array<i32>} : memref<256x128xf32, #tpu.memory_space<vmem>>, vector<1x16xf32>,
        %get3A_578 = vector.shape_cast %get3A_577 : vector<1x16xf32> to vector<1x16xf32>
        %mul3A_579 = arith.constant 32 : i32
        %mul3A_580 = arith.muli %add3A_112, %mul3A_579 : i32
        %add3A_581 = arith.constant 22 : i32
        %add3A_582 = arith.addi %mul3A_580, %add3A_581 : i32
        %get3A_583 = arith.index_cast %add3A_582 : i32 to index
        %get3A_584 = arith.constant 16 : index
        %get3A_585 = tpu.vector_load %arg4[%get3A_583, %get3A_584] {strides = array<i32>} : memref<256x128xf32, #tpu.memory_space<vmem>>, vector<1x16xf32>,
        %get3A_586 = vector.shape_cast %get3A_585 : vector<1x16xf32> to vector<1x16xf32>
        %mul3A_587 = arith.constant 32 : i32
        %mul3A_588 = arith.muli %add3A_112, %mul3A_587 : i32
        %add3A_589 = arith.constant 23 : i32
        %add3A_590 = arith.addi %mul3A_588, %add3A_589 : i32
        %get3A_591 = arith.index_cast %add3A_590 : i32 to index
        %get3A_592 = arith.constant 16 : index
        %get3A_593 = tpu.vector_load %arg4[%get3A_591, %get3A_592] {strides = array<i32>} : memref<256x128xf32, #tpu.memory_space<vmem>>, vector<1x16xf32>,
        %get3A_594 = vector.shape_cast %get3A_593 : vector<1x16xf32> to vector<1x16xf32>
        %mul3A_595 = arith.constant 32 : i32
        %mul3A_596 = arith.muli %add3A_112, %mul3A_595 : i32
        %add3A_597 = arith.constant 24 : i32
        %add3A_598 = arith.addi %mul3A_596, %add3A_597 : i32
        %get3A_599 = arith.index_cast %add3A_598 : i32 to index
        %get3A_600 = arith.constant 16 : index
        %get3A_601 = tpu.vector_load %arg4[%get3A_599, %get3A_600] {strides = array<i32>} : memref<256x128xf32, #tpu.memory_space<vmem>>, vector<1x16xf32>,
        %get3A_602 = vector.shape_cast %get3A_601 : vector<1x16xf32> to vector<1x16xf32>
        %mul3A_603 = arith.constant 32 : i32
        %mul3A_604 = arith.muli %add3A_112, %mul3A_603 : i32
        %add3A_605 = arith.constant 25 : i32
        %add3A_606 = arith.addi %mul3A_604, %add3A_605 : i32
        %get3A_607 = arith.index_cast %add3A_606 : i32 to index
        %get3A_608 = arith.constant 16 : index
        %get3A_609 = tpu.vector_load %arg4[%get3A_607, %get3A_608] {strides = array<i32>} : memref<256x128xf32, #tpu.memory_space<vmem>>, vector<1x16xf32>,
        %get3A_610 = vector.shape_cast %get3A_609 : vector<1x16xf32> to vector<1x16xf32>
        %mul3A_611 = arith.constant 32 : i32
        %mul3A_612 = arith.muli %add3A_112, %mul3A_611 : i32
        %add3A_613 = arith.constant 26 : i32
        %add3A_614 = arith.addi %mul3A_612, %add3A_613 : i32
        %get3A_615 = arith.index_cast %add3A_614 : i32 to index
        %get3A_616 = arith.constant 16 : index
        %get3A_617 = tpu.vector_load %arg4[%get3A_615, %get3A_616] {strides = array<i32>} : memref<256x128xf32, #tpu.memory_space<vmem>>, vector<1x16xf32>,
        %get3A_618 = vector.shape_cast %get3A_617 : vector<1x16xf32> to vector<1x16xf32>
        %mul3A_619 = arith.constant 32 : i32
        %mul3A_620 = arith.muli %add3A_112, %mul3A_619 : i32
        %add3A_621 = arith.constant 27 : i32
        %add3A_622 = arith.addi %mul3A_620, %add3A_621 : i32
        %get3A_623 = arith.index_cast %add3A_622 : i32 to index
        %get3A_624 = arith.constant 16 : index
        %get3A_625 = tpu.vector_load %arg4[%get3A_623, %get3A_624] {strides = array<i32>} : memref<256x128xf32, #tpu.memory_space<vmem>>, vector<1x16xf32>,
        %get3A_626 = vector.shape_cast %get3A_625 : vector<1x16xf32> to vector<1x16xf32>
        %mul3A_627 = arith.constant 32 : i32
        %mul3A_628 = arith.muli %add3A_112, %mul3A_627 : i32
        %add3A_629 = arith.constant 28 : i32
        %add3A_630 = arith.addi %mul3A_628, %add3A_629 : i32
        %get3A_631 = arith.index_cast %add3A_630 : i32 to index
        %get3A_632 = arith.constant 16 : index
        %get3A_633 = tpu.vector_load %arg4[%get3A_631, %get3A_632] {strides = array<i32>} : memref<256x128xf32, #tpu.memory_space<vmem>>, vector<1x16xf32>,
        %get3A_634 = vector.shape_cast %get3A_633 : vector<1x16xf32> to vector<1x16xf32>
        %mul3A_635 = arith.constant 32 : i32
        %mul3A_636 = arith.muli %add3A_112, %mul3A_635 : i32
        %add3A_637 = arith.constant 29 : i32
        %add3A_638 = arith.addi %mul3A_636, %add3A_637 : i32
        %get3A_639 = arith.index_cast %add3A_638 : i32 to index
        %get3A_640 = arith.constant 16 : index
        %get3A_641 = tpu.vector_load %arg4[%get3A_639, %get3A_640] {strides = array<i32>} : memref<256x128xf32, #tpu.memory_space<vmem>>, vector<1x16xf32>,
        %get3A_642 = vector.shape_cast %get3A_641 : vector<1x16xf32> to vector<1x16xf32>
        %mul3A_643 = arith.constant 32 : i32
        %mul3A_644 = arith.muli %add3A_112, %mul3A_643 : i32
        %add3A_645 = arith.constant 30 : i32
        %add3A_646 = arith.addi %mul3A_644, %add3A_645 : i32
        %get3A_647 = arith.index_cast %add3A_646 : i32 to index
        %get3A_648 = arith.constant 16 : index
        %get3A_649 = tpu.vector_load %arg4[%get3A_647, %get3A_648] {strides = array<i32>} : memref<256x128xf32, #tpu.memory_space<vmem>>, vector<1x16xf32>,
        %get3A_650 = vector.shape_cast %get3A_649 : vector<1x16xf32> to vector<1x16xf32>
        %mul3A_651 = arith.constant 32 : i32
        %mul3A_652 = arith.muli %add3A_112, %mul3A_651 : i32
        %add3A_653 = arith.constant 31 : i32
        %add3A_654 = arith.addi %mul3A_652, %add3A_653 : i32
        %get3A_655 = arith.index_cast %add3A_654 : i32 to index
        %get3A_656 = arith.constant 16 : index
        %get3A_657 = tpu.vector_load %arg4[%get3A_655, %get3A_656] {strides = array<i32>} : memref<256x128xf32, #tpu.memory_space<vmem>>, vector<1x16xf32>,
        %get3A_658 = vector.shape_cast %get3A_657 : vector<1x16xf32> to vector<1x16xf32>
        %add3A_659 = arith.addf %get3A_410, %get3A_418 : vector<1x16xf32>
        %add3A_660 = arith.addf %get3A_426, %get3A_434 : vector<1x16xf32>
        %add3A_661 = arith.addf %get3A_442, %get3A_450 : vector<1x16xf32>
        %add3A_662 = arith.addf %get3A_458, %get3A_466 : vector<1x16xf32>
        %add3A_663 = arith.addf %get3A_474, %get3A_482 : vector<1x16xf32>
        %add3A_664 = arith.addf %get3A_490, %get3A_498 : vector<1x16xf32>
        %add3A_665 = arith.addf %get3A_506, %get3A_514 : vector<1x16xf32>
        %add3A_666 = arith.addf %get3A_522, %get3A_530 : vector<1x16xf32>
        %add3A_667 = arith.addf %get3A_538, %get3A_546 : vector<1x16xf32>
        %add3A_668 = arith.addf %get3A_554, %get3A_562 : vector<1x16xf32>
        %add3A_669 = arith.addf %get3A_570, %get3A_578 : vector<1x16xf32>
        %add3A_670 = arith.addf %get3A_586, %get3A_594 : vector<1x16xf32>
        %add3A_671 = arith.addf %get3A_602, %get3A_610 : vector<1x16xf32>
        %add3A_672 = arith.addf %get3A_618, %get3A_626 : vector<1x16xf32>
        %add3A_673 = arith.addf %get3A_634, %get3A_642 : vector<1x16xf32>
        %add3A_674 = arith.addf %get3A_650, %get3A_658 : vector<1x16xf32>
        %add3A_675 = arith.addf %add3A_659, %add3A_660 : vector<1x16xf32>
        %add3A_676 = arith.addf %add3A_661, %add3A_662 : vector<1x16xf32>
        %add3A_677 = arith.addf %add3A_663, %add3A_664 : vector<1x16xf32>
        %add3A_678 = arith.addf %add3A_665, %add3A_666 : vector<1x16xf32>
        %add3A_679 = arith.addf %add3A_667, %add3A_668 : vector<1x16xf32>
        %add3A_680 = arith.addf %add3A_669, %add3A_670 : vector<1x16xf32>
        %add3A_681 = arith.addf %add3A_671, %add3A_672 : vector<1x16xf32>
        %add3A_682 = arith.addf %add3A_673, %add3A_674 : vector<1x16xf32>
        %add3A_683 = arith.addf %add3A_675, %add3A_676 : vector<1x16xf32>
        %add3A_684 = arith.addf %add3A_677, %add3A_678 : vector<1x16xf32>
        %add3A_685 = arith.addf %add3A_679, %add3A_680 : vector<1x16xf32>
        %add3A_686 = arith.addf %add3A_681, %add3A_682 : vector<1x16xf32>
        %add3A_687 = arith.addf %add3A_683, %add3A_684 : vector<1x16xf32>
        %add3A_688 = arith.addf %add3A_685, %add3A_686 : vector<1x16xf32>
        %add3A_689 = arith.addf %add3A_687, %add3A_688 : vector<1x16xf32>
        %swap3A_690 = arith.index_cast %add3A_112 : i32 to index
        %swap3A_691 = arith.constant 16 : index
        %swap3A_692 = tpu.vector_load %arg6[%swap3A_690, %swap3A_691] {strides = array<i32>} : memref<8x128xf32, #tpu.memory_space<vmem>>, vector<1x16xf32>,
        %swap3A_693 = vector.shape_cast %swap3A_692 : vector<1x16xf32> to vector<1x16xf32>
        %swap3A_694 = vector.shape_cast %add3A_689 : vector<1x16xf32> to vector<1x16xf32>
        tpu.vector_store %arg6[%swap3A_690, %swap3A_691], %swap3A_694 {strides = array<i32>} : memref<8x128xf32, #tpu.memory_space<vmem>>, vector<1x16xf32>,
        %mul3A_695 = arith.constant 32 : i32
        %mul3A_696 = arith.muli %add3A_112, %mul3A_695 : i32
        %add3A_697 = arith.constant 0 : i32
        %add3A_698 = arith.addi %mul3A_696, %add3A_697 : i32
        %get3A_699 = arith.index_cast %add3A_698 : i32 to index
        %get3A_700 = arith.constant 32 : index
        %get3A_701 = tpu.vector_load %arg4[%get3A_699, %get3A_700] {strides = array<i32>} : memref<256x128xf32, #tpu.memory_space<vmem>>, vector<1x16xf32>,
        %get3A_702 = vector.shape_cast %get3A_701 : vector<1x16xf32> to vector<1x16xf32>
        %mul3A_703 = arith.constant 32 : i32
        %mul3A_704 = arith.muli %add3A_112, %mul3A_703 : i32
        %add3A_705 = arith.constant 1 : i32
        %add3A_706 = arith.addi %mul3A_704, %add3A_705 : i32
        %get3A_707 = arith.index_cast %add3A_706 : i32 to index
        %get3A_708 = arith.constant 32 : index
        %get3A_709 = tpu.vector_load %arg4[%get3A_707, %get3A_708] {strides = array<i32>} : memref<256x128xf32, #tpu.memory_space<vmem>>, vector<1x16xf32>,
        %get3A_710 = vector.shape_cast %get3A_709 : vector<1x16xf32> to vector<1x16xf32>
        %mul3A_711 = arith.constant 32 : i32
        %mul3A_712 = arith.muli %add3A_112, %mul3A_711 : i32
        %add3A_713 = arith.constant 2 : i32
        %add3A_714 = arith.addi %mul3A_712, %add3A_713 : i32
        %get3A_715 = arith.index_cast %add3A_714 : i32 to index
        %get3A_716 = arith.constant 32 : index
        %get3A_717 = tpu.vector_load %arg4[%get3A_715, %get3A_716] {strides = array<i32>} : memref<256x128xf32, #tpu.memory_space<vmem>>, vector<1x16xf32>,
        %get3A_718 = vector.shape_cast %get3A_717 : vector<1x16xf32> to vector<1x16xf32>
        %mul3A_719 = arith.constant 32 : i32
        %mul3A_720 = arith.muli %add3A_112, %mul3A_719 : i32
        %add3A_721 = arith.constant 3 : i32
        %add3A_722 = arith.addi %mul3A_720, %add3A_721 : i32
        %get3A_723 = arith.index_cast %add3A_722 : i32 to index
        %get3A_724 = arith.constant 32 : index
        %get3A_725 = tpu.vector_load %arg4[%get3A_723, %get3A_724] {strides = array<i32>} : memref<256x128xf32, #tpu.memory_space<vmem>>, vector<1x16xf32>,
        %get3A_726 = vector.shape_cast %get3A_725 : vector<1x16xf32> to vector<1x16xf32>
        %mul3A_727 = arith.constant 32 : i32
        %mul3A_728 = arith.muli %add3A_112, %mul3A_727 : i32
        %add3A_729 = arith.constant 4 : i32
        %add3A_730 = arith.addi %mul3A_728, %add3A_729 : i32
        %get3A_731 = arith.index_cast %add3A_730 : i32 to index
        %get3A_732 = arith.constant 32 : index
        %get3A_733 = tpu.vector_load %arg4[%get3A_731, %get3A_732] {strides = array<i32>} : memref<256x128xf32, #tpu.memory_space<vmem>>, vector<1x16xf32>,
        %get3A_734 = vector.shape_cast %get3A_733 : vector<1x16xf32> to vector<1x16xf32>
        %mul3A_735 = arith.constant 32 : i32
        %mul3A_736 = arith.muli %add3A_112, %mul3A_735 : i32
        %add3A_737 = arith.constant 5 : i32
        %add3A_738 = arith.addi %mul3A_736, %add3A_737 : i32
        %get3A_739 = arith.index_cast %add3A_738 : i32 to index
        %get3A_740 = arith.constant 32 : index
        %get3A_741 = tpu.vector_load %arg4[%get3A_739, %get3A_740] {strides = array<i32>} : memref<256x128xf32, #tpu.memory_space<vmem>>, vector<1x16xf32>,
        %get3A_742 = vector.shape_cast %get3A_741 : vector<1x16xf32> to vector<1x16xf32>
        %mul3A_743 = arith.constant 32 : i32
        %mul3A_744 = arith.muli %add3A_112, %mul3A_743 : i32
        %add3A_745 = arith.constant 6 : i32
        %add3A_746 = arith.addi %mul3A_744, %add3A_745 : i32
        %get3A_747 = arith.index_cast %add3A_746 : i32 to index
        %get3A_748 = arith.constant 32 : index
        %get3A_749 = tpu.vector_load %arg4[%get3A_747, %get3A_748] {strides = array<i32>} : memref<256x128xf32, #tpu.memory_space<vmem>>, vector<1x16xf32>,
        %get3A_750 = vector.shape_cast %get3A_749 : vector<1x16xf32> to vector<1x16xf32>
        %mul3A_751 = arith.constant 32 : i32
        %mul3A_752 = arith.muli %add3A_112, %mul3A_751 : i32
        %add3A_753 = arith.constant 7 : i32
        %add3A_754 = arith.addi %mul3A_752, %add3A_753 : i32
        %get3A_755 = arith.index_cast %add3A_754 : i32 to index
        %get3A_756 = arith.constant 32 : index
        %get3A_757 = tpu.vector_load %arg4[%get3A_755, %get3A_756] {strides = array<i32>} : memref<256x128xf32, #tpu.memory_space<vmem>>, vector<1x16xf32>,
        %get3A_758 = vector.shape_cast %get3A_757 : vector<1x16xf32> to vector<1x16xf32>
        %mul3A_759 = arith.constant 32 : i32
        %mul3A_760 = arith.muli %add3A_112, %mul3A_759 : i32
        %add3A_761 = arith.constant 8 : i32
        %add3A_762 = arith.addi %mul3A_760, %add3A_761 : i32
        %get3A_763 = arith.index_cast %add3A_762 : i32 to index
        %get3A_764 = arith.constant 32 : index
        %get3A_765 = tpu.vector_load %arg4[%get3A_763, %get3A_764] {strides = array<i32>} : memref<256x128xf32, #tpu.memory_space<vmem>>, vector<1x16xf32>,
        %get3A_766 = vector.shape_cast %get3A_765 : vector<1x16xf32> to vector<1x16xf32>
        %mul3A_767 = arith.constant 32 : i32
        %mul3A_768 = arith.muli %add3A_112, %mul3A_767 : i32
        %add3A_769 = arith.constant 9 : i32
        %add3A_770 = arith.addi %mul3A_768, %add3A_769 : i32
        %get3A_771 = arith.index_cast %add3A_770 : i32 to index
        %get3A_772 = arith.constant 32 : index
        %get3A_773 = tpu.vector_load %arg4[%get3A_771, %get3A_772] {strides = array<i32>} : memref<256x128xf32, #tpu.memory_space<vmem>>, vector<1x16xf32>,
        %get3A_774 = vector.shape_cast %get3A_773 : vector<1x16xf32> to vector<1x16xf32>
        %mul3A_775 = arith.constant 32 : i32
        %mul3A_776 = arith.muli %add3A_112, %mul3A_775 : i32
        %add3A_777 = arith.constant 10 : i32
        %add3A_778 = arith.addi %mul3A_776, %add3A_777 : i32
        %get3A_779 = arith.index_cast %add3A_778 : i32 to index
        %get3A_780 = arith.constant 32 : index
        %get3A_781 = tpu.vector_load %arg4[%get3A_779, %get3A_780] {strides = array<i32>} : memref<256x128xf32, #tpu.memory_space<vmem>>, vector<1x16xf32>,
        %get3A_782 = vector.shape_cast %get3A_781 : vector<1x16xf32> to vector<1x16xf32>
        %mul3A_783 = arith.constant 32 : i32
        %mul3A_784 = arith.muli %add3A_112, %mul3A_783 : i32
        %add3A_785 = arith.constant 11 : i32
        %add3A_786 = arith.addi %mul3A_784, %add3A_785 : i32
        %get3A_787 = arith.index_cast %add3A_786 : i32 to index
        %get3A_788 = arith.constant 32 : index
        %get3A_789 = tpu.vector_load %arg4[%get3A_787, %get3A_788] {strides = array<i32>} : memref<256x128xf32, #tpu.memory_space<vmem>>, vector<1x16xf32>,
        %get3A_790 = vector.shape_cast %get3A_789 : vector<1x16xf32> to vector<1x16xf32>
        %mul3A_791 = arith.constant 32 : i32
        %mul3A_792 = arith.muli %add3A_112, %mul3A_791 : i32
        %add3A_793 = arith.constant 12 : i32
        %add3A_794 = arith.addi %mul3A_792, %add3A_793 : i32
        %get3A_795 = arith.index_cast %add3A_794 : i32 to index
        %get3A_796 = arith.constant 32 : index
        %get3A_797 = tpu.vector_load %arg4[%get3A_795, %get3A_796] {strides = array<i32>} : memref<256x128xf32, #tpu.memory_space<vmem>>, vector<1x16xf32>,
        %get3A_798 = vector.shape_cast %get3A_797 : vector<1x16xf32> to vector<1x16xf32>
        %mul3A_799 = arith.constant 32 : i32
        %mul3A_800 = arith.muli %add3A_112, %mul3A_799 : i32
        %add3A_801 = arith.constant 13 : i32
        %add3A_802 = arith.addi %mul3A_800, %add3A_801 : i32
        %get3A_803 = arith.index_cast %add3A_802 : i32 to index
        %get3A_804 = arith.constant 32 : index
        %get3A_805 = tpu.vector_load %arg4[%get3A_803, %get3A_804] {strides = array<i32>} : memref<256x128xf32, #tpu.memory_space<vmem>>, vector<1x16xf32>,
        %get3A_806 = vector.shape_cast %get3A_805 : vector<1x16xf32> to vector<1x16xf32>
        %mul3A_807 = arith.constant 32 : i32
        %mul3A_808 = arith.muli %add3A_112, %mul3A_807 : i32
        %add3A_809 = arith.constant 14 : i32
        %add3A_810 = arith.addi %mul3A_808, %add3A_809 : i32
        %get3A_811 = arith.index_cast %add3A_810 : i32 to index
        %get3A_812 = arith.constant 32 : index
        %get3A_813 = tpu.vector_load %arg4[%get3A_811, %get3A_812] {strides = array<i32>} : memref<256x128xf32, #tpu.memory_space<vmem>>, vector<1x16xf32>,
        %get3A_814 = vector.shape_cast %get3A_813 : vector<1x16xf32> to vector<1x16xf32>
        %mul3A_815 = arith.constant 32 : i32
        %mul3A_816 = arith.muli %add3A_112, %mul3A_815 : i32
        %add3A_817 = arith.constant 15 : i32
        %add3A_818 = arith.addi %mul3A_816, %add3A_817 : i32
        %get3A_819 = arith.index_cast %add3A_818 : i32 to index
        %get3A_820 = arith.constant 32 : index
        %get3A_821 = tpu.vector_load %arg4[%get3A_819, %get3A_820] {strides = array<i32>} : memref<256x128xf32, #tpu.memory_space<vmem>>, vector<1x16xf32>,
        %get3A_822 = vector.shape_cast %get3A_821 : vector<1x16xf32> to vector<1x16xf32>
        %mul3A_823 = arith.constant 32 : i32
        %mul3A_824 = arith.muli %add3A_112, %mul3A_823 : i32
        %add3A_825 = arith.constant 16 : i32
        %add3A_826 = arith.addi %mul3A_824, %add3A_825 : i32
        %get3A_827 = arith.index_cast %add3A_826 : i32 to index
        %get3A_828 = arith.constant 32 : index
        %get3A_829 = tpu.vector_load %arg4[%get3A_827, %get3A_828] {strides = array<i32>} : memref<256x128xf32, #tpu.memory_space<vmem>>, vector<1x16xf32>,
        %get3A_830 = vector.shape_cast %get3A_829 : vector<1x16xf32> to vector<1x16xf32>
        %mul3A_831 = arith.constant 32 : i32
        %mul3A_832 = arith.muli %add3A_112, %mul3A_831 : i32
        %add3A_833 = arith.constant 17 : i32
        %add3A_834 = arith.addi %mul3A_832, %add3A_833 : i32
        %get3A_835 = arith.index_cast %add3A_834 : i32 to index
        %get3A_836 = arith.constant 32 : index
        %get3A_837 = tpu.vector_load %arg4[%get3A_835, %get3A_836] {strides = array<i32>} : memref<256x128xf32, #tpu.memory_space<vmem>>, vector<1x16xf32>,
        %get3A_838 = vector.shape_cast %get3A_837 : vector<1x16xf32> to vector<1x16xf32>
        %mul3A_839 = arith.constant 32 : i32
        %mul3A_840 = arith.muli %add3A_112, %mul3A_839 : i32
        %add3A_841 = arith.constant 18 : i32
        %add3A_842 = arith.addi %mul3A_840, %add3A_841 : i32
        %get3A_843 = arith.index_cast %add3A_842 : i32 to index
        %get3A_844 = arith.constant 32 : index
        %get3A_845 = tpu.vector_load %arg4[%get3A_843, %get3A_844] {strides = array<i32>} : memref<256x128xf32, #tpu.memory_space<vmem>>, vector<1x16xf32>,
        %get3A_846 = vector.shape_cast %get3A_845 : vector<1x16xf32> to vector<1x16xf32>
        %mul3A_847 = arith.constant 32 : i32
        %mul3A_848 = arith.muli %add3A_112, %mul3A_847 : i32
        %add3A_849 = arith.constant 19 : i32
        %add3A_850 = arith.addi %mul3A_848, %add3A_849 : i32
        %get3A_851 = arith.index_cast %add3A_850 : i32 to index
        %get3A_852 = arith.constant 32 : index
        %get3A_853 = tpu.vector_load %arg4[%get3A_851, %get3A_852] {strides = array<i32>} : memref<256x128xf32, #tpu.memory_space<vmem>>, vector<1x16xf32>,
        %get3A_854 = vector.shape_cast %get3A_853 : vector<1x16xf32> to vector<1x16xf32>
        %mul3A_855 = arith.constant 32 : i32
        %mul3A_856 = arith.muli %add3A_112, %mul3A_855 : i32
        %add3A_857 = arith.constant 20 : i32
        %add3A_858 = arith.addi %mul3A_856, %add3A_857 : i32
        %get3A_859 = arith.index_cast %add3A_858 : i32 to index
        %get3A_860 = arith.constant 32 : index
        %get3A_861 = tpu.vector_load %arg4[%get3A_859, %get3A_860] {strides = array<i32>} : memref<256x128xf32, #tpu.memory_space<vmem>>, vector<1x16xf32>,
        %get3A_862 = vector.shape_cast %get3A_861 : vector<1x16xf32> to vector<1x16xf32>
        %mul3A_863 = arith.constant 32 : i32
        %mul3A_864 = arith.muli %add3A_112, %mul3A_863 : i32
        %add3A_865 = arith.constant 21 : i32
        %add3A_866 = arith.addi %mul3A_864, %add3A_865 : i32
        %get3A_867 = arith.index_cast %add3A_866 : i32 to index
        %get3A_868 = arith.constant 32 : index
        %get3A_869 = tpu.vector_load %arg4[%get3A_867, %get3A_868] {strides = array<i32>} : memref<256x128xf32, #tpu.memory_space<vmem>>, vector<1x16xf32>,
        %get3A_870 = vector.shape_cast %get3A_869 : vector<1x16xf32> to vector<1x16xf32>
        %mul3A_871 = arith.constant 32 : i32
        %mul3A_872 = arith.muli %add3A_112, %mul3A_871 : i32
        %add3A_873 = arith.constant 22 : i32
        %add3A_874 = arith.addi %mul3A_872, %add3A_873 : i32
        %get3A_875 = arith.index_cast %add3A_874 : i32 to index
        %get3A_876 = arith.constant 32 : index
        %get3A_877 = tpu.vector_load %arg4[%get3A_875, %get3A_876] {strides = array<i32>} : memref<256x128xf32, #tpu.memory_space<vmem>>, vector<1x16xf32>,
        %get3A_878 = vector.shape_cast %get3A_877 : vector<1x16xf32> to vector<1x16xf32>
        %mul3A_879 = arith.constant 32 : i32
        %mul3A_880 = arith.muli %add3A_112, %mul3A_879 : i32
        %add3A_881 = arith.constant 23 : i32
        %add3A_882 = arith.addi %mul3A_880, %add3A_881 : i32
        %get3A_883 = arith.index_cast %add3A_882 : i32 to index
        %get3A_884 = arith.constant 32 : index
        %get3A_885 = tpu.vector_load %arg4[%get3A_883, %get3A_884] {strides = array<i32>} : memref<256x128xf32, #tpu.memory_space<vmem>>, vector<1x16xf32>,
        %get3A_886 = vector.shape_cast %get3A_885 : vector<1x16xf32> to vector<1x16xf32>
        %mul3A_887 = arith.constant 32 : i32
        %mul3A_888 = arith.muli %add3A_112, %mul3A_887 : i32
        %add3A_889 = arith.constant 24 : i32
        %add3A_890 = arith.addi %mul3A_888, %add3A_889 : i32
        %get3A_891 = arith.index_cast %add3A_890 : i32 to index
        %get3A_892 = arith.constant 32 : index
        %get3A_893 = tpu.vector_load %arg4[%get3A_891, %get3A_892] {strides = array<i32>} : memref<256x128xf32, #tpu.memory_space<vmem>>, vector<1x16xf32>,
        %get3A_894 = vector.shape_cast %get3A_893 : vector<1x16xf32> to vector<1x16xf32>
        %mul3A_895 = arith.constant 32 : i32
        %mul3A_896 = arith.muli %add3A_112, %mul3A_895 : i32
        %add3A_897 = arith.constant 25 : i32
        %add3A_898 = arith.addi %mul3A_896, %add3A_897 : i32
        %get3A_899 = arith.index_cast %add3A_898 : i32 to index
        %get3A_900 = arith.constant 32 : index
        %get3A_901 = tpu.vector_load %arg4[%get3A_899, %get3A_900] {strides = array<i32>} : memref<256x128xf32, #tpu.memory_space<vmem>>, vector<1x16xf32>,
        %get3A_902 = vector.shape_cast %get3A_901 : vector<1x16xf32> to vector<1x16xf32>
        %mul3A_903 = arith.constant 32 : i32
        %mul3A_904 = arith.muli %add3A_112, %mul3A_903 : i32
        %add3A_905 = arith.constant 26 : i32
        %add3A_906 = arith.addi %mul3A_904, %add3A_905 : i32
        %get3A_907 = arith.index_cast %add3A_906 : i32 to index
        %get3A_908 = arith.constant 32 : index
        %get3A_909 = tpu.vector_load %arg4[%get3A_907, %get3A_908] {strides = array<i32>} : memref<256x128xf32, #tpu.memory_space<vmem>>, vector<1x16xf32>,
        %get3A_910 = vector.shape_cast %get3A_909 : vector<1x16xf32> to vector<1x16xf32>
        %mul3A_911 = arith.constant 32 : i32
        %mul3A_912 = arith.muli %add3A_112, %mul3A_911 : i32
        %add3A_913 = arith.constant 27 : i32
        %add3A_914 = arith.addi %mul3A_912, %add3A_913 : i32
        %get3A_915 = arith.index_cast %add3A_914 : i32 to index
        %get3A_916 = arith.constant 32 : index
        %get3A_917 = tpu.vector_load %arg4[%get3A_915, %get3A_916] {strides = array<i32>} : memref<256x128xf32, #tpu.memory_space<vmem>>, vector<1x16xf32>,
        %get3A_918 = vector.shape_cast %get3A_917 : vector<1x16xf32> to vector<1x16xf32>
        %mul3A_919 = arith.constant 32 : i32
        %mul3A_920 = arith.muli %add3A_112, %mul3A_919 : i32
        %add3A_921 = arith.constant 28 : i32
        %add3A_922 = arith.addi %mul3A_920, %add3A_921 : i32
        %get3A_923 = arith.index_cast %add3A_922 : i32 to index
        %get3A_924 = arith.constant 32 : index
        %get3A_925 = tpu.vector_load %arg4[%get3A_923, %get3A_924] {strides = array<i32>} : memref<256x128xf32, #tpu.memory_space<vmem>>, vector<1x16xf32>,
        %get3A_926 = vector.shape_cast %get3A_925 : vector<1x16xf32> to vector<1x16xf32>
        %mul3A_927 = arith.constant 32 : i32
        %mul3A_928 = arith.muli %add3A_112, %mul3A_927 : i32
        %add3A_929 = arith.constant 29 : i32
        %add3A_930 = arith.addi %mul3A_928, %add3A_929 : i32
        %get3A_931 = arith.index_cast %add3A_930 : i32 to index
        %get3A_932 = arith.constant 32 : index
        %get3A_933 = tpu.vector_load %arg4[%get3A_931, %get3A_932] {strides = array<i32>} : memref<256x128xf32, #tpu.memory_space<vmem>>, vector<1x16xf32>,
        %get3A_934 = vector.shape_cast %get3A_933 : vector<1x16xf32> to vector<1x16xf32>
        %mul3A_935 = arith.constant 32 : i32
        %mul3A_936 = arith.muli %add3A_112, %mul3A_935 : i32
        %add3A_937 = arith.constant 30 : i32
        %add3A_938 = arith.addi %mul3A_936, %add3A_937 : i32
        %get3A_939 = arith.index_cast %add3A_938 : i32 to index
        %get3A_940 = arith.constant 32 : index
        %get3A_941 = tpu.vector_load %arg4[%get3A_939, %get3A_940] {strides = array<i32>} : memref<256x128xf32, #tpu.memory_space<vmem>>, vector<1x16xf32>,
        %get3A_942 = vector.shape_cast %get3A_941 : vector<1x16xf32> to vector<1x16xf32>
        %mul3A_943 = arith.constant 32 : i32
        %mul3A_944 = arith.muli %add3A_112, %mul3A_943 : i32
        %add3A_945 = arith.constant 31 : i32
        %add3A_946 = arith.addi %mul3A_944, %add3A_945 : i32
        %get3A_947 = arith.index_cast %add3A_946 : i32 to index
        %get3A_948 = arith.constant 32 : index
        %get3A_949 = tpu.vector_load %arg4[%get3A_947, %get3A_948] {strides = array<i32>} : memref<256x128xf32, #tpu.memory_space<vmem>>, vector<1x16xf32>,
        %get3A_950 = vector.shape_cast %get3A_949 : vector<1x16xf32> to vector<1x16xf32>
        %add3A_951 = arith.addf %get3A_702, %get3A_710 : vector<1x16xf32>
        %add3A_952 = arith.addf %get3A_718, %get3A_726 : vector<1x16xf32>
        %add3A_953 = arith.addf %get3A_734, %get3A_742 : vector<1x16xf32>
        %add3A_954 = arith.addf %get3A_750, %get3A_758 : vector<1x16xf32>
        %add3A_955 = arith.addf %get3A_766, %get3A_774 : vector<1x16xf32>
        %add3A_956 = arith.addf %get3A_782, %get3A_790 : vector<1x16xf32>
        %add3A_957 = arith.addf %get3A_798, %get3A_806 : vector<1x16xf32>
        %add3A_958 = arith.addf %get3A_814, %get3A_822 : vector<1x16xf32>
        %add3A_959 = arith.addf %get3A_830, %get3A_838 : vector<1x16xf32>
        %add3A_960 = arith.addf %get3A_846, %get3A_854 : vector<1x16xf32>
        %add3A_961 = arith.addf %get3A_862, %get3A_870 : vector<1x16xf32>
        %add3A_962 = arith.addf %get3A_878, %get3A_886 : vector<1x16xf32>
        %add3A_963 = arith.addf %get3A_894, %get3A_902 : vector<1x16xf32>
        %add3A_964 = arith.addf %get3A_910, %get3A_918 : vector<1x16xf32>
        %add3A_965 = arith.addf %get3A_926, %get3A_934 : vector<1x16xf32>
        %add3A_966 = arith.addf %get3A_942, %get3A_950 : vector<1x16xf32>
        %add3A_967 = arith.addf %add3A_951, %add3A_952 : vector<1x16xf32>
        %add3A_968 = arith.addf %add3A_953, %add3A_954 : vector<1x16xf32>
        %add3A_969 = arith.addf %add3A_955, %add3A_956 : vector<1x16xf32>
        %add3A_970 = arith.addf %add3A_957, %add3A_958 : vector<1x16xf32>
        %add3A_971 = arith.addf %add3A_959, %add3A_960 : vector<1x16xf32>
        %add3A_972 = arith.addf %add3A_961, %add3A_962 : vector<1x16xf32>
        %add3A_973 = arith.addf %add3A_963, %add3A_964 : vector<1x16xf32>
        %add3A_974 = arith.addf %add3A_965, %add3A_966 : vector<1x16xf32>
        %add3A_975 = arith.addf %add3A_967, %add3A_968 : vector<1x16xf32>
        %add3A_976 = arith.addf %add3A_969, %add3A_970 : vector<1x16xf32>
        %add3A_977 = arith.addf %add3A_971, %add3A_972 : vector<1x16xf32>
        %add3A_978 = arith.addf %add3A_973, %add3A_974 : vector<1x16xf32>
        %add3A_979 = arith.addf %add3A_975, %add3A_976 : vector<1x16xf32>
        %add3A_980 = arith.addf %add3A_977, %add3A_978 : vector<1x16xf32>
        %add3A_981 = arith.addf %add3A_979, %add3A_980 : vector<1x16xf32>
        %swap3A_982 = arith.index_cast %add3A_112 : i32 to index
        %swap3A_983 = arith.constant 32 : index
        %swap3A_984 = tpu.vector_load %arg6[%swap3A_982, %swap3A_983] {strides = array<i32>} : memref<8x128xf32, #tpu.memory_space<vmem>>, vector<1x16xf32>,
        %swap3A_985 = vector.shape_cast %swap3A_984 : vector<1x16xf32> to vector<1x16xf32>
        %swap3A_986 = vector.shape_cast %add3A_981 : vector<1x16xf32> to vector<1x16xf32>
        tpu.vector_store %arg6[%swap3A_982, %swap3A_983], %swap3A_986 {strides = array<i32>} : memref<8x128xf32, #tpu.memory_space<vmem>>, vector<1x16xf32>,
        %mul3A_987 = arith.constant 32 : i32
        %mul3A_988 = arith.muli %add3A_112, %mul3A_987 : i32
        %add3A_989 = arith.constant 0 : i32
        %add3A_990 = arith.addi %mul3A_988, %add3A_989 : i32
        %get3A_991 = arith.index_cast %add3A_990 : i32 to index
        %get3A_992 = arith.constant 48 : index
        %get3A_993 = tpu.vector_load %arg4[%get3A_991, %get3A_992] {strides = array<i32>} : memref<256x128xf32, #tpu.memory_space<vmem>>, vector<1x16xf32>,
        %get3A_994 = vector.shape_cast %get3A_993 : vector<1x16xf32> to vector<1x16xf32>
        %mul3A_995 = arith.constant 32 : i32
        %mul3A_996 = arith.muli %add3A_112, %mul3A_995 : i32
        %add3A_997 = arith.constant 1 : i32
        %add3A_998 = arith.addi %mul3A_996, %add3A_997 : i32
        %get3A_999 = arith.index_cast %add3A_998 : i32 to index
        %get3A_1000 = arith.constant 48 : index
        %get3A_1001 = tpu.vector_load %arg4[%get3A_999, %get3A_1000] {strides = array<i32>} : memref<256x128xf32, #tpu.memory_space<vmem>>, vector<1x16xf32>,
        %get3A_1002 = vector.shape_cast %get3A_1001 : vector<1x16xf32> to vector<1x16xf32>
        %mul3A_1003 = arith.constant 32 : i32
        %mul3A_1004 = arith.muli %add3A_112, %mul3A_1003 : i32
        %add3A_1005 = arith.constant 2 : i32
        %add3A_1006 = arith.addi %mul3A_1004, %add3A_1005 : i32
        %get3A_1007 = arith.index_cast %add3A_1006 : i32 to index
        %get3A_1008 = arith.constant 48 : index
        %get3A_1009 = tpu.vector_load %arg4[%get3A_1007, %get3A_1008] {strides = array<i32>} : memref<256x128xf32, #tpu.memory_space<vmem>>, vector<1x16xf32>,
        %get3A_1010 = vector.shape_cast %get3A_1009 : vector<1x16xf32> to vector<1x16xf32>
        %mul3A_1011 = arith.constant 32 : i32
        %mul3A_1012 = arith.muli %add3A_112, %mul3A_1011 : i32
        %add3A_1013 = arith.constant 3 : i32
        %add3A_1014 = arith.addi %mul3A_1012, %add3A_1013 : i32
        %get3A_1015 = arith.index_cast %add3A_1014 : i32 to index
        %get3A_1016 = arith.constant 48 : index
        %get3A_1017 = tpu.vector_load %arg4[%get3A_1015, %get3A_1016] {strides = array<i32>} : memref<256x128xf32, #tpu.memory_space<vmem>>, vector<1x16xf32>,
        %get3A_1018 = vector.shape_cast %get3A_1017 : vector<1x16xf32> to vector<1x16xf32>
        %mul3A_1019 = arith.constant 32 : i32
        %mul3A_1020 = arith.muli %add3A_112, %mul3A_1019 : i32
        %add3A_1021 = arith.constant 4 : i32
        %add3A_1022 = arith.addi %mul3A_1020, %add3A_1021 : i32
        %get3A_1023 = arith.index_cast %add3A_1022 : i32 to index
        %get3A_1024 = arith.constant 48 : index
        %get3A_1025 = tpu.vector_load %arg4[%get3A_1023, %get3A_1024] {strides = array<i32>} : memref<256x128xf32, #tpu.memory_space<vmem>>, vector<1x16xf32>,
        %get3A_1026 = vector.shape_cast %get3A_1025 : vector<1x16xf32> to vector<1x16xf32>
        %mul3A_1027 = arith.constant 32 : i32
        %mul3A_1028 = arith.muli %add3A_112, %mul3A_1027 : i32
        %add3A_1029 = arith.constant 5 : i32
        %add3A_1030 = arith.addi %mul3A_1028, %add3A_1029 : i32
        %get3A_1031 = arith.index_cast %add3A_1030 : i32 to index
        %get3A_1032 = arith.constant 48 : index
        %get3A_1033 = tpu.vector_load %arg4[%get3A_1031, %get3A_1032] {strides = array<i32>} : memref<256x128xf32, #tpu.memory_space<vmem>>, vector<1x16xf32>,
        %get3A_1034 = vector.shape_cast %get3A_1033 : vector<1x16xf32> to vector<1x16xf32>
        %mul3A_1035 = arith.constant 32 : i32
        %mul3A_1036 = arith.muli %add3A_112, %mul3A_1035 : i32
        %add3A_1037 = arith.constant 6 : i32
        %add3A_1038 = arith.addi %mul3A_1036, %add3A_1037 : i32
        %get3A_1039 = arith.index_cast %add3A_1038 : i32 to index
        %get3A_1040 = arith.constant 48 : index
        %get3A_1041 = tpu.vector_load %arg4[%get3A_1039, %get3A_1040] {strides = array<i32>} : memref<256x128xf32, #tpu.memory_space<vmem>>, vector<1x16xf32>,
        %get3A_1042 = vector.shape_cast %get3A_1041 : vector<1x16xf32> to vector<1x16xf32>
        %mul3A_1043 = arith.constant 32 : i32
        %mul3A_1044 = arith.muli %add3A_112, %mul3A_1043 : i32
        %add3A_1045 = arith.constant 7 : i32
        %add3A_1046 = arith.addi %mul3A_1044, %add3A_1045 : i32
        %get3A_1047 = arith.index_cast %add3A_1046 : i32 to index
        %get3A_1048 = arith.constant 48 : index
        %get3A_1049 = tpu.vector_load %arg4[%get3A_1047, %get3A_1048] {strides = array<i32>} : memref<256x128xf32, #tpu.memory_space<vmem>>, vector<1x16xf32>,
        %get3A_1050 = vector.shape_cast %get3A_1049 : vector<1x16xf32> to vector<1x16xf32>
        %mul3A_1051 = arith.constant 32 : i32
        %mul3A_1052 = arith.muli %add3A_112, %mul3A_1051 : i32
        %add3A_1053 = arith.constant 8 : i32
        %add3A_1054 = arith.addi %mul3A_1052, %add3A_1053 : i32
        %get3A_1055 = arith.index_cast %add3A_1054 : i32 to index
        %get3A_1056 = arith.constant 48 : index
        %get3A_1057 = tpu.vector_load %arg4[%get3A_1055, %get3A_1056] {strides = array<i32>} : memref<256x128xf32, #tpu.memory_space<vmem>>, vector<1x16xf32>,
        %get3A_1058 = vector.shape_cast %get3A_1057 : vector<1x16xf32> to vector<1x16xf32>
        %mul3A_1059 = arith.constant 32 : i32
        %mul3A_1060 = arith.muli %add3A_112, %mul3A_1059 : i32
        %add3A_1061 = arith.constant 9 : i32
        %add3A_1062 = arith.addi %mul3A_1060, %add3A_1061 : i32
        %get3A_1063 = arith.index_cast %add3A_1062 : i32 to index
        %get3A_1064 = arith.constant 48 : index
        %get3A_1065 = tpu.vector_load %arg4[%get3A_1063, %get3A_1064] {strides = array<i32>} : memref<256x128xf32, #tpu.memory_space<vmem>>, vector<1x16xf32>,
        %get3A_1066 = vector.shape_cast %get3A_1065 : vector<1x16xf32> to vector<1x16xf32>
        %mul3A_1067 = arith.constant 32 : i32
        %mul3A_1068 = arith.muli %add3A_112, %mul3A_1067 : i32
        %add3A_1069 = arith.constant 10 : i32
        %add3A_1070 = arith.addi %mul3A_1068, %add3A_1069 : i32
        %get3A_1071 = arith.index_cast %add3A_1070 : i32 to index
        %get3A_1072 = arith.constant 48 : index
        %get3A_1073 = tpu.vector_load %arg4[%get3A_1071, %get3A_1072] {strides = array<i32>} : memref<256x128xf32, #tpu.memory_space<vmem>>, vector<1x16xf32>,
        %get3A_1074 = vector.shape_cast %get3A_1073 : vector<1x16xf32> to vector<1x16xf32>
        %mul3A_1075 = arith.constant 32 : i32
        %mul3A_1076 = arith.muli %add3A_112, %mul3A_1075 : i32
        %add3A_1077 = arith.constant 11 : i32
        %add3A_1078 = arith.addi %mul3A_1076, %add3A_1077 : i32
        %get3A_1079 = arith.index_cast %add3A_1078 : i32 to index
        %get3A_1080 = arith.constant 48 : index
        %get3A_1081 = tpu.vector_load %arg4[%get3A_1079, %get3A_1080] {strides = array<i32>} : memref<256x128xf32, #tpu.memory_space<vmem>>, vector<1x16xf32>,
        %get3A_1082 = vector.shape_cast %get3A_1081 : vector<1x16xf32> to vector<1x16xf32>
        %mul3A_1083 = arith.constant 32 : i32
        %mul3A_1084 = arith.muli %add3A_112, %mul3A_1083 : i32
        %add3A_1085 = arith.constant 12 : i32
        %add3A_1086 = arith.addi %mul3A_1084, %add3A_1085 : i32
        %get3A_1087 = arith.index_cast %add3A_1086 : i32 to index
        %get3A_1088 = arith.constant 48 : index
        %get3A_1089 = tpu.vector_load %arg4[%get3A_1087, %get3A_1088] {strides = array<i32>} : memref<256x128xf32, #tpu.memory_space<vmem>>, vector<1x16xf32>,
        %get3A_1090 = vector.shape_cast %get3A_1089 : vector<1x16xf32> to vector<1x16xf32>
        %mul3A_1091 = arith.constant 32 : i32
        %mul3A_1092 = arith.muli %add3A_112, %mul3A_1091 : i32
        %add3A_1093 = arith.constant 13 : i32
        %add3A_1094 = arith.addi %mul3A_1092, %add3A_1093 : i32
        %get3A_1095 = arith.index_cast %add3A_1094 : i32 to index
        %get3A_1096 = arith.constant 48 : index
        %get3A_1097 = tpu.vector_load %arg4[%get3A_1095, %get3A_1096] {strides = array<i32>} : memref<256x128xf32, #tpu.memory_space<vmem>>, vector<1x16xf32>,
        %get3A_1098 = vector.shape_cast %get3A_1097 : vector<1x16xf32> to vector<1x16xf32>
        %mul3A_1099 = arith.constant 32 : i32
        %mul3A_1100 = arith.muli %add3A_112, %mul3A_1099 : i32
        %add3A_1101 = arith.constant 14 : i32
        %add3A_1102 = arith.addi %mul3A_1100, %add3A_1101 : i32
        %get3A_1103 = arith.index_cast %add3A_1102 : i32 to index
        %get3A_1104 = arith.constant 48 : index
        %get3A_1105 = tpu.vector_load %arg4[%get3A_1103, %get3A_1104] {strides = array<i32>} : memref<256x128xf32, #tpu.memory_space<vmem>>, vector<1x16xf32>,
        %get3A_1106 = vector.shape_cast %get3A_1105 : vector<1x16xf32> to vector<1x16xf32>
        %mul3A_1107 = arith.constant 32 : i32
        %mul3A_1108 = arith.muli %add3A_112, %mul3A_1107 : i32
        %add3A_1109 = arith.constant 15 : i32
        %add3A_1110 = arith.addi %mul3A_1108, %add3A_1109 : i32
        %get3A_1111 = arith.index_cast %add3A_1110 : i32 to index
        %get3A_1112 = arith.constant 48 : index
        %get3A_1113 = tpu.vector_load %arg4[%get3A_1111, %get3A_1112] {strides = array<i32>} : memref<256x128xf32, #tpu.memory_space<vmem>>, vector<1x16xf32>,
        %get3A_1114 = vector.shape_cast %get3A_1113 : vector<1x16xf32> to vector<1x16xf32>
        %mul3A_1115 = arith.constant 32 : i32
        %mul3A_1116 = arith.muli %add3A_112, %mul3A_1115 : i32
        %add3A_1117 = arith.constant 16 : i32
        %add3A_1118 = arith.addi %mul3A_1116, %add3A_1117 : i32
        %get3A_1119 = arith.index_cast %add3A_1118 : i32 to index
        %get3A_1120 = arith.constant 48 : index
        %get3A_1121 = tpu.vector_load %arg4[%get3A_1119, %get3A_1120] {strides = array<i32>} : memref<256x128xf32, #tpu.memory_space<vmem>>, vector<1x16xf32>,
        %get3A_1122 = vector.shape_cast %get3A_1121 : vector<1x16xf32> to vector<1x16xf32>
        %mul3A_1123 = arith.constant 32 : i32
        %mul3A_1124 = arith.muli %add3A_112, %mul3A_1123 : i32
        %add3A_1125 = arith.constant 17 : i32
        %add3A_1126 = arith.addi %mul3A_1124, %add3A_1125 : i32
        %get3A_1127 = arith.index_cast %add3A_1126 : i32 to index
        %get3A_1128 = arith.constant 48 : index
        %get3A_1129 = tpu.vector_load %arg4[%get3A_1127, %get3A_1128] {strides = array<i32>} : memref<256x128xf32, #tpu.memory_space<vmem>>, vector<1x16xf32>,
        %get3A_1130 = vector.shape_cast %get3A_1129 : vector<1x16xf32> to vector<1x16xf32>
        %mul3A_1131 = arith.constant 32 : i32
        %mul3A_1132 = arith.muli %add3A_112, %mul3A_1131 : i32
        %add3A_1133 = arith.constant 18 : i32
        %add3A_1134 = arith.addi %mul3A_1132, %add3A_1133 : i32
        %get3A_1135 = arith.index_cast %add3A_1134 : i32 to index
        %get3A_1136 = arith.constant 48 : index
        %get3A_1137 = tpu.vector_load %arg4[%get3A_1135, %get3A_1136] {strides = array<i32>} : memref<256x128xf32, #tpu.memory_space<vmem>>, vector<1x16xf32>,
        %get3A_1138 = vector.shape_cast %get3A_1137 : vector<1x16xf32> to vector<1x16xf32>
        %mul3A_1139 = arith.constant 32 : i32
        %mul3A_1140 = arith.muli %add3A_112, %mul3A_1139 : i32
        %add3A_1141 = arith.constant 19 : i32
        %add3A_1142 = arith.addi %mul3A_1140, %add3A_1141 : i32
        %get3A_1143 = arith.index_cast %add3A_1142 : i32 to index
        %get3A_1144 = arith.constant 48 : index
        %get3A_1145 = tpu.vector_load %arg4[%get3A_1143, %get3A_1144] {strides = array<i32>} : memref<256x128xf32, #tpu.memory_space<vmem>>, vector<1x16xf32>,
        %get3A_1146 = vector.shape_cast %get3A_1145 : vector<1x16xf32> to vector<1x16xf32>
        %mul3A_1147 = arith.constant 32 : i32
        %mul3A_1148 = arith.muli %add3A_112, %mul3A_1147 : i32
        %add3A_1149 = arith.constant 20 : i32
        %add3A_1150 = arith.addi %mul3A_1148, %add3A_1149 : i32
        %get3A_1151 = arith.index_cast %add3A_1150 : i32 to index
        %get3A_1152 = arith.constant 48 : index
        %get3A_1153 = tpu.vector_load %arg4[%get3A_1151, %get3A_1152] {strides = array<i32>} : memref<256x128xf32, #tpu.memory_space<vmem>>, vector<1x16xf32>,
        %get3A_1154 = vector.shape_cast %get3A_1153 : vector<1x16xf32> to vector<1x16xf32>
        %mul3A_1155 = arith.constant 32 : i32
        %mul3A_1156 = arith.muli %add3A_112, %mul3A_1155 : i32
        %add3A_1157 = arith.constant 21 : i32
        %add3A_1158 = arith.addi %mul3A_1156, %add3A_1157 : i32
        %get3A_1159 = arith.index_cast %add3A_1158 : i32 to index
        %get3A_1160 = arith.constant 48 : index
        %get3A_1161 = tpu.vector_load %arg4[%get3A_1159, %get3A_1160] {strides = array<i32>} : memref<256x128xf32, #tpu.memory_space<vmem>>, vector<1x16xf32>,
        %get3A_1162 = vector.shape_cast %get3A_1161 : vector<1x16xf32> to vector<1x16xf32>
        %mul3A_1163 = arith.constant 32 : i32
        %mul3A_1164 = arith.muli %add3A_112, %mul3A_1163 : i32
        %add3A_1165 = arith.constant 22 : i32
        %add3A_1166 = arith.addi %mul3A_1164, %add3A_1165 : i32
        %get3A_1167 = arith.index_cast %add3A_1166 : i32 to index
        %get3A_1168 = arith.constant 48 : index
        %get3A_1169 = tpu.vector_load %arg4[%get3A_1167, %get3A_1168] {strides = array<i32>} : memref<256x128xf32, #tpu.memory_space<vmem>>, vector<1x16xf32>,
        %get3A_1170 = vector.shape_cast %get3A_1169 : vector<1x16xf32> to vector<1x16xf32>
        %mul3A_1171 = arith.constant 32 : i32
        %mul3A_1172 = arith.muli %add3A_112, %mul3A_1171 : i32
        %add3A_1173 = arith.constant 23 : i32
        %add3A_1174 = arith.addi %mul3A_1172, %add3A_1173 : i32
        %get3A_1175 = arith.index_cast %add3A_1174 : i32 to index
        %get3A_1176 = arith.constant 48 : index
        %get3A_1177 = tpu.vector_load %arg4[%get3A_1175, %get3A_1176] {strides = array<i32>} : memref<256x128xf32, #tpu.memory_space<vmem>>, vector<1x16xf32>,
        %get3A_1178 = vector.shape_cast %get3A_1177 : vector<1x16xf32> to vector<1x16xf32>
        %mul3A_1179 = arith.constant 32 : i32
        %mul3A_1180 = arith.muli %add3A_112, %mul3A_1179 : i32
        %add3A_1181 = arith.constant 24 : i32
        %add3A_1182 = arith.addi %mul3A_1180, %add3A_1181 : i32
        %get3A_1183 = arith.index_cast %add3A_1182 : i32 to index
        %get3A_1184 = arith.constant 48 : index
        %get3A_1185 = tpu.vector_load %arg4[%get3A_1183, %get3A_1184] {strides = array<i32>} : memref<256x128xf32, #tpu.memory_space<vmem>>, vector<1x16xf32>,
        %get3A_1186 = vector.shape_cast %get3A_1185 : vector<1x16xf32> to vector<1x16xf32>
        %mul3A_1187 = arith.constant 32 : i32
        %mul3A_1188 = arith.muli %add3A_112, %mul3A_1187 : i32
        %add3A_1189 = arith.constant 25 : i32
        %add3A_1190 = arith.addi %mul3A_1188, %add3A_1189 : i32
        %get3A_1191 = arith.index_cast %add3A_1190 : i32 to index
        %get3A_1192 = arith.constant 48 : index
        %get3A_1193 = tpu.vector_load %arg4[%get3A_1191, %get3A_1192] {strides = array<i32>} : memref<256x128xf32, #tpu.memory_space<vmem>>, vector<1x16xf32>,
        %get3A_1194 = vector.shape_cast %get3A_1193 : vector<1x16xf32> to vector<1x16xf32>
        %mul3A_1195 = arith.constant 32 : i32
        %mul3A_1196 = arith.muli %add3A_112, %mul3A_1195 : i32
        %add3A_1197 = arith.constant 26 : i32
        %add3A_1198 = arith.addi %mul3A_1196, %add3A_1197 : i32
        %get3A_1199 = arith.index_cast %add3A_1198 : i32 to index
        %get3A_1200 = arith.constant 48 : index
        %get3A_1201 = tpu.vector_load %arg4[%get3A_1199, %get3A_1200] {strides = array<i32>} : memref<256x128xf32, #tpu.memory_space<vmem>>, vector<1x16xf32>,
        %get3A_1202 = vector.shape_cast %get3A_1201 : vector<1x16xf32> to vector<1x16xf32>
        %mul3A_1203 = arith.constant 32 : i32
        %mul3A_1204 = arith.muli %add3A_112, %mul3A_1203 : i32
        %add3A_1205 = arith.constant 27 : i32
        %add3A_1206 = arith.addi %mul3A_1204, %add3A_1205 : i32
        %get3A_1207 = arith.index_cast %add3A_1206 : i32 to index
        %get3A_1208 = arith.constant 48 : index
        %get3A_1209 = tpu.vector_load %arg4[%get3A_1207, %get3A_1208] {strides = array<i32>} : memref<256x128xf32, #tpu.memory_space<vmem>>, vector<1x16xf32>,
        %get3A_1210 = vector.shape_cast %get3A_1209 : vector<1x16xf32> to vector<1x16xf32>
        %mul3A_1211 = arith.constant 32 : i32
        %mul3A_1212 = arith.muli %add3A_112, %mul3A_1211 : i32
        %add3A_1213 = arith.constant 28 : i32
        %add3A_1214 = arith.addi %mul3A_1212, %add3A_1213 : i32
        %get3A_1215 = arith.index_cast %add3A_1214 : i32 to index
        %get3A_1216 = arith.constant 48 : index
        %get3A_1217 = tpu.vector_load %arg4[%get3A_1215, %get3A_1216] {strides = array<i32>} : memref<256x128xf32, #tpu.memory_space<vmem>>, vector<1x16xf32>,
        %get3A_1218 = vector.shape_cast %get3A_1217 : vector<1x16xf32> to vector<1x16xf32>
        %mul3A_1219 = arith.constant 32 : i32
        %mul3A_1220 = arith.muli %add3A_112, %mul3A_1219 : i32
        %add3A_1221 = arith.constant 29 : i32
        %add3A_1222 = arith.addi %mul3A_1220, %add3A_1221 : i32
        %get3A_1223 = arith.index_cast %add3A_1222 : i32 to index
        %get3A_1224 = arith.constant 48 : index
        %get3A_1225 = tpu.vector_load %arg4[%get3A_1223, %get3A_1224] {strides = array<i32>} : memref<256x128xf32, #tpu.memory_space<vmem>>, vector<1x16xf32>,
        %get3A_1226 = vector.shape_cast %get3A_1225 : vector<1x16xf32> to vector<1x16xf32>
        %mul3A_1227 = arith.constant 32 : i32
        %mul3A_1228 = arith.muli %add3A_112, %mul3A_1227 : i32
        %add3A_1229 = arith.constant 30 : i32
        %add3A_1230 = arith.addi %mul3A_1228, %add3A_1229 : i32
        %get3A_1231 = arith.index_cast %add3A_1230 : i32 to index
        %get3A_1232 = arith.constant 48 : index
        %get3A_1233 = tpu.vector_load %arg4[%get3A_1231, %get3A_1232] {strides = array<i32>} : memref<256x128xf32, #tpu.memory_space<vmem>>, vector<1x16xf32>,
        %get3A_1234 = vector.shape_cast %get3A_1233 : vector<1x16xf32> to vector<1x16xf32>
        %mul3A_1235 = arith.constant 32 : i32
        %mul3A_1236 = arith.muli %add3A_112, %mul3A_1235 : i32
        %add3A_1237 = arith.constant 31 : i32
        %add3A_1238 = arith.addi %mul3A_1236, %add3A_1237 : i32
        %get3A_1239 = arith.index_cast %add3A_1238 : i32 to index
        %get3A_1240 = arith.constant 48 : index
        %get3A_1241 = tpu.vector_load %arg4[%get3A_1239, %get3A_1240] {strides = array<i32>} : memref<256x128xf32, #tpu.memory_space<vmem>>, vector<1x16xf32>,
        %get3A_1242 = vector.shape_cast %get3A_1241 : vector<1x16xf32> to vector<1x16xf32>
        %add3A_1243 = arith.addf %get3A_994, %get3A_1002 : vector<1x16xf32>
        %add3A_1244 = arith.addf %get3A_1010, %get3A_1018 : vector<1x16xf32>
        %add3A_1245 = arith.addf %get3A_1026, %get3A_1034 : vector<1x16xf32>
        %add3A_1246 = arith.addf %get3A_1042, %get3A_1050 : vector<1x16xf32>
        %add3A_1247 = arith.addf %get3A_1058, %get3A_1066 : vector<1x16xf32>
        %add3A_1248 = arith.addf %get3A_1074, %get3A_1082 : vector<1x16xf32>
        %add3A_1249 = arith.addf %get3A_1090, %get3A_1098 : vector<1x16xf32>
        %add3A_1250 = arith.addf %get3A_1106, %get3A_1114 : vector<1x16xf32>
        %add3A_1251 = arith.addf %get3A_1122, %get3A_1130 : vector<1x16xf32>
        %add3A_1252 = arith.addf %get3A_1138, %get3A_1146 : vector<1x16xf32>
        %add3A_1253 = arith.addf %get3A_1154, %get3A_1162 : vector<1x16xf32>
        %add3A_1254 = arith.addf %get3A_1170, %get3A_1178 : vector<1x16xf32>
        %add3A_1255 = arith.addf %get3A_1186, %get3A_1194 : vector<1x16xf32>
        %add3A_1256 = arith.addf %get3A_1202, %get3A_1210 : vector<1x16xf32>
        %add3A_1257 = arith.addf %get3A_1218, %get3A_1226 : vector<1x16xf32>
        %add3A_1258 = arith.addf %get3A_1234, %get3A_1242 : vector<1x16xf32>
        %add3A_1259 = arith.addf %add3A_1243, %add3A_1244 : vector<1x16xf32>
        %add3A_1260 = arith.addf %add3A_1245, %add3A_1246 : vector<1x16xf32>
        %add3A_1261 = arith.addf %add3A_1247, %add3A_1248 : vector<1x16xf32>
        %add3A_1262 = arith.addf %add3A_1249, %add3A_1250 : vector<1x16xf32>
        %add3A_1263 = arith.addf %add3A_1251, %add3A_1252 : vector<1x16xf32>
        %add3A_1264 = arith.addf %add3A_1253, %add3A_1254 : vector<1x16xf32>
        %add3A_1265 = arith.addf %add3A_1255, %add3A_1256 : vector<1x16xf32>
        %add3A_1266 = arith.addf %add3A_1257, %add3A_1258 : vector<1x16xf32>
        %add3A_1267 = arith.addf %add3A_1259, %add3A_1260 : vector<1x16xf32>
        %add3A_1268 = arith.addf %add3A_1261, %add3A_1262 : vector<1x16xf32>
        %add3A_1269 = arith.addf %add3A_1263, %add3A_1264 : vector<1x16xf32>
        %add3A_1270 = arith.addf %add3A_1265, %add3A_1266 : vector<1x16xf32>
        %add3A_1271 = arith.addf %add3A_1267, %add3A_1268 : vector<1x16xf32>
        %add3A_1272 = arith.addf %add3A_1269, %add3A_1270 : vector<1x16xf32>
        %add3A_1273 = arith.addf %add3A_1271, %add3A_1272 : vector<1x16xf32>
        %swap3A_1274 = arith.index_cast %add3A_112 : i32 to index
        %swap3A_1275 = arith.constant 48 : index
        %swap3A_1276 = tpu.vector_load %arg6[%swap3A_1274, %swap3A_1275] {strides = array<i32>} : memref<8x128xf32, #tpu.memory_space<vmem>>, vector<1x16xf32>,
        %swap3A_1277 = vector.shape_cast %swap3A_1276 : vector<1x16xf32> to vector<1x16xf32>
        %swap3A_1278 = vector.shape_cast %add3A_1273 : vector<1x16xf32> to vector<1x16xf32>
        tpu.vector_store %arg6[%swap3A_1274, %swap3A_1275], %swap3A_1278 {strides = array<i32>} : memref<8x128xf32, #tpu.memory_space<vmem>>, vector<1x16xf32>,
        %mul3A_1279 = arith.constant 32 : i32
        %mul3A_1280 = arith.muli %add3A_112, %mul3A_1279 : i32
        %add3A_1281 = arith.constant 0 : i32
        %add3A_1282 = arith.addi %mul3A_1280, %add3A_1281 : i32
        %get3A_1283 = arith.index_cast %add3A_1282 : i32 to index
        %get3A_1284 = arith.constant 64 : index
        %get3A_1285 = tpu.vector_load %arg4[%get3A_1283, %get3A_1284] {strides = array<i32>} : memref<256x128xf32, #tpu.memory_space<vmem>>, vector<1x16xf32>,
        %get3A_1286 = vector.shape_cast %get3A_1285 : vector<1x16xf32> to vector<1x16xf32>
        %mul3A_1287 = arith.constant 32 : i32
        %mul3A_1288 = arith.muli %add3A_112, %mul3A_1287 : i32
        %add3A_1289 = arith.constant 1 : i32
        %add3A_1290 = arith.addi %mul3A_1288, %add3A_1289 : i32
        %get3A_1291 = arith.index_cast %add3A_1290 : i32 to index
        %get3A_1292 = arith.constant 64 : index
        %get3A_1293 = tpu.vector_load %arg4[%get3A_1291, %get3A_1292] {strides = array<i32>} : memref<256x128xf32, #tpu.memory_space<vmem>>, vector<1x16xf32>,
        %get3A_1294 = vector.shape_cast %get3A_1293 : vector<1x16xf32> to vector<1x16xf32>
        %mul3A_1295 = arith.constant 32 : i32
        %mul3A_1296 = arith.muli %add3A_112, %mul3A_1295 : i32
        %add3A_1297 = arith.constant 2 : i32
        %add3A_1298 = arith.addi %mul3A_1296, %add3A_1297 : i32
        %get3A_1299 = arith.index_cast %add3A_1298 : i32 to index
        %get3A_1300 = arith.constant 64 : index
        %get3A_1301 = tpu.vector_load %arg4[%get3A_1299, %get3A_1300] {strides = array<i32>} : memref<256x128xf32, #tpu.memory_space<vmem>>, vector<1x16xf32>,
        %get3A_1302 = vector.shape_cast %get3A_1301 : vector<1x16xf32> to vector<1x16xf32>
        %mul3A_1303 = arith.constant 32 : i32
        %mul3A_1304 = arith.muli %add3A_112, %mul3A_1303 : i32
        %add3A_1305 = arith.constant 3 : i32
        %add3A_1306 = arith.addi %mul3A_1304, %add3A_1305 : i32
        %get3A_1307 = arith.index_cast %add3A_1306 : i32 to index
        %get3A_1308 = arith.constant 64 : index
        %get3A_1309 = tpu.vector_load %arg4[%get3A_1307, %get3A_1308] {strides = array<i32>} : memref<256x128xf32, #tpu.memory_space<vmem>>, vector<1x16xf32>,
        %get3A_1310 = vector.shape_cast %get3A_1309 : vector<1x16xf32> to vector<1x16xf32>
        %mul3A_1311 = arith.constant 32 : i32
        %mul3A_1312 = arith.muli %add3A_112, %mul3A_1311 : i32
        %add3A_1313 = arith.constant 4 : i32
        %add3A_1314 = arith.addi %mul3A_1312, %add3A_1313 : i32
        %get3A_1315 = arith.index_cast %add3A_1314 : i32 to index
        %get3A_1316 = arith.constant 64 : index
        %get3A_1317 = tpu.vector_load %arg4[%get3A_1315, %get3A_1316] {strides = array<i32>} : memref<256x128xf32, #tpu.memory_space<vmem>>, vector<1x16xf32>,
        %get3A_1318 = vector.shape_cast %get3A_1317 : vector<1x16xf32> to vector<1x16xf32>
        %mul3A_1319 = arith.constant 32 : i32
        %mul3A_1320 = arith.muli %add3A_112, %mul3A_1319 : i32
        %add3A_1321 = arith.constant 5 : i32
        %add3A_1322 = arith.addi %mul3A_1320, %add3A_1321 : i32
        %get3A_1323 = arith.index_cast %add3A_1322 : i32 to index
        %get3A_1324 = arith.constant 64 : index
        %get3A_1325 = tpu.vector_load %arg4[%get3A_1323, %get3A_1324] {strides = array<i32>} : memref<256x128xf32, #tpu.memory_space<vmem>>, vector<1x16xf32>,
        %get3A_1326 = vector.shape_cast %get3A_1325 : vector<1x16xf32> to vector<1x16xf32>
        %mul3A_1327 = arith.constant 32 : i32
        %mul3A_1328 = arith.muli %add3A_112, %mul3A_1327 : i32
        %add3A_1329 = arith.constant 6 : i32
        %add3A_1330 = arith.addi %mul3A_1328, %add3A_1329 : i32
        %get3A_1331 = arith.index_cast %add3A_1330 : i32 to index
        %get3A_1332 = arith.constant 64 : index
        %get3A_1333 = tpu.vector_load %arg4[%get3A_1331, %get3A_1332] {strides = array<i32>} : memref<256x128xf32, #tpu.memory_space<vmem>>, vector<1x16xf32>,
        %get3A_1334 = vector.shape_cast %get3A_1333 : vector<1x16xf32> to vector<1x16xf32>
        %mul3A_1335 = arith.constant 32 : i32
        %mul3A_1336 = arith.muli %add3A_112, %mul3A_1335 : i32
        %add3A_1337 = arith.constant 7 : i32
        %add3A_1338 = arith.addi %mul3A_1336, %add3A_1337 : i32
        %get3A_1339 = arith.index_cast %add3A_1338 : i32 to index
        %get3A_1340 = arith.constant 64 : index
        %get3A_1341 = tpu.vector_load %arg4[%get3A_1339, %get3A_1340] {strides = array<i32>} : memref<256x128xf32, #tpu.memory_space<vmem>>, vector<1x16xf32>,
        %get3A_1342 = vector.shape_cast %get3A_1341 : vector<1x16xf32> to vector<1x16xf32>
        %mul3A_1343 = arith.constant 32 : i32
        %mul3A_1344 = arith.muli %add3A_112, %mul3A_1343 : i32
        %add3A_1345 = arith.constant 8 : i32
        %add3A_1346 = arith.addi %mul3A_1344, %add3A_1345 : i32
        %get3A_1347 = arith.index_cast %add3A_1346 : i32 to index
        %get3A_1348 = arith.constant 64 : index
        %get3A_1349 = tpu.vector_load %arg4[%get3A_1347, %get3A_1348] {strides = array<i32>} : memref<256x128xf32, #tpu.memory_space<vmem>>, vector<1x16xf32>,
        %get3A_1350 = vector.shape_cast %get3A_1349 : vector<1x16xf32> to vector<1x16xf32>
        %mul3A_1351 = arith.constant 32 : i32
        %mul3A_1352 = arith.muli %add3A_112, %mul3A_1351 : i32
        %add3A_1353 = arith.constant 9 : i32
        %add3A_1354 = arith.addi %mul3A_1352, %add3A_1353 : i32
        %get3A_1355 = arith.index_cast %add3A_1354 : i32 to index
        %get3A_1356 = arith.constant 64 : index
        %get3A_1357 = tpu.vector_load %arg4[%get3A_1355, %get3A_1356] {strides = array<i32>} : memref<256x128xf32, #tpu.memory_space<vmem>>, vector<1x16xf32>,
        %get3A_1358 = vector.shape_cast %get3A_1357 : vector<1x16xf32> to vector<1x16xf32>
        %mul3A_1359 = arith.constant 32 : i32
        %mul3A_1360 = arith.muli %add3A_112, %mul3A_1359 : i32
        %add3A_1361 = arith.constant 10 : i32
        %add3A_1362 = arith.addi %mul3A_1360, %add3A_1361 : i32
        %get3A_1363 = arith.index_cast %add3A_1362 : i32 to index
        %get3A_1364 = arith.constant 64 : index
        %get3A_1365 = tpu.vector_load %arg4[%get3A_1363, %get3A_1364] {strides = array<i32>} : memref<256x128xf32, #tpu.memory_space<vmem>>, vector<1x16xf32>,
        %get3A_1366 = vector.shape_cast %get3A_1365 : vector<1x16xf32> to vector<1x16xf32>
        %mul3A_1367 = arith.constant 32 : i32
        %mul3A_1368 = arith.muli %add3A_112, %mul3A_1367 : i32
        %add3A_1369 = arith.constant 11 : i32
        %add3A_1370 = arith.addi %mul3A_1368, %add3A_1369 : i32
        %get3A_1371 = arith.index_cast %add3A_1370 : i32 to index
        %get3A_1372 = arith.constant 64 : index
        %get3A_1373 = tpu.vector_load %arg4[%get3A_1371, %get3A_1372] {strides = array<i32>} : memref<256x128xf32, #tpu.memory_space<vmem>>, vector<1x16xf32>,
        %get3A_1374 = vector.shape_cast %get3A_1373 : vector<1x16xf32> to vector<1x16xf32>
        %mul3A_1375 = arith.constant 32 : i32
        %mul3A_1376 = arith.muli %add3A_112, %mul3A_1375 : i32
        %add3A_1377 = arith.constant 12 : i32
        %add3A_1378 = arith.addi %mul3A_1376, %add3A_1377 : i32
        %get3A_1379 = arith.index_cast %add3A_1378 : i32 to index
        %get3A_1380 = arith.constant 64 : index
        %get3A_1381 = tpu.vector_load %arg4[%get3A_1379, %get3A_1380] {strides = array<i32>} : memref<256x128xf32, #tpu.memory_space<vmem>>, vector<1x16xf32>,
        %get3A_1382 = vector.shape_cast %get3A_1381 : vector<1x16xf32> to vector<1x16xf32>
        %mul3A_1383 = arith.constant 32 : i32
        %mul3A_1384 = arith.muli %add3A_112, %mul3A_1383 : i32
        %add3A_1385 = arith.constant 13 : i32
        %add3A_1386 = arith.addi %mul3A_1384, %add3A_1385 : i32
        %get3A_1387 = arith.index_cast %add3A_1386 : i32 to index
        %get3A_1388 = arith.constant 64 : index
        %get3A_1389 = tpu.vector_load %arg4[%get3A_1387, %get3A_1388] {strides = array<i32>} : memref<256x128xf32, #tpu.memory_space<vmem>>, vector<1x16xf32>,
        %get3A_1390 = vector.shape_cast %get3A_1389 : vector<1x16xf32> to vector<1x16xf32>
        %mul3A_1391 = arith.constant 32 : i32
        %mul3A_1392 = arith.muli %add3A_112, %mul3A_1391 : i32
        %add3A_1393 = arith.constant 14 : i32
        %add3A_1394 = arith.addi %mul3A_1392, %add3A_1393 : i32
        %get3A_1395 = arith.index_cast %add3A_1394 : i32 to index
        %get3A_1396 = arith.constant 64 : index
        %get3A_1397 = tpu.vector_load %arg4[%get3A_1395, %get3A_1396] {strides = array<i32>} : memref<256x128xf32, #tpu.memory_space<vmem>>, vector<1x16xf32>,
        %get3A_1398 = vector.shape_cast %get3A_1397 : vector<1x16xf32> to vector<1x16xf32>
        %mul3A_1399 = arith.constant 32 : i32
        %mul3A_1400 = arith.muli %add3A_112, %mul3A_1399 : i32
        %add3A_1401 = arith.constant 15 : i32
        %add3A_1402 = arith.addi %mul3A_1400, %add3A_1401 : i32
        %get3A_1403 = arith.index_cast %add3A_1402 : i32 to index
        %get3A_1404 = arith.constant 64 : index
        %get3A_1405 = tpu.vector_load %arg4[%get3A_1403, %get3A_1404] {strides = array<i32>} : memref<256x128xf32, #tpu.memory_space<vmem>>, vector<1x16xf32>,
        %get3A_1406 = vector.shape_cast %get3A_1405 : vector<1x16xf32> to vector<1x16xf32>
        %mul3A_1407 = arith.constant 32 : i32
        %mul3A_1408 = arith.muli %add3A_112, %mul3A_1407 : i32
        %add3A_1409 = arith.constant 16 : i32
        %add3A_1410 = arith.addi %mul3A_1408, %add3A_1409 : i32
        %get3A_1411 = arith.index_cast %add3A_1410 : i32 to index
        %get3A_1412 = arith.constant 64 : index
        %get3A_1413 = tpu.vector_load %arg4[%get3A_1411, %get3A_1412] {strides = array<i32>} : memref<256x128xf32, #tpu.memory_space<vmem>>, vector<1x16xf32>,
        %get3A_1414 = vector.shape_cast %get3A_1413 : vector<1x16xf32> to vector<1x16xf32>
        %mul3A_1415 = arith.constant 32 : i32
        %mul3A_1416 = arith.muli %add3A_112, %mul3A_1415 : i32
        %add3A_1417 = arith.constant 17 : i32
        %add3A_1418 = arith.addi %mul3A_1416, %add3A_1417 : i32
        %get3A_1419 = arith.index_cast %add3A_1418 : i32 to index
        %get3A_1420 = arith.constant 64 : index
        %get3A_1421 = tpu.vector_load %arg4[%get3A_1419, %get3A_1420] {strides = array<i32>} : memref<256x128xf32, #tpu.memory_space<vmem>>, vector<1x16xf32>,
        %get3A_1422 = vector.shape_cast %get3A_1421 : vector<1x16xf32> to vector<1x16xf32>
        %mul3A_1423 = arith.constant 32 : i32
        %mul3A_1424 = arith.muli %add3A_112, %mul3A_1423 : i32
        %add3A_1425 = arith.constant 18 : i32
        %add3A_1426 = arith.addi %mul3A_1424, %add3A_1425 : i32
        %get3A_1427 = arith.index_cast %add3A_1426 : i32 to index
        %get3A_1428 = arith.constant 64 : index
        %get3A_1429 = tpu.vector_load %arg4[%get3A_1427, %get3A_1428] {strides = array<i32>} : memref<256x128xf32, #tpu.memory_space<vmem>>, vector<1x16xf32>,
        %get3A_1430 = vector.shape_cast %get3A_1429 : vector<1x16xf32> to vector<1x16xf32>
        %mul3A_1431 = arith.constant 32 : i32
        %mul3A_1432 = arith.muli %add3A_112, %mul3A_1431 : i32
        %add3A_1433 = arith.constant 19 : i32
        %add3A_1434 = arith.addi %mul3A_1432, %add3A_1433 : i32
        %get3A_1435 = arith.index_cast %add3A_1434 : i32 to index
        %get3A_1436 = arith.constant 64 : index
        %get3A_1437 = tpu.vector_load %arg4[%get3A_1435, %get3A_1436] {strides = array<i32>} : memref<256x128xf32, #tpu.memory_space<vmem>>, vector<1x16xf32>,
        %get3A_1438 = vector.shape_cast %get3A_1437 : vector<1x16xf32> to vector<1x16xf32>
        %mul3A_1439 = arith.constant 32 : i32
        %mul3A_1440 = arith.muli %add3A_112, %mul3A_1439 : i32
        %add3A_1441 = arith.constant 20 : i32
        %add3A_1442 = arith.addi %mul3A_1440, %add3A_1441 : i32
        %get3A_1443 = arith.index_cast %add3A_1442 : i32 to index
        %get3A_1444 = arith.constant 64 : index
        %get3A_1445 = tpu.vector_load %arg4[%get3A_1443, %get3A_1444] {strides = array<i32>} : memref<256x128xf32, #tpu.memory_space<vmem>>, vector<1x16xf32>,
        %get3A_1446 = vector.shape_cast %get3A_1445 : vector<1x16xf32> to vector<1x16xf32>
        %mul3A_1447 = arith.constant 32 : i32
        %mul3A_1448 = arith.muli %add3A_112, %mul3A_1447 : i32
        %add3A_1449 = arith.constant 21 : i32
        %add3A_1450 = arith.addi %mul3A_1448, %add3A_1449 : i32
        %get3A_1451 = arith.index_cast %add3A_1450 : i32 to index
        %get3A_1452 = arith.constant 64 : index
        %get3A_1453 = tpu.vector_load %arg4[%get3A_1451, %get3A_1452] {strides = array<i32>} : memref<256x128xf32, #tpu.memory_space<vmem>>, vector<1x16xf32>,
        %get3A_1454 = vector.shape_cast %get3A_1453 : vector<1x16xf32> to vector<1x16xf32>
        %mul3A_1455 = arith.constant 32 : i32
        %mul3A_1456 = arith.muli %add3A_112, %mul3A_1455 : i32
        %add3A_1457 = arith.constant 22 : i32
        %add3A_1458 = arith.addi %mul3A_1456, %add3A_1457 : i32
        %get3A_1459 = arith.index_cast %add3A_1458 : i32 to index
        %get3A_1460 = arith.constant 64 : index
        %get3A_1461 = tpu.vector_load %arg4[%get3A_1459, %get3A_1460] {strides = array<i32>} : memref<256x128xf32, #tpu.memory_space<vmem>>, vector<1x16xf32>,
        %get3A_1462 = vector.shape_cast %get3A_1461 : vector<1x16xf32> to vector<1x16xf32>
        %mul3A_1463 = arith.constant 32 : i32
        %mul3A_1464 = arith.muli %add3A_112, %mul3A_1463 : i32
        %add3A_1465 = arith.constant 23 : i32
        %add3A_1466 = arith.addi %mul3A_1464, %add3A_1465 : i32
        %get3A_1467 = arith.index_cast %add3A_1466 : i32 to index
        %get3A_1468 = arith.constant 64 : index
        %get3A_1469 = tpu.vector_load %arg4[%get3A_1467, %get3A_1468] {strides = array<i32>} : memref<256x128xf32, #tpu.memory_space<vmem>>, vector<1x16xf32>,
        %get3A_1470 = vector.shape_cast %get3A_1469 : vector<1x16xf32> to vector<1x16xf32>
        %mul3A_1471 = arith.constant 32 : i32
        %mul3A_1472 = arith.muli %add3A_112, %mul3A_1471 : i32
        %add3A_1473 = arith.constant 24 : i32
        %add3A_1474 = arith.addi %mul3A_1472, %add3A_1473 : i32
        %get3A_1475 = arith.index_cast %add3A_1474 : i32 to index
        %get3A_1476 = arith.constant 64 : index
        %get3A_1477 = tpu.vector_load %arg4[%get3A_1475, %get3A_1476] {strides = array<i32>} : memref<256x128xf32, #tpu.memory_space<vmem>>, vector<1x16xf32>,
        %get3A_1478 = vector.shape_cast %get3A_1477 : vector<1x16xf32> to vector<1x16xf32>
        %mul3A_1479 = arith.constant 32 : i32
        %mul3A_1480 = arith.muli %add3A_112, %mul3A_1479 : i32
        %add3A_1481 = arith.constant 25 : i32
        %add3A_1482 = arith.addi %mul3A_1480, %add3A_1481 : i32
        %get3A_1483 = arith.index_cast %add3A_1482 : i32 to index
        %get3A_1484 = arith.constant 64 : index
        %get3A_1485 = tpu.vector_load %arg4[%get3A_1483, %get3A_1484] {strides = array<i32>} : memref<256x128xf32, #tpu.memory_space<vmem>>, vector<1x16xf32>,
        %get3A_1486 = vector.shape_cast %get3A_1485 : vector<1x16xf32> to vector<1x16xf32>
        %mul3A_1487 = arith.constant 32 : i32
        %mul3A_1488 = arith.muli %add3A_112, %mul3A_1487 : i32
        %add3A_1489 = arith.constant 26 : i32
        %add3A_1490 = arith.addi %mul3A_1488, %add3A_1489 : i32
        %get3A_1491 = arith.index_cast %add3A_1490 : i32 to index
        %get3A_1492 = arith.constant 64 : index
        %get3A_1493 = tpu.vector_load %arg4[%get3A_1491, %get3A_1492] {strides = array<i32>} : memref<256x128xf32, #tpu.memory_space<vmem>>, vector<1x16xf32>,
        %get3A_1494 = vector.shape_cast %get3A_1493 : vector<1x16xf32> to vector<1x16xf32>
        %mul3A_1495 = arith.constant 32 : i32
        %mul3A_1496 = arith.muli %add3A_112, %mul3A_1495 : i32
        %add3A_1497 = arith.constant 27 : i32
        %add3A_1498 = arith.addi %mul3A_1496, %add3A_1497 : i32
        %get3A_1499 = arith.index_cast %add3A_1498 : i32 to index
        %get3A_1500 = arith.constant 64 : index
        %get3A_1501 = tpu.vector_load %arg4[%get3A_1499, %get3A_1500] {strides = array<i32>} : memref<256x128xf32, #tpu.memory_space<vmem>>, vector<1x16xf32>,
        %get3A_1502 = vector.shape_cast %get3A_1501 : vector<1x16xf32> to vector<1x16xf32>
        %mul3A_1503 = arith.constant 32 : i32
        %mul3A_1504 = arith.muli %add3A_112, %mul3A_1503 : i32
        %add3A_1505 = arith.constant 28 : i32
        %add3A_1506 = arith.addi %mul3A_1504, %add3A_1505 : i32
        %get3A_1507 = arith.index_cast %add3A_1506 : i32 to index
        %get3A_1508 = arith.constant 64 : index
        %get3A_1509 = tpu.vector_load %arg4[%get3A_1507, %get3A_1508] {strides = array<i32>} : memref<256x128xf32, #tpu.memory_space<vmem>>, vector<1x16xf32>,
        %get3A_1510 = vector.shape_cast %get3A_1509 : vector<1x16xf32> to vector<1x16xf32>
        %mul3A_1511 = arith.constant 32 : i32
        %mul3A_1512 = arith.muli %add3A_112, %mul3A_1511 : i32
        %add3A_1513 = arith.constant 29 : i32
        %add3A_1514 = arith.addi %mul3A_1512, %add3A_1513 : i32
        %get3A_1515 = arith.index_cast %add3A_1514 : i32 to index
        %get3A_1516 = arith.constant 64 : index
        %get3A_1517 = tpu.vector_load %arg4[%get3A_1515, %get3A_1516] {strides = array<i32>} : memref<256x128xf32, #tpu.memory_space<vmem>>, vector<1x16xf32>,
        %get3A_1518 = vector.shape_cast %get3A_1517 : vector<1x16xf32> to vector<1x16xf32>
        %mul3A_1519 = arith.constant 32 : i32
        %mul3A_1520 = arith.muli %add3A_112, %mul3A_1519 : i32
        %add3A_1521 = arith.constant 30 : i32
        %add3A_1522 = arith.addi %mul3A_1520, %add3A_1521 : i32
        %get3A_1523 = arith.index_cast %add3A_1522 : i32 to index
        %get3A_1524 = arith.constant 64 : index
        %get3A_1525 = tpu.vector_load %arg4[%get3A_1523, %get3A_1524] {strides = array<i32>} : memref<256x128xf32, #tpu.memory_space<vmem>>, vector<1x16xf32>,
        %get3A_1526 = vector.shape_cast %get3A_1525 : vector<1x16xf32> to vector<1x16xf32>
        %mul3A_1527 = arith.constant 32 : i32
        %mul3A_1528 = arith.muli %add3A_112, %mul3A_1527 : i32
        %add3A_1529 = arith.constant 31 : i32
        %add3A_1530 = arith.addi %mul3A_1528, %add3A_1529 : i32
        %get3A_1531 = arith.index_cast %add3A_1530 : i32 to index
        %get3A_1532 = arith.constant 64 : index
        %get3A_1533 = tpu.vector_load %arg4[%get3A_1531, %get3A_1532] {strides = array<i32>} : memref<256x128xf32, #tpu.memory_space<vmem>>, vector<1x16xf32>,
        %get3A_1534 = vector.shape_cast %get3A_1533 : vector<1x16xf32> to vector<1x16xf32>
        %add3A_1535 = arith.addf %get3A_1286, %get3A_1294 : vector<1x16xf32>
        %add3A_1536 = arith.addf %get3A_1302, %get3A_1310 : vector<1x16xf32>
        %add3A_1537 = arith.addf %get3A_1318, %get3A_1326 : vector<1x16xf32>
        %add3A_1538 = arith.addf %get3A_1334, %get3A_1342 : vector<1x16xf32>
        %add3A_1539 = arith.addf %get3A_1350, %get3A_1358 : vector<1x16xf32>
        %add3A_1540 = arith.addf %get3A_1366, %get3A_1374 : vector<1x16xf32>
        %add3A_1541 = arith.addf %get3A_1382, %get3A_1390 : vector<1x16xf32>
        %add3A_1542 = arith.addf %get3A_1398, %get3A_1406 : vector<1x16xf32>
        %add3A_1543 = arith.addf %get3A_1414, %get3A_1422 : vector<1x16xf32>
        %add3A_1544 = arith.addf %get3A_1430, %get3A_1438 : vector<1x16xf32>
        %add3A_1545 = arith.addf %get3A_1446, %get3A_1454 : vector<1x16xf32>
        %add3A_1546 = arith.addf %get3A_1462, %get3A_1470 : vector<1x16xf32>
        %add3A_1547 = arith.addf %get3A_1478, %get3A_1486 : vector<1x16xf32>
        %add3A_1548 = arith.addf %get3A_1494, %get3A_1502 : vector<1x16xf32>
        %add3A_1549 = arith.addf %get3A_1510, %get3A_1518 : vector<1x16xf32>
        %add3A_1550 = arith.addf %get3A_1526, %get3A_1534 : vector<1x16xf32>
        %add3A_1551 = arith.addf %add3A_1535, %add3A_1536 : vector<1x16xf32>
        %add3A_1552 = arith.addf %add3A_1537, %add3A_1538 : vector<1x16xf32>
        %add3A_1553 = arith.addf %add3A_1539, %add3A_1540 : vector<1x16xf32>
        %add3A_1554 = arith.addf %add3A_1541, %add3A_1542 : vector<1x16xf32>
        %add3A_1555 = arith.addf %add3A_1543, %add3A_1544 : vector<1x16xf32>
        %add3A_1556 = arith.addf %add3A_1545, %add3A_1546 : vector<1x16xf32>
        %add3A_1557 = arith.addf %add3A_1547, %add3A_1548 : vector<1x16xf32>
        %add3A_1558 = arith.addf %add3A_1549, %add3A_1550 : vector<1x16xf32>
        %add3A_1559 = arith.addf %add3A_1551, %add3A_1552 : vector<1x16xf32>
        %add3A_1560 = arith.addf %add3A_1553, %add3A_1554 : vector<1x16xf32>
        %add3A_1561 = arith.addf %add3A_1555, %add3A_1556 : vector<1x16xf32>
        %add3A_1562 = arith.addf %add3A_1557, %add3A_1558 : vector<1x16xf32>
        %add3A_1563 = arith.addf %add3A_1559, %add3A_1560 : vector<1x16xf32>
        %add3A_1564 = arith.addf %add3A_1561, %add3A_1562 : vector<1x16xf32>
        %add3A_1565 = arith.addf %add3A_1563, %add3A_1564 : vector<1x16xf32>
        %swap3A_1566 = arith.index_cast %add3A_112 : i32 to index
        %swap3A_1567 = arith.constant 64 : index
        %swap3A_1568 = tpu.vector_load %arg6[%swap3A_1566, %swap3A_1567] {strides = array<i32>} : memref<8x128xf32, #tpu.memory_space<vmem>>, vector<1x16xf32>,
        %swap3A_1569 = vector.shape_cast %swap3A_1568 : vector<1x16xf32> to vector<1x16xf32>
        %swap3A_1570 = vector.shape_cast %add3A_1565 : vector<1x16xf32> to vector<1x16xf32>
        tpu.vector_store %arg6[%swap3A_1566, %swap3A_1567], %swap3A_1570 {strides = array<i32>} : memref<8x128xf32, #tpu.memory_space<vmem>>, vector<1x16xf32>,
        %mul3A_1571 = arith.constant 32 : i32
        %mul3A_1572 = arith.muli %add3A_112, %mul3A_1571 : i32
        %add3A_1573 = arith.constant 0 : i32
        %add3A_1574 = arith.addi %mul3A_1572, %add3A_1573 : i32
        %get3A_1575 = arith.index_cast %add3A_1574 : i32 to index
        %get3A_1576 = arith.constant 80 : index
        %get3A_1577 = tpu.vector_load %arg4[%get3A_1575, %get3A_1576] {strides = array<i32>} : memref<256x128xf32, #tpu.memory_space<vmem>>, vector<1x16xf32>,
        %get3A_1578 = vector.shape_cast %get3A_1577 : vector<1x16xf32> to vector<1x16xf32>
        %mul3A_1579 = arith.constant 32 : i32
        %mul3A_1580 = arith.muli %add3A_112, %mul3A_1579 : i32
        %add3A_1581 = arith.constant 1 : i32
        %add3A_1582 = arith.addi %mul3A_1580, %add3A_1581 : i32
        %get3A_1583 = arith.index_cast %add3A_1582 : i32 to index
        %get3A_1584 = arith.constant 80 : index
        %get3A_1585 = tpu.vector_load %arg4[%get3A_1583, %get3A_1584] {strides = array<i32>} : memref<256x128xf32, #tpu.memory_space<vmem>>, vector<1x16xf32>,
        %get3A_1586 = vector.shape_cast %get3A_1585 : vector<1x16xf32> to vector<1x16xf32>
        %mul3A_1587 = arith.constant 32 : i32
        %mul3A_1588 = arith.muli %add3A_112, %mul3A_1587 : i32
        %add3A_1589 = arith.constant 2 : i32
        %add3A_1590 = arith.addi %mul3A_1588, %add3A_1589 : i32
        %get3A_1591 = arith.index_cast %add3A_1590 : i32 to index
        %get3A_1592 = arith.constant 80 : index
        %get3A_1593 = tpu.vector_load %arg4[%get3A_1591, %get3A_1592] {strides = array<i32>} : memref<256x128xf32, #tpu.memory_space<vmem>>, vector<1x16xf32>,
        %get3A_1594 = vector.shape_cast %get3A_1593 : vector<1x16xf32> to vector<1x16xf32>
        %mul3A_1595 = arith.constant 32 : i32
        %mul3A_1596 = arith.muli %add3A_112, %mul3A_1595 : i32
        %add3A_1597 = arith.constant 3 : i32
        %add3A_1598 = arith.addi %mul3A_1596, %add3A_1597 : i32
        %get3A_1599 = arith.index_cast %add3A_1598 : i32 to index
        %get3A_1600 = arith.constant 80 : index
        %get3A_1601 = tpu.vector_load %arg4[%get3A_1599, %get3A_1600] {strides = array<i32>} : memref<256x128xf32, #tpu.memory_space<vmem>>, vector<1x16xf32>,
        %get3A_1602 = vector.shape_cast %get3A_1601 : vector<1x16xf32> to vector<1x16xf32>
        %mul3A_1603 = arith.constant 32 : i32
        %mul3A_1604 = arith.muli %add3A_112, %mul3A_1603 : i32
        %add3A_1605 = arith.constant 4 : i32
        %add3A_1606 = arith.addi %mul3A_1604, %add3A_1605 : i32
        %get3A_1607 = arith.index_cast %add3A_1606 : i32 to index
        %get3A_1608 = arith.constant 80 : index
        %get3A_1609 = tpu.vector_load %arg4[%get3A_1607, %get3A_1608] {strides = array<i32>} : memref<256x128xf32, #tpu.memory_space<vmem>>, vector<1x16xf32>,
        %get3A_1610 = vector.shape_cast %get3A_1609 : vector<1x16xf32> to vector<1x16xf32>
        %mul3A_1611 = arith.constant 32 : i32
        %mul3A_1612 = arith.muli %add3A_112, %mul3A_1611 : i32
        %add3A_1613 = arith.constant 5 : i32
        %add3A_1614 = arith.addi %mul3A_1612, %add3A_1613 : i32
        %get3A_1615 = arith.index_cast %add3A_1614 : i32 to index
        %get3A_1616 = arith.constant 80 : index
        %get3A_1617 = tpu.vector_load %arg4[%get3A_1615, %get3A_1616] {strides = array<i32>} : memref<256x128xf32, #tpu.memory_space<vmem>>, vector<1x16xf32>,
        %get3A_1618 = vector.shape_cast %get3A_1617 : vector<1x16xf32> to vector<1x16xf32>
        %mul3A_1619 = arith.constant 32 : i32
        %mul3A_1620 = arith.muli %add3A_112, %mul3A_1619 : i32
        %add3A_1621 = arith.constant 6 : i32
        %add3A_1622 = arith.addi %mul3A_1620, %add3A_1621 : i32
        %get3A_1623 = arith.index_cast %add3A_1622 : i32 to index
        %get3A_1624 = arith.constant 80 : index
        %get3A_1625 = tpu.vector_load %arg4[%get3A_1623, %get3A_1624] {strides = array<i32>} : memref<256x128xf32, #tpu.memory_space<vmem>>, vector<1x16xf32>,
        %get3A_1626 = vector.shape_cast %get3A_1625 : vector<1x16xf32> to vector<1x16xf32>
        %mul3A_1627 = arith.constant 32 : i32
        %mul3A_1628 = arith.muli %add3A_112, %mul3A_1627 : i32
        %add3A_1629 = arith.constant 7 : i32
        %add3A_1630 = arith.addi %mul3A_1628, %add3A_1629 : i32
        %get3A_1631 = arith.index_cast %add3A_1630 : i32 to index
        %get3A_1632 = arith.constant 80 : index
        %get3A_1633 = tpu.vector_load %arg4[%get3A_1631, %get3A_1632] {strides = array<i32>} : memref<256x128xf32, #tpu.memory_space<vmem>>, vector<1x16xf32>,
        %get3A_1634 = vector.shape_cast %get3A_1633 : vector<1x16xf32> to vector<1x16xf32>
        %mul3A_1635 = arith.constant 32 : i32
        %mul3A_1636 = arith.muli %add3A_112, %mul3A_1635 : i32
        %add3A_1637 = arith.constant 8 : i32
        %add3A_1638 = arith.addi %mul3A_1636, %add3A_1637 : i32
        %get3A_1639 = arith.index_cast %add3A_1638 : i32 to index
        %get3A_1640 = arith.constant 80 : index
        %get3A_1641 = tpu.vector_load %arg4[%get3A_1639, %get3A_1640] {strides = array<i32>} : memref<256x128xf32, #tpu.memory_space<vmem>>, vector<1x16xf32>,
        %get3A_1642 = vector.shape_cast %get3A_1641 : vector<1x16xf32> to vector<1x16xf32>
        %mul3A_1643 = arith.constant 32 : i32
        %mul3A_1644 = arith.muli %add3A_112, %mul3A_1643 : i32
        %add3A_1645 = arith.constant 9 : i32
        %add3A_1646 = arith.addi %mul3A_1644, %add3A_1645 : i32
        %get3A_1647 = arith.index_cast %add3A_1646 : i32 to index
        %get3A_1648 = arith.constant 80 : index
        %get3A_1649 = tpu.vector_load %arg4[%get3A_1647, %get3A_1648] {strides = array<i32>} : memref<256x128xf32, #tpu.memory_space<vmem>>, vector<1x16xf32>,
        %get3A_1650 = vector.shape_cast %get3A_1649 : vector<1x16xf32> to vector<1x16xf32>
        %mul3A_1651 = arith.constant 32 : i32
        %mul3A_1652 = arith.muli %add3A_112, %mul3A_1651 : i32
        %add3A_1653 = arith.constant 10 : i32
        %add3A_1654 = arith.addi %mul3A_1652, %add3A_1653 : i32
        %get3A_1655 = arith.index_cast %add3A_1654 : i32 to index
        %get3A_1656 = arith.constant 80 : index
        %get3A_1657 = tpu.vector_load %arg4[%get3A_1655, %get3A_1656] {strides = array<i32>} : memref<256x128xf32, #tpu.memory_space<vmem>>, vector<1x16xf32>,
        %get3A_1658 = vector.shape_cast %get3A_1657 : vector<1x16xf32> to vector<1x16xf32>
        %mul3A_1659 = arith.constant 32 : i32
        %mul3A_1660 = arith.muli %add3A_112, %mul3A_1659 : i32
        %add3A_1661 = arith.constant 11 : i32
        %add3A_1662 = arith.addi %mul3A_1660, %add3A_1661 : i32
        %get3A_1663 = arith.index_cast %add3A_1662 : i32 to index
        %get3A_1664 = arith.constant 80 : index
        %get3A_1665 = tpu.vector_load %arg4[%get3A_1663, %get3A_1664] {strides = array<i32>} : memref<256x128xf32, #tpu.memory_space<vmem>>, vector<1x16xf32>,
        %get3A_1666 = vector.shape_cast %get3A_1665 : vector<1x16xf32> to vector<1x16xf32>
        %mul3A_1667 = arith.constant 32 : i32
        %mul3A_1668 = arith.muli %add3A_112, %mul3A_1667 : i32
        %add3A_1669 = arith.constant 12 : i32
        %add3A_1670 = arith.addi %mul3A_1668, %add3A_1669 : i32
        %get3A_1671 = arith.index_cast %add3A_1670 : i32 to index
        %get3A_1672 = arith.constant 80 : index
        %get3A_1673 = tpu.vector_load %arg4[%get3A_1671, %get3A_1672] {strides = array<i32>} : memref<256x128xf32, #tpu.memory_space<vmem>>, vector<1x16xf32>,
        %get3A_1674 = vector.shape_cast %get3A_1673 : vector<1x16xf32> to vector<1x16xf32>
        %mul3A_1675 = arith.constant 32 : i32
        %mul3A_1676 = arith.muli %add3A_112, %mul3A_1675 : i32
        %add3A_1677 = arith.constant 13 : i32
        %add3A_1678 = arith.addi %mul3A_1676, %add3A_1677 : i32
        %get3A_1679 = arith.index_cast %add3A_1678 : i32 to index
        %get3A_1680 = arith.constant 80 : index
        %get3A_1681 = tpu.vector_load %arg4[%get3A_1679, %get3A_1680] {strides = array<i32>} : memref<256x128xf32, #tpu.memory_space<vmem>>, vector<1x16xf32>,
        %get3A_1682 = vector.shape_cast %get3A_1681 : vector<1x16xf32> to vector<1x16xf32>
        %mul3A_1683 = arith.constant 32 : i32
        %mul3A_1684 = arith.muli %add3A_112, %mul3A_1683 : i32
        %add3A_1685 = arith.constant 14 : i32
        %add3A_1686 = arith.addi %mul3A_1684, %add3A_1685 : i32
        %get3A_1687 = arith.index_cast %add3A_1686 : i32 to index
        %get3A_1688 = arith.constant 80 : index
        %get3A_1689 = tpu.vector_load %arg4[%get3A_1687, %get3A_1688] {strides = array<i32>} : memref<256x128xf32, #tpu.memory_space<vmem>>, vector<1x16xf32>,
        %get3A_1690 = vector.shape_cast %get3A_1689 : vector<1x16xf32> to vector<1x16xf32>
        %mul3A_1691 = arith.constant 32 : i32
        %mul3A_1692 = arith.muli %add3A_112, %mul3A_1691 : i32
        %add3A_1693 = arith.constant 15 : i32
        %add3A_1694 = arith.addi %mul3A_1692, %add3A_1693 : i32
        %get3A_1695 = arith.index_cast %add3A_1694 : i32 to index
        %get3A_1696 = arith.constant 80 : index
        %get3A_1697 = tpu.vector_load %arg4[%get3A_1695, %get3A_1696] {strides = array<i32>} : memref<256x128xf32, #tpu.memory_space<vmem>>, vector<1x16xf32>,
        %get3A_1698 = vector.shape_cast %get3A_1697 : vector<1x16xf32> to vector<1x16xf32>
        %mul3A_1699 = arith.constant 32 : i32
        %mul3A_1700 = arith.muli %add3A_112, %mul3A_1699 : i32
        %add3A_1701 = arith.constant 16 : i32
        %add3A_1702 = arith.addi %mul3A_1700, %add3A_1701 : i32
        %get3A_1703 = arith.index_cast %add3A_1702 : i32 to index
        %get3A_1704 = arith.constant 80 : index
        %get3A_1705 = tpu.vector_load %arg4[%get3A_1703, %get3A_1704] {strides = array<i32>} : memref<256x128xf32, #tpu.memory_space<vmem>>, vector<1x16xf32>,
        %get3A_1706 = vector.shape_cast %get3A_1705 : vector<1x16xf32> to vector<1x16xf32>
        %mul3A_1707 = arith.constant 32 : i32
        %mul3A_1708 = arith.muli %add3A_112, %mul3A_1707 : i32
        %add3A_1709 = arith.constant 17 : i32
        %add3A_1710 = arith.addi %mul3A_1708, %add3A_1709 : i32
        %get3A_1711 = arith.index_cast %add3A_1710 : i32 to index
        %get3A_1712 = arith.constant 80 : index
        %get3A_1713 = tpu.vector_load %arg4[%get3A_1711, %get3A_1712] {strides = array<i32>} : memref<256x128xf32, #tpu.memory_space<vmem>>, vector<1x16xf32>,
        %get3A_1714 = vector.shape_cast %get3A_1713 : vector<1x16xf32> to vector<1x16xf32>
        %mul3A_1715 = arith.constant 32 : i32
        %mul3A_1716 = arith.muli %add3A_112, %mul3A_1715 : i32
        %add3A_1717 = arith.constant 18 : i32
        %add3A_1718 = arith.addi %mul3A_1716, %add3A_1717 : i32
        %get3A_1719 = arith.index_cast %add3A_1718 : i32 to index
        %get3A_1720 = arith.constant 80 : index
        %get3A_1721 = tpu.vector_load %arg4[%get3A_1719, %get3A_1720] {strides = array<i32>} : memref<256x128xf32, #tpu.memory_space<vmem>>, vector<1x16xf32>,
        %get3A_1722 = vector.shape_cast %get3A_1721 : vector<1x16xf32> to vector<1x16xf32>
        %mul3A_1723 = arith.constant 32 : i32
        %mul3A_1724 = arith.muli %add3A_112, %mul3A_1723 : i32
        %add3A_1725 = arith.constant 19 : i32
        %add3A_1726 = arith.addi %mul3A_1724, %add3A_1725 : i32
        %get3A_1727 = arith.index_cast %add3A_1726 : i32 to index
        %get3A_1728 = arith.constant 80 : index
        %get3A_1729 = tpu.vector_load %arg4[%get3A_1727, %get3A_1728] {strides = array<i32>} : memref<256x128xf32, #tpu.memory_space<vmem>>, vector<1x16xf32>,
        %get3A_1730 = vector.shape_cast %get3A_1729 : vector<1x16xf32> to vector<1x16xf32>
        %mul3A_1731 = arith.constant 32 : i32
        %mul3A_1732 = arith.muli %add3A_112, %mul3A_1731 : i32
        %add3A_1733 = arith.constant 20 : i32
        %add3A_1734 = arith.addi %mul3A_1732, %add3A_1733 : i32
        %get3A_1735 = arith.index_cast %add3A_1734 : i32 to index
        %get3A_1736 = arith.constant 80 : index
        %get3A_1737 = tpu.vector_load %arg4[%get3A_1735, %get3A_1736] {strides = array<i32>} : memref<256x128xf32, #tpu.memory_space<vmem>>, vector<1x16xf32>,
        %get3A_1738 = vector.shape_cast %get3A_1737 : vector<1x16xf32> to vector<1x16xf32>
        %mul3A_1739 = arith.constant 32 : i32
        %mul3A_1740 = arith.muli %add3A_112, %mul3A_1739 : i32
        %add3A_1741 = arith.constant 21 : i32
        %add3A_1742 = arith.addi %mul3A_1740, %add3A_1741 : i32
        %get3A_1743 = arith.index_cast %add3A_1742 : i32 to index
        %get3A_1744 = arith.constant 80 : index
        %get3A_1745 = tpu.vector_load %arg4[%get3A_1743, %get3A_1744] {strides = array<i32>} : memref<256x128xf32, #tpu.memory_space<vmem>>, vector<1x16xf32>,
        %get3A_1746 = vector.shape_cast %get3A_1745 : vector<1x16xf32> to vector<1x16xf32>
        %mul3A_1747 = arith.constant 32 : i32
        %mul3A_1748 = arith.muli %add3A_112, %mul3A_1747 : i32
        %add3A_1749 = arith.constant 22 : i32
        %add3A_1750 = arith.addi %mul3A_1748, %add3A_1749 : i32
        %get3A_1751 = arith.index_cast %add3A_1750 : i32 to index
        %get3A_1752 = arith.constant 80 : index
        %get3A_1753 = tpu.vector_load %arg4[%get3A_1751, %get3A_1752] {strides = array<i32>} : memref<256x128xf32, #tpu.memory_space<vmem>>, vector<1x16xf32>,
        %get3A_1754 = vector.shape_cast %get3A_1753 : vector<1x16xf32> to vector<1x16xf32>
        %mul3A_1755 = arith.constant 32 : i32
        %mul3A_1756 = arith.muli %add3A_112, %mul3A_1755 : i32
        %add3A_1757 = arith.constant 23 : i32
        %add3A_1758 = arith.addi %mul3A_1756, %add3A_1757 : i32
        %get3A_1759 = arith.index_cast %add3A_1758 : i32 to index
        %get3A_1760 = arith.constant 80 : index
        %get3A_1761 = tpu.vector_load %arg4[%get3A_1759, %get3A_1760] {strides = array<i32>} : memref<256x128xf32, #tpu.memory_space<vmem>>, vector<1x16xf32>,
        %get3A_1762 = vector.shape_cast %get3A_1761 : vector<1x16xf32> to vector<1x16xf32>
        %mul3A_1763 = arith.constant 32 : i32
        %mul3A_1764 = arith.muli %add3A_112, %mul3A_1763 : i32
        %add3A_1765 = arith.constant 24 : i32
        %add3A_1766 = arith.addi %mul3A_1764, %add3A_1765 : i32
        %get3A_1767 = arith.index_cast %add3A_1766 : i32 to index
        %get3A_1768 = arith.constant 80 : index
        %get3A_1769 = tpu.vector_load %arg4[%get3A_1767, %get3A_1768] {strides = array<i32>} : memref<256x128xf32, #tpu.memory_space<vmem>>, vector<1x16xf32>,
        %get3A_1770 = vector.shape_cast %get3A_1769 : vector<1x16xf32> to vector<1x16xf32>
        %mul3A_1771 = arith.constant 32 : i32
        %mul3A_1772 = arith.muli %add3A_112, %mul3A_1771 : i32
        %add3A_1773 = arith.constant 25 : i32
        %add3A_1774 = arith.addi %mul3A_1772, %add3A_1773 : i32
        %get3A_1775 = arith.index_cast %add3A_1774 : i32 to index
        %get3A_1776 = arith.constant 80 : index
        %get3A_1777 = tpu.vector_load %arg4[%get3A_1775, %get3A_1776] {strides = array<i32>} : memref<256x128xf32, #tpu.memory_space<vmem>>, vector<1x16xf32>,
        %get3A_1778 = vector.shape_cast %get3A_1777 : vector<1x16xf32> to vector<1x16xf32>
        %mul3A_1779 = arith.constant 32 : i32
        %mul3A_1780 = arith.muli %add3A_112, %mul3A_1779 : i32
        %add3A_1781 = arith.constant 26 : i32
        %add3A_1782 = arith.addi %mul3A_1780, %add3A_1781 : i32
        %get3A_1783 = arith.index_cast %add3A_1782 : i32 to index
        %get3A_1784 = arith.constant 80 : index
        %get3A_1785 = tpu.vector_load %arg4[%get3A_1783, %get3A_1784] {strides = array<i32>} : memref<256x128xf32, #tpu.memory_space<vmem>>, vector<1x16xf32>,
        %get3A_1786 = vector.shape_cast %get3A_1785 : vector<1x16xf32> to vector<1x16xf32>
        %mul3A_1787 = arith.constant 32 : i32
        %mul3A_1788 = arith.muli %add3A_112, %mul3A_1787 : i32
        %add3A_1789 = arith.constant 27 : i32
        %add3A_1790 = arith.addi %mul3A_1788, %add3A_1789 : i32
        %get3A_1791 = arith.index_cast %add3A_1790 : i32 to index
        %get3A_1792 = arith.constant 80 : index
        %get3A_1793 = tpu.vector_load %arg4[%get3A_1791, %get3A_1792] {strides = array<i32>} : memref<256x128xf32, #tpu.memory_space<vmem>>, vector<1x16xf32>,
        %get3A_1794 = vector.shape_cast %get3A_1793 : vector<1x16xf32> to vector<1x16xf32>
        %mul3A_1795 = arith.constant 32 : i32
        %mul3A_1796 = arith.muli %add3A_112, %mul3A_1795 : i32
        %add3A_1797 = arith.constant 28 : i32
        %add3A_1798 = arith.addi %mul3A_1796, %add3A_1797 : i32
        %get3A_1799 = arith.index_cast %add3A_1798 : i32 to index
        %get3A_1800 = arith.constant 80 : index
        %get3A_1801 = tpu.vector_load %arg4[%get3A_1799, %get3A_1800] {strides = array<i32>} : memref<256x128xf32, #tpu.memory_space<vmem>>, vector<1x16xf32>,
        %get3A_1802 = vector.shape_cast %get3A_1801 : vector<1x16xf32> to vector<1x16xf32>
        %mul3A_1803 = arith.constant 32 : i32
        %mul3A_1804 = arith.muli %add3A_112, %mul3A_1803 : i32
        %add3A_1805 = arith.constant 29 : i32
        %add3A_1806 = arith.addi %mul3A_1804, %add3A_1805 : i32
        %get3A_1807 = arith.index_cast %add3A_1806 : i32 to index
        %get3A_1808 = arith.constant 80 : index
        %get3A_1809 = tpu.vector_load %arg4[%get3A_1807, %get3A_1808] {strides = array<i32>} : memref<256x128xf32, #tpu.memory_space<vmem>>, vector<1x16xf32>,
        %get3A_1810 = vector.shape_cast %get3A_1809 : vector<1x16xf32> to vector<1x16xf32>
        %mul3A_1811 = arith.constant 32 : i32
        %mul3A_1812 = arith.muli %add3A_112, %mul3A_1811 : i32
        %add3A_1813 = arith.constant 30 : i32
        %add3A_1814 = arith.addi %mul3A_1812, %add3A_1813 : i32
        %get3A_1815 = arith.index_cast %add3A_1814 : i32 to index
        %get3A_1816 = arith.constant 80 : index
        %get3A_1817 = tpu.vector_load %arg4[%get3A_1815, %get3A_1816] {strides = array<i32>} : memref<256x128xf32, #tpu.memory_space<vmem>>, vector<1x16xf32>,
        %get3A_1818 = vector.shape_cast %get3A_1817 : vector<1x16xf32> to vector<1x16xf32>
        %mul3A_1819 = arith.constant 32 : i32
        %mul3A_1820 = arith.muli %add3A_112, %mul3A_1819 : i32
        %add3A_1821 = arith.constant 31 : i32
        %add3A_1822 = arith.addi %mul3A_1820, %add3A_1821 : i32
        %get3A_1823 = arith.index_cast %add3A_1822 : i32 to index
        %get3A_1824 = arith.constant 80 : index
        %get3A_1825 = tpu.vector_load %arg4[%get3A_1823, %get3A_1824] {strides = array<i32>} : memref<256x128xf32, #tpu.memory_space<vmem>>, vector<1x16xf32>,
        %get3A_1826 = vector.shape_cast %get3A_1825 : vector<1x16xf32> to vector<1x16xf32>
        %add3A_1827 = arith.addf %get3A_1578, %get3A_1586 : vector<1x16xf32>
        %add3A_1828 = arith.addf %get3A_1594, %get3A_1602 : vector<1x16xf32>
        %add3A_1829 = arith.addf %get3A_1610, %get3A_1618 : vector<1x16xf32>
        %add3A_1830 = arith.addf %get3A_1626, %get3A_1634 : vector<1x16xf32>
        %add3A_1831 = arith.addf %get3A_1642, %get3A_1650 : vector<1x16xf32>
        %add3A_1832 = arith.addf %get3A_1658, %get3A_1666 : vector<1x16xf32>
        %add3A_1833 = arith.addf %get3A_1674, %get3A_1682 : vector<1x16xf32>
        %add3A_1834 = arith.addf %get3A_1690, %get3A_1698 : vector<1x16xf32>
        %add3A_1835 = arith.addf %get3A_1706, %get3A_1714 : vector<1x16xf32>
        %add3A_1836 = arith.addf %get3A_1722, %get3A_1730 : vector<1x16xf32>
        %add3A_1837 = arith.addf %get3A_1738, %get3A_1746 : vector<1x16xf32>
        %add3A_1838 = arith.addf %get3A_1754, %get3A_1762 : vector<1x16xf32>
        %add3A_1839 = arith.addf %get3A_1770, %get3A_1778 : vector<1x16xf32>
        %add3A_1840 = arith.addf %get3A_1786, %get3A_1794 : vector<1x16xf32>
        %add3A_1841 = arith.addf %get3A_1802, %get3A_1810 : vector<1x16xf32>
        %add3A_1842 = arith.addf %get3A_1818, %get3A_1826 : vector<1x16xf32>
        %add3A_1843 = arith.addf %add3A_1827, %add3A_1828 : vector<1x16xf32>
        %add3A_1844 = arith.addf %add3A_1829, %add3A_1830 : vector<1x16xf32>
        %add3A_1845 = arith.addf %add3A_1831, %add3A_1832 : vector<1x16xf32>
        %add3A_1846 = arith.addf %add3A_1833, %add3A_1834 : vector<1x16xf32>
        %add3A_1847 = arith.addf %add3A_1835, %add3A_1836 : vector<1x16xf32>
        %add3A_1848 = arith.addf %add3A_1837, %add3A_1838 : vector<1x16xf32>
        %add3A_1849 = arith.addf %add3A_1839, %add3A_1840 : vector<1x16xf32>
        %add3A_1850 = arith.addf %add3A_1841, %add3A_1842 : vector<1x16xf32>
        %add3A_1851 = arith.addf %add3A_1843, %add3A_1844 : vector<1x16xf32>
        %add3A_1852 = arith.addf %add3A_1845, %add3A_1846 : vector<1x16xf32>
        %add3A_1853 = arith.addf %add3A_1847, %add3A_1848 : vector<1x16xf32>
        %add3A_1854 = arith.addf %add3A_1849, %add3A_1850 : vector<1x16xf32>
        %add3A_1855 = arith.addf %add3A_1851, %add3A_1852 : vector<1x16xf32>
        %add3A_1856 = arith.addf %add3A_1853, %add3A_1854 : vector<1x16xf32>
        %add3A_1857 = arith.addf %add3A_1855, %add3A_1856 : vector<1x16xf32>
        %swap3A_1858 = arith.index_cast %add3A_112 : i32 to index
        %swap3A_1859 = arith.constant 80 : index
        %swap3A_1860 = tpu.vector_load %arg6[%swap3A_1858, %swap3A_1859] {strides = array<i32>} : memref<8x128xf32, #tpu.memory_space<vmem>>, vector<1x16xf32>,
        %swap3A_1861 = vector.shape_cast %swap3A_1860 : vector<1x16xf32> to vector<1x16xf32>
        %swap3A_1862 = vector.shape_cast %add3A_1857 : vector<1x16xf32> to vector<1x16xf32>
        tpu.vector_store %arg6[%swap3A_1858, %swap3A_1859], %swap3A_1862 {strides = array<i32>} : memref<8x128xf32, #tpu.memory_space<vmem>>, vector<1x16xf32>,
        %mul3A_1863 = arith.constant 32 : i32
        %mul3A_1864 = arith.muli %add3A_112, %mul3A_1863 : i32
        %add3A_1865 = arith.constant 0 : i32
        %add3A_1866 = arith.addi %mul3A_1864, %add3A_1865 : i32
        %get3A_1867 = arith.index_cast %add3A_1866 : i32 to index
        %get3A_1868 = arith.constant 96 : index
        %get3A_1869 = tpu.vector_load %arg4[%get3A_1867, %get3A_1868] {strides = array<i32>} : memref<256x128xf32, #tpu.memory_space<vmem>>, vector<1x16xf32>,
        %get3A_1870 = vector.shape_cast %get3A_1869 : vector<1x16xf32> to vector<1x16xf32>
        %mul3A_1871 = arith.constant 32 : i32
        %mul3A_1872 = arith.muli %add3A_112, %mul3A_1871 : i32
        %add3A_1873 = arith.constant 1 : i32
        %add3A_1874 = arith.addi %mul3A_1872, %add3A_1873 : i32
        %get3A_1875 = arith.index_cast %add3A_1874 : i32 to index
        %get3A_1876 = arith.constant 96 : index
        %get3A_1877 = tpu.vector_load %arg4[%get3A_1875, %get3A_1876] {strides = array<i32>} : memref<256x128xf32, #tpu.memory_space<vmem>>, vector<1x16xf32>,
        %get3A_1878 = vector.shape_cast %get3A_1877 : vector<1x16xf32> to vector<1x16xf32>
        %mul3A_1879 = arith.constant 32 : i32
        %mul3A_1880 = arith.muli %add3A_112, %mul3A_1879 : i32
        %add3A_1881 = arith.constant 2 : i32
        %add3A_1882 = arith.addi %mul3A_1880, %add3A_1881 : i32
        %get3A_1883 = arith.index_cast %add3A_1882 : i32 to index
        %get3A_1884 = arith.constant 96 : index
        %get3A_1885 = tpu.vector_load %arg4[%get3A_1883, %get3A_1884] {strides = array<i32>} : memref<256x128xf32, #tpu.memory_space<vmem>>, vector<1x16xf32>,
        %get3A_1886 = vector.shape_cast %get3A_1885 : vector<1x16xf32> to vector<1x16xf32>
        %mul3A_1887 = arith.constant 32 : i32
        %mul3A_1888 = arith.muli %add3A_112, %mul3A_1887 : i32
        %add3A_1889 = arith.constant 3 : i32
        %add3A_1890 = arith.addi %mul3A_1888, %add3A_1889 : i32
        %get3A_1891 = arith.index_cast %add3A_1890 : i32 to index
        %get3A_1892 = arith.constant 96 : index
        %get3A_1893 = tpu.vector_load %arg4[%get3A_1891, %get3A_1892] {strides = array<i32>} : memref<256x128xf32, #tpu.memory_space<vmem>>, vector<1x16xf32>,
        %get3A_1894 = vector.shape_cast %get3A_1893 : vector<1x16xf32> to vector<1x16xf32>
        %mul3A_1895 = arith.constant 32 : i32
        %mul3A_1896 = arith.muli %add3A_112, %mul3A_1895 : i32
        %add3A_1897 = arith.constant 4 : i32
        %add3A_1898 = arith.addi %mul3A_1896, %add3A_1897 : i32
        %get3A_1899 = arith.index_cast %add3A_1898 : i32 to index
        %get3A_1900 = arith.constant 96 : index
        %get3A_1901 = tpu.vector_load %arg4[%get3A_1899, %get3A_1900] {strides = array<i32>} : memref<256x128xf32, #tpu.memory_space<vmem>>, vector<1x16xf32>,
        %get3A_1902 = vector.shape_cast %get3A_1901 : vector<1x16xf32> to vector<1x16xf32>
        %mul3A_1903 = arith.constant 32 : i32
        %mul3A_1904 = arith.muli %add3A_112, %mul3A_1903 : i32
        %add3A_1905 = arith.constant 5 : i32
        %add3A_1906 = arith.addi %mul3A_1904, %add3A_1905 : i32
        %get3A_1907 = arith.index_cast %add3A_1906 : i32 to index
        %get3A_1908 = arith.constant 96 : index
        %get3A_1909 = tpu.vector_load %arg4[%get3A_1907, %get3A_1908] {strides = array<i32>} : memref<256x128xf32, #tpu.memory_space<vmem>>, vector<1x16xf32>,
        %get3A_1910 = vector.shape_cast %get3A_1909 : vector<1x16xf32> to vector<1x16xf32>
        %mul3A_1911 = arith.constant 32 : i32
        %mul3A_1912 = arith.muli %add3A_112, %mul3A_1911 : i32
        %add3A_1913 = arith.constant 6 : i32
        %add3A_1914 = arith.addi %mul3A_1912, %add3A_1913 : i32
        %get3A_1915 = arith.index_cast %add3A_1914 : i32 to index
        %get3A_1916 = arith.constant 96 : index
        %get3A_1917 = tpu.vector_load %arg4[%get3A_1915, %get3A_1916] {strides = array<i32>} : memref<256x128xf32, #tpu.memory_space<vmem>>, vector<1x16xf32>,
        %get3A_1918 = vector.shape_cast %get3A_1917 : vector<1x16xf32> to vector<1x16xf32>
        %mul3A_1919 = arith.constant 32 : i32
        %mul3A_1920 = arith.muli %add3A_112, %mul3A_1919 : i32
        %add3A_1921 = arith.constant 7 : i32
        %add3A_1922 = arith.addi %mul3A_1920, %add3A_1921 : i32
        %get3A_1923 = arith.index_cast %add3A_1922 : i32 to index
        %get3A_1924 = arith.constant 96 : index
        %get3A_1925 = tpu.vector_load %arg4[%get3A_1923, %get3A_1924] {strides = array<i32>} : memref<256x128xf32, #tpu.memory_space<vmem>>, vector<1x16xf32>,
        %get3A_1926 = vector.shape_cast %get3A_1925 : vector<1x16xf32> to vector<1x16xf32>
        %mul3A_1927 = arith.constant 32 : i32
        %mul3A_1928 = arith.muli %add3A_112, %mul3A_1927 : i32
        %add3A_1929 = arith.constant 8 : i32
        %add3A_1930 = arith.addi %mul3A_1928, %add3A_1929 : i32
        %get3A_1931 = arith.index_cast %add3A_1930 : i32 to index
        %get3A_1932 = arith.constant 96 : index
        %get3A_1933 = tpu.vector_load %arg4[%get3A_1931, %get3A_1932] {strides = array<i32>} : memref<256x128xf32, #tpu.memory_space<vmem>>, vector<1x16xf32>,
        %get3A_1934 = vector.shape_cast %get3A_1933 : vector<1x16xf32> to vector<1x16xf32>
        %mul3A_1935 = arith.constant 32 : i32
        %mul3A_1936 = arith.muli %add3A_112, %mul3A_1935 : i32
        %add3A_1937 = arith.constant 9 : i32
        %add3A_1938 = arith.addi %mul3A_1936, %add3A_1937 : i32
        %get3A_1939 = arith.index_cast %add3A_1938 : i32 to index
        %get3A_1940 = arith.constant 96 : index
        %get3A_1941 = tpu.vector_load %arg4[%get3A_1939, %get3A_1940] {strides = array<i32>} : memref<256x128xf32, #tpu.memory_space<vmem>>, vector<1x16xf32>,
        %get3A_1942 = vector.shape_cast %get3A_1941 : vector<1x16xf32> to vector<1x16xf32>
        %mul3A_1943 = arith.constant 32 : i32
        %mul3A_1944 = arith.muli %add3A_112, %mul3A_1943 : i32
        %add3A_1945 = arith.constant 10 : i32
        %add3A_1946 = arith.addi %mul3A_1944, %add3A_1945 : i32
        %get3A_1947 = arith.index_cast %add3A_1946 : i32 to index
        %get3A_1948 = arith.constant 96 : index
        %get3A_1949 = tpu.vector_load %arg4[%get3A_1947, %get3A_1948] {strides = array<i32>} : memref<256x128xf32, #tpu.memory_space<vmem>>, vector<1x16xf32>,
        %get3A_1950 = vector.shape_cast %get3A_1949 : vector<1x16xf32> to vector<1x16xf32>
        %mul3A_1951 = arith.constant 32 : i32
        %mul3A_1952 = arith.muli %add3A_112, %mul3A_1951 : i32
        %add3A_1953 = arith.constant 11 : i32
        %add3A_1954 = arith.addi %mul3A_1952, %add3A_1953 : i32
        %get3A_1955 = arith.index_cast %add3A_1954 : i32 to index
        %get3A_1956 = arith.constant 96 : index
        %get3A_1957 = tpu.vector_load %arg4[%get3A_1955, %get3A_1956] {strides = array<i32>} : memref<256x128xf32, #tpu.memory_space<vmem>>, vector<1x16xf32>,
        %get3A_1958 = vector.shape_cast %get3A_1957 : vector<1x16xf32> to vector<1x16xf32>
        %mul3A_1959 = arith.constant 32 : i32
        %mul3A_1960 = arith.muli %add3A_112, %mul3A_1959 : i32
        %add3A_1961 = arith.constant 12 : i32
        %add3A_1962 = arith.addi %mul3A_1960, %add3A_1961 : i32
        %get3A_1963 = arith.index_cast %add3A_1962 : i32 to index
        %get3A_1964 = arith.constant 96 : index
        %get3A_1965 = tpu.vector_load %arg4[%get3A_1963, %get3A_1964] {strides = array<i32>} : memref<256x128xf32, #tpu.memory_space<vmem>>, vector<1x16xf32>,
        %get3A_1966 = vector.shape_cast %get3A_1965 : vector<1x16xf32> to vector<1x16xf32>
        %mul3A_1967 = arith.constant 32 : i32
        %mul3A_1968 = arith.muli %add3A_112, %mul3A_1967 : i32
        %add3A_1969 = arith.constant 13 : i32
        %add3A_1970 = arith.addi %mul3A_1968, %add3A_1969 : i32
        %get3A_1971 = arith.index_cast %add3A_1970 : i32 to index
        %get3A_1972 = arith.constant 96 : index
        %get3A_1973 = tpu.vector_load %arg4[%get3A_1971, %get3A_1972] {strides = array<i32>} : memref<256x128xf32, #tpu.memory_space<vmem>>, vector<1x16xf32>,
        %get3A_1974 = vector.shape_cast %get3A_1973 : vector<1x16xf32> to vector<1x16xf32>
        %mul3A_1975 = arith.constant 32 : i32
        %mul3A_1976 = arith.muli %add3A_112, %mul3A_1975 : i32
        %add3A_1977 = arith.constant 14 : i32
        %add3A_1978 = arith.addi %mul3A_1976, %add3A_1977 : i32
        %get3A_1979 = arith.index_cast %add3A_1978 : i32 to index
        %get3A_1980 = arith.constant 96 : index
        %get3A_1981 = tpu.vector_load %arg4[%get3A_1979, %get3A_1980] {strides = array<i32>} : memref<256x128xf32, #tpu.memory_space<vmem>>, vector<1x16xf32>,
        %get3A_1982 = vector.shape_cast %get3A_1981 : vector<1x16xf32> to vector<1x16xf32>
        %mul3A_1983 = arith.constant 32 : i32
        %mul3A_1984 = arith.muli %add3A_112, %mul3A_1983 : i32
        %add3A_1985 = arith.constant 15 : i32
        %add3A_1986 = arith.addi %mul3A_1984, %add3A_1985 : i32
        %get3A_1987 = arith.index_cast %add3A_1986 : i32 to index
        %get3A_1988 = arith.constant 96 : index
        %get3A_1989 = tpu.vector_load %arg4[%get3A_1987, %get3A_1988] {strides = array<i32>} : memref<256x128xf32, #tpu.memory_space<vmem>>, vector<1x16xf32>,
        %get3A_1990 = vector.shape_cast %get3A_1989 : vector<1x16xf32> to vector<1x16xf32>
        %mul3A_1991 = arith.constant 32 : i32
        %mul3A_1992 = arith.muli %add3A_112, %mul3A_1991 : i32
        %add3A_1993 = arith.constant 16 : i32
        %add3A_1994 = arith.addi %mul3A_1992, %add3A_1993 : i32
        %get3A_1995 = arith.index_cast %add3A_1994 : i32 to index
        %get3A_1996 = arith.constant 96 : index
        %get3A_1997 = tpu.vector_load %arg4[%get3A_1995, %get3A_1996] {strides = array<i32>} : memref<256x128xf32, #tpu.memory_space<vmem>>, vector<1x16xf32>,
        %get3A_1998 = vector.shape_cast %get3A_1997 : vector<1x16xf32> to vector<1x16xf32>
        %mul3A_1999 = arith.constant 32 : i32
        %mul3A_2000 = arith.muli %add3A_112, %mul3A_1999 : i32
        %add3A_2001 = arith.constant 17 : i32
        %add3A_2002 = arith.addi %mul3A_2000, %add3A_2001 : i32
        %get3A_2003 = arith.index_cast %add3A_2002 : i32 to index
        %get3A_2004 = arith.constant 96 : index
        %get3A_2005 = tpu.vector_load %arg4[%get3A_2003, %get3A_2004] {strides = array<i32>} : memref<256x128xf32, #tpu.memory_space<vmem>>, vector<1x16xf32>,
        %get3A_2006 = vector.shape_cast %get3A_2005 : vector<1x16xf32> to vector<1x16xf32>
        %mul3A_2007 = arith.constant 32 : i32
        %mul3A_2008 = arith.muli %add3A_112, %mul3A_2007 : i32
        %add3A_2009 = arith.constant 18 : i32
        %add3A_2010 = arith.addi %mul3A_2008, %add3A_2009 : i32
        %get3A_2011 = arith.index_cast %add3A_2010 : i32 to index
        %get3A_2012 = arith.constant 96 : index
        %get3A_2013 = tpu.vector_load %arg4[%get3A_2011, %get3A_2012] {strides = array<i32>} : memref<256x128xf32, #tpu.memory_space<vmem>>, vector<1x16xf32>,
        %get3A_2014 = vector.shape_cast %get3A_2013 : vector<1x16xf32> to vector<1x16xf32>
        %mul3A_2015 = arith.constant 32 : i32
        %mul3A_2016 = arith.muli %add3A_112, %mul3A_2015 : i32
        %add3A_2017 = arith.constant 19 : i32
        %add3A_2018 = arith.addi %mul3A_2016, %add3A_2017 : i32
        %get3A_2019 = arith.index_cast %add3A_2018 : i32 to index
        %get3A_2020 = arith.constant 96 : index
        %get3A_2021 = tpu.vector_load %arg4[%get3A_2019, %get3A_2020] {strides = array<i32>} : memref<256x128xf32, #tpu.memory_space<vmem>>, vector<1x16xf32>,
        %get3A_2022 = vector.shape_cast %get3A_2021 : vector<1x16xf32> to vector<1x16xf32>
        %mul3A_2023 = arith.constant 32 : i32
        %mul3A_2024 = arith.muli %add3A_112, %mul3A_2023 : i32
        %add3A_2025 = arith.constant 20 : i32
        %add3A_2026 = arith.addi %mul3A_2024, %add3A_2025 : i32
        %get3A_2027 = arith.index_cast %add3A_2026 : i32 to index
        %get3A_2028 = arith.constant 96 : index
        %get3A_2029 = tpu.vector_load %arg4[%get3A_2027, %get3A_2028] {strides = array<i32>} : memref<256x128xf32, #tpu.memory_space<vmem>>, vector<1x16xf32>,
        %get3A_2030 = vector.shape_cast %get3A_2029 : vector<1x16xf32> to vector<1x16xf32>
        %mul3A_2031 = arith.constant 32 : i32
        %mul3A_2032 = arith.muli %add3A_112, %mul3A_2031 : i32
        %add3A_2033 = arith.constant 21 : i32
        %add3A_2034 = arith.addi %mul3A_2032, %add3A_2033 : i32
        %get3A_2035 = arith.index_cast %add3A_2034 : i32 to index
        %get3A_2036 = arith.constant 96 : index
        %get3A_2037 = tpu.vector_load %arg4[%get3A_2035, %get3A_2036] {strides = array<i32>} : memref<256x128xf32, #tpu.memory_space<vmem>>, vector<1x16xf32>,
        %get3A_2038 = vector.shape_cast %get3A_2037 : vector<1x16xf32> to vector<1x16xf32>
        %mul3A_2039 = arith.constant 32 : i32
        %mul3A_2040 = arith.muli %add3A_112, %mul3A_2039 : i32
        %add3A_2041 = arith.constant 22 : i32
        %add3A_2042 = arith.addi %mul3A_2040, %add3A_2041 : i32
        %get3A_2043 = arith.index_cast %add3A_2042 : i32 to index
        %get3A_2044 = arith.constant 96 : index
        %get3A_2045 = tpu.vector_load %arg4[%get3A_2043, %get3A_2044] {strides = array<i32>} : memref<256x128xf32, #tpu.memory_space<vmem>>, vector<1x16xf32>,
        %get3A_2046 = vector.shape_cast %get3A_2045 : vector<1x16xf32> to vector<1x16xf32>
        %mul3A_2047 = arith.constant 32 : i32
        %mul3A_2048 = arith.muli %add3A_112, %mul3A_2047 : i32
        %add3A_2049 = arith.constant 23 : i32
        %add3A_2050 = arith.addi %mul3A_2048, %add3A_2049 : i32
        %get3A_2051 = arith.index_cast %add3A_2050 : i32 to index
        %get3A_2052 = arith.constant 96 : index
        %get3A_2053 = tpu.vector_load %arg4[%get3A_2051, %get3A_2052] {strides = array<i32>} : memref<256x128xf32, #tpu.memory_space<vmem>>, vector<1x16xf32>,
        %get3A_2054 = vector.shape_cast %get3A_2053 : vector<1x16xf32> to vector<1x16xf32>
        %mul3A_2055 = arith.constant 32 : i32
        %mul3A_2056 = arith.muli %add3A_112, %mul3A_2055 : i32
        %add3A_2057 = arith.constant 24 : i32
        %add3A_2058 = arith.addi %mul3A_2056, %add3A_2057 : i32
        %get3A_2059 = arith.index_cast %add3A_2058 : i32 to index
        %get3A_2060 = arith.constant 96 : index
        %get3A_2061 = tpu.vector_load %arg4[%get3A_2059, %get3A_2060] {strides = array<i32>} : memref<256x128xf32, #tpu.memory_space<vmem>>, vector<1x16xf32>,
        %get3A_2062 = vector.shape_cast %get3A_2061 : vector<1x16xf32> to vector<1x16xf32>
        %mul3A_2063 = arith.constant 32 : i32
        %mul3A_2064 = arith.muli %add3A_112, %mul3A_2063 : i32
        %add3A_2065 = arith.constant 25 : i32
        %add3A_2066 = arith.addi %mul3A_2064, %add3A_2065 : i32
        %get3A_2067 = arith.index_cast %add3A_2066 : i32 to index
        %get3A_2068 = arith.constant 96 : index
        %get3A_2069 = tpu.vector_load %arg4[%get3A_2067, %get3A_2068] {strides = array<i32>} : memref<256x128xf32, #tpu.memory_space<vmem>>, vector<1x16xf32>,
        %get3A_2070 = vector.shape_cast %get3A_2069 : vector<1x16xf32> to vector<1x16xf32>
        %mul3A_2071 = arith.constant 32 : i32
        %mul3A_2072 = arith.muli %add3A_112, %mul3A_2071 : i32
        %add3A_2073 = arith.constant 26 : i32
        %add3A_2074 = arith.addi %mul3A_2072, %add3A_2073 : i32
        %get3A_2075 = arith.index_cast %add3A_2074 : i32 to index
        %get3A_2076 = arith.constant 96 : index
        %get3A_2077 = tpu.vector_load %arg4[%get3A_2075, %get3A_2076] {strides = array<i32>} : memref<256x128xf32, #tpu.memory_space<vmem>>, vector<1x16xf32>,
        %get3A_2078 = vector.shape_cast %get3A_2077 : vector<1x16xf32> to vector<1x16xf32>
        %mul3A_2079 = arith.constant 32 : i32
        %mul3A_2080 = arith.muli %add3A_112, %mul3A_2079 : i32
        %add3A_2081 = arith.constant 27 : i32
        %add3A_2082 = arith.addi %mul3A_2080, %add3A_2081 : i32
        %get3A_2083 = arith.index_cast %add3A_2082 : i32 to index
        %get3A_2084 = arith.constant 96 : index
        %get3A_2085 = tpu.vector_load %arg4[%get3A_2083, %get3A_2084] {strides = array<i32>} : memref<256x128xf32, #tpu.memory_space<vmem>>, vector<1x16xf32>,
        %get3A_2086 = vector.shape_cast %get3A_2085 : vector<1x16xf32> to vector<1x16xf32>
        %mul3A_2087 = arith.constant 32 : i32
        %mul3A_2088 = arith.muli %add3A_112, %mul3A_2087 : i32
        %add3A_2089 = arith.constant 28 : i32
        %add3A_2090 = arith.addi %mul3A_2088, %add3A_2089 : i32
        %get3A_2091 = arith.index_cast %add3A_2090 : i32 to index
        %get3A_2092 = arith.constant 96 : index
        %get3A_2093 = tpu.vector_load %arg4[%get3A_2091, %get3A_2092] {strides = array<i32>} : memref<256x128xf32, #tpu.memory_space<vmem>>, vector<1x16xf32>,
        %get3A_2094 = vector.shape_cast %get3A_2093 : vector<1x16xf32> to vector<1x16xf32>
        %mul3A_2095 = arith.constant 32 : i32
        %mul3A_2096 = arith.muli %add3A_112, %mul3A_2095 : i32
        %add3A_2097 = arith.constant 29 : i32
        %add3A_2098 = arith.addi %mul3A_2096, %add3A_2097 : i32
        %get3A_2099 = arith.index_cast %add3A_2098 : i32 to index
        %get3A_2100 = arith.constant 96 : index
        %get3A_2101 = tpu.vector_load %arg4[%get3A_2099, %get3A_2100] {strides = array<i32>} : memref<256x128xf32, #tpu.memory_space<vmem>>, vector<1x16xf32>,
        %get3A_2102 = vector.shape_cast %get3A_2101 : vector<1x16xf32> to vector<1x16xf32>
        %mul3A_2103 = arith.constant 32 : i32
        %mul3A_2104 = arith.muli %add3A_112, %mul3A_2103 : i32
        %add3A_2105 = arith.constant 30 : i32
        %add3A_2106 = arith.addi %mul3A_2104, %add3A_2105 : i32
        %get3A_2107 = arith.index_cast %add3A_2106 : i32 to index
        %get3A_2108 = arith.constant 96 : index
        %get3A_2109 = tpu.vector_load %arg4[%get3A_2107, %get3A_2108] {strides = array<i32>} : memref<256x128xf32, #tpu.memory_space<vmem>>, vector<1x16xf32>,
        %get3A_2110 = vector.shape_cast %get3A_2109 : vector<1x16xf32> to vector<1x16xf32>
        %mul3A_2111 = arith.constant 32 : i32
        %mul3A_2112 = arith.muli %add3A_112, %mul3A_2111 : i32
        %add3A_2113 = arith.constant 31 : i32
        %add3A_2114 = arith.addi %mul3A_2112, %add3A_2113 : i32
        %get3A_2115 = arith.index_cast %add3A_2114 : i32 to index
        %get3A_2116 = arith.constant 96 : index
        %get3A_2117 = tpu.vector_load %arg4[%get3A_2115, %get3A_2116] {strides = array<i32>} : memref<256x128xf32, #tpu.memory_space<vmem>>, vector<1x16xf32>,
        %get3A_2118 = vector.shape_cast %get3A_2117 : vector<1x16xf32> to vector<1x16xf32>
        %add3A_2119 = arith.addf %get3A_1870, %get3A_1878 : vector<1x16xf32>
        %add3A_2120 = arith.addf %get3A_1886, %get3A_1894 : vector<1x16xf32>
        %add3A_2121 = arith.addf %get3A_1902, %get3A_1910 : vector<1x16xf32>
        %add3A_2122 = arith.addf %get3A_1918, %get3A_1926 : vector<1x16xf32>
        %add3A_2123 = arith.addf %get3A_1934, %get3A_1942 : vector<1x16xf32>
        %add3A_2124 = arith.addf %get3A_1950, %get3A_1958 : vector<1x16xf32>
        %add3A_2125 = arith.addf %get3A_1966, %get3A_1974 : vector<1x16xf32>
        %add3A_2126 = arith.addf %get3A_1982, %get3A_1990 : vector<1x16xf32>
        %add3A_2127 = arith.addf %get3A_1998, %get3A_2006 : vector<1x16xf32>
        %add3A_2128 = arith.addf %get3A_2014, %get3A_2022 : vector<1x16xf32>
        %add3A_2129 = arith.addf %get3A_2030, %get3A_2038 : vector<1x16xf32>
        %add3A_2130 = arith.addf %get3A_2046, %get3A_2054 : vector<1x16xf32>
        %add3A_2131 = arith.addf %get3A_2062, %get3A_2070 : vector<1x16xf32>
        %add3A_2132 = arith.addf %get3A_2078, %get3A_2086 : vector<1x16xf32>
        %add3A_2133 = arith.addf %get3A_2094, %get3A_2102 : vector<1x16xf32>
        %add3A_2134 = arith.addf %get3A_2110, %get3A_2118 : vector<1x16xf32>
        %add3A_2135 = arith.addf %add3A_2119, %add3A_2120 : vector<1x16xf32>
        %add3A_2136 = arith.addf %add3A_2121, %add3A_2122 : vector<1x16xf32>
        %add3A_2137 = arith.addf %add3A_2123, %add3A_2124 : vector<1x16xf32>
        %add3A_2138 = arith.addf %add3A_2125, %add3A_2126 : vector<1x16xf32>
        %add3A_2139 = arith.addf %add3A_2127, %add3A_2128 : vector<1x16xf32>
        %add3A_2140 = arith.addf %add3A_2129, %add3A_2130 : vector<1x16xf32>
        %add3A_2141 = arith.addf %add3A_2131, %add3A_2132 : vector<1x16xf32>
        %add3A_2142 = arith.addf %add3A_2133, %add3A_2134 : vector<1x16xf32>
        %add3A_2143 = arith.addf %add3A_2135, %add3A_2136 : vector<1x16xf32>
        %add3A_2144 = arith.addf %add3A_2137, %add3A_2138 : vector<1x16xf32>
        %add3A_2145 = arith.addf %add3A_2139, %add3A_2140 : vector<1x16xf32>
        %add3A_2146 = arith.addf %add3A_2141, %add3A_2142 : vector<1x16xf32>
        %add3A_2147 = arith.addf %add3A_2143, %add3A_2144 : vector<1x16xf32>
        %add3A_2148 = arith.addf %add3A_2145, %add3A_2146 : vector<1x16xf32>
        %add3A_2149 = arith.addf %add3A_2147, %add3A_2148 : vector<1x16xf32>
        %swap3A_2150 = arith.index_cast %add3A_112 : i32 to index
        %swap3A_2151 = arith.constant 96 : index
        %swap3A_2152 = tpu.vector_load %arg6[%swap3A_2150, %swap3A_2151] {strides = array<i32>} : memref<8x128xf32, #tpu.memory_space<vmem>>, vector<1x16xf32>,
        %swap3A_2153 = vector.shape_cast %swap3A_2152 : vector<1x16xf32> to vector<1x16xf32>
        %swap3A_2154 = vector.shape_cast %add3A_2149 : vector<1x16xf32> to vector<1x16xf32>
        tpu.vector_store %arg6[%swap3A_2150, %swap3A_2151], %swap3A_2154 {strides = array<i32>} : memref<8x128xf32, #tpu.memory_space<vmem>>, vector<1x16xf32>,
        %mul3A_2155 = arith.constant 32 : i32
        %mul3A_2156 = arith.muli %add3A_112, %mul3A_2155 : i32
        %add3A_2157 = arith.constant 0 : i32
        %add3A_2158 = arith.addi %mul3A_2156, %add3A_2157 : i32
        %get3A_2159 = arith.index_cast %add3A_2158 : i32 to index
        %get3A_2160 = arith.constant 112 : index
        %get3A_2161 = tpu.vector_load %arg4[%get3A_2159, %get3A_2160] {strides = array<i32>} : memref<256x128xf32, #tpu.memory_space<vmem>>, vector<1x16xf32>,
        %get3A_2162 = vector.shape_cast %get3A_2161 : vector<1x16xf32> to vector<1x16xf32>
        %mul3A_2163 = arith.constant 32 : i32
        %mul3A_2164 = arith.muli %add3A_112, %mul3A_2163 : i32
        %add3A_2165 = arith.constant 1 : i32
        %add3A_2166 = arith.addi %mul3A_2164, %add3A_2165 : i32
        %get3A_2167 = arith.index_cast %add3A_2166 : i32 to index
        %get3A_2168 = arith.constant 112 : index
        %get3A_2169 = tpu.vector_load %arg4[%get3A_2167, %get3A_2168] {strides = array<i32>} : memref<256x128xf32, #tpu.memory_space<vmem>>, vector<1x16xf32>,
        %get3A_2170 = vector.shape_cast %get3A_2169 : vector<1x16xf32> to vector<1x16xf32>
        %mul3A_2171 = arith.constant 32 : i32
        %mul3A_2172 = arith.muli %add3A_112, %mul3A_2171 : i32
        %add3A_2173 = arith.constant 2 : i32
        %add3A_2174 = arith.addi %mul3A_2172, %add3A_2173 : i32
        %get3A_2175 = arith.index_cast %add3A_2174 : i32 to index
        %get3A_2176 = arith.constant 112 : index
        %get3A_2177 = tpu.vector_load %arg4[%get3A_2175, %get3A_2176] {strides = array<i32>} : memref<256x128xf32, #tpu.memory_space<vmem>>, vector<1x16xf32>,
        %get3A_2178 = vector.shape_cast %get3A_2177 : vector<1x16xf32> to vector<1x16xf32>
        %mul3A_2179 = arith.constant 32 : i32
        %mul3A_2180 = arith.muli %add3A_112, %mul3A_2179 : i32
        %add3A_2181 = arith.constant 3 : i32
        %add3A_2182 = arith.addi %mul3A_2180, %add3A_2181 : i32
        %get3A_2183 = arith.index_cast %add3A_2182 : i32 to index
        %get3A_2184 = arith.constant 112 : index
        %get3A_2185 = tpu.vector_load %arg4[%get3A_2183, %get3A_2184] {strides = array<i32>} : memref<256x128xf32, #tpu.memory_space<vmem>>, vector<1x16xf32>,
        %get3A_2186 = vector.shape_cast %get3A_2185 : vector<1x16xf32> to vector<1x16xf32>
        %mul3A_2187 = arith.constant 32 : i32
        %mul3A_2188 = arith.muli %add3A_112, %mul3A_2187 : i32
        %add3A_2189 = arith.constant 4 : i32
        %add3A_2190 = arith.addi %mul3A_2188, %add3A_2189 : i32
        %get3A_2191 = arith.index_cast %add3A_2190 : i32 to index
        %get3A_2192 = arith.constant 112 : index
        %get3A_2193 = tpu.vector_load %arg4[%get3A_2191, %get3A_2192] {strides = array<i32>} : memref<256x128xf32, #tpu.memory_space<vmem>>, vector<1x16xf32>,
        %get3A_2194 = vector.shape_cast %get3A_2193 : vector<1x16xf32> to vector<1x16xf32>
        %mul3A_2195 = arith.constant 32 : i32
        %mul3A_2196 = arith.muli %add3A_112, %mul3A_2195 : i32
        %add3A_2197 = arith.constant 5 : i32
        %add3A_2198 = arith.addi %mul3A_2196, %add3A_2197 : i32
        %get3A_2199 = arith.index_cast %add3A_2198 : i32 to index
        %get3A_2200 = arith.constant 112 : index
        %get3A_2201 = tpu.vector_load %arg4[%get3A_2199, %get3A_2200] {strides = array<i32>} : memref<256x128xf32, #tpu.memory_space<vmem>>, vector<1x16xf32>,
        %get3A_2202 = vector.shape_cast %get3A_2201 : vector<1x16xf32> to vector<1x16xf32>
        %mul3A_2203 = arith.constant 32 : i32
        %mul3A_2204 = arith.muli %add3A_112, %mul3A_2203 : i32
        %add3A_2205 = arith.constant 6 : i32
        %add3A_2206 = arith.addi %mul3A_2204, %add3A_2205 : i32
        %get3A_2207 = arith.index_cast %add3A_2206 : i32 to index
        %get3A_2208 = arith.constant 112 : index
        %get3A_2209 = tpu.vector_load %arg4[%get3A_2207, %get3A_2208] {strides = array<i32>} : memref<256x128xf32, #tpu.memory_space<vmem>>, vector<1x16xf32>,
        %get3A_2210 = vector.shape_cast %get3A_2209 : vector<1x16xf32> to vector<1x16xf32>
        %mul3A_2211 = arith.constant 32 : i32
        %mul3A_2212 = arith.muli %add3A_112, %mul3A_2211 : i32
        %add3A_2213 = arith.constant 7 : i32
        %add3A_2214 = arith.addi %mul3A_2212, %add3A_2213 : i32
        %get3A_2215 = arith.index_cast %add3A_2214 : i32 to index
        %get3A_2216 = arith.constant 112 : index
        %get3A_2217 = tpu.vector_load %arg4[%get3A_2215, %get3A_2216] {strides = array<i32>} : memref<256x128xf32, #tpu.memory_space<vmem>>, vector<1x16xf32>,
        %get3A_2218 = vector.shape_cast %get3A_2217 : vector<1x16xf32> to vector<1x16xf32>
        %mul3A_2219 = arith.constant 32 : i32
        %mul3A_2220 = arith.muli %add3A_112, %mul3A_2219 : i32
        %add3A_2221 = arith.constant 8 : i32
        %add3A_2222 = arith.addi %mul3A_2220, %add3A_2221 : i32
        %get3A_2223 = arith.index_cast %add3A_2222 : i32 to index
        %get3A_2224 = arith.constant 112 : index
        %get3A_2225 = tpu.vector_load %arg4[%get3A_2223, %get3A_2224] {strides = array<i32>} : memref<256x128xf32, #tpu.memory_space<vmem>>, vector<1x16xf32>,
        %get3A_2226 = vector.shape_cast %get3A_2225 : vector<1x16xf32> to vector<1x16xf32>
        %mul3A_2227 = arith.constant 32 : i32
        %mul3A_2228 = arith.muli %add3A_112, %mul3A_2227 : i32
        %add3A_2229 = arith.constant 9 : i32
        %add3A_2230 = arith.addi %mul3A_2228, %add3A_2229 : i32
        %get3A_2231 = arith.index_cast %add3A_2230 : i32 to index
        %get3A_2232 = arith.constant 112 : index
        %get3A_2233 = tpu.vector_load %arg4[%get3A_2231, %get3A_2232] {strides = array<i32>} : memref<256x128xf32, #tpu.memory_space<vmem>>, vector<1x16xf32>,
        %get3A_2234 = vector.shape_cast %get3A_2233 : vector<1x16xf32> to vector<1x16xf32>
        %mul3A_2235 = arith.constant 32 : i32
        %mul3A_2236 = arith.muli %add3A_112, %mul3A_2235 : i32
        %add3A_2237 = arith.constant 10 : i32
        %add3A_2238 = arith.addi %mul3A_2236, %add3A_2237 : i32
        %get3A_2239 = arith.index_cast %add3A_2238 : i32 to index
        %get3A_2240 = arith.constant 112 : index
        %get3A_2241 = tpu.vector_load %arg4[%get3A_2239, %get3A_2240] {strides = array<i32>} : memref<256x128xf32, #tpu.memory_space<vmem>>, vector<1x16xf32>,
        %get3A_2242 = vector.shape_cast %get3A_2241 : vector<1x16xf32> to vector<1x16xf32>
        %mul3A_2243 = arith.constant 32 : i32
        %mul3A_2244 = arith.muli %add3A_112, %mul3A_2243 : i32
        %add3A_2245 = arith.constant 11 : i32
        %add3A_2246 = arith.addi %mul3A_2244, %add3A_2245 : i32
        %get3A_2247 = arith.index_cast %add3A_2246 : i32 to index
        %get3A_2248 = arith.constant 112 : index
        %get3A_2249 = tpu.vector_load %arg4[%get3A_2247, %get3A_2248] {strides = array<i32>} : memref<256x128xf32, #tpu.memory_space<vmem>>, vector<1x16xf32>,
        %get3A_2250 = vector.shape_cast %get3A_2249 : vector<1x16xf32> to vector<1x16xf32>
        %mul3A_2251 = arith.constant 32 : i32
        %mul3A_2252 = arith.muli %add3A_112, %mul3A_2251 : i32
        %add3A_2253 = arith.constant 12 : i32
        %add3A_2254 = arith.addi %mul3A_2252, %add3A_2253 : i32
        %get3A_2255 = arith.index_cast %add3A_2254 : i32 to index
        %get3A_2256 = arith.constant 112 : index
        %get3A_2257 = tpu.vector_load %arg4[%get3A_2255, %get3A_2256] {strides = array<i32>} : memref<256x128xf32, #tpu.memory_space<vmem>>, vector<1x16xf32>,
        %get3A_2258 = vector.shape_cast %get3A_2257 : vector<1x16xf32> to vector<1x16xf32>
        %mul3A_2259 = arith.constant 32 : i32
        %mul3A_2260 = arith.muli %add3A_112, %mul3A_2259 : i32
        %add3A_2261 = arith.constant 13 : i32
        %add3A_2262 = arith.addi %mul3A_2260, %add3A_2261 : i32
        %get3A_2263 = arith.index_cast %add3A_2262 : i32 to index
        %get3A_2264 = arith.constant 112 : index
        %get3A_2265 = tpu.vector_load %arg4[%get3A_2263, %get3A_2264] {strides = array<i32>} : memref<256x128xf32, #tpu.memory_space<vmem>>, vector<1x16xf32>,
        %get3A_2266 = vector.shape_cast %get3A_2265 : vector<1x16xf32> to vector<1x16xf32>
        %mul3A_2267 = arith.constant 32 : i32
        %mul3A_2268 = arith.muli %add3A_112, %mul3A_2267 : i32
        %add3A_2269 = arith.constant 14 : i32
        %add3A_2270 = arith.addi %mul3A_2268, %add3A_2269 : i32
        %get3A_2271 = arith.index_cast %add3A_2270 : i32 to index
        %get3A_2272 = arith.constant 112 : index
        %get3A_2273 = tpu.vector_load %arg4[%get3A_2271, %get3A_2272] {strides = array<i32>} : memref<256x128xf32, #tpu.memory_space<vmem>>, vector<1x16xf32>,
        %get3A_2274 = vector.shape_cast %get3A_2273 : vector<1x16xf32> to vector<1x16xf32>
        %mul3A_2275 = arith.constant 32 : i32
        %mul3A_2276 = arith.muli %add3A_112, %mul3A_2275 : i32
        %add3A_2277 = arith.constant 15 : i32
        %add3A_2278 = arith.addi %mul3A_2276, %add3A_2277 : i32
        %get3A_2279 = arith.index_cast %add3A_2278 : i32 to index
        %get3A_2280 = arith.constant 112 : index
        %get3A_2281 = tpu.vector_load %arg4[%get3A_2279, %get3A_2280] {strides = array<i32>} : memref<256x128xf32, #tpu.memory_space<vmem>>, vector<1x16xf32>,
        %get3A_2282 = vector.shape_cast %get3A_2281 : vector<1x16xf32> to vector<1x16xf32>
        %mul3A_2283 = arith.constant 32 : i32
        %mul3A_2284 = arith.muli %add3A_112, %mul3A_2283 : i32
        %add3A_2285 = arith.constant 16 : i32
        %add3A_2286 = arith.addi %mul3A_2284, %add3A_2285 : i32
        %get3A_2287 = arith.index_cast %add3A_2286 : i32 to index
        %get3A_2288 = arith.constant 112 : index
        %get3A_2289 = tpu.vector_load %arg4[%get3A_2287, %get3A_2288] {strides = array<i32>} : memref<256x128xf32, #tpu.memory_space<vmem>>, vector<1x16xf32>,
        %get3A_2290 = vector.shape_cast %get3A_2289 : vector<1x16xf32> to vector<1x16xf32>
        %mul3A_2291 = arith.constant 32 : i32
        %mul3A_2292 = arith.muli %add3A_112, %mul3A_2291 : i32
        %add3A_2293 = arith.constant 17 : i32
        %add3A_2294 = arith.addi %mul3A_2292, %add3A_2293 : i32
        %get3A_2295 = arith.index_cast %add3A_2294 : i32 to index
        %get3A_2296 = arith.constant 112 : index
        %get3A_2297 = tpu.vector_load %arg4[%get3A_2295, %get3A_2296] {strides = array<i32>} : memref<256x128xf32, #tpu.memory_space<vmem>>, vector<1x16xf32>,
        %get3A_2298 = vector.shape_cast %get3A_2297 : vector<1x16xf32> to vector<1x16xf32>
        %mul3A_2299 = arith.constant 32 : i32
        %mul3A_2300 = arith.muli %add3A_112, %mul3A_2299 : i32
        %add3A_2301 = arith.constant 18 : i32
        %add3A_2302 = arith.addi %mul3A_2300, %add3A_2301 : i32
        %get3A_2303 = arith.index_cast %add3A_2302 : i32 to index
        %get3A_2304 = arith.constant 112 : index
        %get3A_2305 = tpu.vector_load %arg4[%get3A_2303, %get3A_2304] {strides = array<i32>} : memref<256x128xf32, #tpu.memory_space<vmem>>, vector<1x16xf32>,
        %get3A_2306 = vector.shape_cast %get3A_2305 : vector<1x16xf32> to vector<1x16xf32>
        %mul3A_2307 = arith.constant 32 : i32
        %mul3A_2308 = arith.muli %add3A_112, %mul3A_2307 : i32
        %add3A_2309 = arith.constant 19 : i32
        %add3A_2310 = arith.addi %mul3A_2308, %add3A_2309 : i32
        %get3A_2311 = arith.index_cast %add3A_2310 : i32 to index
        %get3A_2312 = arith.constant 112 : index
        %get3A_2313 = tpu.vector_load %arg4[%get3A_2311, %get3A_2312] {strides = array<i32>} : memref<256x128xf32, #tpu.memory_space<vmem>>, vector<1x16xf32>,
        %get3A_2314 = vector.shape_cast %get3A_2313 : vector<1x16xf32> to vector<1x16xf32>
        %mul3A_2315 = arith.constant 32 : i32
        %mul3A_2316 = arith.muli %add3A_112, %mul3A_2315 : i32
        %add3A_2317 = arith.constant 20 : i32
        %add3A_2318 = arith.addi %mul3A_2316, %add3A_2317 : i32
        %get3A_2319 = arith.index_cast %add3A_2318 : i32 to index
        %get3A_2320 = arith.constant 112 : index
        %get3A_2321 = tpu.vector_load %arg4[%get3A_2319, %get3A_2320] {strides = array<i32>} : memref<256x128xf32, #tpu.memory_space<vmem>>, vector<1x16xf32>,
        %get3A_2322 = vector.shape_cast %get3A_2321 : vector<1x16xf32> to vector<1x16xf32>
        %mul3A_2323 = arith.constant 32 : i32
        %mul3A_2324 = arith.muli %add3A_112, %mul3A_2323 : i32
        %add3A_2325 = arith.constant 21 : i32
        %add3A_2326 = arith.addi %mul3A_2324, %add3A_2325 : i32
        %get3A_2327 = arith.index_cast %add3A_2326 : i32 to index
        %get3A_2328 = arith.constant 112 : index
        %get3A_2329 = tpu.vector_load %arg4[%get3A_2327, %get3A_2328] {strides = array<i32>} : memref<256x128xf32, #tpu.memory_space<vmem>>, vector<1x16xf32>,
        %get3A_2330 = vector.shape_cast %get3A_2329 : vector<1x16xf32> to vector<1x16xf32>
        %mul3A_2331 = arith.constant 32 : i32
        %mul3A_2332 = arith.muli %add3A_112, %mul3A_2331 : i32
        %add3A_2333 = arith.constant 22 : i32
        %add3A_2334 = arith.addi %mul3A_2332, %add3A_2333 : i32
        %get3A_2335 = arith.index_cast %add3A_2334 : i32 to index
        %get3A_2336 = arith.constant 112 : index
        %get3A_2337 = tpu.vector_load %arg4[%get3A_2335, %get3A_2336] {strides = array<i32>} : memref<256x128xf32, #tpu.memory_space<vmem>>, vector<1x16xf32>,
        %get3A_2338 = vector.shape_cast %get3A_2337 : vector<1x16xf32> to vector<1x16xf32>
        %mul3A_2339 = arith.constant 32 : i32
        %mul3A_2340 = arith.muli %add3A_112, %mul3A_2339 : i32
        %add3A_2341 = arith.constant 23 : i32
        %add3A_2342 = arith.addi %mul3A_2340, %add3A_2341 : i32
        %get3A_2343 = arith.index_cast %add3A_2342 : i32 to index
        %get3A_2344 = arith.constant 112 : index
        %get3A_2345 = tpu.vector_load %arg4[%get3A_2343, %get3A_2344] {strides = array<i32>} : memref<256x128xf32, #tpu.memory_space<vmem>>, vector<1x16xf32>,
        %get3A_2346 = vector.shape_cast %get3A_2345 : vector<1x16xf32> to vector<1x16xf32>
        %mul3A_2347 = arith.constant 32 : i32
        %mul3A_2348 = arith.muli %add3A_112, %mul3A_2347 : i32
        %add3A_2349 = arith.constant 24 : i32
        %add3A_2350 = arith.addi %mul3A_2348, %add3A_2349 : i32
        %get3A_2351 = arith.index_cast %add3A_2350 : i32 to index
        %get3A_2352 = arith.constant 112 : index
        %get3A_2353 = tpu.vector_load %arg4[%get3A_2351, %get3A_2352] {strides = array<i32>} : memref<256x128xf32, #tpu.memory_space<vmem>>, vector<1x16xf32>,
        %get3A_2354 = vector.shape_cast %get3A_2353 : vector<1x16xf32> to vector<1x16xf32>
        %mul3A_2355 = arith.constant 32 : i32
        %mul3A_2356 = arith.muli %add3A_112, %mul3A_2355 : i32
        %add3A_2357 = arith.constant 25 : i32
        %add3A_2358 = arith.addi %mul3A_2356, %add3A_2357 : i32
        %get3A_2359 = arith.index_cast %add3A_2358 : i32 to index
        %get3A_2360 = arith.constant 112 : index
        %get3A_2361 = tpu.vector_load %arg4[%get3A_2359, %get3A_2360] {strides = array<i32>} : memref<256x128xf32, #tpu.memory_space<vmem>>, vector<1x16xf32>,
        %get3A_2362 = vector.shape_cast %get3A_2361 : vector<1x16xf32> to vector<1x16xf32>
        %mul3A_2363 = arith.constant 32 : i32
        %mul3A_2364 = arith.muli %add3A_112, %mul3A_2363 : i32
        %add3A_2365 = arith.constant 26 : i32
        %add3A_2366 = arith.addi %mul3A_2364, %add3A_2365 : i32
        %get3A_2367 = arith.index_cast %add3A_2366 : i32 to index
        %get3A_2368 = arith.constant 112 : index
        %get3A_2369 = tpu.vector_load %arg4[%get3A_2367, %get3A_2368] {strides = array<i32>} : memref<256x128xf32, #tpu.memory_space<vmem>>, vector<1x16xf32>,
        %get3A_2370 = vector.shape_cast %get3A_2369 : vector<1x16xf32> to vector<1x16xf32>
        %mul3A_2371 = arith.constant 32 : i32
        %mul3A_2372 = arith.muli %add3A_112, %mul3A_2371 : i32
        %add3A_2373 = arith.constant 27 : i32
        %add3A_2374 = arith.addi %mul3A_2372, %add3A_2373 : i32
        %get3A_2375 = arith.index_cast %add3A_2374 : i32 to index
        %get3A_2376 = arith.constant 112 : index
        %get3A_2377 = tpu.vector_load %arg4[%get3A_2375, %get3A_2376] {strides = array<i32>} : memref<256x128xf32, #tpu.memory_space<vmem>>, vector<1x16xf32>,
        %get3A_2378 = vector.shape_cast %get3A_2377 : vector<1x16xf32> to vector<1x16xf32>
        %mul3A_2379 = arith.constant 32 : i32
        %mul3A_2380 = arith.muli %add3A_112, %mul3A_2379 : i32
        %add3A_2381 = arith.constant 28 : i32
        %add3A_2382 = arith.addi %mul3A_2380, %add3A_2381 : i32
        %get3A_2383 = arith.index_cast %add3A_2382 : i32 to index
        %get3A_2384 = arith.constant 112 : index
        %get3A_2385 = tpu.vector_load %arg4[%get3A_2383, %get3A_2384] {strides = array<i32>} : memref<256x128xf32, #tpu.memory_space<vmem>>, vector<1x16xf32>,
        %get3A_2386 = vector.shape_cast %get3A_2385 : vector<1x16xf32> to vector<1x16xf32>
        %mul3A_2387 = arith.constant 32 : i32
        %mul3A_2388 = arith.muli %add3A_112, %mul3A_2387 : i32
        %add3A_2389 = arith.constant 29 : i32
        %add3A_2390 = arith.addi %mul3A_2388, %add3A_2389 : i32
        %get3A_2391 = arith.index_cast %add3A_2390 : i32 to index
        %get3A_2392 = arith.constant 112 : index
        %get3A_2393 = tpu.vector_load %arg4[%get3A_2391, %get3A_2392] {strides = array<i32>} : memref<256x128xf32, #tpu.memory_space<vmem>>, vector<1x16xf32>,
        %get3A_2394 = vector.shape_cast %get3A_2393 : vector<1x16xf32> to vector<1x16xf32>
        %mul3A_2395 = arith.constant 32 : i32
        %mul3A_2396 = arith.muli %add3A_112, %mul3A_2395 : i32
        %add3A_2397 = arith.constant 30 : i32
        %add3A_2398 = arith.addi %mul3A_2396, %add3A_2397 : i32
        %get3A_2399 = arith.index_cast %add3A_2398 : i32 to index
        %get3A_2400 = arith.constant 112 : index
        %get3A_2401 = tpu.vector_load %arg4[%get3A_2399, %get3A_2400] {strides = array<i32>} : memref<256x128xf32, #tpu.memory_space<vmem>>, vector<1x16xf32>,
        %get3A_2402 = vector.shape_cast %get3A_2401 : vector<1x16xf32> to vector<1x16xf32>
        %mul3A_2403 = arith.constant 32 : i32
        %mul3A_2404 = arith.muli %add3A_112, %mul3A_2403 : i32
        %add3A_2405 = arith.constant 31 : i32
        %add3A_2406 = arith.addi %mul3A_2404, %add3A_2405 : i32
        %get3A_2407 = arith.index_cast %add3A_2406 : i32 to index
        %get3A_2408 = arith.constant 112 : index
        %get3A_2409 = tpu.vector_load %arg4[%get3A_2407, %get3A_2408] {strides = array<i32>} : memref<256x128xf32, #tpu.memory_space<vmem>>, vector<1x16xf32>,
        %get3A_2410 = vector.shape_cast %get3A_2409 : vector<1x16xf32> to vector<1x16xf32>
        %add3A_2411 = arith.addf %get3A_2162, %get3A_2170 : vector<1x16xf32>
        %add3A_2412 = arith.addf %get3A_2178, %get3A_2186 : vector<1x16xf32>
        %add3A_2413 = arith.addf %get3A_2194, %get3A_2202 : vector<1x16xf32>
        %add3A_2414 = arith.addf %get3A_2210, %get3A_2218 : vector<1x16xf32>
        %add3A_2415 = arith.addf %get3A_2226, %get3A_2234 : vector<1x16xf32>
        %add3A_2416 = arith.addf %get3A_2242, %get3A_2250 : vector<1x16xf32>
        %add3A_2417 = arith.addf %get3A_2258, %get3A_2266 : vector<1x16xf32>
        %add3A_2418 = arith.addf %get3A_2274, %get3A_2282 : vector<1x16xf32>
        %add3A_2419 = arith.addf %get3A_2290, %get3A_2298 : vector<1x16xf32>
        %add3A_2420 = arith.addf %get3A_2306, %get3A_2314 : vector<1x16xf32>
        %add3A_2421 = arith.addf %get3A_2322, %get3A_2330 : vector<1x16xf32>
        %add3A_2422 = arith.addf %get3A_2338, %get3A_2346 : vector<1x16xf32>
        %add3A_2423 = arith.addf %get3A_2354, %get3A_2362 : vector<1x16xf32>
        %add3A_2424 = arith.addf %get3A_2370, %get3A_2378 : vector<1x16xf32>
        %add3A_2425 = arith.addf %get3A_2386, %get3A_2394 : vector<1x16xf32>
        %add3A_2426 = arith.addf %get3A_2402, %get3A_2410 : vector<1x16xf32>
        %add3A_2427 = arith.addf %add3A_2411, %add3A_2412 : vector<1x16xf32>
        %add3A_2428 = arith.addf %add3A_2413, %add3A_2414 : vector<1x16xf32>
        %add3A_2429 = arith.addf %add3A_2415, %add3A_2416 : vector<1x16xf32>
        %add3A_2430 = arith.addf %add3A_2417, %add3A_2418 : vector<1x16xf32>
        %add3A_2431 = arith.addf %add3A_2419, %add3A_2420 : vector<1x16xf32>
        %add3A_2432 = arith.addf %add3A_2421, %add3A_2422 : vector<1x16xf32>
        %add3A_2433 = arith.addf %add3A_2423, %add3A_2424 : vector<1x16xf32>
        %add3A_2434 = arith.addf %add3A_2425, %add3A_2426 : vector<1x16xf32>
        %add3A_2435 = arith.addf %add3A_2427, %add3A_2428 : vector<1x16xf32>
        %add3A_2436 = arith.addf %add3A_2429, %add3A_2430 : vector<1x16xf32>
        %add3A_2437 = arith.addf %add3A_2431, %add3A_2432 : vector<1x16xf32>
        %add3A_2438 = arith.addf %add3A_2433, %add3A_2434 : vector<1x16xf32>
        %add3A_2439 = arith.addf %add3A_2435, %add3A_2436 : vector<1x16xf32>
        %add3A_2440 = arith.addf %add3A_2437, %add3A_2438 : vector<1x16xf32>
        %add3A_2441 = arith.addf %add3A_2439, %add3A_2440 : vector<1x16xf32>
        %swap3A_2442 = arith.index_cast %add3A_112 : i32 to index
        %swap3A_2443 = arith.constant 112 : index
        %swap3A_2444 = tpu.vector_load %arg6[%swap3A_2442, %swap3A_2443] {strides = array<i32>} : memref<8x128xf32, #tpu.memory_space<vmem>>, vector<1x16xf32>,
        %swap3A_2445 = vector.shape_cast %swap3A_2444 : vector<1x16xf32> to vector<1x16xf32>
        %swap3A_2446 = vector.shape_cast %add3A_2441 : vector<1x16xf32> to vector<1x16xf32>
        tpu.vector_store %arg6[%swap3A_2442, %swap3A_2443], %swap3A_2446 {strides = array<i32>} : memref<8x128xf32, #tpu.memory_space<vmem>>, vector<1x16xf32>,
      }
      %scan3A_62 = arith.constant 8 : i32
      %mul3A_63 = arith.constant 8 : i32
      %mul3A_64 = arith.muli %add3A_31, %mul3A_63 : i32
      %add3A_65 = arith.addi %mul3A_2, %mul3A_64 : i32
      %dma_start3A_66 = arith.constant 0 : i32
      %dma_start3A_67 = tpu.memref_slice %arg3[%add3A_65, %dma_start3A_66] : memref<2560x128xf32, #tpu.memory_space<hbm>> -> memref<8x128xf32, #tpu.memory_space<hbm>>
      %dma_start3A_68 = arith.constant 0 : i32
      %dma_start3A_69 = tpu.memref_slice %arg3[%add3A_65, %dma_start3A_68] : memref<2560x128xf32, #tpu.memory_space<hbm>> -> memref<8x128xf32, #tpu.memory_space<hbm>>
      tpu.enqueue_dma source(%arg6 : memref<8x128xf32, #tpu.memory_space<vmem>>) target(%dma_start3A_69 : memref<8x128xf32, #tpu.memory_space<hbm>>) target_semaphore(%arg10 : memref<!tpu.dma_semaphore, #tpu.memory_space<semaphore_mem>>)
      %add3A_70 = arith.constant 2 : i32
      %add3A_71 = arith.addi %add3A_31, %add3A_70 : i32
      %lt3A = arith.constant 10 : i32
      %lt3A_72 = arith.cmpi slt, %add3A_71, %lt3A : i32
      %convert_element_type3A_73 = arith.extui %lt3A_72 : i1 to i32
      %cond3A_74 = arith.constant 0 : i32
      %cond3A_75 = arith.cmpi ne, %convert_element_type3A_73, %cond3A_74 : i32
      scf.if %cond3A_75 {
        %add3A_108 = arith.constant 2 : i32
        %add3A_109 = arith.addi %add3A_31, %add3A_108 : i32
        %mul3A_110 = arith.constant 8 : i32
        %mul3A_111 = arith.muli %add3A_109, %mul3A_110 : i32
        %add3A_112 = arith.addi %mul3A_2, %mul3A_111 : i32
        %add3A_113 = arith.constant 7440 : i32
        %add3A_114 = arith.addi %add3A_113, %add3A_112 : i32
        %mul3A_115 = arith.constant 32 : i32
        %mul3A_116 = arith.muli %add3A_114, %mul3A_115 : i32
        %dma_start3A_117 = arith.constant 0 : i32
        %dma_start3A_118 = tpu.memref_slice %arg2[%mul3A_116, %dma_start3A_117] : memref<320000x128xf32, #tpu.memory_space<hbm>> -> memref<256x128xf32, #tpu.memory_space<hbm>>
        %dma_start3A_119 = arith.constant 0 : i32
        %dma_start3A_120 = tpu.memref_slice %arg2[%mul3A_116, %dma_start3A_119] : memref<320000x128xf32, #tpu.memory_space<hbm>> -> memref<256x128xf32, #tpu.memory_space<hbm>>
        tpu.enqueue_dma source(%dma_start3A_120 : memref<256x128xf32, #tpu.memory_space<hbm>>) target(%arg4 : memref<256x128xf32, #tpu.memory_space<vmem>>) target_semaphore(%arg8 : memref<!tpu.dma_semaphore, #tpu.memory_space<semaphore_mem>>)
      } else {
      }
      %add3A_76 = arith.constant 1 : i32
      %add3A_77 = arith.addi %add3A_31, %add3A_76 : i32
      %mul3A_78 = arith.constant 8 : i32
      %mul3A_79 = arith.muli %add3A_77, %mul3A_78 : i32
      %add3A_80 = arith.addi %mul3A_2, %mul3A_79 : i32
      %add3A_81 = arith.constant 7440 : i32
      %add3A_82 = arith.addi %add3A_81, %add3A_80 : i32
      %mul3A_83 = arith.constant 32 : i32
      %mul3A_84 = arith.muli %add3A_82, %mul3A_83 : i32
      %dma_wait3A_85 = arith.constant 0 : i32
      %dma_wait3A_86 = tpu.memref_slice %arg2[%mul3A_84, %dma_wait3A_85] : memref<320000x128xf32, #tpu.memory_space<hbm>> -> memref<256x128xf32, #tpu.memory_space<hbm>>
      %dma_wait3A_87 = arith.constant 0 : i32
      %dma_wait3A_88 = tpu.memref_slice %arg2[%mul3A_84, %dma_wait3A_87] : memref<320000x128xf32, #tpu.memory_space<hbm>> -> memref<256x128xf32, #tpu.memory_space<hbm>>
      tpu.wait_dma2 semaphore(%arg9 : memref<!tpu.dma_semaphore, #tpu.memory_space<semaphore_mem>>) src(%dma_wait3A_88 : memref<256x128xf32, #tpu.memory_space<hbm>>) dst(%arg5 : memref<256x128xf32, #tpu.memory_space<vmem>>)
      %ge3A_89 = arith.constant 2 : i32
      %ge3A_90 = arith.cmpi sge, %add3A_31, %ge3A_89 : i32
      %convert_element_type3A_91 = arith.extui %ge3A_90 : i1 to i32
      %cond3A_92 = arith.constant 0 : i32
      %cond3A_93 = arith.cmpi ne, %convert_element_type3A_91, %cond3A_92 : i32
      scf.if %cond3A_93 {
        %sub3A = arith.constant 1 : i32
        %sub3A_108 = arith.subi %add3A_31, %sub3A : i32
        %mul3A_109 = arith.constant 8 : i32
        %mul3A_110 = arith.muli %sub3A_108, %mul3A_109 : i32
        %add3A_111 = arith.addi %mul3A_2, %mul3A_110 : i32
        %dma_wait3A_112 = arith.constant 0 : i32
        %dma_wait3A_113 = tpu.memref_slice %arg3[%add3A_111, %dma_wait3A_112] : memref<2560x128xf32, #tpu.memory_space<hbm>> -> memref<8x128xf32, #tpu.memory_space<hbm>>
        %dma_wait3A_114 = arith.constant 0 : i32
        %dma_wait3A_115 = tpu.memref_slice %arg3[%add3A_111, %dma_wait3A_114] : memref<2560x128xf32, #tpu.memory_space<hbm>> -> memref<8x128xf32, #tpu.memory_space<hbm>>
        tpu.wait_dma2 semaphore(%arg11 : memref<!tpu.dma_semaphore, #tpu.memory_space<semaphore_mem>>) src(%arg7 : memref<8x128xf32, #tpu.memory_space<vmem>>) dst(%dma_wait3A_115 : memref<8x128xf32, #tpu.memory_space<hbm>>)
      } else {
      }
      %scan3A_94 = arith.constant 0 : i32
      %scan3A_95 = arith.constant 8 : i32
      %scan3A_96 = arith.addi %scan3A_94, %scan3A_95 : i32
      %scan3A_97 = arith.constant 1 : i32
      scf.for %scan3A_108 = %scan3A_94 to %scan3A_96 step %scan3A_97  : i32 {
        %mul3A_109 = arith.constant 1 : i32
        %mul3A_110 = arith.muli %scan3A_108, %mul3A_109 : i32
        %add3A_111 = arith.constant 0 : i32
        %add3A_112 = arith.addi %add3A_111, %mul3A_110 : i32
        %mul3A_113 = arith.constant 32 : i32
        %mul3A_114 = arith.muli %add3A_112, %mul3A_113 : i32
        %add3A_115 = arith.constant 0 : i32
        %add3A_116 = arith.addi %mul3A_114, %add3A_115 : i32
        %get3A = arith.index_cast %add3A_116 : i32 to index
        %get3A_117 = arith.constant 0 : index
        %get3A_118 = tpu.vector_load %arg5[%get3A, %get3A_117] {strides = array<i32>} : memref<256x128xf32, #tpu.memory_space<vmem>>, vector<1x16xf32>,
        %get3A_119 = vector.shape_cast %get3A_118 : vector<1x16xf32> to vector<1x16xf32>
        %mul3A_120 = arith.constant 32 : i32
        %mul3A_121 = arith.muli %add3A_112, %mul3A_120 : i32
        %add3A_122 = arith.constant 1 : i32
        %add3A_123 = arith.addi %mul3A_121, %add3A_122 : i32
        %get3A_124 = arith.index_cast %add3A_123 : i32 to index
        %get3A_125 = arith.constant 0 : index
        %get3A_126 = tpu.vector_load %arg5[%get3A_124, %get3A_125] {strides = array<i32>} : memref<256x128xf32, #tpu.memory_space<vmem>>, vector<1x16xf32>,
        %get3A_127 = vector.shape_cast %get3A_126 : vector<1x16xf32> to vector<1x16xf32>
        %mul3A_128 = arith.constant 32 : i32
        %mul3A_129 = arith.muli %add3A_112, %mul3A_128 : i32
        %add3A_130 = arith.constant 2 : i32
        %add3A_131 = arith.addi %mul3A_129, %add3A_130 : i32
        %get3A_132 = arith.index_cast %add3A_131 : i32 to index
        %get3A_133 = arith.constant 0 : index
        %get3A_134 = tpu.vector_load %arg5[%get3A_132, %get3A_133] {strides = array<i32>} : memref<256x128xf32, #tpu.memory_space<vmem>>, vector<1x16xf32>,
        %get3A_135 = vector.shape_cast %get3A_134 : vector<1x16xf32> to vector<1x16xf32>
        %mul3A_136 = arith.constant 32 : i32
        %mul3A_137 = arith.muli %add3A_112, %mul3A_136 : i32
        %add3A_138 = arith.constant 3 : i32
        %add3A_139 = arith.addi %mul3A_137, %add3A_138 : i32
        %get3A_140 = arith.index_cast %add3A_139 : i32 to index
        %get3A_141 = arith.constant 0 : index
        %get3A_142 = tpu.vector_load %arg5[%get3A_140, %get3A_141] {strides = array<i32>} : memref<256x128xf32, #tpu.memory_space<vmem>>, vector<1x16xf32>,
        %get3A_143 = vector.shape_cast %get3A_142 : vector<1x16xf32> to vector<1x16xf32>
        %mul3A_144 = arith.constant 32 : i32
        %mul3A_145 = arith.muli %add3A_112, %mul3A_144 : i32
        %add3A_146 = arith.constant 4 : i32
        %add3A_147 = arith.addi %mul3A_145, %add3A_146 : i32
        %get3A_148 = arith.index_cast %add3A_147 : i32 to index
        %get3A_149 = arith.constant 0 : index
        %get3A_150 = tpu.vector_load %arg5[%get3A_148, %get3A_149] {strides = array<i32>} : memref<256x128xf32, #tpu.memory_space<vmem>>, vector<1x16xf32>,
        %get3A_151 = vector.shape_cast %get3A_150 : vector<1x16xf32> to vector<1x16xf32>
        %mul3A_152 = arith.constant 32 : i32
        %mul3A_153 = arith.muli %add3A_112, %mul3A_152 : i32
        %add3A_154 = arith.constant 5 : i32
        %add3A_155 = arith.addi %mul3A_153, %add3A_154 : i32
        %get3A_156 = arith.index_cast %add3A_155 : i32 to index
        %get3A_157 = arith.constant 0 : index
        %get3A_158 = tpu.vector_load %arg5[%get3A_156, %get3A_157] {strides = array<i32>} : memref<256x128xf32, #tpu.memory_space<vmem>>, vector<1x16xf32>,
        %get3A_159 = vector.shape_cast %get3A_158 : vector<1x16xf32> to vector<1x16xf32>
        %mul3A_160 = arith.constant 32 : i32
        %mul3A_161 = arith.muli %add3A_112, %mul3A_160 : i32
        %add3A_162 = arith.constant 6 : i32
        %add3A_163 = arith.addi %mul3A_161, %add3A_162 : i32
        %get3A_164 = arith.index_cast %add3A_163 : i32 to index
        %get3A_165 = arith.constant 0 : index
        %get3A_166 = tpu.vector_load %arg5[%get3A_164, %get3A_165] {strides = array<i32>} : memref<256x128xf32, #tpu.memory_space<vmem>>, vector<1x16xf32>,
        %get3A_167 = vector.shape_cast %get3A_166 : vector<1x16xf32> to vector<1x16xf32>
        %mul3A_168 = arith.constant 32 : i32
        %mul3A_169 = arith.muli %add3A_112, %mul3A_168 : i32
        %add3A_170 = arith.constant 7 : i32
        %add3A_171 = arith.addi %mul3A_169, %add3A_170 : i32
        %get3A_172 = arith.index_cast %add3A_171 : i32 to index
        %get3A_173 = arith.constant 0 : index
        %get3A_174 = tpu.vector_load %arg5[%get3A_172, %get3A_173] {strides = array<i32>} : memref<256x128xf32, #tpu.memory_space<vmem>>, vector<1x16xf32>,
        %get3A_175 = vector.shape_cast %get3A_174 : vector<1x16xf32> to vector<1x16xf32>
        %mul3A_176 = arith.constant 32 : i32
        %mul3A_177 = arith.muli %add3A_112, %mul3A_176 : i32
        %add3A_178 = arith.constant 8 : i32
        %add3A_179 = arith.addi %mul3A_177, %add3A_178 : i32
        %get3A_180 = arith.index_cast %add3A_179 : i32 to index
        %get3A_181 = arith.constant 0 : index
        %get3A_182 = tpu.vector_load %arg5[%get3A_180, %get3A_181] {strides = array<i32>} : memref<256x128xf32, #tpu.memory_space<vmem>>, vector<1x16xf32>,
        %get3A_183 = vector.shape_cast %get3A_182 : vector<1x16xf32> to vector<1x16xf32>
        %mul3A_184 = arith.constant 32 : i32
        %mul3A_185 = arith.muli %add3A_112, %mul3A_184 : i32
        %add3A_186 = arith.constant 9 : i32
        %add3A_187 = arith.addi %mul3A_185, %add3A_186 : i32
        %get3A_188 = arith.index_cast %add3A_187 : i32 to index
        %get3A_189 = arith.constant 0 : index
        %get3A_190 = tpu.vector_load %arg5[%get3A_188, %get3A_189] {strides = array<i32>} : memref<256x128xf32, #tpu.memory_space<vmem>>, vector<1x16xf32>,
        %get3A_191 = vector.shape_cast %get3A_190 : vector<1x16xf32> to vector<1x16xf32>
        %mul3A_192 = arith.constant 32 : i32
        %mul3A_193 = arith.muli %add3A_112, %mul3A_192 : i32
        %add3A_194 = arith.constant 10 : i32
        %add3A_195 = arith.addi %mul3A_193, %add3A_194 : i32
        %get3A_196 = arith.index_cast %add3A_195 : i32 to index
        %get3A_197 = arith.constant 0 : index
        %get3A_198 = tpu.vector_load %arg5[%get3A_196, %get3A_197] {strides = array<i32>} : memref<256x128xf32, #tpu.memory_space<vmem>>, vector<1x16xf32>,
        %get3A_199 = vector.shape_cast %get3A_198 : vector<1x16xf32> to vector<1x16xf32>
        %mul3A_200 = arith.constant 32 : i32
        %mul3A_201 = arith.muli %add3A_112, %mul3A_200 : i32
        %add3A_202 = arith.constant 11 : i32
        %add3A_203 = arith.addi %mul3A_201, %add3A_202 : i32
        %get3A_204 = arith.index_cast %add3A_203 : i32 to index
        %get3A_205 = arith.constant 0 : index
        %get3A_206 = tpu.vector_load %arg5[%get3A_204, %get3A_205] {strides = array<i32>} : memref<256x128xf32, #tpu.memory_space<vmem>>, vector<1x16xf32>,
        %get3A_207 = vector.shape_cast %get3A_206 : vector<1x16xf32> to vector<1x16xf32>
        %mul3A_208 = arith.constant 32 : i32
        %mul3A_209 = arith.muli %add3A_112, %mul3A_208 : i32
        %add3A_210 = arith.constant 12 : i32
        %add3A_211 = arith.addi %mul3A_209, %add3A_210 : i32
        %get3A_212 = arith.index_cast %add3A_211 : i32 to index
        %get3A_213 = arith.constant 0 : index
        %get3A_214 = tpu.vector_load %arg5[%get3A_212, %get3A_213] {strides = array<i32>} : memref<256x128xf32, #tpu.memory_space<vmem>>, vector<1x16xf32>,
        %get3A_215 = vector.shape_cast %get3A_214 : vector<1x16xf32> to vector<1x16xf32>
        %mul3A_216 = arith.constant 32 : i32
        %mul3A_217 = arith.muli %add3A_112, %mul3A_216 : i32
        %add3A_218 = arith.constant 13 : i32
        %add3A_219 = arith.addi %mul3A_217, %add3A_218 : i32
        %get3A_220 = arith.index_cast %add3A_219 : i32 to index
        %get3A_221 = arith.constant 0 : index
        %get3A_222 = tpu.vector_load %arg5[%get3A_220, %get3A_221] {strides = array<i32>} : memref<256x128xf32, #tpu.memory_space<vmem>>, vector<1x16xf32>,
        %get3A_223 = vector.shape_cast %get3A_222 : vector<1x16xf32> to vector<1x16xf32>
        %mul3A_224 = arith.constant 32 : i32
        %mul3A_225 = arith.muli %add3A_112, %mul3A_224 : i32
        %add3A_226 = arith.constant 14 : i32
        %add3A_227 = arith.addi %mul3A_225, %add3A_226 : i32
        %get3A_228 = arith.index_cast %add3A_227 : i32 to index
        %get3A_229 = arith.constant 0 : index
        %get3A_230 = tpu.vector_load %arg5[%get3A_228, %get3A_229] {strides = array<i32>} : memref<256x128xf32, #tpu.memory_space<vmem>>, vector<1x16xf32>,
        %get3A_231 = vector.shape_cast %get3A_230 : vector<1x16xf32> to vector<1x16xf32>
        %mul3A_232 = arith.constant 32 : i32
        %mul3A_233 = arith.muli %add3A_112, %mul3A_232 : i32
        %add3A_234 = arith.constant 15 : i32
        %add3A_235 = arith.addi %mul3A_233, %add3A_234 : i32
        %get3A_236 = arith.index_cast %add3A_235 : i32 to index
        %get3A_237 = arith.constant 0 : index
        %get3A_238 = tpu.vector_load %arg5[%get3A_236, %get3A_237] {strides = array<i32>} : memref<256x128xf32, #tpu.memory_space<vmem>>, vector<1x16xf32>,
        %get3A_239 = vector.shape_cast %get3A_238 : vector<1x16xf32> to vector<1x16xf32>
        %mul3A_240 = arith.constant 32 : i32
        %mul3A_241 = arith.muli %add3A_112, %mul3A_240 : i32
        %add3A_242 = arith.constant 16 : i32
        %add3A_243 = arith.addi %mul3A_241, %add3A_242 : i32
        %get3A_244 = arith.index_cast %add3A_243 : i32 to index
        %get3A_245 = arith.constant 0 : index
        %get3A_246 = tpu.vector_load %arg5[%get3A_244, %get3A_245] {strides = array<i32>} : memref<256x128xf32, #tpu.memory_space<vmem>>, vector<1x16xf32>,
        %get3A_247 = vector.shape_cast %get3A_246 : vector<1x16xf32> to vector<1x16xf32>
        %mul3A_248 = arith.constant 32 : i32
        %mul3A_249 = arith.muli %add3A_112, %mul3A_248 : i32
        %add3A_250 = arith.constant 17 : i32
        %add3A_251 = arith.addi %mul3A_249, %add3A_250 : i32
        %get3A_252 = arith.index_cast %add3A_251 : i32 to index
        %get3A_253 = arith.constant 0 : index
        %get3A_254 = tpu.vector_load %arg5[%get3A_252, %get3A_253] {strides = array<i32>} : memref<256x128xf32, #tpu.memory_space<vmem>>, vector<1x16xf32>,
        %get3A_255 = vector.shape_cast %get3A_254 : vector<1x16xf32> to vector<1x16xf32>
        %mul3A_256 = arith.constant 32 : i32
        %mul3A_257 = arith.muli %add3A_112, %mul3A_256 : i32
        %add3A_258 = arith.constant 18 : i32
        %add3A_259 = arith.addi %mul3A_257, %add3A_258 : i32
        %get3A_260 = arith.index_cast %add3A_259 : i32 to index
        %get3A_261 = arith.constant 0 : index
        %get3A_262 = tpu.vector_load %arg5[%get3A_260, %get3A_261] {strides = array<i32>} : memref<256x128xf32, #tpu.memory_space<vmem>>, vector<1x16xf32>,
        %get3A_263 = vector.shape_cast %get3A_262 : vector<1x16xf32> to vector<1x16xf32>
        %mul3A_264 = arith.constant 32 : i32
        %mul3A_265 = arith.muli %add3A_112, %mul3A_264 : i32
        %add3A_266 = arith.constant 19 : i32
        %add3A_267 = arith.addi %mul3A_265, %add3A_266 : i32
        %get3A_268 = arith.index_cast %add3A_267 : i32 to index
        %get3A_269 = arith.constant 0 : index
        %get3A_270 = tpu.vector_load %arg5[%get3A_268, %get3A_269] {strides = array<i32>} : memref<256x128xf32, #tpu.memory_space<vmem>>, vector<1x16xf32>,
        %get3A_271 = vector.shape_cast %get3A_270 : vector<1x16xf32> to vector<1x16xf32>
        %mul3A_272 = arith.constant 32 : i32
        %mul3A_273 = arith.muli %add3A_112, %mul3A_272 : i32
        %add3A_274 = arith.constant 20 : i32
        %add3A_275 = arith.addi %mul3A_273, %add3A_274 : i32
        %get3A_276 = arith.index_cast %add3A_275 : i32 to index
        %get3A_277 = arith.constant 0 : index
        %get3A_278 = tpu.vector_load %arg5[%get3A_276, %get3A_277] {strides = array<i32>} : memref<256x128xf32, #tpu.memory_space<vmem>>, vector<1x16xf32>,
        %get3A_279 = vector.shape_cast %get3A_278 : vector<1x16xf32> to vector<1x16xf32>
        %mul3A_280 = arith.constant 32 : i32
        %mul3A_281 = arith.muli %add3A_112, %mul3A_280 : i32
        %add3A_282 = arith.constant 21 : i32
        %add3A_283 = arith.addi %mul3A_281, %add3A_282 : i32
        %get3A_284 = arith.index_cast %add3A_283 : i32 to index
        %get3A_285 = arith.constant 0 : index
        %get3A_286 = tpu.vector_load %arg5[%get3A_284, %get3A_285] {strides = array<i32>} : memref<256x128xf32, #tpu.memory_space<vmem>>, vector<1x16xf32>,
        %get3A_287 = vector.shape_cast %get3A_286 : vector<1x16xf32> to vector<1x16xf32>
        %mul3A_288 = arith.constant 32 : i32
        %mul3A_289 = arith.muli %add3A_112, %mul3A_288 : i32
        %add3A_290 = arith.constant 22 : i32
        %add3A_291 = arith.addi %mul3A_289, %add3A_290 : i32
        %get3A_292 = arith.index_cast %add3A_291 : i32 to index
        %get3A_293 = arith.constant 0 : index
        %get3A_294 = tpu.vector_load %arg5[%get3A_292, %get3A_293] {strides = array<i32>} : memref<256x128xf32, #tpu.memory_space<vmem>>, vector<1x16xf32>,
        %get3A_295 = vector.shape_cast %get3A_294 : vector<1x16xf32> to vector<1x16xf32>
        %mul3A_296 = arith.constant 32 : i32
        %mul3A_297 = arith.muli %add3A_112, %mul3A_296 : i32
        %add3A_298 = arith.constant 23 : i32
        %add3A_299 = arith.addi %mul3A_297, %add3A_298 : i32
        %get3A_300 = arith.index_cast %add3A_299 : i32 to index
        %get3A_301 = arith.constant 0 : index
        %get3A_302 = tpu.vector_load %arg5[%get3A_300, %get3A_301] {strides = array<i32>} : memref<256x128xf32, #tpu.memory_space<vmem>>, vector<1x16xf32>,
        %get3A_303 = vector.shape_cast %get3A_302 : vector<1x16xf32> to vector<1x16xf32>
        %mul3A_304 = arith.constant 32 : i32
        %mul3A_305 = arith.muli %add3A_112, %mul3A_304 : i32
        %add3A_306 = arith.constant 24 : i32
        %add3A_307 = arith.addi %mul3A_305, %add3A_306 : i32
        %get3A_308 = arith.index_cast %add3A_307 : i32 to index
        %get3A_309 = arith.constant 0 : index
        %get3A_310 = tpu.vector_load %arg5[%get3A_308, %get3A_309] {strides = array<i32>} : memref<256x128xf32, #tpu.memory_space<vmem>>, vector<1x16xf32>,
        %get3A_311 = vector.shape_cast %get3A_310 : vector<1x16xf32> to vector<1x16xf32>
        %mul3A_312 = arith.constant 32 : i32
        %mul3A_313 = arith.muli %add3A_112, %mul3A_312 : i32
        %add3A_314 = arith.constant 25 : i32
        %add3A_315 = arith.addi %mul3A_313, %add3A_314 : i32
        %get3A_316 = arith.index_cast %add3A_315 : i32 to index
        %get3A_317 = arith.constant 0 : index
        %get3A_318 = tpu.vector_load %arg5[%get3A_316, %get3A_317] {strides = array<i32>} : memref<256x128xf32, #tpu.memory_space<vmem>>, vector<1x16xf32>,
        %get3A_319 = vector.shape_cast %get3A_318 : vector<1x16xf32> to vector<1x16xf32>
        %mul3A_320 = arith.constant 32 : i32
        %mul3A_321 = arith.muli %add3A_112, %mul3A_320 : i32
        %add3A_322 = arith.constant 26 : i32
        %add3A_323 = arith.addi %mul3A_321, %add3A_322 : i32
        %get3A_324 = arith.index_cast %add3A_323 : i32 to index
        %get3A_325 = arith.constant 0 : index
        %get3A_326 = tpu.vector_load %arg5[%get3A_324, %get3A_325] {strides = array<i32>} : memref<256x128xf32, #tpu.memory_space<vmem>>, vector<1x16xf32>,
        %get3A_327 = vector.shape_cast %get3A_326 : vector<1x16xf32> to vector<1x16xf32>
        %mul3A_328 = arith.constant 32 : i32
        %mul3A_329 = arith.muli %add3A_112, %mul3A_328 : i32
        %add3A_330 = arith.constant 27 : i32
        %add3A_331 = arith.addi %mul3A_329, %add3A_330 : i32
        %get3A_332 = arith.index_cast %add3A_331 : i32 to index
        %get3A_333 = arith.constant 0 : index
        %get3A_334 = tpu.vector_load %arg5[%get3A_332, %get3A_333] {strides = array<i32>} : memref<256x128xf32, #tpu.memory_space<vmem>>, vector<1x16xf32>,
        %get3A_335 = vector.shape_cast %get3A_334 : vector<1x16xf32> to vector<1x16xf32>
        %mul3A_336 = arith.constant 32 : i32
        %mul3A_337 = arith.muli %add3A_112, %mul3A_336 : i32
        %add3A_338 = arith.constant 28 : i32
        %add3A_339 = arith.addi %mul3A_337, %add3A_338 : i32
        %get3A_340 = arith.index_cast %add3A_339 : i32 to index
        %get3A_341 = arith.constant 0 : index
        %get3A_342 = tpu.vector_load %arg5[%get3A_340, %get3A_341] {strides = array<i32>} : memref<256x128xf32, #tpu.memory_space<vmem>>, vector<1x16xf32>,
        %get3A_343 = vector.shape_cast %get3A_342 : vector<1x16xf32> to vector<1x16xf32>
        %mul3A_344 = arith.constant 32 : i32
        %mul3A_345 = arith.muli %add3A_112, %mul3A_344 : i32
        %add3A_346 = arith.constant 29 : i32
        %add3A_347 = arith.addi %mul3A_345, %add3A_346 : i32
        %get3A_348 = arith.index_cast %add3A_347 : i32 to index
        %get3A_349 = arith.constant 0 : index
        %get3A_350 = tpu.vector_load %arg5[%get3A_348, %get3A_349] {strides = array<i32>} : memref<256x128xf32, #tpu.memory_space<vmem>>, vector<1x16xf32>,
        %get3A_351 = vector.shape_cast %get3A_350 : vector<1x16xf32> to vector<1x16xf32>
        %mul3A_352 = arith.constant 32 : i32
        %mul3A_353 = arith.muli %add3A_112, %mul3A_352 : i32
        %add3A_354 = arith.constant 30 : i32
        %add3A_355 = arith.addi %mul3A_353, %add3A_354 : i32
        %get3A_356 = arith.index_cast %add3A_355 : i32 to index
        %get3A_357 = arith.constant 0 : index
        %get3A_358 = tpu.vector_load %arg5[%get3A_356, %get3A_357] {strides = array<i32>} : memref<256x128xf32, #tpu.memory_space<vmem>>, vector<1x16xf32>,
        %get3A_359 = vector.shape_cast %get3A_358 : vector<1x16xf32> to vector<1x16xf32>
        %mul3A_360 = arith.constant 32 : i32
        %mul3A_361 = arith.muli %add3A_112, %mul3A_360 : i32
        %add3A_362 = arith.constant 31 : i32
        %add3A_363 = arith.addi %mul3A_361, %add3A_362 : i32
        %get3A_364 = arith.index_cast %add3A_363 : i32 to index
        %get3A_365 = arith.constant 0 : index
        %get3A_366 = tpu.vector_load %arg5[%get3A_364, %get3A_365] {strides = array<i32>} : memref<256x128xf32, #tpu.memory_space<vmem>>, vector<1x16xf32>,
        %get3A_367 = vector.shape_cast %get3A_366 : vector<1x16xf32> to vector<1x16xf32>
        %add3A_368 = arith.addf %get3A_119, %get3A_127 : vector<1x16xf32>
        %add3A_369 = arith.addf %get3A_135, %get3A_143 : vector<1x16xf32>
        %add3A_370 = arith.addf %get3A_151, %get3A_159 : vector<1x16xf32>
        %add3A_371 = arith.addf %get3A_167, %get3A_175 : vector<1x16xf32>
        %add3A_372 = arith.addf %get3A_183, %get3A_191 : vector<1x16xf32>
        %add3A_373 = arith.addf %get3A_199, %get3A_207 : vector<1x16xf32>
        %add3A_374 = arith.addf %get3A_215, %get3A_223 : vector<1x16xf32>
        %add3A_375 = arith.addf %get3A_231, %get3A_239 : vector<1x16xf32>
        %add3A_376 = arith.addf %get3A_247, %get3A_255 : vector<1x16xf32>
        %add3A_377 = arith.addf %get3A_263, %get3A_271 : vector<1x16xf32>
        %add3A_378 = arith.addf %get3A_279, %get3A_287 : vector<1x16xf32>
        %add3A_379 = arith.addf %get3A_295, %get3A_303 : vector<1x16xf32>
        %add3A_380 = arith.addf %get3A_311, %get3A_319 : vector<1x16xf32>
        %add3A_381 = arith.addf %get3A_327, %get3A_335 : vector<1x16xf32>
        %add3A_382 = arith.addf %get3A_343, %get3A_351 : vector<1x16xf32>
        %add3A_383 = arith.addf %get3A_359, %get3A_367 : vector<1x16xf32>
        %add3A_384 = arith.addf %add3A_368, %add3A_369 : vector<1x16xf32>
        %add3A_385 = arith.addf %add3A_370, %add3A_371 : vector<1x16xf32>
        %add3A_386 = arith.addf %add3A_372, %add3A_373 : vector<1x16xf32>
        %add3A_387 = arith.addf %add3A_374, %add3A_375 : vector<1x16xf32>
        %add3A_388 = arith.addf %add3A_376, %add3A_377 : vector<1x16xf32>
        %add3A_389 = arith.addf %add3A_378, %add3A_379 : vector<1x16xf32>
        %add3A_390 = arith.addf %add3A_380, %add3A_381 : vector<1x16xf32>
        %add3A_391 = arith.addf %add3A_382, %add3A_383 : vector<1x16xf32>
        %add3A_392 = arith.addf %add3A_384, %add3A_385 : vector<1x16xf32>
        %add3A_393 = arith.addf %add3A_386, %add3A_387 : vector<1x16xf32>
        %add3A_394 = arith.addf %add3A_388, %add3A_389 : vector<1x16xf32>
        %add3A_395 = arith.addf %add3A_390, %add3A_391 : vector<1x16xf32>
        %add3A_396 = arith.addf %add3A_392, %add3A_393 : vector<1x16xf32>
        %add3A_397 = arith.addf %add3A_394, %add3A_395 : vector<1x16xf32>
        %add3A_398 = arith.addf %add3A_396, %add3A_397 : vector<1x16xf32>
        %swap3A = arith.index_cast %add3A_112 : i32 to index
        %swap3A_399 = arith.constant 0 : index
        %swap3A_400 = tpu.vector_load %arg7[%swap3A, %swap3A_399] {strides = array<i32>} : memref<8x128xf32, #tpu.memory_space<vmem>>, vector<1x16xf32>,
        %swap3A_401 = vector.shape_cast %swap3A_400 : vector<1x16xf32> to vector<1x16xf32>
        %swap3A_402 = vector.shape_cast %add3A_398 : vector<1x16xf32> to vector<1x16xf32>
        tpu.vector_store %arg7[%swap3A, %swap3A_399], %swap3A_402 {strides = array<i32>} : memref<8x128xf32, #tpu.memory_space<vmem>>, vector<1x16xf32>,
        %mul3A_403 = arith.constant 32 : i32
        %mul3A_404 = arith.muli %add3A_112, %mul3A_403 : i32
        %add3A_405 = arith.constant 0 : i32
        %add3A_406 = arith.addi %mul3A_404, %add3A_405 : i32
        %get3A_407 = arith.index_cast %add3A_406 : i32 to index
        %get3A_408 = arith.constant 16 : index
        %get3A_409 = tpu.vector_load %arg5[%get3A_407, %get3A_408] {strides = array<i32>} : memref<256x128xf32, #tpu.memory_space<vmem>>, vector<1x16xf32>,
        %get3A_410 = vector.shape_cast %get3A_409 : vector<1x16xf32> to vector<1x16xf32>
        %mul3A_411 = arith.constant 32 : i32
        %mul3A_412 = arith.muli %add3A_112, %mul3A_411 : i32
        %add3A_413 = arith.constant 1 : i32
        %add3A_414 = arith.addi %mul3A_412, %add3A_413 : i32
        %get3A_415 = arith.index_cast %add3A_414 : i32 to index
        %get3A_416 = arith.constant 16 : index
        %get3A_417 = tpu.vector_load %arg5[%get3A_415, %get3A_416] {strides = array<i32>} : memref<256x128xf32, #tpu.memory_space<vmem>>, vector<1x16xf32>,
        %get3A_418 = vector.shape_cast %get3A_417 : vector<1x16xf32> to vector<1x16xf32>
        %mul3A_419 = arith.constant 32 : i32
        %mul3A_420 = arith.muli %add3A_112, %mul3A_419 : i32
        %add3A_421 = arith.constant 2 : i32
        %add3A_422 = arith.addi %mul3A_420, %add3A_421 : i32
        %get3A_423 = arith.index_cast %add3A_422 : i32 to index
        %get3A_424 = arith.constant 16 : index
        %get3A_425 = tpu.vector_load %arg5[%get3A_423, %get3A_424] {strides = array<i32>} : memref<256x128xf32, #tpu.memory_space<vmem>>, vector<1x16xf32>,
        %get3A_426 = vector.shape_cast %get3A_425 : vector<1x16xf32> to vector<1x16xf32>
        %mul3A_427 = arith.constant 32 : i32
        %mul3A_428 = arith.muli %add3A_112, %mul3A_427 : i32
        %add3A_429 = arith.constant 3 : i32
        %add3A_430 = arith.addi %mul3A_428, %add3A_429 : i32
        %get3A_431 = arith.index_cast %add3A_430 : i32 to index
        %get3A_432 = arith.constant 16 : index
        %get3A_433 = tpu.vector_load %arg5[%get3A_431, %get3A_432] {strides = array<i32>} : memref<256x128xf32, #tpu.memory_space<vmem>>, vector<1x16xf32>,
        %get3A_434 = vector.shape_cast %get3A_433 : vector<1x16xf32> to vector<1x16xf32>
        %mul3A_435 = arith.constant 32 : i32
        %mul3A_436 = arith.muli %add3A_112, %mul3A_435 : i32
        %add3A_437 = arith.constant 4 : i32
        %add3A_438 = arith.addi %mul3A_436, %add3A_437 : i32
        %get3A_439 = arith.index_cast %add3A_438 : i32 to index
        %get3A_440 = arith.constant 16 : index
        %get3A_441 = tpu.vector_load %arg5[%get3A_439, %get3A_440] {strides = array<i32>} : memref<256x128xf32, #tpu.memory_space<vmem>>, vector<1x16xf32>,
        %get3A_442 = vector.shape_cast %get3A_441 : vector<1x16xf32> to vector<1x16xf32>
        %mul3A_443 = arith.constant 32 : i32
        %mul3A_444 = arith.muli %add3A_112, %mul3A_443 : i32
        %add3A_445 = arith.constant 5 : i32
        %add3A_446 = arith.addi %mul3A_444, %add3A_445 : i32
        %get3A_447 = arith.index_cast %add3A_446 : i32 to index
        %get3A_448 = arith.constant 16 : index
        %get3A_449 = tpu.vector_load %arg5[%get3A_447, %get3A_448] {strides = array<i32>} : memref<256x128xf32, #tpu.memory_space<vmem>>, vector<1x16xf32>,
        %get3A_450 = vector.shape_cast %get3A_449 : vector<1x16xf32> to vector<1x16xf32>
        %mul3A_451 = arith.constant 32 : i32
        %mul3A_452 = arith.muli %add3A_112, %mul3A_451 : i32
        %add3A_453 = arith.constant 6 : i32
        %add3A_454 = arith.addi %mul3A_452, %add3A_453 : i32
        %get3A_455 = arith.index_cast %add3A_454 : i32 to index
        %get3A_456 = arith.constant 16 : index
        %get3A_457 = tpu.vector_load %arg5[%get3A_455, %get3A_456] {strides = array<i32>} : memref<256x128xf32, #tpu.memory_space<vmem>>, vector<1x16xf32>,
        %get3A_458 = vector.shape_cast %get3A_457 : vector<1x16xf32> to vector<1x16xf32>
        %mul3A_459 = arith.constant 32 : i32
        %mul3A_460 = arith.muli %add3A_112, %mul3A_459 : i32
        %add3A_461 = arith.constant 7 : i32
        %add3A_462 = arith.addi %mul3A_460, %add3A_461 : i32
        %get3A_463 = arith.index_cast %add3A_462 : i32 to index
        %get3A_464 = arith.constant 16 : index
        %get3A_465 = tpu.vector_load %arg5[%get3A_463, %get3A_464] {strides = array<i32>} : memref<256x128xf32, #tpu.memory_space<vmem>>, vector<1x16xf32>,
        %get3A_466 = vector.shape_cast %get3A_465 : vector<1x16xf32> to vector<1x16xf32>
        %mul3A_467 = arith.constant 32 : i32
        %mul3A_468 = arith.muli %add3A_112, %mul3A_467 : i32
        %add3A_469 = arith.constant 8 : i32
        %add3A_470 = arith.addi %mul3A_468, %add3A_469 : i32
        %get3A_471 = arith.index_cast %add3A_470 : i32 to index
        %get3A_472 = arith.constant 16 : index
        %get3A_473 = tpu.vector_load %arg5[%get3A_471, %get3A_472] {strides = array<i32>} : memref<256x128xf32, #tpu.memory_space<vmem>>, vector<1x16xf32>,
        %get3A_474 = vector.shape_cast %get3A_473 : vector<1x16xf32> to vector<1x16xf32>
        %mul3A_475 = arith.constant 32 : i32
        %mul3A_476 = arith.muli %add3A_112, %mul3A_475 : i32
        %add3A_477 = arith.constant 9 : i32
        %add3A_478 = arith.addi %mul3A_476, %add3A_477 : i32
        %get3A_479 = arith.index_cast %add3A_478 : i32 to index
        %get3A_480 = arith.constant 16 : index
        %get3A_481 = tpu.vector_load %arg5[%get3A_479, %get3A_480] {strides = array<i32>} : memref<256x128xf32, #tpu.memory_space<vmem>>, vector<1x16xf32>,
        %get3A_482 = vector.shape_cast %get3A_481 : vector<1x16xf32> to vector<1x16xf32>
        %mul3A_483 = arith.constant 32 : i32
        %mul3A_484 = arith.muli %add3A_112, %mul3A_483 : i32
        %add3A_485 = arith.constant 10 : i32
        %add3A_486 = arith.addi %mul3A_484, %add3A_485 : i32
        %get3A_487 = arith.index_cast %add3A_486 : i32 to index
        %get3A_488 = arith.constant 16 : index
        %get3A_489 = tpu.vector_load %arg5[%get3A_487, %get3A_488] {strides = array<i32>} : memref<256x128xf32, #tpu.memory_space<vmem>>, vector<1x16xf32>,
        %get3A_490 = vector.shape_cast %get3A_489 : vector<1x16xf32> to vector<1x16xf32>
        %mul3A_491 = arith.constant 32 : i32
        %mul3A_492 = arith.muli %add3A_112, %mul3A_491 : i32
        %add3A_493 = arith.constant 11 : i32
        %add3A_494 = arith.addi %mul3A_492, %add3A_493 : i32
        %get3A_495 = arith.index_cast %add3A_494 : i32 to index
        %get3A_496 = arith.constant 16 : index
        %get3A_497 = tpu.vector_load %arg5[%get3A_495, %get3A_496] {strides = array<i32>} : memref<256x128xf32, #tpu.memory_space<vmem>>, vector<1x16xf32>,
        %get3A_498 = vector.shape_cast %get3A_497 : vector<1x16xf32> to vector<1x16xf32>
        %mul3A_499 = arith.constant 32 : i32
        %mul3A_500 = arith.muli %add3A_112, %mul3A_499 : i32
        %add3A_501 = arith.constant 12 : i32
        %add3A_502 = arith.addi %mul3A_500, %add3A_501 : i32
        %get3A_503 = arith.index_cast %add3A_502 : i32 to index
        %get3A_504 = arith.constant 16 : index
        %get3A_505 = tpu.vector_load %arg5[%get3A_503, %get3A_504] {strides = array<i32>} : memref<256x128xf32, #tpu.memory_space<vmem>>, vector<1x16xf32>,
        %get3A_506 = vector.shape_cast %get3A_505 : vector<1x16xf32> to vector<1x16xf32>
        %mul3A_507 = arith.constant 32 : i32
        %mul3A_508 = arith.muli %add3A_112, %mul3A_507 : i32
        %add3A_509 = arith.constant 13 : i32
        %add3A_510 = arith.addi %mul3A_508, %add3A_509 : i32
        %get3A_511 = arith.index_cast %add3A_510 : i32 to index
        %get3A_512 = arith.constant 16 : index
        %get3A_513 = tpu.vector_load %arg5[%get3A_511, %get3A_512] {strides = array<i32>} : memref<256x128xf32, #tpu.memory_space<vmem>>, vector<1x16xf32>,
        %get3A_514 = vector.shape_cast %get3A_513 : vector<1x16xf32> to vector<1x16xf32>
        %mul3A_515 = arith.constant 32 : i32
        %mul3A_516 = arith.muli %add3A_112, %mul3A_515 : i32
        %add3A_517 = arith.constant 14 : i32
        %add3A_518 = arith.addi %mul3A_516, %add3A_517 : i32
        %get3A_519 = arith.index_cast %add3A_518 : i32 to index
        %get3A_520 = arith.constant 16 : index
        %get3A_521 = tpu.vector_load %arg5[%get3A_519, %get3A_520] {strides = array<i32>} : memref<256x128xf32, #tpu.memory_space<vmem>>, vector<1x16xf32>,
        %get3A_522 = vector.shape_cast %get3A_521 : vector<1x16xf32> to vector<1x16xf32>
        %mul3A_523 = arith.constant 32 : i32
        %mul3A_524 = arith.muli %add3A_112, %mul3A_523 : i32
        %add3A_525 = arith.constant 15 : i32
        %add3A_526 = arith.addi %mul3A_524, %add3A_525 : i32
        %get3A_527 = arith.index_cast %add3A_526 : i32 to index
        %get3A_528 = arith.constant 16 : index
        %get3A_529 = tpu.vector_load %arg5[%get3A_527, %get3A_528] {strides = array<i32>} : memref<256x128xf32, #tpu.memory_space<vmem>>, vector<1x16xf32>,
        %get3A_530 = vector.shape_cast %get3A_529 : vector<1x16xf32> to vector<1x16xf32>
        %mul3A_531 = arith.constant 32 : i32
        %mul3A_532 = arith.muli %add3A_112, %mul3A_531 : i32
        %add3A_533 = arith.constant 16 : i32
        %add3A_534 = arith.addi %mul3A_532, %add3A_533 : i32
        %get3A_535 = arith.index_cast %add3A_534 : i32 to index
        %get3A_536 = arith.constant 16 : index
        %get3A_537 = tpu.vector_load %arg5[%get3A_535, %get3A_536] {strides = array<i32>} : memref<256x128xf32, #tpu.memory_space<vmem>>, vector<1x16xf32>,
        %get3A_538 = vector.shape_cast %get3A_537 : vector<1x16xf32> to vector<1x16xf32>
        %mul3A_539 = arith.constant 32 : i32
        %mul3A_540 = arith.muli %add3A_112, %mul3A_539 : i32
        %add3A_541 = arith.constant 17 : i32
        %add3A_542 = arith.addi %mul3A_540, %add3A_541 : i32
        %get3A_543 = arith.index_cast %add3A_542 : i32 to index
        %get3A_544 = arith.constant 16 : index
        %get3A_545 = tpu.vector_load %arg5[%get3A_543, %get3A_544] {strides = array<i32>} : memref<256x128xf32, #tpu.memory_space<vmem>>, vector<1x16xf32>,
        %get3A_546 = vector.shape_cast %get3A_545 : vector<1x16xf32> to vector<1x16xf32>
        %mul3A_547 = arith.constant 32 : i32
        %mul3A_548 = arith.muli %add3A_112, %mul3A_547 : i32
        %add3A_549 = arith.constant 18 : i32
        %add3A_550 = arith.addi %mul3A_548, %add3A_549 : i32
        %get3A_551 = arith.index_cast %add3A_550 : i32 to index
        %get3A_552 = arith.constant 16 : index
        %get3A_553 = tpu.vector_load %arg5[%get3A_551, %get3A_552] {strides = array<i32>} : memref<256x128xf32, #tpu.memory_space<vmem>>, vector<1x16xf32>,
        %get3A_554 = vector.shape_cast %get3A_553 : vector<1x16xf32> to vector<1x16xf32>
        %mul3A_555 = arith.constant 32 : i32
        %mul3A_556 = arith.muli %add3A_112, %mul3A_555 : i32
        %add3A_557 = arith.constant 19 : i32
        %add3A_558 = arith.addi %mul3A_556, %add3A_557 : i32
        %get3A_559 = arith.index_cast %add3A_558 : i32 to index
        %get3A_560 = arith.constant 16 : index
        %get3A_561 = tpu.vector_load %arg5[%get3A_559, %get3A_560] {strides = array<i32>} : memref<256x128xf32, #tpu.memory_space<vmem>>, vector<1x16xf32>,
        %get3A_562 = vector.shape_cast %get3A_561 : vector<1x16xf32> to vector<1x16xf32>
        %mul3A_563 = arith.constant 32 : i32
        %mul3A_564 = arith.muli %add3A_112, %mul3A_563 : i32
        %add3A_565 = arith.constant 20 : i32
        %add3A_566 = arith.addi %mul3A_564, %add3A_565 : i32
        %get3A_567 = arith.index_cast %add3A_566 : i32 to index
        %get3A_568 = arith.constant 16 : index
        %get3A_569 = tpu.vector_load %arg5[%get3A_567, %get3A_568] {strides = array<i32>} : memref<256x128xf32, #tpu.memory_space<vmem>>, vector<1x16xf32>,
        %get3A_570 = vector.shape_cast %get3A_569 : vector<1x16xf32> to vector<1x16xf32>
        %mul3A_571 = arith.constant 32 : i32
        %mul3A_572 = arith.muli %add3A_112, %mul3A_571 : i32
        %add3A_573 = arith.constant 21 : i32
        %add3A_574 = arith.addi %mul3A_572, %add3A_573 : i32
        %get3A_575 = arith.index_cast %add3A_574 : i32 to index
        %get3A_576 = arith.constant 16 : index
        %get3A_577 = tpu.vector_load %arg5[%get3A_575, %get3A_576] {strides = array<i32>} : memref<256x128xf32, #tpu.memory_space<vmem>>, vector<1x16xf32>,
        %get3A_578 = vector.shape_cast %get3A_577 : vector<1x16xf32> to vector<1x16xf32>
        %mul3A_579 = arith.constant 32 : i32
        %mul3A_580 = arith.muli %add3A_112, %mul3A_579 : i32
        %add3A_581 = arith.constant 22 : i32
        %add3A_582 = arith.addi %mul3A_580, %add3A_581 : i32
        %get3A_583 = arith.index_cast %add3A_582 : i32 to index
        %get3A_584 = arith.constant 16 : index
        %get3A_585 = tpu.vector_load %arg5[%get3A_583, %get3A_584] {strides = array<i32>} : memref<256x128xf32, #tpu.memory_space<vmem>>, vector<1x16xf32>,
        %get3A_586 = vector.shape_cast %get3A_585 : vector<1x16xf32> to vector<1x16xf32>
        %mul3A_587 = arith.constant 32 : i32
        %mul3A_588 = arith.muli %add3A_112, %mul3A_587 : i32
        %add3A_589 = arith.constant 23 : i32
        %add3A_590 = arith.addi %mul3A_588, %add3A_589 : i32
        %get3A_591 = arith.index_cast %add3A_590 : i32 to index
        %get3A_592 = arith.constant 16 : index
        %get3A_593 = tpu.vector_load %arg5[%get3A_591, %get3A_592] {strides = array<i32>} : memref<256x128xf32, #tpu.memory_space<vmem>>, vector<1x16xf32>,
        %get3A_594 = vector.shape_cast %get3A_593 : vector<1x16xf32> to vector<1x16xf32>
        %mul3A_595 = arith.constant 32 : i32
        %mul3A_596 = arith.muli %add3A_112, %mul3A_595 : i32
        %add3A_597 = arith.constant 24 : i32
        %add3A_598 = arith.addi %mul3A_596, %add3A_597 : i32
        %get3A_599 = arith.index_cast %add3A_598 : i32 to index
        %get3A_600 = arith.constant 16 : index
        %get3A_601 = tpu.vector_load %arg5[%get3A_599, %get3A_600] {strides = array<i32>} : memref<256x128xf32, #tpu.memory_space<vmem>>, vector<1x16xf32>,
        %get3A_602 = vector.shape_cast %get3A_601 : vector<1x16xf32> to vector<1x16xf32>
        %mul3A_603 = arith.constant 32 : i32
        %mul3A_604 = arith.muli %add3A_112, %mul3A_603 : i32
        %add3A_605 = arith.constant 25 : i32
        %add3A_606 = arith.addi %mul3A_604, %add3A_605 : i32
        %get3A_607 = arith.index_cast %add3A_606 : i32 to index
        %get3A_608 = arith.constant 16 : index
        %get3A_609 = tpu.vector_load %arg5[%get3A_607, %get3A_608] {strides = array<i32>} : memref<256x128xf32, #tpu.memory_space<vmem>>, vector<1x16xf32>,
        %get3A_610 = vector.shape_cast %get3A_609 : vector<1x16xf32> to vector<1x16xf32>
        %mul3A_611 = arith.constant 32 : i32
        %mul3A_612 = arith.muli %add3A_112, %mul3A_611 : i32
        %add3A_613 = arith.constant 26 : i32
        %add3A_614 = arith.addi %mul3A_612, %add3A_613 : i32
        %get3A_615 = arith.index_cast %add3A_614 : i32 to index
        %get3A_616 = arith.constant 16 : index
        %get3A_617 = tpu.vector_load %arg5[%get3A_615, %get3A_616] {strides = array<i32>} : memref<256x128xf32, #tpu.memory_space<vmem>>, vector<1x16xf32>,
        %get3A_618 = vector.shape_cast %get3A_617 : vector<1x16xf32> to vector<1x16xf32>
        %mul3A_619 = arith.constant 32 : i32
        %mul3A_620 = arith.muli %add3A_112, %mul3A_619 : i32
        %add3A_621 = arith.constant 27 : i32
        %add3A_622 = arith.addi %mul3A_620, %add3A_621 : i32
        %get3A_623 = arith.index_cast %add3A_622 : i32 to index
        %get3A_624 = arith.constant 16 : index
        %get3A_625 = tpu.vector_load %arg5[%get3A_623, %get3A_624] {strides = array<i32>} : memref<256x128xf32, #tpu.memory_space<vmem>>, vector<1x16xf32>,
        %get3A_626 = vector.shape_cast %get3A_625 : vector<1x16xf32> to vector<1x16xf32>
        %mul3A_627 = arith.constant 32 : i32
        %mul3A_628 = arith.muli %add3A_112, %mul3A_627 : i32
        %add3A_629 = arith.constant 28 : i32
        %add3A_630 = arith.addi %mul3A_628, %add3A_629 : i32
        %get3A_631 = arith.index_cast %add3A_630 : i32 to index
        %get3A_632 = arith.constant 16 : index
        %get3A_633 = tpu.vector_load %arg5[%get3A_631, %get3A_632] {strides = array<i32>} : memref<256x128xf32, #tpu.memory_space<vmem>>, vector<1x16xf32>,
        %get3A_634 = vector.shape_cast %get3A_633 : vector<1x16xf32> to vector<1x16xf32>
        %mul3A_635 = arith.constant 32 : i32
        %mul3A_636 = arith.muli %add3A_112, %mul3A_635 : i32
        %add3A_637 = arith.constant 29 : i32
        %add3A_638 = arith.addi %mul3A_636, %add3A_637 : i32
        %get3A_639 = arith.index_cast %add3A_638 : i32 to index
        %get3A_640 = arith.constant 16 : index
        %get3A_641 = tpu.vector_load %arg5[%get3A_639, %get3A_640] {strides = array<i32>} : memref<256x128xf32, #tpu.memory_space<vmem>>, vector<1x16xf32>,
        %get3A_642 = vector.shape_cast %get3A_641 : vector<1x16xf32> to vector<1x16xf32>
        %mul3A_643 = arith.constant 32 : i32
        %mul3A_644 = arith.muli %add3A_112, %mul3A_643 : i32
        %add3A_645 = arith.constant 30 : i32
        %add3A_646 = arith.addi %mul3A_644, %add3A_645 : i32
        %get3A_647 = arith.index_cast %add3A_646 : i32 to index
        %get3A_648 = arith.constant 16 : index
        %get3A_649 = tpu.vector_load %arg5[%get3A_647, %get3A_648] {strides = array<i32>} : memref<256x128xf32, #tpu.memory_space<vmem>>, vector<1x16xf32>,
        %get3A_650 = vector.shape_cast %get3A_649 : vector<1x16xf32> to vector<1x16xf32>
        %mul3A_651 = arith.constant 32 : i32
        %mul3A_652 = arith.muli %add3A_112, %mul3A_651 : i32
        %add3A_653 = arith.constant 31 : i32
        %add3A_654 = arith.addi %mul3A_652, %add3A_653 : i32
        %get3A_655 = arith.index_cast %add3A_654 : i32 to index
        %get3A_656 = arith.constant 16 : index
        %get3A_657 = tpu.vector_load %arg5[%get3A_655, %get3A_656] {strides = array<i32>} : memref<256x128xf32, #tpu.memory_space<vmem>>, vector<1x16xf32>,
        %get3A_658 = vector.shape_cast %get3A_657 : vector<1x16xf32> to vector<1x16xf32>
        %add3A_659 = arith.addf %get3A_410, %get3A_418 : vector<1x16xf32>
        %add3A_660 = arith.addf %get3A_426, %get3A_434 : vector<1x16xf32>
        %add3A_661 = arith.addf %get3A_442, %get3A_450 : vector<1x16xf32>
        %add3A_662 = arith.addf %get3A_458, %get3A_466 : vector<1x16xf32>
        %add3A_663 = arith.addf %get3A_474, %get3A_482 : vector<1x16xf32>
        %add3A_664 = arith.addf %get3A_490, %get3A_498 : vector<1x16xf32>
        %add3A_665 = arith.addf %get3A_506, %get3A_514 : vector<1x16xf32>
        %add3A_666 = arith.addf %get3A_522, %get3A_530 : vector<1x16xf32>
        %add3A_667 = arith.addf %get3A_538, %get3A_546 : vector<1x16xf32>
        %add3A_668 = arith.addf %get3A_554, %get3A_562 : vector<1x16xf32>
        %add3A_669 = arith.addf %get3A_570, %get3A_578 : vector<1x16xf32>
        %add3A_670 = arith.addf %get3A_586, %get3A_594 : vector<1x16xf32>
        %add3A_671 = arith.addf %get3A_602, %get3A_610 : vector<1x16xf32>
        %add3A_672 = arith.addf %get3A_618, %get3A_626 : vector<1x16xf32>
        %add3A_673 = arith.addf %get3A_634, %get3A_642 : vector<1x16xf32>
        %add3A_674 = arith.addf %get3A_650, %get3A_658 : vector<1x16xf32>
        %add3A_675 = arith.addf %add3A_659, %add3A_660 : vector<1x16xf32>
        %add3A_676 = arith.addf %add3A_661, %add3A_662 : vector<1x16xf32>
        %add3A_677 = arith.addf %add3A_663, %add3A_664 : vector<1x16xf32>
        %add3A_678 = arith.addf %add3A_665, %add3A_666 : vector<1x16xf32>
        %add3A_679 = arith.addf %add3A_667, %add3A_668 : vector<1x16xf32>
        %add3A_680 = arith.addf %add3A_669, %add3A_670 : vector<1x16xf32>
        %add3A_681 = arith.addf %add3A_671, %add3A_672 : vector<1x16xf32>
        %add3A_682 = arith.addf %add3A_673, %add3A_674 : vector<1x16xf32>
        %add3A_683 = arith.addf %add3A_675, %add3A_676 : vector<1x16xf32>
        %add3A_684 = arith.addf %add3A_677, %add3A_678 : vector<1x16xf32>
        %add3A_685 = arith.addf %add3A_679, %add3A_680 : vector<1x16xf32>
        %add3A_686 = arith.addf %add3A_681, %add3A_682 : vector<1x16xf32>
        %add3A_687 = arith.addf %add3A_683, %add3A_684 : vector<1x16xf32>
        %add3A_688 = arith.addf %add3A_685, %add3A_686 : vector<1x16xf32>
        %add3A_689 = arith.addf %add3A_687, %add3A_688 : vector<1x16xf32>
        %swap3A_690 = arith.index_cast %add3A_112 : i32 to index
        %swap3A_691 = arith.constant 16 : index
        %swap3A_692 = tpu.vector_load %arg7[%swap3A_690, %swap3A_691] {strides = array<i32>} : memref<8x128xf32, #tpu.memory_space<vmem>>, vector<1x16xf32>,
        %swap3A_693 = vector.shape_cast %swap3A_692 : vector<1x16xf32> to vector<1x16xf32>
        %swap3A_694 = vector.shape_cast %add3A_689 : vector<1x16xf32> to vector<1x16xf32>
        tpu.vector_store %arg7[%swap3A_690, %swap3A_691], %swap3A_694 {strides = array<i32>} : memref<8x128xf32, #tpu.memory_space<vmem>>, vector<1x16xf32>,
        %mul3A_695 = arith.constant 32 : i32
        %mul3A_696 = arith.muli %add3A_112, %mul3A_695 : i32
        %add3A_697 = arith.constant 0 : i32
        %add3A_698 = arith.addi %mul3A_696, %add3A_697 : i32
        %get3A_699 = arith.index_cast %add3A_698 : i32 to index
        %get3A_700 = arith.constant 32 : index
        %get3A_701 = tpu.vector_load %arg5[%get3A_699, %get3A_700] {strides = array<i32>} : memref<256x128xf32, #tpu.memory_space<vmem>>, vector<1x16xf32>,
        %get3A_702 = vector.shape_cast %get3A_701 : vector<1x16xf32> to vector<1x16xf32>
        %mul3A_703 = arith.constant 32 : i32
        %mul3A_704 = arith.muli %add3A_112, %mul3A_703 : i32
        %add3A_705 = arith.constant 1 : i32
        %add3A_706 = arith.addi %mul3A_704, %add3A_705 : i32
        %get3A_707 = arith.index_cast %add3A_706 : i32 to index
        %get3A_708 = arith.constant 32 : index
        %get3A_709 = tpu.vector_load %arg5[%get3A_707, %get3A_708] {strides = array<i32>} : memref<256x128xf32, #tpu.memory_space<vmem>>, vector<1x16xf32>,
        %get3A_710 = vector.shape_cast %get3A_709 : vector<1x16xf32> to vector<1x16xf32>
        %mul3A_711 = arith.constant 32 : i32
        %mul3A_712 = arith.muli %add3A_112, %mul3A_711 : i32
        %add3A_713 = arith.constant 2 : i32
        %add3A_714 = arith.addi %mul3A_712, %add3A_713 : i32
        %get3A_715 = arith.index_cast %add3A_714 : i32 to index
        %get3A_716 = arith.constant 32 : index
        %get3A_717 = tpu.vector_load %arg5[%get3A_715, %get3A_716] {strides = array<i32>} : memref<256x128xf32, #tpu.memory_space<vmem>>, vector<1x16xf32>,
        %get3A_718 = vector.shape_cast %get3A_717 : vector<1x16xf32> to vector<1x16xf32>
        %mul3A_719 = arith.constant 32 : i32
        %mul3A_720 = arith.muli %add3A_112, %mul3A_719 : i32
        %add3A_721 = arith.constant 3 : i32
        %add3A_722 = arith.addi %mul3A_720, %add3A_721 : i32
        %get3A_723 = arith.index_cast %add3A_722 : i32 to index
        %get3A_724 = arith.constant 32 : index
        %get3A_725 = tpu.vector_load %arg5[%get3A_723, %get3A_724] {strides = array<i32>} : memref<256x128xf32, #tpu.memory_space<vmem>>, vector<1x16xf32>,
        %get3A_726 = vector.shape_cast %get3A_725 : vector<1x16xf32> to vector<1x16xf32>
        %mul3A_727 = arith.constant 32 : i32
        %mul3A_728 = arith.muli %add3A_112, %mul3A_727 : i32
        %add3A_729 = arith.constant 4 : i32
        %add3A_730 = arith.addi %mul3A_728, %add3A_729 : i32
        %get3A_731 = arith.index_cast %add3A_730 : i32 to index
        %get3A_732 = arith.constant 32 : index
        %get3A_733 = tpu.vector_load %arg5[%get3A_731, %get3A_732] {strides = array<i32>} : memref<256x128xf32, #tpu.memory_space<vmem>>, vector<1x16xf32>,
        %get3A_734 = vector.shape_cast %get3A_733 : vector<1x16xf32> to vector<1x16xf32>
        %mul3A_735 = arith.constant 32 : i32
        %mul3A_736 = arith.muli %add3A_112, %mul3A_735 : i32
        %add3A_737 = arith.constant 5 : i32
        %add3A_738 = arith.addi %mul3A_736, %add3A_737 : i32
        %get3A_739 = arith.index_cast %add3A_738 : i32 to index
        %get3A_740 = arith.constant 32 : index
        %get3A_741 = tpu.vector_load %arg5[%get3A_739, %get3A_740] {strides = array<i32>} : memref<256x128xf32, #tpu.memory_space<vmem>>, vector<1x16xf32>,
        %get3A_742 = vector.shape_cast %get3A_741 : vector<1x16xf32> to vector<1x16xf32>
        %mul3A_743 = arith.constant 32 : i32
        %mul3A_744 = arith.muli %add3A_112, %mul3A_743 : i32
        %add3A_745 = arith.constant 6 : i32
        %add3A_746 = arith.addi %mul3A_744, %add3A_745 : i32
        %get3A_747 = arith.index_cast %add3A_746 : i32 to index
        %get3A_748 = arith.constant 32 : index
        %get3A_749 = tpu.vector_load %arg5[%get3A_747, %get3A_748] {strides = array<i32>} : memref<256x128xf32, #tpu.memory_space<vmem>>, vector<1x16xf32>,
        %get3A_750 = vector.shape_cast %get3A_749 : vector<1x16xf32> to vector<1x16xf32>
        %mul3A_751 = arith.constant 32 : i32
        %mul3A_752 = arith.muli %add3A_112, %mul3A_751 : i32
        %add3A_753 = arith.constant 7 : i32
        %add3A_754 = arith.addi %mul3A_752, %add3A_753 : i32
        %get3A_755 = arith.index_cast %add3A_754 : i32 to index
        %get3A_756 = arith.constant 32 : index
        %get3A_757 = tpu.vector_load %arg5[%get3A_755, %get3A_756] {strides = array<i32>} : memref<256x128xf32, #tpu.memory_space<vmem>>, vector<1x16xf32>,
        %get3A_758 = vector.shape_cast %get3A_757 : vector<1x16xf32> to vector<1x16xf32>
        %mul3A_759 = arith.constant 32 : i32
        %mul3A_760 = arith.muli %add3A_112, %mul3A_759 : i32
        %add3A_761 = arith.constant 8 : i32
        %add3A_762 = arith.addi %mul3A_760, %add3A_761 : i32
        %get3A_763 = arith.index_cast %add3A_762 : i32 to index
        %get3A_764 = arith.constant 32 : index
        %get3A_765 = tpu.vector_load %arg5[%get3A_763, %get3A_764] {strides = array<i32>} : memref<256x128xf32, #tpu.memory_space<vmem>>, vector<1x16xf32>,
        %get3A_766 = vector.shape_cast %get3A_765 : vector<1x16xf32> to vector<1x16xf32>
        %mul3A_767 = arith.constant 32 : i32
        %mul3A_768 = arith.muli %add3A_112, %mul3A_767 : i32
        %add3A_769 = arith.constant 9 : i32
        %add3A_770 = arith.addi %mul3A_768, %add3A_769 : i32
        %get3A_771 = arith.index_cast %add3A_770 : i32 to index
        %get3A_772 = arith.constant 32 : index
        %get3A_773 = tpu.vector_load %arg5[%get3A_771, %get3A_772] {strides = array<i32>} : memref<256x128xf32, #tpu.memory_space<vmem>>, vector<1x16xf32>,
        %get3A_774 = vector.shape_cast %get3A_773 : vector<1x16xf32> to vector<1x16xf32>
        %mul3A_775 = arith.constant 32 : i32
        %mul3A_776 = arith.muli %add3A_112, %mul3A_775 : i32
        %add3A_777 = arith.constant 10 : i32
        %add3A_778 = arith.addi %mul3A_776, %add3A_777 : i32
        %get3A_779 = arith.index_cast %add3A_778 : i32 to index
        %get3A_780 = arith.constant 32 : index
        %get3A_781 = tpu.vector_load %arg5[%get3A_779, %get3A_780] {strides = array<i32>} : memref<256x128xf32, #tpu.memory_space<vmem>>, vector<1x16xf32>,
        %get3A_782 = vector.shape_cast %get3A_781 : vector<1x16xf32> to vector<1x16xf32>
        %mul3A_783 = arith.constant 32 : i32
        %mul3A_784 = arith.muli %add3A_112, %mul3A_783 : i32
        %add3A_785 = arith.constant 11 : i32
        %add3A_786 = arith.addi %mul3A_784, %add3A_785 : i32
        %get3A_787 = arith.index_cast %add3A_786 : i32 to index
        %get3A_788 = arith.constant 32 : index
        %get3A_789 = tpu.vector_load %arg5[%get3A_787, %get3A_788] {strides = array<i32>} : memref<256x128xf32, #tpu.memory_space<vmem>>, vector<1x16xf32>,
        %get3A_790 = vector.shape_cast %get3A_789 : vector<1x16xf32> to vector<1x16xf32>
        %mul3A_791 = arith.constant 32 : i32
        %mul3A_792 = arith.muli %add3A_112, %mul3A_791 : i32
        %add3A_793 = arith.constant 12 : i32
        %add3A_794 = arith.addi %mul3A_792, %add3A_793 : i32
        %get3A_795 = arith.index_cast %add3A_794 : i32 to index
        %get3A_796 = arith.constant 32 : index
        %get3A_797 = tpu.vector_load %arg5[%get3A_795, %get3A_796] {strides = array<i32>} : memref<256x128xf32, #tpu.memory_space<vmem>>, vector<1x16xf32>,
        %get3A_798 = vector.shape_cast %get3A_797 : vector<1x16xf32> to vector<1x16xf32>
        %mul3A_799 = arith.constant 32 : i32
        %mul3A_800 = arith.muli %add3A_112, %mul3A_799 : i32
        %add3A_801 = arith.constant 13 : i32
        %add3A_802 = arith.addi %mul3A_800, %add3A_801 : i32
        %get3A_803 = arith.index_cast %add3A_802 : i32 to index
        %get3A_804 = arith.constant 32 : index
        %get3A_805 = tpu.vector_load %arg5[%get3A_803, %get3A_804] {strides = array<i32>} : memref<256x128xf32, #tpu.memory_space<vmem>>, vector<1x16xf32>,
        %get3A_806 = vector.shape_cast %get3A_805 : vector<1x16xf32> to vector<1x16xf32>
        %mul3A_807 = arith.constant 32 : i32
        %mul3A_808 = arith.muli %add3A_112, %mul3A_807 : i32
        %add3A_809 = arith.constant 14 : i32
        %add3A_810 = arith.addi %mul3A_808, %add3A_809 : i32
        %get3A_811 = arith.index_cast %add3A_810 : i32 to index
        %get3A_812 = arith.constant 32 : index
        %get3A_813 = tpu.vector_load %arg5[%get3A_811, %get3A_812] {strides = array<i32>} : memref<256x128xf32, #tpu.memory_space<vmem>>, vector<1x16xf32>,
        %get3A_814 = vector.shape_cast %get3A_813 : vector<1x16xf32> to vector<1x16xf32>
        %mul3A_815 = arith.constant 32 : i32
        %mul3A_816 = arith.muli %add3A_112, %mul3A_815 : i32
        %add3A_817 = arith.constant 15 : i32
        %add3A_818 = arith.addi %mul3A_816, %add3A_817 : i32
        %get3A_819 = arith.index_cast %add3A_818 : i32 to index
        %get3A_820 = arith.constant 32 : index
        %get3A_821 = tpu.vector_load %arg5[%get3A_819, %get3A_820] {strides = array<i32>} : memref<256x128xf32, #tpu.memory_space<vmem>>, vector<1x16xf32>,
        %get3A_822 = vector.shape_cast %get3A_821 : vector<1x16xf32> to vector<1x16xf32>
        %mul3A_823 = arith.constant 32 : i32
        %mul3A_824 = arith.muli %add3A_112, %mul3A_823 : i32
        %add3A_825 = arith.constant 16 : i32
        %add3A_826 = arith.addi %mul3A_824, %add3A_825 : i32
        %get3A_827 = arith.index_cast %add3A_826 : i32 to index
        %get3A_828 = arith.constant 32 : index
        %get3A_829 = tpu.vector_load %arg5[%get3A_827, %get3A_828] {strides = array<i32>} : memref<256x128xf32, #tpu.memory_space<vmem>>, vector<1x16xf32>,
        %get3A_830 = vector.shape_cast %get3A_829 : vector<1x16xf32> to vector<1x16xf32>
        %mul3A_831 = arith.constant 32 : i32
        %mul3A_832 = arith.muli %add3A_112, %mul3A_831 : i32
        %add3A_833 = arith.constant 17 : i32
        %add3A_834 = arith.addi %mul3A_832, %add3A_833 : i32
        %get3A_835 = arith.index_cast %add3A_834 : i32 to index
        %get3A_836 = arith.constant 32 : index
        %get3A_837 = tpu.vector_load %arg5[%get3A_835, %get3A_836] {strides = array<i32>} : memref<256x128xf32, #tpu.memory_space<vmem>>, vector<1x16xf32>,
        %get3A_838 = vector.shape_cast %get3A_837 : vector<1x16xf32> to vector<1x16xf32>
        %mul3A_839 = arith.constant 32 : i32
        %mul3A_840 = arith.muli %add3A_112, %mul3A_839 : i32
        %add3A_841 = arith.constant 18 : i32
        %add3A_842 = arith.addi %mul3A_840, %add3A_841 : i32
        %get3A_843 = arith.index_cast %add3A_842 : i32 to index
        %get3A_844 = arith.constant 32 : index
        %get3A_845 = tpu.vector_load %arg5[%get3A_843, %get3A_844] {strides = array<i32>} : memref<256x128xf32, #tpu.memory_space<vmem>>, vector<1x16xf32>,
        %get3A_846 = vector.shape_cast %get3A_845 : vector<1x16xf32> to vector<1x16xf32>
        %mul3A_847 = arith.constant 32 : i32
        %mul3A_848 = arith.muli %add3A_112, %mul3A_847 : i32
        %add3A_849 = arith.constant 19 : i32
        %add3A_850 = arith.addi %mul3A_848, %add3A_849 : i32
        %get3A_851 = arith.index_cast %add3A_850 : i32 to index
        %get3A_852 = arith.constant 32 : index
        %get3A_853 = tpu.vector_load %arg5[%get3A_851, %get3A_852] {strides = array<i32>} : memref<256x128xf32, #tpu.memory_space<vmem>>, vector<1x16xf32>,
        %get3A_854 = vector.shape_cast %get3A_853 : vector<1x16xf32> to vector<1x16xf32>
        %mul3A_855 = arith.constant 32 : i32
        %mul3A_856 = arith.muli %add3A_112, %mul3A_855 : i32
        %add3A_857 = arith.constant 20 : i32
        %add3A_858 = arith.addi %mul3A_856, %add3A_857 : i32
        %get3A_859 = arith.index_cast %add3A_858 : i32 to index
        %get3A_860 = arith.constant 32 : index
        %get3A_861 = tpu.vector_load %arg5[%get3A_859, %get3A_860] {strides = array<i32>} : memref<256x128xf32, #tpu.memory_space<vmem>>, vector<1x16xf32>,
        %get3A_862 = vector.shape_cast %get3A_861 : vector<1x16xf32> to vector<1x16xf32>
        %mul3A_863 = arith.constant 32 : i32
        %mul3A_864 = arith.muli %add3A_112, %mul3A_863 : i32
        %add3A_865 = arith.constant 21 : i32
        %add3A_866 = arith.addi %mul3A_864, %add3A_865 : i32
        %get3A_867 = arith.index_cast %add3A_866 : i32 to index
        %get3A_868 = arith.constant 32 : index
        %get3A_869 = tpu.vector_load %arg5[%get3A_867, %get3A_868] {strides = array<i32>} : memref<256x128xf32, #tpu.memory_space<vmem>>, vector<1x16xf32>,
        %get3A_870 = vector.shape_cast %get3A_869 : vector<1x16xf32> to vector<1x16xf32>
        %mul3A_871 = arith.constant 32 : i32
        %mul3A_872 = arith.muli %add3A_112, %mul3A_871 : i32
        %add3A_873 = arith.constant 22 : i32
        %add3A_874 = arith.addi %mul3A_872, %add3A_873 : i32
        %get3A_875 = arith.index_cast %add3A_874 : i32 to index
        %get3A_876 = arith.constant 32 : index
        %get3A_877 = tpu.vector_load %arg5[%get3A_875, %get3A_876] {strides = array<i32>} : memref<256x128xf32, #tpu.memory_space<vmem>>, vector<1x16xf32>,
        %get3A_878 = vector.shape_cast %get3A_877 : vector<1x16xf32> to vector<1x16xf32>
        %mul3A_879 = arith.constant 32 : i32
        %mul3A_880 = arith.muli %add3A_112, %mul3A_879 : i32
        %add3A_881 = arith.constant 23 : i32
        %add3A_882 = arith.addi %mul3A_880, %add3A_881 : i32
        %get3A_883 = arith.index_cast %add3A_882 : i32 to index
        %get3A_884 = arith.constant 32 : index
        %get3A_885 = tpu.vector_load %arg5[%get3A_883, %get3A_884] {strides = array<i32>} : memref<256x128xf32, #tpu.memory_space<vmem>>, vector<1x16xf32>,
        %get3A_886 = vector.shape_cast %get3A_885 : vector<1x16xf32> to vector<1x16xf32>
        %mul3A_887 = arith.constant 32 : i32
        %mul3A_888 = arith.muli %add3A_112, %mul3A_887 : i32
        %add3A_889 = arith.constant 24 : i32
        %add3A_890 = arith.addi %mul3A_888, %add3A_889 : i32
        %get3A_891 = arith.index_cast %add3A_890 : i32 to index
        %get3A_892 = arith.constant 32 : index
        %get3A_893 = tpu.vector_load %arg5[%get3A_891, %get3A_892] {strides = array<i32>} : memref<256x128xf32, #tpu.memory_space<vmem>>, vector<1x16xf32>,
        %get3A_894 = vector.shape_cast %get3A_893 : vector<1x16xf32> to vector<1x16xf32>
        %mul3A_895 = arith.constant 32 : i32
        %mul3A_896 = arith.muli %add3A_112, %mul3A_895 : i32
        %add3A_897 = arith.constant 25 : i32
        %add3A_898 = arith.addi %mul3A_896, %add3A_897 : i32
        %get3A_899 = arith.index_cast %add3A_898 : i32 to index
        %get3A_900 = arith.constant 32 : index
        %get3A_901 = tpu.vector_load %arg5[%get3A_899, %get3A_900] {strides = array<i32>} : memref<256x128xf32, #tpu.memory_space<vmem>>, vector<1x16xf32>,
        %get3A_902 = vector.shape_cast %get3A_901 : vector<1x16xf32> to vector<1x16xf32>
        %mul3A_903 = arith.constant 32 : i32
        %mul3A_904 = arith.muli %add3A_112, %mul3A_903 : i32
        %add3A_905 = arith.constant 26 : i32
        %add3A_906 = arith.addi %mul3A_904, %add3A_905 : i32
        %get3A_907 = arith.index_cast %add3A_906 : i32 to index
        %get3A_908 = arith.constant 32 : index
        %get3A_909 = tpu.vector_load %arg5[%get3A_907, %get3A_908] {strides = array<i32>} : memref<256x128xf32, #tpu.memory_space<vmem>>, vector<1x16xf32>,
        %get3A_910 = vector.shape_cast %get3A_909 : vector<1x16xf32> to vector<1x16xf32>
        %mul3A_911 = arith.constant 32 : i32
        %mul3A_912 = arith.muli %add3A_112, %mul3A_911 : i32
        %add3A_913 = arith.constant 27 : i32
        %add3A_914 = arith.addi %mul3A_912, %add3A_913 : i32
        %get3A_915 = arith.index_cast %add3A_914 : i32 to index
        %get3A_916 = arith.constant 32 : index
        %get3A_917 = tpu.vector_load %arg5[%get3A_915, %get3A_916] {strides = array<i32>} : memref<256x128xf32, #tpu.memory_space<vmem>>, vector<1x16xf32>,
        %get3A_918 = vector.shape_cast %get3A_917 : vector<1x16xf32> to vector<1x16xf32>
        %mul3A_919 = arith.constant 32 : i32
        %mul3A_920 = arith.muli %add3A_112, %mul3A_919 : i32
        %add3A_921 = arith.constant 28 : i32
        %add3A_922 = arith.addi %mul3A_920, %add3A_921 : i32
        %get3A_923 = arith.index_cast %add3A_922 : i32 to index
        %get3A_924 = arith.constant 32 : index
        %get3A_925 = tpu.vector_load %arg5[%get3A_923, %get3A_924] {strides = array<i32>} : memref<256x128xf32, #tpu.memory_space<vmem>>, vector<1x16xf32>,
        %get3A_926 = vector.shape_cast %get3A_925 : vector<1x16xf32> to vector<1x16xf32>
        %mul3A_927 = arith.constant 32 : i32
        %mul3A_928 = arith.muli %add3A_112, %mul3A_927 : i32
        %add3A_929 = arith.constant 29 : i32
        %add3A_930 = arith.addi %mul3A_928, %add3A_929 : i32
        %get3A_931 = arith.index_cast %add3A_930 : i32 to index
        %get3A_932 = arith.constant 32 : index
        %get3A_933 = tpu.vector_load %arg5[%get3A_931, %get3A_932] {strides = array<i32>} : memref<256x128xf32, #tpu.memory_space<vmem>>, vector<1x16xf32>,
        %get3A_934 = vector.shape_cast %get3A_933 : vector<1x16xf32> to vector<1x16xf32>
        %mul3A_935 = arith.constant 32 : i32
        %mul3A_936 = arith.muli %add3A_112, %mul3A_935 : i32
        %add3A_937 = arith.constant 30 : i32
        %add3A_938 = arith.addi %mul3A_936, %add3A_937 : i32
        %get3A_939 = arith.index_cast %add3A_938 : i32 to index
        %get3A_940 = arith.constant 32 : index
        %get3A_941 = tpu.vector_load %arg5[%get3A_939, %get3A_940] {strides = array<i32>} : memref<256x128xf32, #tpu.memory_space<vmem>>, vector<1x16xf32>,
        %get3A_942 = vector.shape_cast %get3A_941 : vector<1x16xf32> to vector<1x16xf32>
        %mul3A_943 = arith.constant 32 : i32
        %mul3A_944 = arith.muli %add3A_112, %mul3A_943 : i32
        %add3A_945 = arith.constant 31 : i32
        %add3A_946 = arith.addi %mul3A_944, %add3A_945 : i32
        %get3A_947 = arith.index_cast %add3A_946 : i32 to index
        %get3A_948 = arith.constant 32 : index
        %get3A_949 = tpu.vector_load %arg5[%get3A_947, %get3A_948] {strides = array<i32>} : memref<256x128xf32, #tpu.memory_space<vmem>>, vector<1x16xf32>,
        %get3A_950 = vector.shape_cast %get3A_949 : vector<1x16xf32> to vector<1x16xf32>
        %add3A_951 = arith.addf %get3A_702, %get3A_710 : vector<1x16xf32>
        %add3A_952 = arith.addf %get3A_718, %get3A_726 : vector<1x16xf32>
        %add3A_953 = arith.addf %get3A_734, %get3A_742 : vector<1x16xf32>
        %add3A_954 = arith.addf %get3A_750, %get3A_758 : vector<1x16xf32>
        %add3A_955 = arith.addf %get3A_766, %get3A_774 : vector<1x16xf32>
        %add3A_956 = arith.addf %get3A_782, %get3A_790 : vector<1x16xf32>
        %add3A_957 = arith.addf %get3A_798, %get3A_806 : vector<1x16xf32>
        %add3A_958 = arith.addf %get3A_814, %get3A_822 : vector<1x16xf32>
        %add3A_959 = arith.addf %get3A_830, %get3A_838 : vector<1x16xf32>
        %add3A_960 = arith.addf %get3A_846, %get3A_854 : vector<1x16xf32>
        %add3A_961 = arith.addf %get3A_862, %get3A_870 : vector<1x16xf32>
        %add3A_962 = arith.addf %get3A_878, %get3A_886 : vector<1x16xf32>
        %add3A_963 = arith.addf %get3A_894, %get3A_902 : vector<1x16xf32>
        %add3A_964 = arith.addf %get3A_910, %get3A_918 : vector<1x16xf32>
        %add3A_965 = arith.addf %get3A_926, %get3A_934 : vector<1x16xf32>
        %add3A_966 = arith.addf %get3A_942, %get3A_950 : vector<1x16xf32>
        %add3A_967 = arith.addf %add3A_951, %add3A_952 : vector<1x16xf32>
        %add3A_968 = arith.addf %add3A_953, %add3A_954 : vector<1x16xf32>
        %add3A_969 = arith.addf %add3A_955, %add3A_956 : vector<1x16xf32>
        %add3A_970 = arith.addf %add3A_957, %add3A_958 : vector<1x16xf32>
        %add3A_971 = arith.addf %add3A_959, %add3A_960 : vector<1x16xf32>
        %add3A_972 = arith.addf %add3A_961, %add3A_962 : vector<1x16xf32>
        %add3A_973 = arith.addf %add3A_963, %add3A_964 : vector<1x16xf32>
        %add3A_974 = arith.addf %add3A_965, %add3A_966 : vector<1x16xf32>
        %add3A_975 = arith.addf %add3A_967, %add3A_968 : vector<1x16xf32>
        %add3A_976 = arith.addf %add3A_969, %add3A_970 : vector<1x16xf32>
        %add3A_977 = arith.addf %add3A_971, %add3A_972 : vector<1x16xf32>
        %add3A_978 = arith.addf %add3A_973, %add3A_974 : vector<1x16xf32>
        %add3A_979 = arith.addf %add3A_975, %add3A_976 : vector<1x16xf32>
        %add3A_980 = arith.addf %add3A_977, %add3A_978 : vector<1x16xf32>
        %add3A_981 = arith.addf %add3A_979, %add3A_980 : vector<1x16xf32>
        %swap3A_982 = arith.index_cast %add3A_112 : i32 to index
        %swap3A_983 = arith.constant 32 : index
        %swap3A_984 = tpu.vector_load %arg7[%swap3A_982, %swap3A_983] {strides = array<i32>} : memref<8x128xf32, #tpu.memory_space<vmem>>, vector<1x16xf32>,
        %swap3A_985 = vector.shape_cast %swap3A_984 : vector<1x16xf32> to vector<1x16xf32>
        %swap3A_986 = vector.shape_cast %add3A_981 : vector<1x16xf32> to vector<1x16xf32>
        tpu.vector_store %arg7[%swap3A_982, %swap3A_983], %swap3A_986 {strides = array<i32>} : memref<8x128xf32, #tpu.memory_space<vmem>>, vector<1x16xf32>,
        %mul3A_987 = arith.constant 32 : i32
        %mul3A_988 = arith.muli %add3A_112, %mul3A_987 : i32
        %add3A_989 = arith.constant 0 : i32
        %add3A_990 = arith.addi %mul3A_988, %add3A_989 : i32
        %get3A_991 = arith.index_cast %add3A_990 : i32 to index
        %get3A_992 = arith.constant 48 : index
        %get3A_993 = tpu.vector_load %arg5[%get3A_991, %get3A_992] {strides = array<i32>} : memref<256x128xf32, #tpu.memory_space<vmem>>, vector<1x16xf32>,
        %get3A_994 = vector.shape_cast %get3A_993 : vector<1x16xf32> to vector<1x16xf32>
        %mul3A_995 = arith.constant 32 : i32
        %mul3A_996 = arith.muli %add3A_112, %mul3A_995 : i32
        %add3A_997 = arith.constant 1 : i32
        %add3A_998 = arith.addi %mul3A_996, %add3A_997 : i32
        %get3A_999 = arith.index_cast %add3A_998 : i32 to index
        %get3A_1000 = arith.constant 48 : index
        %get3A_1001 = tpu.vector_load %arg5[%get3A_999, %get3A_1000] {strides = array<i32>} : memref<256x128xf32, #tpu.memory_space<vmem>>, vector<1x16xf32>,
        %get3A_1002 = vector.shape_cast %get3A_1001 : vector<1x16xf32> to vector<1x16xf32>
        %mul3A_1003 = arith.constant 32 : i32
        %mul3A_1004 = arith.muli %add3A_112, %mul3A_1003 : i32
        %add3A_1005 = arith.constant 2 : i32
        %add3A_1006 = arith.addi %mul3A_1004, %add3A_1005 : i32
        %get3A_1007 = arith.index_cast %add3A_1006 : i32 to index
        %get3A_1008 = arith.constant 48 : index
        %get3A_1009 = tpu.vector_load %arg5[%get3A_1007, %get3A_1008] {strides = array<i32>} : memref<256x128xf32, #tpu.memory_space<vmem>>, vector<1x16xf32>,
        %get3A_1010 = vector.shape_cast %get3A_1009 : vector<1x16xf32> to vector<1x16xf32>
        %mul3A_1011 = arith.constant 32 : i32
        %mul3A_1012 = arith.muli %add3A_112, %mul3A_1011 : i32
        %add3A_1013 = arith.constant 3 : i32
        %add3A_1014 = arith.addi %mul3A_1012, %add3A_1013 : i32
        %get3A_1015 = arith.index_cast %add3A_1014 : i32 to index
        %get3A_1016 = arith.constant 48 : index
        %get3A_1017 = tpu.vector_load %arg5[%get3A_1015, %get3A_1016] {strides = array<i32>} : memref<256x128xf32, #tpu.memory_space<vmem>>, vector<1x16xf32>,
        %get3A_1018 = vector.shape_cast %get3A_1017 : vector<1x16xf32> to vector<1x16xf32>
        %mul3A_1019 = arith.constant 32 : i32
        %mul3A_1020 = arith.muli %add3A_112, %mul3A_1019 : i32
        %add3A_1021 = arith.constant 4 : i32
        %add3A_1022 = arith.addi %mul3A_1020, %add3A_1021 : i32
        %get3A_1023 = arith.index_cast %add3A_1022 : i32 to index
        %get3A_1024 = arith.constant 48 : index
        %get3A_1025 = tpu.vector_load %arg5[%get3A_1023, %get3A_1024] {strides = array<i32>} : memref<256x128xf32, #tpu.memory_space<vmem>>, vector<1x16xf32>,
        %get3A_1026 = vector.shape_cast %get3A_1025 : vector<1x16xf32> to vector<1x16xf32>
        %mul3A_1027 = arith.constant 32 : i32
        %mul3A_1028 = arith.muli %add3A_112, %mul3A_1027 : i32
        %add3A_1029 = arith.constant 5 : i32
        %add3A_1030 = arith.addi %mul3A_1028, %add3A_1029 : i32
        %get3A_1031 = arith.index_cast %add3A_1030 : i32 to index
        %get3A_1032 = arith.constant 48 : index
        %get3A_1033 = tpu.vector_load %arg5[%get3A_1031, %get3A_1032] {strides = array<i32>} : memref<256x128xf32, #tpu.memory_space<vmem>>, vector<1x16xf32>,
        %get3A_1034 = vector.shape_cast %get3A_1033 : vector<1x16xf32> to vector<1x16xf32>
        %mul3A_1035 = arith.constant 32 : i32
        %mul3A_1036 = arith.muli %add3A_112, %mul3A_1035 : i32
        %add3A_1037 = arith.constant 6 : i32
        %add3A_1038 = arith.addi %mul3A_1036, %add3A_1037 : i32
        %get3A_1039 = arith.index_cast %add3A_1038 : i32 to index
        %get3A_1040 = arith.constant 48 : index
        %get3A_1041 = tpu.vector_load %arg5[%get3A_1039, %get3A_1040] {strides = array<i32>} : memref<256x128xf32, #tpu.memory_space<vmem>>, vector<1x16xf32>,
        %get3A_1042 = vector.shape_cast %get3A_1041 : vector<1x16xf32> to vector<1x16xf32>
        %mul3A_1043 = arith.constant 32 : i32
        %mul3A_1044 = arith.muli %add3A_112, %mul3A_1043 : i32
        %add3A_1045 = arith.constant 7 : i32
        %add3A_1046 = arith.addi %mul3A_1044, %add3A_1045 : i32
        %get3A_1047 = arith.index_cast %add3A_1046 : i32 to index
        %get3A_1048 = arith.constant 48 : index
        %get3A_1049 = tpu.vector_load %arg5[%get3A_1047, %get3A_1048] {strides = array<i32>} : memref<256x128xf32, #tpu.memory_space<vmem>>, vector<1x16xf32>,
        %get3A_1050 = vector.shape_cast %get3A_1049 : vector<1x16xf32> to vector<1x16xf32>
        %mul3A_1051 = arith.constant 32 : i32
        %mul3A_1052 = arith.muli %add3A_112, %mul3A_1051 : i32
        %add3A_1053 = arith.constant 8 : i32
        %add3A_1054 = arith.addi %mul3A_1052, %add3A_1053 : i32
        %get3A_1055 = arith.index_cast %add3A_1054 : i32 to index
        %get3A_1056 = arith.constant 48 : index
        %get3A_1057 = tpu.vector_load %arg5[%get3A_1055, %get3A_1056] {strides = array<i32>} : memref<256x128xf32, #tpu.memory_space<vmem>>, vector<1x16xf32>,
        %get3A_1058 = vector.shape_cast %get3A_1057 : vector<1x16xf32> to vector<1x16xf32>
        %mul3A_1059 = arith.constant 32 : i32
        %mul3A_1060 = arith.muli %add3A_112, %mul3A_1059 : i32
        %add3A_1061 = arith.constant 9 : i32
        %add3A_1062 = arith.addi %mul3A_1060, %add3A_1061 : i32
        %get3A_1063 = arith.index_cast %add3A_1062 : i32 to index
        %get3A_1064 = arith.constant 48 : index
        %get3A_1065 = tpu.vector_load %arg5[%get3A_1063, %get3A_1064] {strides = array<i32>} : memref<256x128xf32, #tpu.memory_space<vmem>>, vector<1x16xf32>,
        %get3A_1066 = vector.shape_cast %get3A_1065 : vector<1x16xf32> to vector<1x16xf32>
        %mul3A_1067 = arith.constant 32 : i32
        %mul3A_1068 = arith.muli %add3A_112, %mul3A_1067 : i32
        %add3A_1069 = arith.constant 10 : i32
        %add3A_1070 = arith.addi %mul3A_1068, %add3A_1069 : i32
        %get3A_1071 = arith.index_cast %add3A_1070 : i32 to index
        %get3A_1072 = arith.constant 48 : index
        %get3A_1073 = tpu.vector_load %arg5[%get3A_1071, %get3A_1072] {strides = array<i32>} : memref<256x128xf32, #tpu.memory_space<vmem>>, vector<1x16xf32>,
        %get3A_1074 = vector.shape_cast %get3A_1073 : vector<1x16xf32> to vector<1x16xf32>
        %mul3A_1075 = arith.constant 32 : i32
        %mul3A_1076 = arith.muli %add3A_112, %mul3A_1075 : i32
        %add3A_1077 = arith.constant 11 : i32
        %add3A_1078 = arith.addi %mul3A_1076, %add3A_1077 : i32
        %get3A_1079 = arith.index_cast %add3A_1078 : i32 to index
        %get3A_1080 = arith.constant 48 : index
        %get3A_1081 = tpu.vector_load %arg5[%get3A_1079, %get3A_1080] {strides = array<i32>} : memref<256x128xf32, #tpu.memory_space<vmem>>, vector<1x16xf32>,
        %get3A_1082 = vector.shape_cast %get3A_1081 : vector<1x16xf32> to vector<1x16xf32>
        %mul3A_1083 = arith.constant 32 : i32
        %mul3A_1084 = arith.muli %add3A_112, %mul3A_1083 : i32
        %add3A_1085 = arith.constant 12 : i32
        %add3A_1086 = arith.addi %mul3A_1084, %add3A_1085 : i32
        %get3A_1087 = arith.index_cast %add3A_1086 : i32 to index
        %get3A_1088 = arith.constant 48 : index
        %get3A_1089 = tpu.vector_load %arg5[%get3A_1087, %get3A_1088] {strides = array<i32>} : memref<256x128xf32, #tpu.memory_space<vmem>>, vector<1x16xf32>,
        %get3A_1090 = vector.shape_cast %get3A_1089 : vector<1x16xf32> to vector<1x16xf32>
        %mul3A_1091 = arith.constant 32 : i32
        %mul3A_1092 = arith.muli %add3A_112, %mul3A_1091 : i32
        %add3A_1093 = arith.constant 13 : i32
        %add3A_1094 = arith.addi %mul3A_1092, %add3A_1093 : i32
        %get3A_1095 = arith.index_cast %add3A_1094 : i32 to index
        %get3A_1096 = arith.constant 48 : index
        %get3A_1097 = tpu.vector_load %arg5[%get3A_1095, %get3A_1096] {strides = array<i32>} : memref<256x128xf32, #tpu.memory_space<vmem>>, vector<1x16xf32>,
        %get3A_1098 = vector.shape_cast %get3A_1097 : vector<1x16xf32> to vector<1x16xf32>
        %mul3A_1099 = arith.constant 32 : i32
        %mul3A_1100 = arith.muli %add3A_112, %mul3A_1099 : i32
        %add3A_1101 = arith.constant 14 : i32
        %add3A_1102 = arith.addi %mul3A_1100, %add3A_1101 : i32
        %get3A_1103 = arith.index_cast %add3A_1102 : i32 to index
        %get3A_1104 = arith.constant 48 : index
        %get3A_1105 = tpu.vector_load %arg5[%get3A_1103, %get3A_1104] {strides = array<i32>} : memref<256x128xf32, #tpu.memory_space<vmem>>, vector<1x16xf32>,
        %get3A_1106 = vector.shape_cast %get3A_1105 : vector<1x16xf32> to vector<1x16xf32>
        %mul3A_1107 = arith.constant 32 : i32
        %mul3A_1108 = arith.muli %add3A_112, %mul3A_1107 : i32
        %add3A_1109 = arith.constant 15 : i32
        %add3A_1110 = arith.addi %mul3A_1108, %add3A_1109 : i32
        %get3A_1111 = arith.index_cast %add3A_1110 : i32 to index
        %get3A_1112 = arith.constant 48 : index
        %get3A_1113 = tpu.vector_load %arg5[%get3A_1111, %get3A_1112] {strides = array<i32>} : memref<256x128xf32, #tpu.memory_space<vmem>>, vector<1x16xf32>,
        %get3A_1114 = vector.shape_cast %get3A_1113 : vector<1x16xf32> to vector<1x16xf32>
        %mul3A_1115 = arith.constant 32 : i32
        %mul3A_1116 = arith.muli %add3A_112, %mul3A_1115 : i32
        %add3A_1117 = arith.constant 16 : i32
        %add3A_1118 = arith.addi %mul3A_1116, %add3A_1117 : i32
        %get3A_1119 = arith.index_cast %add3A_1118 : i32 to index
        %get3A_1120 = arith.constant 48 : index
        %get3A_1121 = tpu.vector_load %arg5[%get3A_1119, %get3A_1120] {strides = array<i32>} : memref<256x128xf32, #tpu.memory_space<vmem>>, vector<1x16xf32>,
        %get3A_1122 = vector.shape_cast %get3A_1121 : vector<1x16xf32> to vector<1x16xf32>
        %mul3A_1123 = arith.constant 32 : i32
        %mul3A_1124 = arith.muli %add3A_112, %mul3A_1123 : i32
        %add3A_1125 = arith.constant 17 : i32
        %add3A_1126 = arith.addi %mul3A_1124, %add3A_1125 : i32
        %get3A_1127 = arith.index_cast %add3A_1126 : i32 to index
        %get3A_1128 = arith.constant 48 : index
        %get3A_1129 = tpu.vector_load %arg5[%get3A_1127, %get3A_1128] {strides = array<i32>} : memref<256x128xf32, #tpu.memory_space<vmem>>, vector<1x16xf32>,
        %get3A_1130 = vector.shape_cast %get3A_1129 : vector<1x16xf32> to vector<1x16xf32>
        %mul3A_1131 = arith.constant 32 : i32
        %mul3A_1132 = arith.muli %add3A_112, %mul3A_1131 : i32
        %add3A_1133 = arith.constant 18 : i32
        %add3A_1134 = arith.addi %mul3A_1132, %add3A_1133 : i32
        %get3A_1135 = arith.index_cast %add3A_1134 : i32 to index
        %get3A_1136 = arith.constant 48 : index
        %get3A_1137 = tpu.vector_load %arg5[%get3A_1135, %get3A_1136] {strides = array<i32>} : memref<256x128xf32, #tpu.memory_space<vmem>>, vector<1x16xf32>,
        %get3A_1138 = vector.shape_cast %get3A_1137 : vector<1x16xf32> to vector<1x16xf32>
        %mul3A_1139 = arith.constant 32 : i32
        %mul3A_1140 = arith.muli %add3A_112, %mul3A_1139 : i32
        %add3A_1141 = arith.constant 19 : i32
        %add3A_1142 = arith.addi %mul3A_1140, %add3A_1141 : i32
        %get3A_1143 = arith.index_cast %add3A_1142 : i32 to index
        %get3A_1144 = arith.constant 48 : index
        %get3A_1145 = tpu.vector_load %arg5[%get3A_1143, %get3A_1144] {strides = array<i32>} : memref<256x128xf32, #tpu.memory_space<vmem>>, vector<1x16xf32>,
        %get3A_1146 = vector.shape_cast %get3A_1145 : vector<1x16xf32> to vector<1x16xf32>
        %mul3A_1147 = arith.constant 32 : i32
        %mul3A_1148 = arith.muli %add3A_112, %mul3A_1147 : i32
        %add3A_1149 = arith.constant 20 : i32
        %add3A_1150 = arith.addi %mul3A_1148, %add3A_1149 : i32
        %get3A_1151 = arith.index_cast %add3A_1150 : i32 to index
        %get3A_1152 = arith.constant 48 : index
        %get3A_1153 = tpu.vector_load %arg5[%get3A_1151, %get3A_1152] {strides = array<i32>} : memref<256x128xf32, #tpu.memory_space<vmem>>, vector<1x16xf32>,
        %get3A_1154 = vector.shape_cast %get3A_1153 : vector<1x16xf32> to vector<1x16xf32>
        %mul3A_1155 = arith.constant 32 : i32
        %mul3A_1156 = arith.muli %add3A_112, %mul3A_1155 : i32
        %add3A_1157 = arith.constant 21 : i32
        %add3A_1158 = arith.addi %mul3A_1156, %add3A_1157 : i32
        %get3A_1159 = arith.index_cast %add3A_1158 : i32 to index
        %get3A_1160 = arith.constant 48 : index
        %get3A_1161 = tpu.vector_load %arg5[%get3A_1159, %get3A_1160] {strides = array<i32>} : memref<256x128xf32, #tpu.memory_space<vmem>>, vector<1x16xf32>,
        %get3A_1162 = vector.shape_cast %get3A_1161 : vector<1x16xf32> to vector<1x16xf32>
        %mul3A_1163 = arith.constant 32 : i32
        %mul3A_1164 = arith.muli %add3A_112, %mul3A_1163 : i32
        %add3A_1165 = arith.constant 22 : i32
        %add3A_1166 = arith.addi %mul3A_1164, %add3A_1165 : i32
        %get3A_1167 = arith.index_cast %add3A_1166 : i32 to index
        %get3A_1168 = arith.constant 48 : index
        %get3A_1169 = tpu.vector_load %arg5[%get3A_1167, %get3A_1168] {strides = array<i32>} : memref<256x128xf32, #tpu.memory_space<vmem>>, vector<1x16xf32>,
        %get3A_1170 = vector.shape_cast %get3A_1169 : vector<1x16xf32> to vector<1x16xf32>
        %mul3A_1171 = arith.constant 32 : i32
        %mul3A_1172 = arith.muli %add3A_112, %mul3A_1171 : i32
        %add3A_1173 = arith.constant 23 : i32
        %add3A_1174 = arith.addi %mul3A_1172, %add3A_1173 : i32
        %get3A_1175 = arith.index_cast %add3A_1174 : i32 to index
        %get3A_1176 = arith.constant 48 : index
        %get3A_1177 = tpu.vector_load %arg5[%get3A_1175, %get3A_1176] {strides = array<i32>} : memref<256x128xf32, #tpu.memory_space<vmem>>, vector<1x16xf32>,
        %get3A_1178 = vector.shape_cast %get3A_1177 : vector<1x16xf32> to vector<1x16xf32>
        %mul3A_1179 = arith.constant 32 : i32
        %mul3A_1180 = arith.muli %add3A_112, %mul3A_1179 : i32
        %add3A_1181 = arith.constant 24 : i32
        %add3A_1182 = arith.addi %mul3A_1180, %add3A_1181 : i32
        %get3A_1183 = arith.index_cast %add3A_1182 : i32 to index
        %get3A_1184 = arith.constant 48 : index
        %get3A_1185 = tpu.vector_load %arg5[%get3A_1183, %get3A_1184] {strides = array<i32>} : memref<256x128xf32, #tpu.memory_space<vmem>>, vector<1x16xf32>,
        %get3A_1186 = vector.shape_cast %get3A_1185 : vector<1x16xf32> to vector<1x16xf32>
        %mul3A_1187 = arith.constant 32 : i32
        %mul3A_1188 = arith.muli %add3A_112, %mul3A_1187 : i32
        %add3A_1189 = arith.constant 25 : i32
        %add3A_1190 = arith.addi %mul3A_1188, %add3A_1189 : i32
        %get3A_1191 = arith.index_cast %add3A_1190 : i32 to index
        %get3A_1192 = arith.constant 48 : index
        %get3A_1193 = tpu.vector_load %arg5[%get3A_1191, %get3A_1192] {strides = array<i32>} : memref<256x128xf32, #tpu.memory_space<vmem>>, vector<1x16xf32>,
        %get3A_1194 = vector.shape_cast %get3A_1193 : vector<1x16xf32> to vector<1x16xf32>
        %mul3A_1195 = arith.constant 32 : i32
        %mul3A_1196 = arith.muli %add3A_112, %mul3A_1195 : i32
        %add3A_1197 = arith.constant 26 : i32
        %add3A_1198 = arith.addi %mul3A_1196, %add3A_1197 : i32
        %get3A_1199 = arith.index_cast %add3A_1198 : i32 to index
        %get3A_1200 = arith.constant 48 : index
        %get3A_1201 = tpu.vector_load %arg5[%get3A_1199, %get3A_1200] {strides = array<i32>} : memref<256x128xf32, #tpu.memory_space<vmem>>, vector<1x16xf32>,
        %get3A_1202 = vector.shape_cast %get3A_1201 : vector<1x16xf32> to vector<1x16xf32>
        %mul3A_1203 = arith.constant 32 : i32
        %mul3A_1204 = arith.muli %add3A_112, %mul3A_1203 : i32
        %add3A_1205 = arith.constant 27 : i32
        %add3A_1206 = arith.addi %mul3A_1204, %add3A_1205 : i32
        %get3A_1207 = arith.index_cast %add3A_1206 : i32 to index
        %get3A_1208 = arith.constant 48 : index
        %get3A_1209 = tpu.vector_load %arg5[%get3A_1207, %get3A_1208] {strides = array<i32>} : memref<256x128xf32, #tpu.memory_space<vmem>>, vector<1x16xf32>,
        %get3A_1210 = vector.shape_cast %get3A_1209 : vector<1x16xf32> to vector<1x16xf32>
        %mul3A_1211 = arith.constant 32 : i32
        %mul3A_1212 = arith.muli %add3A_112, %mul3A_1211 : i32
        %add3A_1213 = arith.constant 28 : i32
        %add3A_1214 = arith.addi %mul3A_1212, %add3A_1213 : i32
        %get3A_1215 = arith.index_cast %add3A_1214 : i32 to index
        %get3A_1216 = arith.constant 48 : index
        %get3A_1217 = tpu.vector_load %arg5[%get3A_1215, %get3A_1216] {strides = array<i32>} : memref<256x128xf32, #tpu.memory_space<vmem>>, vector<1x16xf32>,
        %get3A_1218 = vector.shape_cast %get3A_1217 : vector<1x16xf32> to vector<1x16xf32>
        %mul3A_1219 = arith.constant 32 : i32
        %mul3A_1220 = arith.muli %add3A_112, %mul3A_1219 : i32
        %add3A_1221 = arith.constant 29 : i32
        %add3A_1222 = arith.addi %mul3A_1220, %add3A_1221 : i32
        %get3A_1223 = arith.index_cast %add3A_1222 : i32 to index
        %get3A_1224 = arith.constant 48 : index
        %get3A_1225 = tpu.vector_load %arg5[%get3A_1223, %get3A_1224] {strides = array<i32>} : memref<256x128xf32, #tpu.memory_space<vmem>>, vector<1x16xf32>,
        %get3A_1226 = vector.shape_cast %get3A_1225 : vector<1x16xf32> to vector<1x16xf32>
        %mul3A_1227 = arith.constant 32 : i32
        %mul3A_1228 = arith.muli %add3A_112, %mul3A_1227 : i32
        %add3A_1229 = arith.constant 30 : i32
        %add3A_1230 = arith.addi %mul3A_1228, %add3A_1229 : i32
        %get3A_1231 = arith.index_cast %add3A_1230 : i32 to index
        %get3A_1232 = arith.constant 48 : index
        %get3A_1233 = tpu.vector_load %arg5[%get3A_1231, %get3A_1232] {strides = array<i32>} : memref<256x128xf32, #tpu.memory_space<vmem>>, vector<1x16xf32>,
        %get3A_1234 = vector.shape_cast %get3A_1233 : vector<1x16xf32> to vector<1x16xf32>
        %mul3A_1235 = arith.constant 32 : i32
        %mul3A_1236 = arith.muli %add3A_112, %mul3A_1235 : i32
        %add3A_1237 = arith.constant 31 : i32
        %add3A_1238 = arith.addi %mul3A_1236, %add3A_1237 : i32
        %get3A_1239 = arith.index_cast %add3A_1238 : i32 to index
        %get3A_1240 = arith.constant 48 : index
        %get3A_1241 = tpu.vector_load %arg5[%get3A_1239, %get3A_1240] {strides = array<i32>} : memref<256x128xf32, #tpu.memory_space<vmem>>, vector<1x16xf32>,
        %get3A_1242 = vector.shape_cast %get3A_1241 : vector<1x16xf32> to vector<1x16xf32>
        %add3A_1243 = arith.addf %get3A_994, %get3A_1002 : vector<1x16xf32>
        %add3A_1244 = arith.addf %get3A_1010, %get3A_1018 : vector<1x16xf32>
        %add3A_1245 = arith.addf %get3A_1026, %get3A_1034 : vector<1x16xf32>
        %add3A_1246 = arith.addf %get3A_1042, %get3A_1050 : vector<1x16xf32>
        %add3A_1247 = arith.addf %get3A_1058, %get3A_1066 : vector<1x16xf32>
        %add3A_1248 = arith.addf %get3A_1074, %get3A_1082 : vector<1x16xf32>
        %add3A_1249 = arith.addf %get3A_1090, %get3A_1098 : vector<1x16xf32>
        %add3A_1250 = arith.addf %get3A_1106, %get3A_1114 : vector<1x16xf32>
        %add3A_1251 = arith.addf %get3A_1122, %get3A_1130 : vector<1x16xf32>
        %add3A_1252 = arith.addf %get3A_1138, %get3A_1146 : vector<1x16xf32>
        %add3A_1253 = arith.addf %get3A_1154, %get3A_1162 : vector<1x16xf32>
        %add3A_1254 = arith.addf %get3A_1170, %get3A_1178 : vector<1x16xf32>
        %add3A_1255 = arith.addf %get3A_1186, %get3A_1194 : vector<1x16xf32>
        %add3A_1256 = arith.addf %get3A_1202, %get3A_1210 : vector<1x16xf32>
        %add3A_1257 = arith.addf %get3A_1218, %get3A_1226 : vector<1x16xf32>
        %add3A_1258 = arith.addf %get3A_1234, %get3A_1242 : vector<1x16xf32>
        %add3A_1259 = arith.addf %add3A_1243, %add3A_1244 : vector<1x16xf32>
        %add3A_1260 = arith.addf %add3A_1245, %add3A_1246 : vector<1x16xf32>
        %add3A_1261 = arith.addf %add3A_1247, %add3A_1248 : vector<1x16xf32>
        %add3A_1262 = arith.addf %add3A_1249, %add3A_1250 : vector<1x16xf32>
        %add3A_1263 = arith.addf %add3A_1251, %add3A_1252 : vector<1x16xf32>
        %add3A_1264 = arith.addf %add3A_1253, %add3A_1254 : vector<1x16xf32>
        %add3A_1265 = arith.addf %add3A_1255, %add3A_1256 : vector<1x16xf32>
        %add3A_1266 = arith.addf %add3A_1257, %add3A_1258 : vector<1x16xf32>
        %add3A_1267 = arith.addf %add3A_1259, %add3A_1260 : vector<1x16xf32>
        %add3A_1268 = arith.addf %add3A_1261, %add3A_1262 : vector<1x16xf32>
        %add3A_1269 = arith.addf %add3A_1263, %add3A_1264 : vector<1x16xf32>
        %add3A_1270 = arith.addf %add3A_1265, %add3A_1266 : vector<1x16xf32>
        %add3A_1271 = arith.addf %add3A_1267, %add3A_1268 : vector<1x16xf32>
        %add3A_1272 = arith.addf %add3A_1269, %add3A_1270 : vector<1x16xf32>
        %add3A_1273 = arith.addf %add3A_1271, %add3A_1272 : vector<1x16xf32>
        %swap3A_1274 = arith.index_cast %add3A_112 : i32 to index
        %swap3A_1275 = arith.constant 48 : index
        %swap3A_1276 = tpu.vector_load %arg7[%swap3A_1274, %swap3A_1275] {strides = array<i32>} : memref<8x128xf32, #tpu.memory_space<vmem>>, vector<1x16xf32>,
        %swap3A_1277 = vector.shape_cast %swap3A_1276 : vector<1x16xf32> to vector<1x16xf32>
        %swap3A_1278 = vector.shape_cast %add3A_1273 : vector<1x16xf32> to vector<1x16xf32>
        tpu.vector_store %arg7[%swap3A_1274, %swap3A_1275], %swap3A_1278 {strides = array<i32>} : memref<8x128xf32, #tpu.memory_space<vmem>>, vector<1x16xf32>,
        %mul3A_1279 = arith.constant 32 : i32
        %mul3A_1280 = arith.muli %add3A_112, %mul3A_1279 : i32
        %add3A_1281 = arith.constant 0 : i32
        %add3A_1282 = arith.addi %mul3A_1280, %add3A_1281 : i32
        %get3A_1283 = arith.index_cast %add3A_1282 : i32 to index
        %get3A_1284 = arith.constant 64 : index
        %get3A_1285 = tpu.vector_load %arg5[%get3A_1283, %get3A_1284] {strides = array<i32>} : memref<256x128xf32, #tpu.memory_space<vmem>>, vector<1x16xf32>,
        %get3A_1286 = vector.shape_cast %get3A_1285 : vector<1x16xf32> to vector<1x16xf32>
        %mul3A_1287 = arith.constant 32 : i32
        %mul3A_1288 = arith.muli %add3A_112, %mul3A_1287 : i32
        %add3A_1289 = arith.constant 1 : i32
        %add3A_1290 = arith.addi %mul3A_1288, %add3A_1289 : i32
        %get3A_1291 = arith.index_cast %add3A_1290 : i32 to index
        %get3A_1292 = arith.constant 64 : index
        %get3A_1293 = tpu.vector_load %arg5[%get3A_1291, %get3A_1292] {strides = array<i32>} : memref<256x128xf32, #tpu.memory_space<vmem>>, vector<1x16xf32>,
        %get3A_1294 = vector.shape_cast %get3A_1293 : vector<1x16xf32> to vector<1x16xf32>
        %mul3A_1295 = arith.constant 32 : i32
        %mul3A_1296 = arith.muli %add3A_112, %mul3A_1295 : i32
        %add3A_1297 = arith.constant 2 : i32
        %add3A_1298 = arith.addi %mul3A_1296, %add3A_1297 : i32
        %get3A_1299 = arith.index_cast %add3A_1298 : i32 to index
        %get3A_1300 = arith.constant 64 : index
        %get3A_1301 = tpu.vector_load %arg5[%get3A_1299, %get3A_1300] {strides = array<i32>} : memref<256x128xf32, #tpu.memory_space<vmem>>, vector<1x16xf32>,
        %get3A_1302 = vector.shape_cast %get3A_1301 : vector<1x16xf32> to vector<1x16xf32>
        %mul3A_1303 = arith.constant 32 : i32
        %mul3A_1304 = arith.muli %add3A_112, %mul3A_1303 : i32
        %add3A_1305 = arith.constant 3 : i32
        %add3A_1306 = arith.addi %mul3A_1304, %add3A_1305 : i32
        %get3A_1307 = arith.index_cast %add3A_1306 : i32 to index
        %get3A_1308 = arith.constant 64 : index
        %get3A_1309 = tpu.vector_load %arg5[%get3A_1307, %get3A_1308] {strides = array<i32>} : memref<256x128xf32, #tpu.memory_space<vmem>>, vector<1x16xf32>,
        %get3A_1310 = vector.shape_cast %get3A_1309 : vector<1x16xf32> to vector<1x16xf32>
        %mul3A_1311 = arith.constant 32 : i32
        %mul3A_1312 = arith.muli %add3A_112, %mul3A_1311 : i32
        %add3A_1313 = arith.constant 4 : i32
        %add3A_1314 = arith.addi %mul3A_1312, %add3A_1313 : i32
        %get3A_1315 = arith.index_cast %add3A_1314 : i32 to index
        %get3A_1316 = arith.constant 64 : index
        %get3A_1317 = tpu.vector_load %arg5[%get3A_1315, %get3A_1316] {strides = array<i32>} : memref<256x128xf32, #tpu.memory_space<vmem>>, vector<1x16xf32>,
        %get3A_1318 = vector.shape_cast %get3A_1317 : vector<1x16xf32> to vector<1x16xf32>
        %mul3A_1319 = arith.constant 32 : i32
        %mul3A_1320 = arith.muli %add3A_112, %mul3A_1319 : i32
        %add3A_1321 = arith.constant 5 : i32
        %add3A_1322 = arith.addi %mul3A_1320, %add3A_1321 : i32
        %get3A_1323 = arith.index_cast %add3A_1322 : i32 to index
        %get3A_1324 = arith.constant 64 : index
        %get3A_1325 = tpu.vector_load %arg5[%get3A_1323, %get3A_1324] {strides = array<i32>} : memref<256x128xf32, #tpu.memory_space<vmem>>, vector<1x16xf32>,
        %get3A_1326 = vector.shape_cast %get3A_1325 : vector<1x16xf32> to vector<1x16xf32>
        %mul3A_1327 = arith.constant 32 : i32
        %mul3A_1328 = arith.muli %add3A_112, %mul3A_1327 : i32
        %add3A_1329 = arith.constant 6 : i32
        %add3A_1330 = arith.addi %mul3A_1328, %add3A_1329 : i32
        %get3A_1331 = arith.index_cast %add3A_1330 : i32 to index
        %get3A_1332 = arith.constant 64 : index
        %get3A_1333 = tpu.vector_load %arg5[%get3A_1331, %get3A_1332] {strides = array<i32>} : memref<256x128xf32, #tpu.memory_space<vmem>>, vector<1x16xf32>,
        %get3A_1334 = vector.shape_cast %get3A_1333 : vector<1x16xf32> to vector<1x16xf32>
        %mul3A_1335 = arith.constant 32 : i32
        %mul3A_1336 = arith.muli %add3A_112, %mul3A_1335 : i32
        %add3A_1337 = arith.constant 7 : i32
        %add3A_1338 = arith.addi %mul3A_1336, %add3A_1337 : i32
        %get3A_1339 = arith.index_cast %add3A_1338 : i32 to index
        %get3A_1340 = arith.constant 64 : index
        %get3A_1341 = tpu.vector_load %arg5[%get3A_1339, %get3A_1340] {strides = array<i32>} : memref<256x128xf32, #tpu.memory_space<vmem>>, vector<1x16xf32>,
        %get3A_1342 = vector.shape_cast %get3A_1341 : vector<1x16xf32> to vector<1x16xf32>
        %mul3A_1343 = arith.constant 32 : i32
        %mul3A_1344 = arith.muli %add3A_112, %mul3A_1343 : i32
        %add3A_1345 = arith.constant 8 : i32
        %add3A_1346 = arith.addi %mul3A_1344, %add3A_1345 : i32
        %get3A_1347 = arith.index_cast %add3A_1346 : i32 to index
        %get3A_1348 = arith.constant 64 : index
        %get3A_1349 = tpu.vector_load %arg5[%get3A_1347, %get3A_1348] {strides = array<i32>} : memref<256x128xf32, #tpu.memory_space<vmem>>, vector<1x16xf32>,
        %get3A_1350 = vector.shape_cast %get3A_1349 : vector<1x16xf32> to vector<1x16xf32>
        %mul3A_1351 = arith.constant 32 : i32
        %mul3A_1352 = arith.muli %add3A_112, %mul3A_1351 : i32
        %add3A_1353 = arith.constant 9 : i32
        %add3A_1354 = arith.addi %mul3A_1352, %add3A_1353 : i32
        %get3A_1355 = arith.index_cast %add3A_1354 : i32 to index
        %get3A_1356 = arith.constant 64 : index
        %get3A_1357 = tpu.vector_load %arg5[%get3A_1355, %get3A_1356] {strides = array<i32>} : memref<256x128xf32, #tpu.memory_space<vmem>>, vector<1x16xf32>,
        %get3A_1358 = vector.shape_cast %get3A_1357 : vector<1x16xf32> to vector<1x16xf32>
        %mul3A_1359 = arith.constant 32 : i32
        %mul3A_1360 = arith.muli %add3A_112, %mul3A_1359 : i32
        %add3A_1361 = arith.constant 10 : i32
        %add3A_1362 = arith.addi %mul3A_1360, %add3A_1361 : i32
        %get3A_1363 = arith.index_cast %add3A_1362 : i32 to index
        %get3A_1364 = arith.constant 64 : index
        %get3A_1365 = tpu.vector_load %arg5[%get3A_1363, %get3A_1364] {strides = array<i32>} : memref<256x128xf32, #tpu.memory_space<vmem>>, vector<1x16xf32>,
        %get3A_1366 = vector.shape_cast %get3A_1365 : vector<1x16xf32> to vector<1x16xf32>
        %mul3A_1367 = arith.constant 32 : i32
        %mul3A_1368 = arith.muli %add3A_112, %mul3A_1367 : i32
        %add3A_1369 = arith.constant 11 : i32
        %add3A_1370 = arith.addi %mul3A_1368, %add3A_1369 : i32
        %get3A_1371 = arith.index_cast %add3A_1370 : i32 to index
        %get3A_1372 = arith.constant 64 : index
        %get3A_1373 = tpu.vector_load %arg5[%get3A_1371, %get3A_1372] {strides = array<i32>} : memref<256x128xf32, #tpu.memory_space<vmem>>, vector<1x16xf32>,
        %get3A_1374 = vector.shape_cast %get3A_1373 : vector<1x16xf32> to vector<1x16xf32>
        %mul3A_1375 = arith.constant 32 : i32
        %mul3A_1376 = arith.muli %add3A_112, %mul3A_1375 : i32
        %add3A_1377 = arith.constant 12 : i32
        %add3A_1378 = arith.addi %mul3A_1376, %add3A_1377 : i32
        %get3A_1379 = arith.index_cast %add3A_1378 : i32 to index
        %get3A_1380 = arith.constant 64 : index
        %get3A_1381 = tpu.vector_load %arg5[%get3A_1379, %get3A_1380] {strides = array<i32>} : memref<256x128xf32, #tpu.memory_space<vmem>>, vector<1x16xf32>,
        %get3A_1382 = vector.shape_cast %get3A_1381 : vector<1x16xf32> to vector<1x16xf32>
        %mul3A_1383 = arith.constant 32 : i32
        %mul3A_1384 = arith.muli %add3A_112, %mul3A_1383 : i32
        %add3A_1385 = arith.constant 13 : i32
        %add3A_1386 = arith.addi %mul3A_1384, %add3A_1385 : i32
        %get3A_1387 = arith.index_cast %add3A_1386 : i32 to index
        %get3A_1388 = arith.constant 64 : index
        %get3A_1389 = tpu.vector_load %arg5[%get3A_1387, %get3A_1388] {strides = array<i32>} : memref<256x128xf32, #tpu.memory_space<vmem>>, vector<1x16xf32>,
        %get3A_1390 = vector.shape_cast %get3A_1389 : vector<1x16xf32> to vector<1x16xf32>
        %mul3A_1391 = arith.constant 32 : i32
        %mul3A_1392 = arith.muli %add3A_112, %mul3A_1391 : i32
        %add3A_1393 = arith.constant 14 : i32
        %add3A_1394 = arith.addi %mul3A_1392, %add3A_1393 : i32
        %get3A_1395 = arith.index_cast %add3A_1394 : i32 to index
        %get3A_1396 = arith.constant 64 : index
        %get3A_1397 = tpu.vector_load %arg5[%get3A_1395, %get3A_1396] {strides = array<i32>} : memref<256x128xf32, #tpu.memory_space<vmem>>, vector<1x16xf32>,
        %get3A_1398 = vector.shape_cast %get3A_1397 : vector<1x16xf32> to vector<1x16xf32>
        %mul3A_1399 = arith.constant 32 : i32
        %mul3A_1400 = arith.muli %add3A_112, %mul3A_1399 : i32
        %add3A_1401 = arith.constant 15 : i32
        %add3A_1402 = arith.addi %mul3A_1400, %add3A_1401 : i32
        %get3A_1403 = arith.index_cast %add3A_1402 : i32 to index
        %get3A_1404 = arith.constant 64 : index
        %get3A_1405 = tpu.vector_load %arg5[%get3A_1403, %get3A_1404] {strides = array<i32>} : memref<256x128xf32, #tpu.memory_space<vmem>>, vector<1x16xf32>,
        %get3A_1406 = vector.shape_cast %get3A_1405 : vector<1x16xf32> to vector<1x16xf32>
        %mul3A_1407 = arith.constant 32 : i32
        %mul3A_1408 = arith.muli %add3A_112, %mul3A_1407 : i32
        %add3A_1409 = arith.constant 16 : i32
        %add3A_1410 = arith.addi %mul3A_1408, %add3A_1409 : i32
        %get3A_1411 = arith.index_cast %add3A_1410 : i32 to index
        %get3A_1412 = arith.constant 64 : index
        %get3A_1413 = tpu.vector_load %arg5[%get3A_1411, %get3A_1412] {strides = array<i32>} : memref<256x128xf32, #tpu.memory_space<vmem>>, vector<1x16xf32>,
        %get3A_1414 = vector.shape_cast %get3A_1413 : vector<1x16xf32> to vector<1x16xf32>
        %mul3A_1415 = arith.constant 32 : i32
        %mul3A_1416 = arith.muli %add3A_112, %mul3A_1415 : i32
        %add3A_1417 = arith.constant 17 : i32
        %add3A_1418 = arith.addi %mul3A_1416, %add3A_1417 : i32
        %get3A_1419 = arith.index_cast %add3A_1418 : i32 to index
        %get3A_1420 = arith.constant 64 : index
        %get3A_1421 = tpu.vector_load %arg5[%get3A_1419, %get3A_1420] {strides = array<i32>} : memref<256x128xf32, #tpu.memory_space<vmem>>, vector<1x16xf32>,
        %get3A_1422 = vector.shape_cast %get3A_1421 : vector<1x16xf32> to vector<1x16xf32>
        %mul3A_1423 = arith.constant 32 : i32
        %mul3A_1424 = arith.muli %add3A_112, %mul3A_1423 : i32
        %add3A_1425 = arith.constant 18 : i32
        %add3A_1426 = arith.addi %mul3A_1424, %add3A_1425 : i32
        %get3A_1427 = arith.index_cast %add3A_1426 : i32 to index
        %get3A_1428 = arith.constant 64 : index
        %get3A_1429 = tpu.vector_load %arg5[%get3A_1427, %get3A_1428] {strides = array<i32>} : memref<256x128xf32, #tpu.memory_space<vmem>>, vector<1x16xf32>,
        %get3A_1430 = vector.shape_cast %get3A_1429 : vector<1x16xf32> to vector<1x16xf32>
        %mul3A_1431 = arith.constant 32 : i32
        %mul3A_1432 = arith.muli %add3A_112, %mul3A_1431 : i32
        %add3A_1433 = arith.constant 19 : i32
        %add3A_1434 = arith.addi %mul3A_1432, %add3A_1433 : i32
        %get3A_1435 = arith.index_cast %add3A_1434 : i32 to index
        %get3A_1436 = arith.constant 64 : index
        %get3A_1437 = tpu.vector_load %arg5[%get3A_1435, %get3A_1436] {strides = array<i32>} : memref<256x128xf32, #tpu.memory_space<vmem>>, vector<1x16xf32>,
        %get3A_1438 = vector.shape_cast %get3A_1437 : vector<1x16xf32> to vector<1x16xf32>
        %mul3A_1439 = arith.constant 32 : i32
        %mul3A_1440 = arith.muli %add3A_112, %mul3A_1439 : i32
        %add3A_1441 = arith.constant 20 : i32
        %add3A_1442 = arith.addi %mul3A_1440, %add3A_1441 : i32
        %get3A_1443 = arith.index_cast %add3A_1442 : i32 to index
        %get3A_1444 = arith.constant 64 : index
        %get3A_1445 = tpu.vector_load %arg5[%get3A_1443, %get3A_1444] {strides = array<i32>} : memref<256x128xf32, #tpu.memory_space<vmem>>, vector<1x16xf32>,
        %get3A_1446 = vector.shape_cast %get3A_1445 : vector<1x16xf32> to vector<1x16xf32>
        %mul3A_1447 = arith.constant 32 : i32
        %mul3A_1448 = arith.muli %add3A_112, %mul3A_1447 : i32
        %add3A_1449 = arith.constant 21 : i32
        %add3A_1450 = arith.addi %mul3A_1448, %add3A_1449 : i32
        %get3A_1451 = arith.index_cast %add3A_1450 : i32 to index
        %get3A_1452 = arith.constant 64 : index
        %get3A_1453 = tpu.vector_load %arg5[%get3A_1451, %get3A_1452] {strides = array<i32>} : memref<256x128xf32, #tpu.memory_space<vmem>>, vector<1x16xf32>,
        %get3A_1454 = vector.shape_cast %get3A_1453 : vector<1x16xf32> to vector<1x16xf32>
        %mul3A_1455 = arith.constant 32 : i32
        %mul3A_1456 = arith.muli %add3A_112, %mul3A_1455 : i32
        %add3A_1457 = arith.constant 22 : i32
        %add3A_1458 = arith.addi %mul3A_1456, %add3A_1457 : i32
        %get3A_1459 = arith.index_cast %add3A_1458 : i32 to index
        %get3A_1460 = arith.constant 64 : index
        %get3A_1461 = tpu.vector_load %arg5[%get3A_1459, %get3A_1460] {strides = array<i32>} : memref<256x128xf32, #tpu.memory_space<vmem>>, vector<1x16xf32>,
        %get3A_1462 = vector.shape_cast %get3A_1461 : vector<1x16xf32> to vector<1x16xf32>
        %mul3A_1463 = arith.constant 32 : i32
        %mul3A_1464 = arith.muli %add3A_112, %mul3A_1463 : i32
        %add3A_1465 = arith.constant 23 : i32
        %add3A_1466 = arith.addi %mul3A_1464, %add3A_1465 : i32
        %get3A_1467 = arith.index_cast %add3A_1466 : i32 to index
        %get3A_1468 = arith.constant 64 : index
        %get3A_1469 = tpu.vector_load %arg5[%get3A_1467, %get3A_1468] {strides = array<i32>} : memref<256x128xf32, #tpu.memory_space<vmem>>, vector<1x16xf32>,
        %get3A_1470 = vector.shape_cast %get3A_1469 : vector<1x16xf32> to vector<1x16xf32>
        %mul3A_1471 = arith.constant 32 : i32
        %mul3A_1472 = arith.muli %add3A_112, %mul3A_1471 : i32
        %add3A_1473 = arith.constant 24 : i32
        %add3A_1474 = arith.addi %mul3A_1472, %add3A_1473 : i32
        %get3A_1475 = arith.index_cast %add3A_1474 : i32 to index
        %get3A_1476 = arith.constant 64 : index
        %get3A_1477 = tpu.vector_load %arg5[%get3A_1475, %get3A_1476] {strides = array<i32>} : memref<256x128xf32, #tpu.memory_space<vmem>>, vector<1x16xf32>,
        %get3A_1478 = vector.shape_cast %get3A_1477 : vector<1x16xf32> to vector<1x16xf32>
        %mul3A_1479 = arith.constant 32 : i32
        %mul3A_1480 = arith.muli %add3A_112, %mul3A_1479 : i32
        %add3A_1481 = arith.constant 25 : i32
        %add3A_1482 = arith.addi %mul3A_1480, %add3A_1481 : i32
        %get3A_1483 = arith.index_cast %add3A_1482 : i32 to index
        %get3A_1484 = arith.constant 64 : index
        %get3A_1485 = tpu.vector_load %arg5[%get3A_1483, %get3A_1484] {strides = array<i32>} : memref<256x128xf32, #tpu.memory_space<vmem>>, vector<1x16xf32>,
        %get3A_1486 = vector.shape_cast %get3A_1485 : vector<1x16xf32> to vector<1x16xf32>
        %mul3A_1487 = arith.constant 32 : i32
        %mul3A_1488 = arith.muli %add3A_112, %mul3A_1487 : i32
        %add3A_1489 = arith.constant 26 : i32
        %add3A_1490 = arith.addi %mul3A_1488, %add3A_1489 : i32
        %get3A_1491 = arith.index_cast %add3A_1490 : i32 to index
        %get3A_1492 = arith.constant 64 : index
        %get3A_1493 = tpu.vector_load %arg5[%get3A_1491, %get3A_1492] {strides = array<i32>} : memref<256x128xf32, #tpu.memory_space<vmem>>, vector<1x16xf32>,
        %get3A_1494 = vector.shape_cast %get3A_1493 : vector<1x16xf32> to vector<1x16xf32>
        %mul3A_1495 = arith.constant 32 : i32
        %mul3A_1496 = arith.muli %add3A_112, %mul3A_1495 : i32
        %add3A_1497 = arith.constant 27 : i32
        %add3A_1498 = arith.addi %mul3A_1496, %add3A_1497 : i32
        %get3A_1499 = arith.index_cast %add3A_1498 : i32 to index
        %get3A_1500 = arith.constant 64 : index
        %get3A_1501 = tpu.vector_load %arg5[%get3A_1499, %get3A_1500] {strides = array<i32>} : memref<256x128xf32, #tpu.memory_space<vmem>>, vector<1x16xf32>,
        %get3A_1502 = vector.shape_cast %get3A_1501 : vector<1x16xf32> to vector<1x16xf32>
        %mul3A_1503 = arith.constant 32 : i32
        %mul3A_1504 = arith.muli %add3A_112, %mul3A_1503 : i32
        %add3A_1505 = arith.constant 28 : i32
        %add3A_1506 = arith.addi %mul3A_1504, %add3A_1505 : i32
        %get3A_1507 = arith.index_cast %add3A_1506 : i32 to index
        %get3A_1508 = arith.constant 64 : index
        %get3A_1509 = tpu.vector_load %arg5[%get3A_1507, %get3A_1508] {strides = array<i32>} : memref<256x128xf32, #tpu.memory_space<vmem>>, vector<1x16xf32>,
        %get3A_1510 = vector.shape_cast %get3A_1509 : vector<1x16xf32> to vector<1x16xf32>
        %mul3A_1511 = arith.constant 32 : i32
        %mul3A_1512 = arith.muli %add3A_112, %mul3A_1511 : i32
        %add3A_1513 = arith.constant 29 : i32
        %add3A_1514 = arith.addi %mul3A_1512, %add3A_1513 : i32
        %get3A_1515 = arith.index_cast %add3A_1514 : i32 to index
        %get3A_1516 = arith.constant 64 : index
        %get3A_1517 = tpu.vector_load %arg5[%get3A_1515, %get3A_1516] {strides = array<i32>} : memref<256x128xf32, #tpu.memory_space<vmem>>, vector<1x16xf32>,
        %get3A_1518 = vector.shape_cast %get3A_1517 : vector<1x16xf32> to vector<1x16xf32>
        %mul3A_1519 = arith.constant 32 : i32
        %mul3A_1520 = arith.muli %add3A_112, %mul3A_1519 : i32
        %add3A_1521 = arith.constant 30 : i32
        %add3A_1522 = arith.addi %mul3A_1520, %add3A_1521 : i32
        %get3A_1523 = arith.index_cast %add3A_1522 : i32 to index
        %get3A_1524 = arith.constant 64 : index
        %get3A_1525 = tpu.vector_load %arg5[%get3A_1523, %get3A_1524] {strides = array<i32>} : memref<256x128xf32, #tpu.memory_space<vmem>>, vector<1x16xf32>,
        %get3A_1526 = vector.shape_cast %get3A_1525 : vector<1x16xf32> to vector<1x16xf32>
        %mul3A_1527 = arith.constant 32 : i32
        %mul3A_1528 = arith.muli %add3A_112, %mul3A_1527 : i32
        %add3A_1529 = arith.constant 31 : i32
        %add3A_1530 = arith.addi %mul3A_1528, %add3A_1529 : i32
        %get3A_1531 = arith.index_cast %add3A_1530 : i32 to index
        %get3A_1532 = arith.constant 64 : index
        %get3A_1533 = tpu.vector_load %arg5[%get3A_1531, %get3A_1532] {strides = array<i32>} : memref<256x128xf32, #tpu.memory_space<vmem>>, vector<1x16xf32>,
        %get3A_1534 = vector.shape_cast %get3A_1533 : vector<1x16xf32> to vector<1x16xf32>
        %add3A_1535 = arith.addf %get3A_1286, %get3A_1294 : vector<1x16xf32>
        %add3A_1536 = arith.addf %get3A_1302, %get3A_1310 : vector<1x16xf32>
        %add3A_1537 = arith.addf %get3A_1318, %get3A_1326 : vector<1x16xf32>
        %add3A_1538 = arith.addf %get3A_1334, %get3A_1342 : vector<1x16xf32>
        %add3A_1539 = arith.addf %get3A_1350, %get3A_1358 : vector<1x16xf32>
        %add3A_1540 = arith.addf %get3A_1366, %get3A_1374 : vector<1x16xf32>
        %add3A_1541 = arith.addf %get3A_1382, %get3A_1390 : vector<1x16xf32>
        %add3A_1542 = arith.addf %get3A_1398, %get3A_1406 : vector<1x16xf32>
        %add3A_1543 = arith.addf %get3A_1414, %get3A_1422 : vector<1x16xf32>
        %add3A_1544 = arith.addf %get3A_1430, %get3A_1438 : vector<1x16xf32>
        %add3A_1545 = arith.addf %get3A_1446, %get3A_1454 : vector<1x16xf32>
        %add3A_1546 = arith.addf %get3A_1462, %get3A_1470 : vector<1x16xf32>
        %add3A_1547 = arith.addf %get3A_1478, %get3A_1486 : vector<1x16xf32>
        %add3A_1548 = arith.addf %get3A_1494, %get3A_1502 : vector<1x16xf32>
        %add3A_1549 = arith.addf %get3A_1510, %get3A_1518 : vector<1x16xf32>
        %add3A_1550 = arith.addf %get3A_1526, %get3A_1534 : vector<1x16xf32>
        %add3A_1551 = arith.addf %add3A_1535, %add3A_1536 : vector<1x16xf32>
        %add3A_1552 = arith.addf %add3A_1537, %add3A_1538 : vector<1x16xf32>
        %add3A_1553 = arith.addf %add3A_1539, %add3A_1540 : vector<1x16xf32>
        %add3A_1554 = arith.addf %add3A_1541, %add3A_1542 : vector<1x16xf32>
        %add3A_1555 = arith.addf %add3A_1543, %add3A_1544 : vector<1x16xf32>
        %add3A_1556 = arith.addf %add3A_1545, %add3A_1546 : vector<1x16xf32>
        %add3A_1557 = arith.addf %add3A_1547, %add3A_1548 : vector<1x16xf32>
        %add3A_1558 = arith.addf %add3A_1549, %add3A_1550 : vector<1x16xf32>
        %add3A_1559 = arith.addf %add3A_1551, %add3A_1552 : vector<1x16xf32>
        %add3A_1560 = arith.addf %add3A_1553, %add3A_1554 : vector<1x16xf32>
        %add3A_1561 = arith.addf %add3A_1555, %add3A_1556 : vector<1x16xf32>
        %add3A_1562 = arith.addf %add3A_1557, %add3A_1558 : vector<1x16xf32>
        %add3A_1563 = arith.addf %add3A_1559, %add3A_1560 : vector<1x16xf32>
        %add3A_1564 = arith.addf %add3A_1561, %add3A_1562 : vector<1x16xf32>
        %add3A_1565 = arith.addf %add3A_1563, %add3A_1564 : vector<1x16xf32>
        %swap3A_1566 = arith.index_cast %add3A_112 : i32 to index
        %swap3A_1567 = arith.constant 64 : index
        %swap3A_1568 = tpu.vector_load %arg7[%swap3A_1566, %swap3A_1567] {strides = array<i32>} : memref<8x128xf32, #tpu.memory_space<vmem>>, vector<1x16xf32>,
        %swap3A_1569 = vector.shape_cast %swap3A_1568 : vector<1x16xf32> to vector<1x16xf32>
        %swap3A_1570 = vector.shape_cast %add3A_1565 : vector<1x16xf32> to vector<1x16xf32>
        tpu.vector_store %arg7[%swap3A_1566, %swap3A_1567], %swap3A_1570 {strides = array<i32>} : memref<8x128xf32, #tpu.memory_space<vmem>>, vector<1x16xf32>,
        %mul3A_1571 = arith.constant 32 : i32
        %mul3A_1572 = arith.muli %add3A_112, %mul3A_1571 : i32
        %add3A_1573 = arith.constant 0 : i32
        %add3A_1574 = arith.addi %mul3A_1572, %add3A_1573 : i32
        %get3A_1575 = arith.index_cast %add3A_1574 : i32 to index
        %get3A_1576 = arith.constant 80 : index
        %get3A_1577 = tpu.vector_load %arg5[%get3A_1575, %get3A_1576] {strides = array<i32>} : memref<256x128xf32, #tpu.memory_space<vmem>>, vector<1x16xf32>,
        %get3A_1578 = vector.shape_cast %get3A_1577 : vector<1x16xf32> to vector<1x16xf32>
        %mul3A_1579 = arith.constant 32 : i32
        %mul3A_1580 = arith.muli %add3A_112, %mul3A_1579 : i32
        %add3A_1581 = arith.constant 1 : i32
        %add3A_1582 = arith.addi %mul3A_1580, %add3A_1581 : i32
        %get3A_1583 = arith.index_cast %add3A_1582 : i32 to index
        %get3A_1584 = arith.constant 80 : index
        %get3A_1585 = tpu.vector_load %arg5[%get3A_1583, %get3A_1584] {strides = array<i32>} : memref<256x128xf32, #tpu.memory_space<vmem>>, vector<1x16xf32>,
        %get3A_1586 = vector.shape_cast %get3A_1585 : vector<1x16xf32> to vector<1x16xf32>
        %mul3A_1587 = arith.constant 32 : i32
        %mul3A_1588 = arith.muli %add3A_112, %mul3A_1587 : i32
        %add3A_1589 = arith.constant 2 : i32
        %add3A_1590 = arith.addi %mul3A_1588, %add3A_1589 : i32
        %get3A_1591 = arith.index_cast %add3A_1590 : i32 to index
        %get3A_1592 = arith.constant 80 : index
        %get3A_1593 = tpu.vector_load %arg5[%get3A_1591, %get3A_1592] {strides = array<i32>} : memref<256x128xf32, #tpu.memory_space<vmem>>, vector<1x16xf32>,
        %get3A_1594 = vector.shape_cast %get3A_1593 : vector<1x16xf32> to vector<1x16xf32>
        %mul3A_1595 = arith.constant 32 : i32
        %mul3A_1596 = arith.muli %add3A_112, %mul3A_1595 : i32
        %add3A_1597 = arith.constant 3 : i32
        %add3A_1598 = arith.addi %mul3A_1596, %add3A_1597 : i32
        %get3A_1599 = arith.index_cast %add3A_1598 : i32 to index
        %get3A_1600 = arith.constant 80 : index
        %get3A_1601 = tpu.vector_load %arg5[%get3A_1599, %get3A_1600] {strides = array<i32>} : memref<256x128xf32, #tpu.memory_space<vmem>>, vector<1x16xf32>,
        %get3A_1602 = vector.shape_cast %get3A_1601 : vector<1x16xf32> to vector<1x16xf32>
        %mul3A_1603 = arith.constant 32 : i32
        %mul3A_1604 = arith.muli %add3A_112, %mul3A_1603 : i32
        %add3A_1605 = arith.constant 4 : i32
        %add3A_1606 = arith.addi %mul3A_1604, %add3A_1605 : i32
        %get3A_1607 = arith.index_cast %add3A_1606 : i32 to index
        %get3A_1608 = arith.constant 80 : index
        %get3A_1609 = tpu.vector_load %arg5[%get3A_1607, %get3A_1608] {strides = array<i32>} : memref<256x128xf32, #tpu.memory_space<vmem>>, vector<1x16xf32>,
        %get3A_1610 = vector.shape_cast %get3A_1609 : vector<1x16xf32> to vector<1x16xf32>
        %mul3A_1611 = arith.constant 32 : i32
        %mul3A_1612 = arith.muli %add3A_112, %mul3A_1611 : i32
        %add3A_1613 = arith.constant 5 : i32
        %add3A_1614 = arith.addi %mul3A_1612, %add3A_1613 : i32
        %get3A_1615 = arith.index_cast %add3A_1614 : i32 to index
        %get3A_1616 = arith.constant 80 : index
        %get3A_1617 = tpu.vector_load %arg5[%get3A_1615, %get3A_1616] {strides = array<i32>} : memref<256x128xf32, #tpu.memory_space<vmem>>, vector<1x16xf32>,
        %get3A_1618 = vector.shape_cast %get3A_1617 : vector<1x16xf32> to vector<1x16xf32>
        %mul3A_1619 = arith.constant 32 : i32
        %mul3A_1620 = arith.muli %add3A_112, %mul3A_1619 : i32
        %add3A_1621 = arith.constant 6 : i32
        %add3A_1622 = arith.addi %mul3A_1620, %add3A_1621 : i32
        %get3A_1623 = arith.index_cast %add3A_1622 : i32 to index
        %get3A_1624 = arith.constant 80 : index
        %get3A_1625 = tpu.vector_load %arg5[%get3A_1623, %get3A_1624] {strides = array<i32>} : memref<256x128xf32, #tpu.memory_space<vmem>>, vector<1x16xf32>,
        %get3A_1626 = vector.shape_cast %get3A_1625 : vector<1x16xf32> to vector<1x16xf32>
        %mul3A_1627 = arith.constant 32 : i32
        %mul3A_1628 = arith.muli %add3A_112, %mul3A_1627 : i32
        %add3A_1629 = arith.constant 7 : i32
        %add3A_1630 = arith.addi %mul3A_1628, %add3A_1629 : i32
        %get3A_1631 = arith.index_cast %add3A_1630 : i32 to index
        %get3A_1632 = arith.constant 80 : index
        %get3A_1633 = tpu.vector_load %arg5[%get3A_1631, %get3A_1632] {strides = array<i32>} : memref<256x128xf32, #tpu.memory_space<vmem>>, vector<1x16xf32>,
        %get3A_1634 = vector.shape_cast %get3A_1633 : vector<1x16xf32> to vector<1x16xf32>
        %mul3A_1635 = arith.constant 32 : i32
        %mul3A_1636 = arith.muli %add3A_112, %mul3A_1635 : i32
        %add3A_1637 = arith.constant 8 : i32
        %add3A_1638 = arith.addi %mul3A_1636, %add3A_1637 : i32
        %get3A_1639 = arith.index_cast %add3A_1638 : i32 to index
        %get3A_1640 = arith.constant 80 : index
        %get3A_1641 = tpu.vector_load %arg5[%get3A_1639, %get3A_1640] {strides = array<i32>} : memref<256x128xf32, #tpu.memory_space<vmem>>, vector<1x16xf32>,
        %get3A_1642 = vector.shape_cast %get3A_1641 : vector<1x16xf32> to vector<1x16xf32>
        %mul3A_1643 = arith.constant 32 : i32
        %mul3A_1644 = arith.muli %add3A_112, %mul3A_1643 : i32
        %add3A_1645 = arith.constant 9 : i32
        %add3A_1646 = arith.addi %mul3A_1644, %add3A_1645 : i32
        %get3A_1647 = arith.index_cast %add3A_1646 : i32 to index
        %get3A_1648 = arith.constant 80 : index
        %get3A_1649 = tpu.vector_load %arg5[%get3A_1647, %get3A_1648] {strides = array<i32>} : memref<256x128xf32, #tpu.memory_space<vmem>>, vector<1x16xf32>,
        %get3A_1650 = vector.shape_cast %get3A_1649 : vector<1x16xf32> to vector<1x16xf32>
        %mul3A_1651 = arith.constant 32 : i32
        %mul3A_1652 = arith.muli %add3A_112, %mul3A_1651 : i32
        %add3A_1653 = arith.constant 10 : i32
        %add3A_1654 = arith.addi %mul3A_1652, %add3A_1653 : i32
        %get3A_1655 = arith.index_cast %add3A_1654 : i32 to index
        %get3A_1656 = arith.constant 80 : index
        %get3A_1657 = tpu.vector_load %arg5[%get3A_1655, %get3A_1656] {strides = array<i32>} : memref<256x128xf32, #tpu.memory_space<vmem>>, vector<1x16xf32>,
        %get3A_1658 = vector.shape_cast %get3A_1657 : vector<1x16xf32> to vector<1x16xf32>
        %mul3A_1659 = arith.constant 32 : i32
        %mul3A_1660 = arith.muli %add3A_112, %mul3A_1659 : i32
        %add3A_1661 = arith.constant 11 : i32
        %add3A_1662 = arith.addi %mul3A_1660, %add3A_1661 : i32
        %get3A_1663 = arith.index_cast %add3A_1662 : i32 to index
        %get3A_1664 = arith.constant 80 : index
        %get3A_1665 = tpu.vector_load %arg5[%get3A_1663, %get3A_1664] {strides = array<i32>} : memref<256x128xf32, #tpu.memory_space<vmem>>, vector<1x16xf32>,
        %get3A_1666 = vector.shape_cast %get3A_1665 : vector<1x16xf32> to vector<1x16xf32>
        %mul3A_1667 = arith.constant 32 : i32
        %mul3A_1668 = arith.muli %add3A_112, %mul3A_1667 : i32
        %add3A_1669 = arith.constant 12 : i32
        %add3A_1670 = arith.addi %mul3A_1668, %add3A_1669 : i32
        %get3A_1671 = arith.index_cast %add3A_1670 : i32 to index
        %get3A_1672 = arith.constant 80 : index
        %get3A_1673 = tpu.vector_load %arg5[%get3A_1671, %get3A_1672] {strides = array<i32>} : memref<256x128xf32, #tpu.memory_space<vmem>>, vector<1x16xf32>,
        %get3A_1674 = vector.shape_cast %get3A_1673 : vector<1x16xf32> to vector<1x16xf32>
        %mul3A_1675 = arith.constant 32 : i32
        %mul3A_1676 = arith.muli %add3A_112, %mul3A_1675 : i32
        %add3A_1677 = arith.constant 13 : i32
        %add3A_1678 = arith.addi %mul3A_1676, %add3A_1677 : i32
        %get3A_1679 = arith.index_cast %add3A_1678 : i32 to index
        %get3A_1680 = arith.constant 80 : index
        %get3A_1681 = tpu.vector_load %arg5[%get3A_1679, %get3A_1680] {strides = array<i32>} : memref<256x128xf32, #tpu.memory_space<vmem>>, vector<1x16xf32>,
        %get3A_1682 = vector.shape_cast %get3A_1681 : vector<1x16xf32> to vector<1x16xf32>
        %mul3A_1683 = arith.constant 32 : i32
        %mul3A_1684 = arith.muli %add3A_112, %mul3A_1683 : i32
        %add3A_1685 = arith.constant 14 : i32
        %add3A_1686 = arith.addi %mul3A_1684, %add3A_1685 : i32
        %get3A_1687 = arith.index_cast %add3A_1686 : i32 to index
        %get3A_1688 = arith.constant 80 : index
        %get3A_1689 = tpu.vector_load %arg5[%get3A_1687, %get3A_1688] {strides = array<i32>} : memref<256x128xf32, #tpu.memory_space<vmem>>, vector<1x16xf32>,
        %get3A_1690 = vector.shape_cast %get3A_1689 : vector<1x16xf32> to vector<1x16xf32>
        %mul3A_1691 = arith.constant 32 : i32
        %mul3A_1692 = arith.muli %add3A_112, %mul3A_1691 : i32
        %add3A_1693 = arith.constant 15 : i32
        %add3A_1694 = arith.addi %mul3A_1692, %add3A_1693 : i32
        %get3A_1695 = arith.index_cast %add3A_1694 : i32 to index
        %get3A_1696 = arith.constant 80 : index
        %get3A_1697 = tpu.vector_load %arg5[%get3A_1695, %get3A_1696] {strides = array<i32>} : memref<256x128xf32, #tpu.memory_space<vmem>>, vector<1x16xf32>,
        %get3A_1698 = vector.shape_cast %get3A_1697 : vector<1x16xf32> to vector<1x16xf32>
        %mul3A_1699 = arith.constant 32 : i32
        %mul3A_1700 = arith.muli %add3A_112, %mul3A_1699 : i32
        %add3A_1701 = arith.constant 16 : i32
        %add3A_1702 = arith.addi %mul3A_1700, %add3A_1701 : i32
        %get3A_1703 = arith.index_cast %add3A_1702 : i32 to index
        %get3A_1704 = arith.constant 80 : index
        %get3A_1705 = tpu.vector_load %arg5[%get3A_1703, %get3A_1704] {strides = array<i32>} : memref<256x128xf32, #tpu.memory_space<vmem>>, vector<1x16xf32>,
        %get3A_1706 = vector.shape_cast %get3A_1705 : vector<1x16xf32> to vector<1x16xf32>
        %mul3A_1707 = arith.constant 32 : i32
        %mul3A_1708 = arith.muli %add3A_112, %mul3A_1707 : i32
        %add3A_1709 = arith.constant 17 : i32
        %add3A_1710 = arith.addi %mul3A_1708, %add3A_1709 : i32
        %get3A_1711 = arith.index_cast %add3A_1710 : i32 to index
        %get3A_1712 = arith.constant 80 : index
        %get3A_1713 = tpu.vector_load %arg5[%get3A_1711, %get3A_1712] {strides = array<i32>} : memref<256x128xf32, #tpu.memory_space<vmem>>, vector<1x16xf32>,
        %get3A_1714 = vector.shape_cast %get3A_1713 : vector<1x16xf32> to vector<1x16xf32>
        %mul3A_1715 = arith.constant 32 : i32
        %mul3A_1716 = arith.muli %add3A_112, %mul3A_1715 : i32
        %add3A_1717 = arith.constant 18 : i32
        %add3A_1718 = arith.addi %mul3A_1716, %add3A_1717 : i32
        %get3A_1719 = arith.index_cast %add3A_1718 : i32 to index
        %get3A_1720 = arith.constant 80 : index
        %get3A_1721 = tpu.vector_load %arg5[%get3A_1719, %get3A_1720] {strides = array<i32>} : memref<256x128xf32, #tpu.memory_space<vmem>>, vector<1x16xf32>,
        %get3A_1722 = vector.shape_cast %get3A_1721 : vector<1x16xf32> to vector<1x16xf32>
        %mul3A_1723 = arith.constant 32 : i32
        %mul3A_1724 = arith.muli %add3A_112, %mul3A_1723 : i32
        %add3A_1725 = arith.constant 19 : i32
        %add3A_1726 = arith.addi %mul3A_1724, %add3A_1725 : i32
        %get3A_1727 = arith.index_cast %add3A_1726 : i32 to index
        %get3A_1728 = arith.constant 80 : index
        %get3A_1729 = tpu.vector_load %arg5[%get3A_1727, %get3A_1728] {strides = array<i32>} : memref<256x128xf32, #tpu.memory_space<vmem>>, vector<1x16xf32>,
        %get3A_1730 = vector.shape_cast %get3A_1729 : vector<1x16xf32> to vector<1x16xf32>
        %mul3A_1731 = arith.constant 32 : i32
        %mul3A_1732 = arith.muli %add3A_112, %mul3A_1731 : i32
        %add3A_1733 = arith.constant 20 : i32
        %add3A_1734 = arith.addi %mul3A_1732, %add3A_1733 : i32
        %get3A_1735 = arith.index_cast %add3A_1734 : i32 to index
        %get3A_1736 = arith.constant 80 : index
        %get3A_1737 = tpu.vector_load %arg5[%get3A_1735, %get3A_1736] {strides = array<i32>} : memref<256x128xf32, #tpu.memory_space<vmem>>, vector<1x16xf32>,
        %get3A_1738 = vector.shape_cast %get3A_1737 : vector<1x16xf32> to vector<1x16xf32>
        %mul3A_1739 = arith.constant 32 : i32
        %mul3A_1740 = arith.muli %add3A_112, %mul3A_1739 : i32
        %add3A_1741 = arith.constant 21 : i32
        %add3A_1742 = arith.addi %mul3A_1740, %add3A_1741 : i32
        %get3A_1743 = arith.index_cast %add3A_1742 : i32 to index
        %get3A_1744 = arith.constant 80 : index
        %get3A_1745 = tpu.vector_load %arg5[%get3A_1743, %get3A_1744] {strides = array<i32>} : memref<256x128xf32, #tpu.memory_space<vmem>>, vector<1x16xf32>,
        %get3A_1746 = vector.shape_cast %get3A_1745 : vector<1x16xf32> to vector<1x16xf32>
        %mul3A_1747 = arith.constant 32 : i32
        %mul3A_1748 = arith.muli %add3A_112, %mul3A_1747 : i32
        %add3A_1749 = arith.constant 22 : i32
        %add3A_1750 = arith.addi %mul3A_1748, %add3A_1749 : i32
        %get3A_1751 = arith.index_cast %add3A_1750 : i32 to index
        %get3A_1752 = arith.constant 80 : index
        %get3A_1753 = tpu.vector_load %arg5[%get3A_1751, %get3A_1752] {strides = array<i32>} : memref<256x128xf32, #tpu.memory_space<vmem>>, vector<1x16xf32>,
        %get3A_1754 = vector.shape_cast %get3A_1753 : vector<1x16xf32> to vector<1x16xf32>
        %mul3A_1755 = arith.constant 32 : i32
        %mul3A_1756 = arith.muli %add3A_112, %mul3A_1755 : i32
        %add3A_1757 = arith.constant 23 : i32
        %add3A_1758 = arith.addi %mul3A_1756, %add3A_1757 : i32
        %get3A_1759 = arith.index_cast %add3A_1758 : i32 to index
        %get3A_1760 = arith.constant 80 : index
        %get3A_1761 = tpu.vector_load %arg5[%get3A_1759, %get3A_1760] {strides = array<i32>} : memref<256x128xf32, #tpu.memory_space<vmem>>, vector<1x16xf32>,
        %get3A_1762 = vector.shape_cast %get3A_1761 : vector<1x16xf32> to vector<1x16xf32>
        %mul3A_1763 = arith.constant 32 : i32
        %mul3A_1764 = arith.muli %add3A_112, %mul3A_1763 : i32
        %add3A_1765 = arith.constant 24 : i32
        %add3A_1766 = arith.addi %mul3A_1764, %add3A_1765 : i32
        %get3A_1767 = arith.index_cast %add3A_1766 : i32 to index
        %get3A_1768 = arith.constant 80 : index
        %get3A_1769 = tpu.vector_load %arg5[%get3A_1767, %get3A_1768] {strides = array<i32>} : memref<256x128xf32, #tpu.memory_space<vmem>>, vector<1x16xf32>,
        %get3A_1770 = vector.shape_cast %get3A_1769 : vector<1x16xf32> to vector<1x16xf32>
        %mul3A_1771 = arith.constant 32 : i32
        %mul3A_1772 = arith.muli %add3A_112, %mul3A_1771 : i32
        %add3A_1773 = arith.constant 25 : i32
        %add3A_1774 = arith.addi %mul3A_1772, %add3A_1773 : i32
        %get3A_1775 = arith.index_cast %add3A_1774 : i32 to index
        %get3A_1776 = arith.constant 80 : index
        %get3A_1777 = tpu.vector_load %arg5[%get3A_1775, %get3A_1776] {strides = array<i32>} : memref<256x128xf32, #tpu.memory_space<vmem>>, vector<1x16xf32>,
        %get3A_1778 = vector.shape_cast %get3A_1777 : vector<1x16xf32> to vector<1x16xf32>
        %mul3A_1779 = arith.constant 32 : i32
        %mul3A_1780 = arith.muli %add3A_112, %mul3A_1779 : i32
        %add3A_1781 = arith.constant 26 : i32
        %add3A_1782 = arith.addi %mul3A_1780, %add3A_1781 : i32
        %get3A_1783 = arith.index_cast %add3A_1782 : i32 to index
        %get3A_1784 = arith.constant 80 : index
        %get3A_1785 = tpu.vector_load %arg5[%get3A_1783, %get3A_1784] {strides = array<i32>} : memref<256x128xf32, #tpu.memory_space<vmem>>, vector<1x16xf32>,
        %get3A_1786 = vector.shape_cast %get3A_1785 : vector<1x16xf32> to vector<1x16xf32>
        %mul3A_1787 = arith.constant 32 : i32
        %mul3A_1788 = arith.muli %add3A_112, %mul3A_1787 : i32
        %add3A_1789 = arith.constant 27 : i32
        %add3A_1790 = arith.addi %mul3A_1788, %add3A_1789 : i32
        %get3A_1791 = arith.index_cast %add3A_1790 : i32 to index
        %get3A_1792 = arith.constant 80 : index
        %get3A_1793 = tpu.vector_load %arg5[%get3A_1791, %get3A_1792] {strides = array<i32>} : memref<256x128xf32, #tpu.memory_space<vmem>>, vector<1x16xf32>,
        %get3A_1794 = vector.shape_cast %get3A_1793 : vector<1x16xf32> to vector<1x16xf32>
        %mul3A_1795 = arith.constant 32 : i32
        %mul3A_1796 = arith.muli %add3A_112, %mul3A_1795 : i32
        %add3A_1797 = arith.constant 28 : i32
        %add3A_1798 = arith.addi %mul3A_1796, %add3A_1797 : i32
        %get3A_1799 = arith.index_cast %add3A_1798 : i32 to index
        %get3A_1800 = arith.constant 80 : index
        %get3A_1801 = tpu.vector_load %arg5[%get3A_1799, %get3A_1800] {strides = array<i32>} : memref<256x128xf32, #tpu.memory_space<vmem>>, vector<1x16xf32>,
        %get3A_1802 = vector.shape_cast %get3A_1801 : vector<1x16xf32> to vector<1x16xf32>
        %mul3A_1803 = arith.constant 32 : i32
        %mul3A_1804 = arith.muli %add3A_112, %mul3A_1803 : i32
        %add3A_1805 = arith.constant 29 : i32
        %add3A_1806 = arith.addi %mul3A_1804, %add3A_1805 : i32
        %get3A_1807 = arith.index_cast %add3A_1806 : i32 to index
        %get3A_1808 = arith.constant 80 : index
        %get3A_1809 = tpu.vector_load %arg5[%get3A_1807, %get3A_1808] {strides = array<i32>} : memref<256x128xf32, #tpu.memory_space<vmem>>, vector<1x16xf32>,
        %get3A_1810 = vector.shape_cast %get3A_1809 : vector<1x16xf32> to vector<1x16xf32>
        %mul3A_1811 = arith.constant 32 : i32
        %mul3A_1812 = arith.muli %add3A_112, %mul3A_1811 : i32
        %add3A_1813 = arith.constant 30 : i32
        %add3A_1814 = arith.addi %mul3A_1812, %add3A_1813 : i32
        %get3A_1815 = arith.index_cast %add3A_1814 : i32 to index
        %get3A_1816 = arith.constant 80 : index
        %get3A_1817 = tpu.vector_load %arg5[%get3A_1815, %get3A_1816] {strides = array<i32>} : memref<256x128xf32, #tpu.memory_space<vmem>>, vector<1x16xf32>,
        %get3A_1818 = vector.shape_cast %get3A_1817 : vector<1x16xf32> to vector<1x16xf32>
        %mul3A_1819 = arith.constant 32 : i32
        %mul3A_1820 = arith.muli %add3A_112, %mul3A_1819 : i32
        %add3A_1821 = arith.constant 31 : i32
        %add3A_1822 = arith.addi %mul3A_1820, %add3A_1821 : i32
        %get3A_1823 = arith.index_cast %add3A_1822 : i32 to index
        %get3A_1824 = arith.constant 80 : index
        %get3A_1825 = tpu.vector_load %arg5[%get3A_1823, %get3A_1824] {strides = array<i32>} : memref<256x128xf32, #tpu.memory_space<vmem>>, vector<1x16xf32>,
        %get3A_1826 = vector.shape_cast %get3A_1825 : vector<1x16xf32> to vector<1x16xf32>
        %add3A_1827 = arith.addf %get3A_1578, %get3A_1586 : vector<1x16xf32>
        %add3A_1828 = arith.addf %get3A_1594, %get3A_1602 : vector<1x16xf32>
        %add3A_1829 = arith.addf %get3A_1610, %get3A_1618 : vector<1x16xf32>
        %add3A_1830 = arith.addf %get3A_1626, %get3A_1634 : vector<1x16xf32>
        %add3A_1831 = arith.addf %get3A_1642, %get3A_1650 : vector<1x16xf32>
        %add3A_1832 = arith.addf %get3A_1658, %get3A_1666 : vector<1x16xf32>
        %add3A_1833 = arith.addf %get3A_1674, %get3A_1682 : vector<1x16xf32>
        %add3A_1834 = arith.addf %get3A_1690, %get3A_1698 : vector<1x16xf32>
        %add3A_1835 = arith.addf %get3A_1706, %get3A_1714 : vector<1x16xf32>
        %add3A_1836 = arith.addf %get3A_1722, %get3A_1730 : vector<1x16xf32>
        %add3A_1837 = arith.addf %get3A_1738, %get3A_1746 : vector<1x16xf32>
        %add3A_1838 = arith.addf %get3A_1754, %get3A_1762 : vector<1x16xf32>
        %add3A_1839 = arith.addf %get3A_1770, %get3A_1778 : vector<1x16xf32>
        %add3A_1840 = arith.addf %get3A_1786, %get3A_1794 : vector<1x16xf32>
        %add3A_1841 = arith.addf %get3A_1802, %get3A_1810 : vector<1x16xf32>
        %add3A_1842 = arith.addf %get3A_1818, %get3A_1826 : vector<1x16xf32>
        %add3A_1843 = arith.addf %add3A_1827, %add3A_1828 : vector<1x16xf32>
        %add3A_1844 = arith.addf %add3A_1829, %add3A_1830 : vector<1x16xf32>
        %add3A_1845 = arith.addf %add3A_1831, %add3A_1832 : vector<1x16xf32>
        %add3A_1846 = arith.addf %add3A_1833, %add3A_1834 : vector<1x16xf32>
        %add3A_1847 = arith.addf %add3A_1835, %add3A_1836 : vector<1x16xf32>
        %add3A_1848 = arith.addf %add3A_1837, %add3A_1838 : vector<1x16xf32>
        %add3A_1849 = arith.addf %add3A_1839, %add3A_1840 : vector<1x16xf32>
        %add3A_1850 = arith.addf %add3A_1841, %add3A_1842 : vector<1x16xf32>
        %add3A_1851 = arith.addf %add3A_1843, %add3A_1844 : vector<1x16xf32>
        %add3A_1852 = arith.addf %add3A_1845, %add3A_1846 : vector<1x16xf32>
        %add3A_1853 = arith.addf %add3A_1847, %add3A_1848 : vector<1x16xf32>
        %add3A_1854 = arith.addf %add3A_1849, %add3A_1850 : vector<1x16xf32>
        %add3A_1855 = arith.addf %add3A_1851, %add3A_1852 : vector<1x16xf32>
        %add3A_1856 = arith.addf %add3A_1853, %add3A_1854 : vector<1x16xf32>
        %add3A_1857 = arith.addf %add3A_1855, %add3A_1856 : vector<1x16xf32>
        %swap3A_1858 = arith.index_cast %add3A_112 : i32 to index
        %swap3A_1859 = arith.constant 80 : index
        %swap3A_1860 = tpu.vector_load %arg7[%swap3A_1858, %swap3A_1859] {strides = array<i32>} : memref<8x128xf32, #tpu.memory_space<vmem>>, vector<1x16xf32>,
        %swap3A_1861 = vector.shape_cast %swap3A_1860 : vector<1x16xf32> to vector<1x16xf32>
        %swap3A_1862 = vector.shape_cast %add3A_1857 : vector<1x16xf32> to vector<1x16xf32>
        tpu.vector_store %arg7[%swap3A_1858, %swap3A_1859], %swap3A_1862 {strides = array<i32>} : memref<8x128xf32, #tpu.memory_space<vmem>>, vector<1x16xf32>,
        %mul3A_1863 = arith.constant 32 : i32
        %mul3A_1864 = arith.muli %add3A_112, %mul3A_1863 : i32
        %add3A_1865 = arith.constant 0 : i32
        %add3A_1866 = arith.addi %mul3A_1864, %add3A_1865 : i32
        %get3A_1867 = arith.index_cast %add3A_1866 : i32 to index
        %get3A_1868 = arith.constant 96 : index
        %get3A_1869 = tpu.vector_load %arg5[%get3A_1867, %get3A_1868] {strides = array<i32>} : memref<256x128xf32, #tpu.memory_space<vmem>>, vector<1x16xf32>,
        %get3A_1870 = vector.shape_cast %get3A_1869 : vector<1x16xf32> to vector<1x16xf32>
        %mul3A_1871 = arith.constant 32 : i32
        %mul3A_1872 = arith.muli %add3A_112, %mul3A_1871 : i32
        %add3A_1873 = arith.constant 1 : i32
        %add3A_1874 = arith.addi %mul3A_1872, %add3A_1873 : i32
        %get3A_1875 = arith.index_cast %add3A_1874 : i32 to index
        %get3A_1876 = arith.constant 96 : index
        %get3A_1877 = tpu.vector_load %arg5[%get3A_1875, %get3A_1876] {strides = array<i32>} : memref<256x128xf32, #tpu.memory_space<vmem>>, vector<1x16xf32>,
        %get3A_1878 = vector.shape_cast %get3A_1877 : vector<1x16xf32> to vector<1x16xf32>
        %mul3A_1879 = arith.constant 32 : i32
        %mul3A_1880 = arith.muli %add3A_112, %mul3A_1879 : i32
        %add3A_1881 = arith.constant 2 : i32
        %add3A_1882 = arith.addi %mul3A_1880, %add3A_1881 : i32
        %get3A_1883 = arith.index_cast %add3A_1882 : i32 to index
        %get3A_1884 = arith.constant 96 : index
        %get3A_1885 = tpu.vector_load %arg5[%get3A_1883, %get3A_1884] {strides = array<i32>} : memref<256x128xf32, #tpu.memory_space<vmem>>, vector<1x16xf32>,
        %get3A_1886 = vector.shape_cast %get3A_1885 : vector<1x16xf32> to vector<1x16xf32>
        %mul3A_1887 = arith.constant 32 : i32
        %mul3A_1888 = arith.muli %add3A_112, %mul3A_1887 : i32
        %add3A_1889 = arith.constant 3 : i32
        %add3A_1890 = arith.addi %mul3A_1888, %add3A_1889 : i32
        %get3A_1891 = arith.index_cast %add3A_1890 : i32 to index
        %get3A_1892 = arith.constant 96 : index
        %get3A_1893 = tpu.vector_load %arg5[%get3A_1891, %get3A_1892] {strides = array<i32>} : memref<256x128xf32, #tpu.memory_space<vmem>>, vector<1x16xf32>,
        %get3A_1894 = vector.shape_cast %get3A_1893 : vector<1x16xf32> to vector<1x16xf32>
        %mul3A_1895 = arith.constant 32 : i32
        %mul3A_1896 = arith.muli %add3A_112, %mul3A_1895 : i32
        %add3A_1897 = arith.constant 4 : i32
        %add3A_1898 = arith.addi %mul3A_1896, %add3A_1897 : i32
        %get3A_1899 = arith.index_cast %add3A_1898 : i32 to index
        %get3A_1900 = arith.constant 96 : index
        %get3A_1901 = tpu.vector_load %arg5[%get3A_1899, %get3A_1900] {strides = array<i32>} : memref<256x128xf32, #tpu.memory_space<vmem>>, vector<1x16xf32>,
        %get3A_1902 = vector.shape_cast %get3A_1901 : vector<1x16xf32> to vector<1x16xf32>
        %mul3A_1903 = arith.constant 32 : i32
        %mul3A_1904 = arith.muli %add3A_112, %mul3A_1903 : i32
        %add3A_1905 = arith.constant 5 : i32
        %add3A_1906 = arith.addi %mul3A_1904, %add3A_1905 : i32
        %get3A_1907 = arith.index_cast %add3A_1906 : i32 to index
        %get3A_1908 = arith.constant 96 : index
        %get3A_1909 = tpu.vector_load %arg5[%get3A_1907, %get3A_1908] {strides = array<i32>} : memref<256x128xf32, #tpu.memory_space<vmem>>, vector<1x16xf32>,
        %get3A_1910 = vector.shape_cast %get3A_1909 : vector<1x16xf32> to vector<1x16xf32>
        %mul3A_1911 = arith.constant 32 : i32
        %mul3A_1912 = arith.muli %add3A_112, %mul3A_1911 : i32
        %add3A_1913 = arith.constant 6 : i32
        %add3A_1914 = arith.addi %mul3A_1912, %add3A_1913 : i32
        %get3A_1915 = arith.index_cast %add3A_1914 : i32 to index
        %get3A_1916 = arith.constant 96 : index
        %get3A_1917 = tpu.vector_load %arg5[%get3A_1915, %get3A_1916] {strides = array<i32>} : memref<256x128xf32, #tpu.memory_space<vmem>>, vector<1x16xf32>,
        %get3A_1918 = vector.shape_cast %get3A_1917 : vector<1x16xf32> to vector<1x16xf32>
        %mul3A_1919 = arith.constant 32 : i32
        %mul3A_1920 = arith.muli %add3A_112, %mul3A_1919 : i32
        %add3A_1921 = arith.constant 7 : i32
        %add3A_1922 = arith.addi %mul3A_1920, %add3A_1921 : i32
        %get3A_1923 = arith.index_cast %add3A_1922 : i32 to index
        %get3A_1924 = arith.constant 96 : index
        %get3A_1925 = tpu.vector_load %arg5[%get3A_1923, %get3A_1924] {strides = array<i32>} : memref<256x128xf32, #tpu.memory_space<vmem>>, vector<1x16xf32>,
        %get3A_1926 = vector.shape_cast %get3A_1925 : vector<1x16xf32> to vector<1x16xf32>
        %mul3A_1927 = arith.constant 32 : i32
        %mul3A_1928 = arith.muli %add3A_112, %mul3A_1927 : i32
        %add3A_1929 = arith.constant 8 : i32
        %add3A_1930 = arith.addi %mul3A_1928, %add3A_1929 : i32
        %get3A_1931 = arith.index_cast %add3A_1930 : i32 to index
        %get3A_1932 = arith.constant 96 : index
        %get3A_1933 = tpu.vector_load %arg5[%get3A_1931, %get3A_1932] {strides = array<i32>} : memref<256x128xf32, #tpu.memory_space<vmem>>, vector<1x16xf32>,
        %get3A_1934 = vector.shape_cast %get3A_1933 : vector<1x16xf32> to vector<1x16xf32>
        %mul3A_1935 = arith.constant 32 : i32
        %mul3A_1936 = arith.muli %add3A_112, %mul3A_1935 : i32
        %add3A_1937 = arith.constant 9 : i32
        %add3A_1938 = arith.addi %mul3A_1936, %add3A_1937 : i32
        %get3A_1939 = arith.index_cast %add3A_1938 : i32 to index
        %get3A_1940 = arith.constant 96 : index
        %get3A_1941 = tpu.vector_load %arg5[%get3A_1939, %get3A_1940] {strides = array<i32>} : memref<256x128xf32, #tpu.memory_space<vmem>>, vector<1x16xf32>,
        %get3A_1942 = vector.shape_cast %get3A_1941 : vector<1x16xf32> to vector<1x16xf32>
        %mul3A_1943 = arith.constant 32 : i32
        %mul3A_1944 = arith.muli %add3A_112, %mul3A_1943 : i32
        %add3A_1945 = arith.constant 10 : i32
        %add3A_1946 = arith.addi %mul3A_1944, %add3A_1945 : i32
        %get3A_1947 = arith.index_cast %add3A_1946 : i32 to index
        %get3A_1948 = arith.constant 96 : index
        %get3A_1949 = tpu.vector_load %arg5[%get3A_1947, %get3A_1948] {strides = array<i32>} : memref<256x128xf32, #tpu.memory_space<vmem>>, vector<1x16xf32>,
        %get3A_1950 = vector.shape_cast %get3A_1949 : vector<1x16xf32> to vector<1x16xf32>
        %mul3A_1951 = arith.constant 32 : i32
        %mul3A_1952 = arith.muli %add3A_112, %mul3A_1951 : i32
        %add3A_1953 = arith.constant 11 : i32
        %add3A_1954 = arith.addi %mul3A_1952, %add3A_1953 : i32
        %get3A_1955 = arith.index_cast %add3A_1954 : i32 to index
        %get3A_1956 = arith.constant 96 : index
        %get3A_1957 = tpu.vector_load %arg5[%get3A_1955, %get3A_1956] {strides = array<i32>} : memref<256x128xf32, #tpu.memory_space<vmem>>, vector<1x16xf32>,
        %get3A_1958 = vector.shape_cast %get3A_1957 : vector<1x16xf32> to vector<1x16xf32>
        %mul3A_1959 = arith.constant 32 : i32
        %mul3A_1960 = arith.muli %add3A_112, %mul3A_1959 : i32
        %add3A_1961 = arith.constant 12 : i32
        %add3A_1962 = arith.addi %mul3A_1960, %add3A_1961 : i32
        %get3A_1963 = arith.index_cast %add3A_1962 : i32 to index
        %get3A_1964 = arith.constant 96 : index
        %get3A_1965 = tpu.vector_load %arg5[%get3A_1963, %get3A_1964] {strides = array<i32>} : memref<256x128xf32, #tpu.memory_space<vmem>>, vector<1x16xf32>,
        %get3A_1966 = vector.shape_cast %get3A_1965 : vector<1x16xf32> to vector<1x16xf32>
        %mul3A_1967 = arith.constant 32 : i32
        %mul3A_1968 = arith.muli %add3A_112, %mul3A_1967 : i32
        %add3A_1969 = arith.constant 13 : i32
        %add3A_1970 = arith.addi %mul3A_1968, %add3A_1969 : i32
        %get3A_1971 = arith.index_cast %add3A_1970 : i32 to index
        %get3A_1972 = arith.constant 96 : index
        %get3A_1973 = tpu.vector_load %arg5[%get3A_1971, %get3A_1972] {strides = array<i32>} : memref<256x128xf32, #tpu.memory_space<vmem>>, vector<1x16xf32>,
        %get3A_1974 = vector.shape_cast %get3A_1973 : vector<1x16xf32> to vector<1x16xf32>
        %mul3A_1975 = arith.constant 32 : i32
        %mul3A_1976 = arith.muli %add3A_112, %mul3A_1975 : i32
        %add3A_1977 = arith.constant 14 : i32
        %add3A_1978 = arith.addi %mul3A_1976, %add3A_1977 : i32
        %get3A_1979 = arith.index_cast %add3A_1978 : i32 to index
        %get3A_1980 = arith.constant 96 : index
        %get3A_1981 = tpu.vector_load %arg5[%get3A_1979, %get3A_1980] {strides = array<i32>} : memref<256x128xf32, #tpu.memory_space<vmem>>, vector<1x16xf32>,
        %get3A_1982 = vector.shape_cast %get3A_1981 : vector<1x16xf32> to vector<1x16xf32>
        %mul3A_1983 = arith.constant 32 : i32
        %mul3A_1984 = arith.muli %add3A_112, %mul3A_1983 : i32
        %add3A_1985 = arith.constant 15 : i32
        %add3A_1986 = arith.addi %mul3A_1984, %add3A_1985 : i32
        %get3A_1987 = arith.index_cast %add3A_1986 : i32 to index
        %get3A_1988 = arith.constant 96 : index
        %get3A_1989 = tpu.vector_load %arg5[%get3A_1987, %get3A_1988] {strides = array<i32>} : memref<256x128xf32, #tpu.memory_space<vmem>>, vector<1x16xf32>,
        %get3A_1990 = vector.shape_cast %get3A_1989 : vector<1x16xf32> to vector<1x16xf32>
        %mul3A_1991 = arith.constant 32 : i32
        %mul3A_1992 = arith.muli %add3A_112, %mul3A_1991 : i32
        %add3A_1993 = arith.constant 16 : i32
        %add3A_1994 = arith.addi %mul3A_1992, %add3A_1993 : i32
        %get3A_1995 = arith.index_cast %add3A_1994 : i32 to index
        %get3A_1996 = arith.constant 96 : index
        %get3A_1997 = tpu.vector_load %arg5[%get3A_1995, %get3A_1996] {strides = array<i32>} : memref<256x128xf32, #tpu.memory_space<vmem>>, vector<1x16xf32>,
        %get3A_1998 = vector.shape_cast %get3A_1997 : vector<1x16xf32> to vector<1x16xf32>
        %mul3A_1999 = arith.constant 32 : i32
        %mul3A_2000 = arith.muli %add3A_112, %mul3A_1999 : i32
        %add3A_2001 = arith.constant 17 : i32
        %add3A_2002 = arith.addi %mul3A_2000, %add3A_2001 : i32
        %get3A_2003 = arith.index_cast %add3A_2002 : i32 to index
        %get3A_2004 = arith.constant 96 : index
        %get3A_2005 = tpu.vector_load %arg5[%get3A_2003, %get3A_2004] {strides = array<i32>} : memref<256x128xf32, #tpu.memory_space<vmem>>, vector<1x16xf32>,
        %get3A_2006 = vector.shape_cast %get3A_2005 : vector<1x16xf32> to vector<1x16xf32>
        %mul3A_2007 = arith.constant 32 : i32
        %mul3A_2008 = arith.muli %add3A_112, %mul3A_2007 : i32
        %add3A_2009 = arith.constant 18 : i32
        %add3A_2010 = arith.addi %mul3A_2008, %add3A_2009 : i32
        %get3A_2011 = arith.index_cast %add3A_2010 : i32 to index
        %get3A_2012 = arith.constant 96 : index
        %get3A_2013 = tpu.vector_load %arg5[%get3A_2011, %get3A_2012] {strides = array<i32>} : memref<256x128xf32, #tpu.memory_space<vmem>>, vector<1x16xf32>,
        %get3A_2014 = vector.shape_cast %get3A_2013 : vector<1x16xf32> to vector<1x16xf32>
        %mul3A_2015 = arith.constant 32 : i32
        %mul3A_2016 = arith.muli %add3A_112, %mul3A_2015 : i32
        %add3A_2017 = arith.constant 19 : i32
        %add3A_2018 = arith.addi %mul3A_2016, %add3A_2017 : i32
        %get3A_2019 = arith.index_cast %add3A_2018 : i32 to index
        %get3A_2020 = arith.constant 96 : index
        %get3A_2021 = tpu.vector_load %arg5[%get3A_2019, %get3A_2020] {strides = array<i32>} : memref<256x128xf32, #tpu.memory_space<vmem>>, vector<1x16xf32>,
        %get3A_2022 = vector.shape_cast %get3A_2021 : vector<1x16xf32> to vector<1x16xf32>
        %mul3A_2023 = arith.constant 32 : i32
        %mul3A_2024 = arith.muli %add3A_112, %mul3A_2023 : i32
        %add3A_2025 = arith.constant 20 : i32
        %add3A_2026 = arith.addi %mul3A_2024, %add3A_2025 : i32
        %get3A_2027 = arith.index_cast %add3A_2026 : i32 to index
        %get3A_2028 = arith.constant 96 : index
        %get3A_2029 = tpu.vector_load %arg5[%get3A_2027, %get3A_2028] {strides = array<i32>} : memref<256x128xf32, #tpu.memory_space<vmem>>, vector<1x16xf32>,
        %get3A_2030 = vector.shape_cast %get3A_2029 : vector<1x16xf32> to vector<1x16xf32>
        %mul3A_2031 = arith.constant 32 : i32
        %mul3A_2032 = arith.muli %add3A_112, %mul3A_2031 : i32
        %add3A_2033 = arith.constant 21 : i32
        %add3A_2034 = arith.addi %mul3A_2032, %add3A_2033 : i32
        %get3A_2035 = arith.index_cast %add3A_2034 : i32 to index
        %get3A_2036 = arith.constant 96 : index
        %get3A_2037 = tpu.vector_load %arg5[%get3A_2035, %get3A_2036] {strides = array<i32>} : memref<256x128xf32, #tpu.memory_space<vmem>>, vector<1x16xf32>,
        %get3A_2038 = vector.shape_cast %get3A_2037 : vector<1x16xf32> to vector<1x16xf32>
        %mul3A_2039 = arith.constant 32 : i32
        %mul3A_2040 = arith.muli %add3A_112, %mul3A_2039 : i32
        %add3A_2041 = arith.constant 22 : i32
        %add3A_2042 = arith.addi %mul3A_2040, %add3A_2041 : i32
        %get3A_2043 = arith.index_cast %add3A_2042 : i32 to index
        %get3A_2044 = arith.constant 96 : index
        %get3A_2045 = tpu.vector_load %arg5[%get3A_2043, %get3A_2044] {strides = array<i32>} : memref<256x128xf32, #tpu.memory_space<vmem>>, vector<1x16xf32>,
        %get3A_2046 = vector.shape_cast %get3A_2045 : vector<1x16xf32> to vector<1x16xf32>
        %mul3A_2047 = arith.constant 32 : i32
        %mul3A_2048 = arith.muli %add3A_112, %mul3A_2047 : i32
        %add3A_2049 = arith.constant 23 : i32
        %add3A_2050 = arith.addi %mul3A_2048, %add3A_2049 : i32
        %get3A_2051 = arith.index_cast %add3A_2050 : i32 to index
        %get3A_2052 = arith.constant 96 : index
        %get3A_2053 = tpu.vector_load %arg5[%get3A_2051, %get3A_2052] {strides = array<i32>} : memref<256x128xf32, #tpu.memory_space<vmem>>, vector<1x16xf32>,
        %get3A_2054 = vector.shape_cast %get3A_2053 : vector<1x16xf32> to vector<1x16xf32>
        %mul3A_2055 = arith.constant 32 : i32
        %mul3A_2056 = arith.muli %add3A_112, %mul3A_2055 : i32
        %add3A_2057 = arith.constant 24 : i32
        %add3A_2058 = arith.addi %mul3A_2056, %add3A_2057 : i32
        %get3A_2059 = arith.index_cast %add3A_2058 : i32 to index
        %get3A_2060 = arith.constant 96 : index
        %get3A_2061 = tpu.vector_load %arg5[%get3A_2059, %get3A_2060] {strides = array<i32>} : memref<256x128xf32, #tpu.memory_space<vmem>>, vector<1x16xf32>,
        %get3A_2062 = vector.shape_cast %get3A_2061 : vector<1x16xf32> to vector<1x16xf32>
        %mul3A_2063 = arith.constant 32 : i32
        %mul3A_2064 = arith.muli %add3A_112, %mul3A_2063 : i32
        %add3A_2065 = arith.constant 25 : i32
        %add3A_2066 = arith.addi %mul3A_2064, %add3A_2065 : i32
        %get3A_2067 = arith.index_cast %add3A_2066 : i32 to index
        %get3A_2068 = arith.constant 96 : index
        %get3A_2069 = tpu.vector_load %arg5[%get3A_2067, %get3A_2068] {strides = array<i32>} : memref<256x128xf32, #tpu.memory_space<vmem>>, vector<1x16xf32>,
        %get3A_2070 = vector.shape_cast %get3A_2069 : vector<1x16xf32> to vector<1x16xf32>
        %mul3A_2071 = arith.constant 32 : i32
        %mul3A_2072 = arith.muli %add3A_112, %mul3A_2071 : i32
        %add3A_2073 = arith.constant 26 : i32
        %add3A_2074 = arith.addi %mul3A_2072, %add3A_2073 : i32
        %get3A_2075 = arith.index_cast %add3A_2074 : i32 to index
        %get3A_2076 = arith.constant 96 : index
        %get3A_2077 = tpu.vector_load %arg5[%get3A_2075, %get3A_2076] {strides = array<i32>} : memref<256x128xf32, #tpu.memory_space<vmem>>, vector<1x16xf32>,
        %get3A_2078 = vector.shape_cast %get3A_2077 : vector<1x16xf32> to vector<1x16xf32>
        %mul3A_2079 = arith.constant 32 : i32
        %mul3A_2080 = arith.muli %add3A_112, %mul3A_2079 : i32
        %add3A_2081 = arith.constant 27 : i32
        %add3A_2082 = arith.addi %mul3A_2080, %add3A_2081 : i32
        %get3A_2083 = arith.index_cast %add3A_2082 : i32 to index
        %get3A_2084 = arith.constant 96 : index
        %get3A_2085 = tpu.vector_load %arg5[%get3A_2083, %get3A_2084] {strides = array<i32>} : memref<256x128xf32, #tpu.memory_space<vmem>>, vector<1x16xf32>,
        %get3A_2086 = vector.shape_cast %get3A_2085 : vector<1x16xf32> to vector<1x16xf32>
        %mul3A_2087 = arith.constant 32 : i32
        %mul3A_2088 = arith.muli %add3A_112, %mul3A_2087 : i32
        %add3A_2089 = arith.constant 28 : i32
        %add3A_2090 = arith.addi %mul3A_2088, %add3A_2089 : i32
        %get3A_2091 = arith.index_cast %add3A_2090 : i32 to index
        %get3A_2092 = arith.constant 96 : index
        %get3A_2093 = tpu.vector_load %arg5[%get3A_2091, %get3A_2092] {strides = array<i32>} : memref<256x128xf32, #tpu.memory_space<vmem>>, vector<1x16xf32>,
        %get3A_2094 = vector.shape_cast %get3A_2093 : vector<1x16xf32> to vector<1x16xf32>
        %mul3A_2095 = arith.constant 32 : i32
        %mul3A_2096 = arith.muli %add3A_112, %mul3A_2095 : i32
        %add3A_2097 = arith.constant 29 : i32
        %add3A_2098 = arith.addi %mul3A_2096, %add3A_2097 : i32
        %get3A_2099 = arith.index_cast %add3A_2098 : i32 to index
        %get3A_2100 = arith.constant 96 : index
        %get3A_2101 = tpu.vector_load %arg5[%get3A_2099, %get3A_2100] {strides = array<i32>} : memref<256x128xf32, #tpu.memory_space<vmem>>, vector<1x16xf32>,
        %get3A_2102 = vector.shape_cast %get3A_2101 : vector<1x16xf32> to vector<1x16xf32>
        %mul3A_2103 = arith.constant 32 : i32
        %mul3A_2104 = arith.muli %add3A_112, %mul3A_2103 : i32
        %add3A_2105 = arith.constant 30 : i32
        %add3A_2106 = arith.addi %mul3A_2104, %add3A_2105 : i32
        %get3A_2107 = arith.index_cast %add3A_2106 : i32 to index
        %get3A_2108 = arith.constant 96 : index
        %get3A_2109 = tpu.vector_load %arg5[%get3A_2107, %get3A_2108] {strides = array<i32>} : memref<256x128xf32, #tpu.memory_space<vmem>>, vector<1x16xf32>,
        %get3A_2110 = vector.shape_cast %get3A_2109 : vector<1x16xf32> to vector<1x16xf32>
        %mul3A_2111 = arith.constant 32 : i32
        %mul3A_2112 = arith.muli %add3A_112, %mul3A_2111 : i32
        %add3A_2113 = arith.constant 31 : i32
        %add3A_2114 = arith.addi %mul3A_2112, %add3A_2113 : i32
        %get3A_2115 = arith.index_cast %add3A_2114 : i32 to index
        %get3A_2116 = arith.constant 96 : index
        %get3A_2117 = tpu.vector_load %arg5[%get3A_2115, %get3A_2116] {strides = array<i32>} : memref<256x128xf32, #tpu.memory_space<vmem>>, vector<1x16xf32>,
        %get3A_2118 = vector.shape_cast %get3A_2117 : vector<1x16xf32> to vector<1x16xf32>
        %add3A_2119 = arith.addf %get3A_1870, %get3A_1878 : vector<1x16xf32>
        %add3A_2120 = arith.addf %get3A_1886, %get3A_1894 : vector<1x16xf32>
        %add3A_2121 = arith.addf %get3A_1902, %get3A_1910 : vector<1x16xf32>
        %add3A_2122 = arith.addf %get3A_1918, %get3A_1926 : vector<1x16xf32>
        %add3A_2123 = arith.addf %get3A_1934, %get3A_1942 : vector<1x16xf32>
        %add3A_2124 = arith.addf %get3A_1950, %get3A_1958 : vector<1x16xf32>
        %add3A_2125 = arith.addf %get3A_1966, %get3A_1974 : vector<1x16xf32>
        %add3A_2126 = arith.addf %get3A_1982, %get3A_1990 : vector<1x16xf32>
        %add3A_2127 = arith.addf %get3A_1998, %get3A_2006 : vector<1x16xf32>
        %add3A_2128 = arith.addf %get3A_2014, %get3A_2022 : vector<1x16xf32>
        %add3A_2129 = arith.addf %get3A_2030, %get3A_2038 : vector<1x16xf32>
        %add3A_2130 = arith.addf %get3A_2046, %get3A_2054 : vector<1x16xf32>
        %add3A_2131 = arith.addf %get3A_2062, %get3A_2070 : vector<1x16xf32>
        %add3A_2132 = arith.addf %get3A_2078, %get3A_2086 : vector<1x16xf32>
        %add3A_2133 = arith.addf %get3A_2094, %get3A_2102 : vector<1x16xf32>
        %add3A_2134 = arith.addf %get3A_2110, %get3A_2118 : vector<1x16xf32>
        %add3A_2135 = arith.addf %add3A_2119, %add3A_2120 : vector<1x16xf32>
        %add3A_2136 = arith.addf %add3A_2121, %add3A_2122 : vector<1x16xf32>
        %add3A_2137 = arith.addf %add3A_2123, %add3A_2124 : vector<1x16xf32>
        %add3A_2138 = arith.addf %add3A_2125, %add3A_2126 : vector<1x16xf32>
        %add3A_2139 = arith.addf %add3A_2127, %add3A_2128 : vector<1x16xf32>
        %add3A_2140 = arith.addf %add3A_2129, %add3A_2130 : vector<1x16xf32>
        %add3A_2141 = arith.addf %add3A_2131, %add3A_2132 : vector<1x16xf32>
        %add3A_2142 = arith.addf %add3A_2133, %add3A_2134 : vector<1x16xf32>
        %add3A_2143 = arith.addf %add3A_2135, %add3A_2136 : vector<1x16xf32>
        %add3A_2144 = arith.addf %add3A_2137, %add3A_2138 : vector<1x16xf32>
        %add3A_2145 = arith.addf %add3A_2139, %add3A_2140 : vector<1x16xf32>
        %add3A_2146 = arith.addf %add3A_2141, %add3A_2142 : vector<1x16xf32>
        %add3A_2147 = arith.addf %add3A_2143, %add3A_2144 : vector<1x16xf32>
        %add3A_2148 = arith.addf %add3A_2145, %add3A_2146 : vector<1x16xf32>
        %add3A_2149 = arith.addf %add3A_2147, %add3A_2148 : vector<1x16xf32>
        %swap3A_2150 = arith.index_cast %add3A_112 : i32 to index
        %swap3A_2151 = arith.constant 96 : index
        %swap3A_2152 = tpu.vector_load %arg7[%swap3A_2150, %swap3A_2151] {strides = array<i32>} : memref<8x128xf32, #tpu.memory_space<vmem>>, vector<1x16xf32>,
        %swap3A_2153 = vector.shape_cast %swap3A_2152 : vector<1x16xf32> to vector<1x16xf32>
        %swap3A_2154 = vector.shape_cast %add3A_2149 : vector<1x16xf32> to vector<1x16xf32>
        tpu.vector_store %arg7[%swap3A_2150, %swap3A_2151], %swap3A_2154 {strides = array<i32>} : memref<8x128xf32, #tpu.memory_space<vmem>>, vector<1x16xf32>,
        %mul3A_2155 = arith.constant 32 : i32
        %mul3A_2156 = arith.muli %add3A_112, %mul3A_2155 : i32
        %add3A_2157 = arith.constant 0 : i32
        %add3A_2158 = arith.addi %mul3A_2156, %add3A_2157 : i32
        %get3A_2159 = arith.index_cast %add3A_2158 : i32 to index
        %get3A_2160 = arith.constant 112 : index
        %get3A_2161 = tpu.vector_load %arg5[%get3A_2159, %get3A_2160] {strides = array<i32>} : memref<256x128xf32, #tpu.memory_space<vmem>>, vector<1x16xf32>,
        %get3A_2162 = vector.shape_cast %get3A_2161 : vector<1x16xf32> to vector<1x16xf32>
        %mul3A_2163 = arith.constant 32 : i32
        %mul3A_2164 = arith.muli %add3A_112, %mul3A_2163 : i32
        %add3A_2165 = arith.constant 1 : i32
        %add3A_2166 = arith.addi %mul3A_2164, %add3A_2165 : i32
        %get3A_2167 = arith.index_cast %add3A_2166 : i32 to index
        %get3A_2168 = arith.constant 112 : index
        %get3A_2169 = tpu.vector_load %arg5[%get3A_2167, %get3A_2168] {strides = array<i32>} : memref<256x128xf32, #tpu.memory_space<vmem>>, vector<1x16xf32>,
        %get3A_2170 = vector.shape_cast %get3A_2169 : vector<1x16xf32> to vector<1x16xf32>
        %mul3A_2171 = arith.constant 32 : i32
        %mul3A_2172 = arith.muli %add3A_112, %mul3A_2171 : i32
        %add3A_2173 = arith.constant 2 : i32
        %add3A_2174 = arith.addi %mul3A_2172, %add3A_2173 : i32
        %get3A_2175 = arith.index_cast %add3A_2174 : i32 to index
        %get3A_2176 = arith.constant 112 : index
        %get3A_2177 = tpu.vector_load %arg5[%get3A_2175, %get3A_2176] {strides = array<i32>} : memref<256x128xf32, #tpu.memory_space<vmem>>, vector<1x16xf32>,
        %get3A_2178 = vector.shape_cast %get3A_2177 : vector<1x16xf32> to vector<1x16xf32>
        %mul3A_2179 = arith.constant 32 : i32
        %mul3A_2180 = arith.muli %add3A_112, %mul3A_2179 : i32
        %add3A_2181 = arith.constant 3 : i32
        %add3A_2182 = arith.addi %mul3A_2180, %add3A_2181 : i32
        %get3A_2183 = arith.index_cast %add3A_2182 : i32 to index
        %get3A_2184 = arith.constant 112 : index
        %get3A_2185 = tpu.vector_load %arg5[%get3A_2183, %get3A_2184] {strides = array<i32>} : memref<256x128xf32, #tpu.memory_space<vmem>>, vector<1x16xf32>,
        %get3A_2186 = vector.shape_cast %get3A_2185 : vector<1x16xf32> to vector<1x16xf32>
        %mul3A_2187 = arith.constant 32 : i32
        %mul3A_2188 = arith.muli %add3A_112, %mul3A_2187 : i32
        %add3A_2189 = arith.constant 4 : i32
        %add3A_2190 = arith.addi %mul3A_2188, %add3A_2189 : i32
        %get3A_2191 = arith.index_cast %add3A_2190 : i32 to index
        %get3A_2192 = arith.constant 112 : index
        %get3A_2193 = tpu.vector_load %arg5[%get3A_2191, %get3A_2192] {strides = array<i32>} : memref<256x128xf32, #tpu.memory_space<vmem>>, vector<1x16xf32>,
        %get3A_2194 = vector.shape_cast %get3A_2193 : vector<1x16xf32> to vector<1x16xf32>
        %mul3A_2195 = arith.constant 32 : i32
        %mul3A_2196 = arith.muli %add3A_112, %mul3A_2195 : i32
        %add3A_2197 = arith.constant 5 : i32
        %add3A_2198 = arith.addi %mul3A_2196, %add3A_2197 : i32
        %get3A_2199 = arith.index_cast %add3A_2198 : i32 to index
        %get3A_2200 = arith.constant 112 : index
        %get3A_2201 = tpu.vector_load %arg5[%get3A_2199, %get3A_2200] {strides = array<i32>} : memref<256x128xf32, #tpu.memory_space<vmem>>, vector<1x16xf32>,
        %get3A_2202 = vector.shape_cast %get3A_2201 : vector<1x16xf32> to vector<1x16xf32>
        %mul3A_2203 = arith.constant 32 : i32
        %mul3A_2204 = arith.muli %add3A_112, %mul3A_2203 : i32
        %add3A_2205 = arith.constant 6 : i32
        %add3A_2206 = arith.addi %mul3A_2204, %add3A_2205 : i32
        %get3A_2207 = arith.index_cast %add3A_2206 : i32 to index
        %get3A_2208 = arith.constant 112 : index
        %get3A_2209 = tpu.vector_load %arg5[%get3A_2207, %get3A_2208] {strides = array<i32>} : memref<256x128xf32, #tpu.memory_space<vmem>>, vector<1x16xf32>,
        %get3A_2210 = vector.shape_cast %get3A_2209 : vector<1x16xf32> to vector<1x16xf32>
        %mul3A_2211 = arith.constant 32 : i32
        %mul3A_2212 = arith.muli %add3A_112, %mul3A_2211 : i32
        %add3A_2213 = arith.constant 7 : i32
        %add3A_2214 = arith.addi %mul3A_2212, %add3A_2213 : i32
        %get3A_2215 = arith.index_cast %add3A_2214 : i32 to index
        %get3A_2216 = arith.constant 112 : index
        %get3A_2217 = tpu.vector_load %arg5[%get3A_2215, %get3A_2216] {strides = array<i32>} : memref<256x128xf32, #tpu.memory_space<vmem>>, vector<1x16xf32>,
        %get3A_2218 = vector.shape_cast %get3A_2217 : vector<1x16xf32> to vector<1x16xf32>
        %mul3A_2219 = arith.constant 32 : i32
        %mul3A_2220 = arith.muli %add3A_112, %mul3A_2219 : i32
        %add3A_2221 = arith.constant 8 : i32
        %add3A_2222 = arith.addi %mul3A_2220, %add3A_2221 : i32
        %get3A_2223 = arith.index_cast %add3A_2222 : i32 to index
        %get3A_2224 = arith.constant 112 : index
        %get3A_2225 = tpu.vector_load %arg5[%get3A_2223, %get3A_2224] {strides = array<i32>} : memref<256x128xf32, #tpu.memory_space<vmem>>, vector<1x16xf32>,
        %get3A_2226 = vector.shape_cast %get3A_2225 : vector<1x16xf32> to vector<1x16xf32>
        %mul3A_2227 = arith.constant 32 : i32
        %mul3A_2228 = arith.muli %add3A_112, %mul3A_2227 : i32
        %add3A_2229 = arith.constant 9 : i32
        %add3A_2230 = arith.addi %mul3A_2228, %add3A_2229 : i32
        %get3A_2231 = arith.index_cast %add3A_2230 : i32 to index
        %get3A_2232 = arith.constant 112 : index
        %get3A_2233 = tpu.vector_load %arg5[%get3A_2231, %get3A_2232] {strides = array<i32>} : memref<256x128xf32, #tpu.memory_space<vmem>>, vector<1x16xf32>,
        %get3A_2234 = vector.shape_cast %get3A_2233 : vector<1x16xf32> to vector<1x16xf32>
        %mul3A_2235 = arith.constant 32 : i32
        %mul3A_2236 = arith.muli %add3A_112, %mul3A_2235 : i32
        %add3A_2237 = arith.constant 10 : i32
        %add3A_2238 = arith.addi %mul3A_2236, %add3A_2237 : i32
        %get3A_2239 = arith.index_cast %add3A_2238 : i32 to index
        %get3A_2240 = arith.constant 112 : index
        %get3A_2241 = tpu.vector_load %arg5[%get3A_2239, %get3A_2240] {strides = array<i32>} : memref<256x128xf32, #tpu.memory_space<vmem>>, vector<1x16xf32>,
        %get3A_2242 = vector.shape_cast %get3A_2241 : vector<1x16xf32> to vector<1x16xf32>
        %mul3A_2243 = arith.constant 32 : i32
        %mul3A_2244 = arith.muli %add3A_112, %mul3A_2243 : i32
        %add3A_2245 = arith.constant 11 : i32
        %add3A_2246 = arith.addi %mul3A_2244, %add3A_2245 : i32
        %get3A_2247 = arith.index_cast %add3A_2246 : i32 to index
        %get3A_2248 = arith.constant 112 : index
        %get3A_2249 = tpu.vector_load %arg5[%get3A_2247, %get3A_2248] {strides = array<i32>} : memref<256x128xf32, #tpu.memory_space<vmem>>, vector<1x16xf32>,
        %get3A_2250 = vector.shape_cast %get3A_2249 : vector<1x16xf32> to vector<1x16xf32>
        %mul3A_2251 = arith.constant 32 : i32
        %mul3A_2252 = arith.muli %add3A_112, %mul3A_2251 : i32
        %add3A_2253 = arith.constant 12 : i32
        %add3A_2254 = arith.addi %mul3A_2252, %add3A_2253 : i32
        %get3A_2255 = arith.index_cast %add3A_2254 : i32 to index
        %get3A_2256 = arith.constant 112 : index
        %get3A_2257 = tpu.vector_load %arg5[%get3A_2255, %get3A_2256] {strides = array<i32>} : memref<256x128xf32, #tpu.memory_space<vmem>>, vector<1x16xf32>,
        %get3A_2258 = vector.shape_cast %get3A_2257 : vector<1x16xf32> to vector<1x16xf32>
        %mul3A_2259 = arith.constant 32 : i32
        %mul3A_2260 = arith.muli %add3A_112, %mul3A_2259 : i32
        %add3A_2261 = arith.constant 13 : i32
        %add3A_2262 = arith.addi %mul3A_2260, %add3A_2261 : i32
        %get3A_2263 = arith.index_cast %add3A_2262 : i32 to index
        %get3A_2264 = arith.constant 112 : index
        %get3A_2265 = tpu.vector_load %arg5[%get3A_2263, %get3A_2264] {strides = array<i32>} : memref<256x128xf32, #tpu.memory_space<vmem>>, vector<1x16xf32>,
        %get3A_2266 = vector.shape_cast %get3A_2265 : vector<1x16xf32> to vector<1x16xf32>
        %mul3A_2267 = arith.constant 32 : i32
        %mul3A_2268 = arith.muli %add3A_112, %mul3A_2267 : i32
        %add3A_2269 = arith.constant 14 : i32
        %add3A_2270 = arith.addi %mul3A_2268, %add3A_2269 : i32
        %get3A_2271 = arith.index_cast %add3A_2270 : i32 to index
        %get3A_2272 = arith.constant 112 : index
        %get3A_2273 = tpu.vector_load %arg5[%get3A_2271, %get3A_2272] {strides = array<i32>} : memref<256x128xf32, #tpu.memory_space<vmem>>, vector<1x16xf32>,
        %get3A_2274 = vector.shape_cast %get3A_2273 : vector<1x16xf32> to vector<1x16xf32>
        %mul3A_2275 = arith.constant 32 : i32
        %mul3A_2276 = arith.muli %add3A_112, %mul3A_2275 : i32
        %add3A_2277 = arith.constant 15 : i32
        %add3A_2278 = arith.addi %mul3A_2276, %add3A_2277 : i32
        %get3A_2279 = arith.index_cast %add3A_2278 : i32 to index
        %get3A_2280 = arith.constant 112 : index
        %get3A_2281 = tpu.vector_load %arg5[%get3A_2279, %get3A_2280] {strides = array<i32>} : memref<256x128xf32, #tpu.memory_space<vmem>>, vector<1x16xf32>,
        %get3A_2282 = vector.shape_cast %get3A_2281 : vector<1x16xf32> to vector<1x16xf32>
        %mul3A_2283 = arith.constant 32 : i32
        %mul3A_2284 = arith.muli %add3A_112, %mul3A_2283 : i32
        %add3A_2285 = arith.constant 16 : i32
        %add3A_2286 = arith.addi %mul3A_2284, %add3A_2285 : i32
        %get3A_2287 = arith.index_cast %add3A_2286 : i32 to index
        %get3A_2288 = arith.constant 112 : index
        %get3A_2289 = tpu.vector_load %arg5[%get3A_2287, %get3A_2288] {strides = array<i32>} : memref<256x128xf32, #tpu.memory_space<vmem>>, vector<1x16xf32>,
        %get3A_2290 = vector.shape_cast %get3A_2289 : vector<1x16xf32> to vector<1x16xf32>
        %mul3A_2291 = arith.constant 32 : i32
        %mul3A_2292 = arith.muli %add3A_112, %mul3A_2291 : i32
        %add3A_2293 = arith.constant 17 : i32
        %add3A_2294 = arith.addi %mul3A_2292, %add3A_2293 : i32
        %get3A_2295 = arith.index_cast %add3A_2294 : i32 to index
        %get3A_2296 = arith.constant 112 : index
        %get3A_2297 = tpu.vector_load %arg5[%get3A_2295, %get3A_2296] {strides = array<i32>} : memref<256x128xf32, #tpu.memory_space<vmem>>, vector<1x16xf32>,
        %get3A_2298 = vector.shape_cast %get3A_2297 : vector<1x16xf32> to vector<1x16xf32>
        %mul3A_2299 = arith.constant 32 : i32
        %mul3A_2300 = arith.muli %add3A_112, %mul3A_2299 : i32
        %add3A_2301 = arith.constant 18 : i32
        %add3A_2302 = arith.addi %mul3A_2300, %add3A_2301 : i32
        %get3A_2303 = arith.index_cast %add3A_2302 : i32 to index
        %get3A_2304 = arith.constant 112 : index
        %get3A_2305 = tpu.vector_load %arg5[%get3A_2303, %get3A_2304] {strides = array<i32>} : memref<256x128xf32, #tpu.memory_space<vmem>>, vector<1x16xf32>,
        %get3A_2306 = vector.shape_cast %get3A_2305 : vector<1x16xf32> to vector<1x16xf32>
        %mul3A_2307 = arith.constant 32 : i32
        %mul3A_2308 = arith.muli %add3A_112, %mul3A_2307 : i32
        %add3A_2309 = arith.constant 19 : i32
        %add3A_2310 = arith.addi %mul3A_2308, %add3A_2309 : i32
        %get3A_2311 = arith.index_cast %add3A_2310 : i32 to index
        %get3A_2312 = arith.constant 112 : index
        %get3A_2313 = tpu.vector_load %arg5[%get3A_2311, %get3A_2312] {strides = array<i32>} : memref<256x128xf32, #tpu.memory_space<vmem>>, vector<1x16xf32>,
        %get3A_2314 = vector.shape_cast %get3A_2313 : vector<1x16xf32> to vector<1x16xf32>
        %mul3A_2315 = arith.constant 32 : i32
        %mul3A_2316 = arith.muli %add3A_112, %mul3A_2315 : i32
        %add3A_2317 = arith.constant 20 : i32
        %add3A_2318 = arith.addi %mul3A_2316, %add3A_2317 : i32
        %get3A_2319 = arith.index_cast %add3A_2318 : i32 to index
        %get3A_2320 = arith.constant 112 : index
        %get3A_2321 = tpu.vector_load %arg5[%get3A_2319, %get3A_2320] {strides = array<i32>} : memref<256x128xf32, #tpu.memory_space<vmem>>, vector<1x16xf32>,
        %get3A_2322 = vector.shape_cast %get3A_2321 : vector<1x16xf32> to vector<1x16xf32>
        %mul3A_2323 = arith.constant 32 : i32
        %mul3A_2324 = arith.muli %add3A_112, %mul3A_2323 : i32
        %add3A_2325 = arith.constant 21 : i32
        %add3A_2326 = arith.addi %mul3A_2324, %add3A_2325 : i32
        %get3A_2327 = arith.index_cast %add3A_2326 : i32 to index
        %get3A_2328 = arith.constant 112 : index
        %get3A_2329 = tpu.vector_load %arg5[%get3A_2327, %get3A_2328] {strides = array<i32>} : memref<256x128xf32, #tpu.memory_space<vmem>>, vector<1x16xf32>,
        %get3A_2330 = vector.shape_cast %get3A_2329 : vector<1x16xf32> to vector<1x16xf32>
        %mul3A_2331 = arith.constant 32 : i32
        %mul3A_2332 = arith.muli %add3A_112, %mul3A_2331 : i32
        %add3A_2333 = arith.constant 22 : i32
        %add3A_2334 = arith.addi %mul3A_2332, %add3A_2333 : i32
        %get3A_2335 = arith.index_cast %add3A_2334 : i32 to index
        %get3A_2336 = arith.constant 112 : index
        %get3A_2337 = tpu.vector_load %arg5[%get3A_2335, %get3A_2336] {strides = array<i32>} : memref<256x128xf32, #tpu.memory_space<vmem>>, vector<1x16xf32>,
        %get3A_2338 = vector.shape_cast %get3A_2337 : vector<1x16xf32> to vector<1x16xf32>
        %mul3A_2339 = arith.constant 32 : i32
        %mul3A_2340 = arith.muli %add3A_112, %mul3A_2339 : i32
        %add3A_2341 = arith.constant 23 : i32
        %add3A_2342 = arith.addi %mul3A_2340, %add3A_2341 : i32
        %get3A_2343 = arith.index_cast %add3A_2342 : i32 to index
        %get3A_2344 = arith.constant 112 : index
        %get3A_2345 = tpu.vector_load %arg5[%get3A_2343, %get3A_2344] {strides = array<i32>} : memref<256x128xf32, #tpu.memory_space<vmem>>, vector<1x16xf32>,
        %get3A_2346 = vector.shape_cast %get3A_2345 : vector<1x16xf32> to vector<1x16xf32>
        %mul3A_2347 = arith.constant 32 : i32
        %mul3A_2348 = arith.muli %add3A_112, %mul3A_2347 : i32
        %add3A_2349 = arith.constant 24 : i32
        %add3A_2350 = arith.addi %mul3A_2348, %add3A_2349 : i32
        %get3A_2351 = arith.index_cast %add3A_2350 : i32 to index
        %get3A_2352 = arith.constant 112 : index
        %get3A_2353 = tpu.vector_load %arg5[%get3A_2351, %get3A_2352] {strides = array<i32>} : memref<256x128xf32, #tpu.memory_space<vmem>>, vector<1x16xf32>,
        %get3A_2354 = vector.shape_cast %get3A_2353 : vector<1x16xf32> to vector<1x16xf32>
        %mul3A_2355 = arith.constant 32 : i32
        %mul3A_2356 = arith.muli %add3A_112, %mul3A_2355 : i32
        %add3A_2357 = arith.constant 25 : i32
        %add3A_2358 = arith.addi %mul3A_2356, %add3A_2357 : i32
        %get3A_2359 = arith.index_cast %add3A_2358 : i32 to index
        %get3A_2360 = arith.constant 112 : index
        %get3A_2361 = tpu.vector_load %arg5[%get3A_2359, %get3A_2360] {strides = array<i32>} : memref<256x128xf32, #tpu.memory_space<vmem>>, vector<1x16xf32>,
        %get3A_2362 = vector.shape_cast %get3A_2361 : vector<1x16xf32> to vector<1x16xf32>
        %mul3A_2363 = arith.constant 32 : i32
        %mul3A_2364 = arith.muli %add3A_112, %mul3A_2363 : i32
        %add3A_2365 = arith.constant 26 : i32
        %add3A_2366 = arith.addi %mul3A_2364, %add3A_2365 : i32
        %get3A_2367 = arith.index_cast %add3A_2366 : i32 to index
        %get3A_2368 = arith.constant 112 : index
        %get3A_2369 = tpu.vector_load %arg5[%get3A_2367, %get3A_2368] {strides = array<i32>} : memref<256x128xf32, #tpu.memory_space<vmem>>, vector<1x16xf32>,
        %get3A_2370 = vector.shape_cast %get3A_2369 : vector<1x16xf32> to vector<1x16xf32>
        %mul3A_2371 = arith.constant 32 : i32
        %mul3A_2372 = arith.muli %add3A_112, %mul3A_2371 : i32
        %add3A_2373 = arith.constant 27 : i32
        %add3A_2374 = arith.addi %mul3A_2372, %add3A_2373 : i32
        %get3A_2375 = arith.index_cast %add3A_2374 : i32 to index
        %get3A_2376 = arith.constant 112 : index
        %get3A_2377 = tpu.vector_load %arg5[%get3A_2375, %get3A_2376] {strides = array<i32>} : memref<256x128xf32, #tpu.memory_space<vmem>>, vector<1x16xf32>,
        %get3A_2378 = vector.shape_cast %get3A_2377 : vector<1x16xf32> to vector<1x16xf32>
        %mul3A_2379 = arith.constant 32 : i32
        %mul3A_2380 = arith.muli %add3A_112, %mul3A_2379 : i32
        %add3A_2381 = arith.constant 28 : i32
        %add3A_2382 = arith.addi %mul3A_2380, %add3A_2381 : i32
        %get3A_2383 = arith.index_cast %add3A_2382 : i32 to index
        %get3A_2384 = arith.constant 112 : index
        %get3A_2385 = tpu.vector_load %arg5[%get3A_2383, %get3A_2384] {strides = array<i32>} : memref<256x128xf32, #tpu.memory_space<vmem>>, vector<1x16xf32>,
        %get3A_2386 = vector.shape_cast %get3A_2385 : vector<1x16xf32> to vector<1x16xf32>
        %mul3A_2387 = arith.constant 32 : i32
        %mul3A_2388 = arith.muli %add3A_112, %mul3A_2387 : i32
        %add3A_2389 = arith.constant 29 : i32
        %add3A_2390 = arith.addi %mul3A_2388, %add3A_2389 : i32
        %get3A_2391 = arith.index_cast %add3A_2390 : i32 to index
        %get3A_2392 = arith.constant 112 : index
        %get3A_2393 = tpu.vector_load %arg5[%get3A_2391, %get3A_2392] {strides = array<i32>} : memref<256x128xf32, #tpu.memory_space<vmem>>, vector<1x16xf32>,
        %get3A_2394 = vector.shape_cast %get3A_2393 : vector<1x16xf32> to vector<1x16xf32>
        %mul3A_2395 = arith.constant 32 : i32
        %mul3A_2396 = arith.muli %add3A_112, %mul3A_2395 : i32
        %add3A_2397 = arith.constant 30 : i32
        %add3A_2398 = arith.addi %mul3A_2396, %add3A_2397 : i32
        %get3A_2399 = arith.index_cast %add3A_2398 : i32 to index
        %get3A_2400 = arith.constant 112 : index
        %get3A_2401 = tpu.vector_load %arg5[%get3A_2399, %get3A_2400] {strides = array<i32>} : memref<256x128xf32, #tpu.memory_space<vmem>>, vector<1x16xf32>,
        %get3A_2402 = vector.shape_cast %get3A_2401 : vector<1x16xf32> to vector<1x16xf32>
        %mul3A_2403 = arith.constant 32 : i32
        %mul3A_2404 = arith.muli %add3A_112, %mul3A_2403 : i32
        %add3A_2405 = arith.constant 31 : i32
        %add3A_2406 = arith.addi %mul3A_2404, %add3A_2405 : i32
        %get3A_2407 = arith.index_cast %add3A_2406 : i32 to index
        %get3A_2408 = arith.constant 112 : index
        %get3A_2409 = tpu.vector_load %arg5[%get3A_2407, %get3A_2408] {strides = array<i32>} : memref<256x128xf32, #tpu.memory_space<vmem>>, vector<1x16xf32>,
        %get3A_2410 = vector.shape_cast %get3A_2409 : vector<1x16xf32> to vector<1x16xf32>
        %add3A_2411 = arith.addf %get3A_2162, %get3A_2170 : vector<1x16xf32>
        %add3A_2412 = arith.addf %get3A_2178, %get3A_2186 : vector<1x16xf32>
        %add3A_2413 = arith.addf %get3A_2194, %get3A_2202 : vector<1x16xf32>
        %add3A_2414 = arith.addf %get3A_2210, %get3A_2218 : vector<1x16xf32>
        %add3A_2415 = arith.addf %get3A_2226, %get3A_2234 : vector<1x16xf32>
        %add3A_2416 = arith.addf %get3A_2242, %get3A_2250 : vector<1x16xf32>
        %add3A_2417 = arith.addf %get3A_2258, %get3A_2266 : vector<1x16xf32>
        %add3A_2418 = arith.addf %get3A_2274, %get3A_2282 : vector<1x16xf32>
        %add3A_2419 = arith.addf %get3A_2290, %get3A_2298 : vector<1x16xf32>
        %add3A_2420 = arith.addf %get3A_2306, %get3A_2314 : vector<1x16xf32>
        %add3A_2421 = arith.addf %get3A_2322, %get3A_2330 : vector<1x16xf32>
        %add3A_2422 = arith.addf %get3A_2338, %get3A_2346 : vector<1x16xf32>
        %add3A_2423 = arith.addf %get3A_2354, %get3A_2362 : vector<1x16xf32>
        %add3A_2424 = arith.addf %get3A_2370, %get3A_2378 : vector<1x16xf32>
        %add3A_2425 = arith.addf %get3A_2386, %get3A_2394 : vector<1x16xf32>
        %add3A_2426 = arith.addf %get3A_2402, %get3A_2410 : vector<1x16xf32>
        %add3A_2427 = arith.addf %add3A_2411, %add3A_2412 : vector<1x16xf32>
        %add3A_2428 = arith.addf %add3A_2413, %add3A_2414 : vector<1x16xf32>
        %add3A_2429 = arith.addf %add3A_2415, %add3A_2416 : vector<1x16xf32>
        %add3A_2430 = arith.addf %add3A_2417, %add3A_2418 : vector<1x16xf32>
        %add3A_2431 = arith.addf %add3A_2419, %add3A_2420 : vector<1x16xf32>
        %add3A_2432 = arith.addf %add3A_2421, %add3A_2422 : vector<1x16xf32>
        %add3A_2433 = arith.addf %add3A_2423, %add3A_2424 : vector<1x16xf32>
        %add3A_2434 = arith.addf %add3A_2425, %add3A_2426 : vector<1x16xf32>
        %add3A_2435 = arith.addf %add3A_2427, %add3A_2428 : vector<1x16xf32>
        %add3A_2436 = arith.addf %add3A_2429, %add3A_2430 : vector<1x16xf32>
        %add3A_2437 = arith.addf %add3A_2431, %add3A_2432 : vector<1x16xf32>
        %add3A_2438 = arith.addf %add3A_2433, %add3A_2434 : vector<1x16xf32>
        %add3A_2439 = arith.addf %add3A_2435, %add3A_2436 : vector<1x16xf32>
        %add3A_2440 = arith.addf %add3A_2437, %add3A_2438 : vector<1x16xf32>
        %add3A_2441 = arith.addf %add3A_2439, %add3A_2440 : vector<1x16xf32>
        %swap3A_2442 = arith.index_cast %add3A_112 : i32 to index
        %swap3A_2443 = arith.constant 112 : index
        %swap3A_2444 = tpu.vector_load %arg7[%swap3A_2442, %swap3A_2443] {strides = array<i32>} : memref<8x128xf32, #tpu.memory_space<vmem>>, vector<1x16xf32>,
        %swap3A_2445 = vector.shape_cast %swap3A_2444 : vector<1x16xf32> to vector<1x16xf32>
        %swap3A_2446 = vector.shape_cast %add3A_2441 : vector<1x16xf32> to vector<1x16xf32>
        tpu.vector_store %arg7[%swap3A_2442, %swap3A_2443], %swap3A_2446 {strides = array<i32>} : memref<8x128xf32, #tpu.memory_space<vmem>>, vector<1x16xf32>,
      }
      %scan3A_98 = arith.constant 8 : i32
      %add3A_99 = arith.constant 1 : i32
      %add3A_100 = arith.addi %add3A_31, %add3A_99 : i32
      %mul3A_101 = arith.constant 8 : i32
      %mul3A_102 = arith.muli %add3A_100, %mul3A_101 : i32
      %add3A_103 = arith.addi %mul3A_2, %mul3A_102 : i32
      %dma_start3A_104 = arith.constant 0 : i32
      %dma_start3A_105 = tpu.memref_slice %arg3[%add3A_103, %dma_start3A_104] : memref<2560x128xf32, #tpu.memory_space<hbm>> -> memref<8x128xf32, #tpu.memory_space<hbm>>
      %dma_start3A_106 = arith.constant 0 : i32
      %dma_start3A_107 = tpu.memref_slice %arg3[%add3A_103, %dma_start3A_106] : memref<2560x128xf32, #tpu.memory_space<hbm>> -> memref<8x128xf32, #tpu.memory_space<hbm>>
      tpu.enqueue_dma source(%arg7 : memref<8x128xf32, #tpu.memory_space<vmem>>) target(%dma_start3A_107 : memref<8x128xf32, #tpu.memory_space<hbm>>) target_semaphore(%arg11 : memref<!tpu.dma_semaphore, #tpu.memory_space<semaphore_mem>>)
    }
    %scan3A_15 = arith.constant 5 : i32
    %add3A_16 = arith.constant 64 : i32
    %add3A_17 = arith.addi %mul3A_2, %add3A_16 : i32
    %dma_wait3A = arith.constant 0 : i32
    %dma_wait3A_18 = tpu.memref_slice %arg3[%add3A_17, %dma_wait3A] : memref<2560x128xf32, #tpu.memory_space<hbm>> -> memref<8x128xf32, #tpu.memory_space<hbm>>
    %dma_wait3A_19 = arith.constant 0 : i32
    %dma_wait3A_20 = tpu.memref_slice %arg3[%add3A_17, %dma_wait3A_19] : memref<2560x128xf32, #tpu.memory_space<hbm>> -> memref<8x128xf32, #tpu.memory_space<hbm>>
    tpu.wait_dma2 semaphore(%arg10 : memref<!tpu.dma_semaphore, #tpu.memory_space<semaphore_mem>>) src(%arg6 : memref<8x128xf32, #tpu.memory_space<vmem>>) dst(%dma_wait3A_20 : memref<8x128xf32, #tpu.memory_space<hbm>>)
    %add3A_21 = arith.constant 72 : i32
    %add3A_22 = arith.addi %mul3A_2, %add3A_21 : i32
    %dma_wait3A_23 = arith.constant 0 : i32
    %dma_wait3A_24 = tpu.memref_slice %arg3[%add3A_22, %dma_wait3A_23] : memref<2560x128xf32, #tpu.memory_space<hbm>> -> memref<8x128xf32, #tpu.memory_space<hbm>>
    %dma_wait3A_25 = arith.constant 0 : i32
    %dma_wait3A_26 = tpu.memref_slice %arg3[%add3A_22, %dma_wait3A_25] : memref<2560x128xf32, #tpu.memory_space<hbm>> -> memref<8x128xf32, #tpu.memory_space<hbm>>
    tpu.wait_dma2 semaphore(%arg11 : memref<!tpu.dma_semaphore, #tpu.memory_space<semaphore_mem>>) src(%arg7 : memref<8x128xf32, #tpu.memory_space<vmem>>) dst(%dma_wait3A_26 : memref<8x128xf32, #tpu.memory_space<hbm>>)
    return
  }
}

module attributes {stable_mosaic.version = 14 : i64} {
  func.func @_agg1_body(%arg0: i32, %arg1: memref<744x128xf32, #tpu.memory_space<vmem>>, %arg2: memref<744x32x128xf32, #tpu.memory_space<vmem>>, %arg3: memref<128x128xf32, #tpu.memory_space<vmem>>, %arg4: memref<1x128xf32, #tpu.memory_space<vmem>>, %arg5: memref<744x128xf32, #tpu.memory_space<vmem>>) attributes {dimension_semantics = [#tpu.dimension_semantics<arbitrary>], iteration_bounds = array<i64: 10>, scalar_prefetch = 0 : i64, scratch_operands = 0 : i64, tpu.core_type = #tpu.core_type<tc>, window_params = [{transform_indices = @transform_0, window_bounds = array<i64: 744, 128>}, {transform_indices = @transform_1, window_bounds = array<i64: 744, 32, 128>}, {pipeline_mode = #tpu.pipeline_mode<synchronous>, transform_indices = @transform_2, window_bounds = array<i64: 128, 128>}, {pipeline_mode = #tpu.pipeline_mode<synchronous>, transform_indices = @transform_3, window_bounds = array<i64: 1, 128>}, {transform_indices = @transform_4, window_bounds = array<i64: 744, 128>}]} {
    %get3A = arith.constant 0 : index
    %get3A_0 = arith.constant 0 : index
    %get3A_1 = arith.constant 0 : index
    %get3A_2 = vector.load %arg2[%get3A, %get3A_0, %get3A_1] : memref<744x32x128xf32, #tpu.memory_space<vmem>>, vector<744x32x128xf32>
    %reduce_sum3A = arith.constant dense<0.000000e+00> : vector<744x128xf32>
    %reduce_sum3A_3 = vector.multi_reduction <add>, %get3A_2, %reduce_sum3A [1] : vector<744x32x128xf32> to vector<744x128xf32>
    %get3A_4 = arith.constant 0 : index
    %get3A_5 = arith.constant 0 : index
    %get3A_6 = vector.load %arg1[%get3A_4, %get3A_5] : memref<744x128xf32, #tpu.memory_space<vmem>>, vector<744x128xf32>
    %add3A = arith.addf %reduce_sum3A_3, %get3A_6 : vector<744x128xf32>
    %mul3A = arith.constant 0.0303030312 : f32
    %mul3A_7 = vector.broadcast %mul3A : f32 to vector<744x128xf32>
    %mul3A_8 = arith.mulf %add3A, %mul3A_7 : vector<744x128xf32>
    %get3A_9 = arith.constant 0 : index
    %get3A_10 = arith.constant 0 : index
    %get3A_11 = vector.load %arg3[%get3A_9, %get3A_10] : memref<128x128xf32, #tpu.memory_space<vmem>>, vector<128x128xf32>
    %dot_general3A = arith.constant dense<0.000000e+00> : vector<744x128xf32>
    %dot_general3A_12 = tpu.matmul %mul3A_8, %get3A_11, %dot_general3A {dimension_numbers = #tpu.dot_dimension_numbers<[1], [0], [0], [1], [0, 0, 1, 1], [], []>, transpose_lhs_hint = false} : vector<744x128xf32>, vector<128x128xf32>, vector<744x128xf32> -> vector<744x128xf32>
    %get3A_13 = arith.constant 0 : index
    %get3A_14 = arith.constant 0 : index
    %get3A_15 = vector.load %arg4[%get3A_13, %get3A_14] : memref<1x128xf32, #tpu.memory_space<vmem>>, vector<1x128xf32>
    %add3A_16 = vector.broadcast %get3A_15 : vector<1x128xf32> to vector<744x128xf32>
    %add3A_17 = arith.addf %dot_general3A_12, %add3A_16 : vector<744x128xf32>
    %swap3A = arith.constant 0 : index
    %swap3A_18 = arith.constant 0 : index
    %swap3A_19 = vector.load %arg5[%swap3A, %swap3A_18] : memref<744x128xf32, #tpu.memory_space<vmem>>, vector<744x128xf32>
    tpu.vector_store %arg5[%swap3A, %swap3A_18], %add3A_17 {strides = array<i32>} : memref<744x128xf32, #tpu.memory_space<vmem>>, vector<744x128xf32>,
    return
  }
  func.func @transform_0(%arg0: i32) -> (i32, i32) {
    %c0_i32 = arith.constant 0 : i32
    %c0_i32_0 = arith.constant 0 : i32
    return %arg0, %c0_i32 : i32, i32
  }
  func.func @transform_1(%arg0: i32) -> (i32, i32, i32) {
    %c0_i32 = arith.constant 0 : i32
    %c0_i32_0 = arith.constant 0 : i32
    %c0_i32_1 = arith.constant 0 : i32
    return %arg0, %c0_i32, %c0_i32_0 : i32, i32, i32
  }
  func.func @transform_2(%arg0: i32) -> (i32, i32) {
    %c0_i32 = arith.constant 0 : i32
    %c0_i32_0 = arith.constant 0 : i32
    %c0_i32_1 = arith.constant 0 : i32
    return %c0_i32, %c0_i32_0 : i32, i32
  }
  func.func @transform_3(%arg0: i32) -> (i32, i32) {
    %c0_i32 = arith.constant 0 : i32
    %c0_i32_0 = arith.constant 0 : i32
    %c0_i32_1 = arith.constant 0 : i32
    return %c0_i32, %c0_i32_0 : i32, i32
  }
  func.func @transform_4(%arg0: i32) -> (i32, i32) {
    %c0_i32 = arith.constant 0 : i32
    %c0_i32_0 = arith.constant 0 : i32
    return %arg0, %c0_i32 : i32, i32
  }
}

module attributes {stable_mosaic.version = 14 : i64} {
  func.func @_agg2_body(%arg0: i32, %arg1: memref<512x128xf32, #tpu.memory_space<vmem>>, %arg2: memref<512x128xf32, #tpu.memory_space<vmem>>, %arg3: memref<128x128xf32, #tpu.memory_space<vmem>>, %arg4: memref<1x128xf32, #tpu.memory_space<vmem>>, %arg5: memref<512x128xf32, #tpu.memory_space<vmem>>) attributes {dimension_semantics = [#tpu.dimension_semantics<arbitrary>], iteration_bounds = array<i64: 5>, scalar_prefetch = 0 : i64, scratch_operands = 0 : i64, tpu.core_type = #tpu.core_type<tc>, window_params = [{transform_indices = @transform_0, window_bounds = array<i64: 512, 128>}, {transform_indices = @transform_1, window_bounds = array<i64: 512, 128>}, {pipeline_mode = #tpu.pipeline_mode<synchronous>, transform_indices = @transform_2, window_bounds = array<i64: 128, 128>}, {pipeline_mode = #tpu.pipeline_mode<synchronous>, transform_indices = @transform_3, window_bounds = array<i64: 1, 128>}, {transform_indices = @transform_4, window_bounds = array<i64: 512, 128>}]} {
    %get3A = arith.constant 0 : index
    %get3A_0 = arith.constant 0 : index
    %get3A_1 = vector.load %arg2[%get3A, %get3A_0] : memref<512x128xf32, #tpu.memory_space<vmem>>, vector<512x128xf32>
    %get3A_2 = arith.constant 0 : index
    %get3A_3 = arith.constant 0 : index
    %get3A_4 = vector.load %arg1[%get3A_2, %get3A_3] : memref<512x128xf32, #tpu.memory_space<vmem>>, vector<512x128xf32>
    %add3A = arith.addf %get3A_1, %get3A_4 : vector<512x128xf32>
    %mul3A = arith.constant 0.0303030312 : f32
    %mul3A_5 = vector.broadcast %mul3A : f32 to vector<512x128xf32>
    %mul3A_6 = arith.mulf %add3A, %mul3A_5 : vector<512x128xf32>
    %get3A_7 = arith.constant 0 : index
    %get3A_8 = arith.constant 0 : index
    %get3A_9 = vector.load %arg3[%get3A_7, %get3A_8] : memref<128x128xf32, #tpu.memory_space<vmem>>, vector<128x128xf32>
    %dot_general3A = arith.constant dense<0.000000e+00> : vector<512x128xf32>
    %dot_general3A_10 = tpu.matmul %mul3A_6, %get3A_9, %dot_general3A {dimension_numbers = #tpu.dot_dimension_numbers<[1], [0], [0], [1], [0, 0, 1, 1], [], []>, transpose_lhs_hint = false} : vector<512x128xf32>, vector<128x128xf32>, vector<512x128xf32> -> vector<512x128xf32>
    %get3A_11 = arith.constant 0 : index
    %get3A_12 = arith.constant 0 : index
    %get3A_13 = vector.load %arg4[%get3A_11, %get3A_12] : memref<1x128xf32, #tpu.memory_space<vmem>>, vector<1x128xf32>
    %add3A_14 = vector.broadcast %get3A_13 : vector<1x128xf32> to vector<512x128xf32>
    %add3A_15 = arith.addf %dot_general3A_10, %add3A_14 : vector<512x128xf32>
    %swap3A = arith.constant 0 : index
    %swap3A_16 = arith.constant 0 : index
    %swap3A_17 = vector.load %arg5[%swap3A, %swap3A_16] : memref<512x128xf32, #tpu.memory_space<vmem>>, vector<512x128xf32>
    tpu.vector_store %arg5[%swap3A, %swap3A_16], %add3A_15 {strides = array<i32>} : memref<512x128xf32, #tpu.memory_space<vmem>>, vector<512x128xf32>,
    return
  }
  func.func @transform_0(%arg0: i32) -> (i32, i32) {
    %c0_i32 = arith.constant 0 : i32
    %c0_i32_0 = arith.constant 0 : i32
    return %arg0, %c0_i32 : i32, i32
  }
  func.func @transform_1(%arg0: i32) -> (i32, i32) {
    %c0_i32 = arith.constant 0 : i32
    %c0_i32_0 = arith.constant 0 : i32
    return %arg0, %c0_i32 : i32, i32
  }
  func.func @transform_2(%arg0: i32) -> (i32, i32) {
    %c0_i32 = arith.constant 0 : i32
    %c0_i32_0 = arith.constant 0 : i32
    %c0_i32_1 = arith.constant 0 : i32
    return %c0_i32, %c0_i32_0 : i32, i32
  }
  func.func @transform_3(%arg0: i32) -> (i32, i32) {
    %c0_i32 = arith.constant 0 : i32
    %c0_i32_0 = arith.constant 0 : i32
    %c0_i32_1 = arith.constant 0 : i32
    return %c0_i32, %c0_i32_0 : i32, i32
  }
  func.func @transform_4(%arg0: i32) -> (i32, i32) {
    %c0_i32 = arith.constant 0 : i32
    %c0_i32_0 = arith.constant 0 : i32
    return %arg0, %c0_i32 : i32, i32
  }
}

</mosaic_0001>

<sc_bundles>
// kernel: kernel.5.cloned.1.call-start
scs
__scs_entry_jumppad:
0x0: {  	(pc) =	sbr.rel $0x88, $3  }
0x1: {  	(tag) =	ssettag $0x0;
	lr =	simm.s32 $0x1  }
0x2: {  	[smem:$0x3F9D] =	sst lr;
	_ =	strace $0xD0000000  }
0x3: {  	_ = 	snop  }
0x4: {  	_ = 	snop  }
0x5: {  	_ = 	snop  }
0x6: {  	_ = 	snop  }
0x7: {  	_ = 	snop  }
__scs_overlays_trampoline_lowered:
0x8: {  	[smem:$0x3FAC] =	sst s0  }
0x9: {  	[smem:$0x3FAD] =	sst s1  }
0xa: {  	[smem:$0x3FAE] =	sst s2  }
0xb: {  	[smem:$0x3FAF] =	sst s3  }
0xc: {  	[smem:$0x3FB0] =	sst s4  }
0xd: {  	[smem:$0x3FB1] =	sst s5  }
0xe: {  	[smem:$0x3FB2] =	sst s6  }
0xf: {  	[smem:$0x3FB3] =	sst s7  }
0x10: {  	[smem:$0x3FB4] =	sst s8  }
0x11: {  	[smem:$0x3FB5] =	sst s9;
	s0 =	simm.s32 @!p0 $0x0  }
0x12: {  	s1 =	sld [smem:$0x3F9B];
	s0 =	simm.s32 @p0 $0x1  }
0x13: {  	[smem:$0x3FB6] =	sst s0;
	s0 =	simm.s32 @!p1 $0x0  }
0x14: {  	s2 =	sld [smem:$0x3F9A];
	s0 =	simm.s32 @p1 $0x1  }
0x15: {  	[smem:$0x3FB7] =	sst s0;
	s0 =	simm.s32 @!p2 $0x0  }
0x16: {  	s3 =	sld [smem:$0x3FDB];
	s0 =	simm.s32 @p2 $0x1  }
0x17: {  	s4 =	simm.s32 $0x1BF5;
	[smem:$0x3FB9] =	sst s0  }
0x18: {  	s0 =	sld [smem:$0x3F9C];
	_ =	swait.ge [sflag:s4], $0x0  }
0x19: {  	s7 =	sld [smem:$0x3F9D]  }
0x1a: {  	s8 =	sadd.s32 $0xFFFFE003, lr  }
0x1b: {  	s9 =	sadd.s32 $0xFFFFFEF7, lr;
	s5 =	simm.s32 $0xFFFFFFFF;
	p2 =	slt.u32 s8, $0xFFFFF086  }
0x1c: {  	p1 =	slt.u32 s9, $0xF7A;
	s5 =	simm.s32 @!p2 $0x0  }
0x1d: {  	s5 =	simm.s32 @p1 $0x1;
	p0 =	seq.s32 s7, s2  }
0x1e: {  	s7 =	smul.u32 @!p0 $0xF7A, s2;
	p2 =	seq.s32 @!p0 s5, $0x0  }
0x1f: {  	s9 =	smul.u32 $0xF7A, s1;
	s8 =	simm.s32 @!p0 $0x1BF5;
	p2 =	por !p2, p0  }
0x20: {  	[sflag:s8] =	ssyncset.s32 @!p0 $0xFFFFF086;
	s6 =	sadd.s32 @!p0 s3, s7;
	s7 =	simm.s32 @!p0 $0x108  }
0x21: {  	s3 =	sadd.s32 s3, s9;
	s6 =	sadd.s32 @!p0 $0x88, s6;
	s7 =	simm.s32 @p2 $0x1082  }
0x22: {  	[simem:s7], [sflag:s8] =	dma.local @!p0 [hbm:s6], $0xF7A  }
0x23: {  	s9 =	sor.u32 $0xD0000000, s2;
	s6 =	simm.s32 $0x108;
	_ =	swait.ge @!p0 [sflag:s8], $0x0  }
0x24: {  	s3 =	sadd.s32 $0x88, s3;
	s6 =	simm.s32 @!p1 $0x1082;
	[sflag:s4] =	ssyncset.s32 $0xFFFFF086  }
0x25: {  	[simem:s6], [sflag:s4] =	dma.local [hbm:s3], $0xF7A  }
0x26: {  	[smem:$0x3F9D] =	sst s1;
	(tag) =	ssettag s2;
	_ =	strace s9  }
0x27: {  	s1 =	sld [smem:$0x3FAD]  }
0x28: {  	s2 =	sld [smem:$0x3FAE]  }
0x29: {  	s4 =	sld [smem:$0x3FB0]  }
0x2a: {  	p0 =	seq.s32 s5, $0x0;
	s5 =	sld [smem:$0x3FB1]  }
0x2b: {  	s6 =	sld [smem:$0x3FB2]  }
0x2c: {  	s7 =	sld [smem:$0x3FB3]  }
0x2d: {  	s3 =	simm.s32 $0x108;
	s8 =	sld [smem:$0x3FB4]  }
0x2e: {  	s3 =	simm.s32 @!p0 $0x1082;
	s9 =	sld [smem:$0x3FB5]  }
0x2f: {  	lr =	sadd.s32 s0, s3;
	s0 =	sld [smem:$0x3FAC]  }
0x30: {  	s3 =	sld [smem:$0x3FAF]  }
0x31: {  	[smem:$0x3FB8] =	sst s10  }
0x32: {  	s10 =	sld [smem:$0x3FB6];
	_ =	sdelay $0x3  }
0x33: {  	p0 =	seq.s32 s10, $0x1;
	s10 =	sld [smem:$0x3FB8];
	_ =	sdelay $0x3  }
0x34: {  	[smem:$0x3FB8] =	sst s10  }
0x35: {  	s10 =	sld [smem:$0x3FB7];
	_ =	sdelay $0x3  }
0x36: {  	p1 =	seq.s32 s10, $0x1;
	s10 =	sld [smem:$0x3FB8];
	_ =	sdelay $0x3  }
0x37: {  	[smem:$0x3FB8] =	sst s10  }
0x38: {  	s10 =	sld [smem:$0x3FB9]  }
0x39: {  	_ = 	snop;
	(pc) =	sbr.ind lr, $3  }
0x3a: {  	_ = 	snop  }
0x3b: {  	_ = 	snop  }
0x3c: {  	p2 =	seq.s32 s10, $0x1;
	s10 =	sld [smem:$0x3FB8]  }
0x3d: {  	_ =	shalt  }
0x3e: {  	_ =	shalt  }
0x3f: {  	_ =	shalt  }
0x40: {  	_ =	shalt  }
0x41: {  	_ =	shalt  }
0x42: {  	_ =	shalt  }
0x43: {  	_ =	shalt  }
0x44: {  	_ =	shalt  }
0x45: {  	_ =	shalt  }
0x46: {  	_ =	shalt  }
0x47: {  	_ =	shalt  }
0x48: {  	_ =	shalt  }
0x49: {  	_ =	shalt  }
0x4a: {  	_ =	shalt  }
0x4b: {  	_ =	shalt  }
0x4c: {  	_ =	shalt  }
0x4d: {  	_ =	shalt  }
0x4e: {  	_ =	shalt  }
0x4f: {  	_ =	shalt  }
0x50: {  	_ =	shalt  }
0x51: {  	_ =	shalt  }
0x52: {  	_ =	shalt  }
0x53: {  	_ =	shalt  }
0x54: {  	_ =	shalt  }
0x55: {  	_ =	shalt  }
0x56: {  	_ =	shalt  }
0x57: {  	_ =	shalt  }
0x58: {  	_ =	shalt  }
0x59: {  	_ =	shalt  }
0x5a: {  	_ =	shalt  }
0x5b: {  	_ =	shalt  }
0x5c: {  	_ =	shalt  }
0x5d: {  	_ =	shalt  }
0x5e: {  	_ =	shalt  }
0x5f: {  	_ =	shalt  }
0x60: {  	_ =	shalt  }
0x61: {  	_ =	shalt  }
0x62: {  	_ =	shalt  }
0x63: {  	_ =	shalt  }
0x64: {  	_ =	shalt  }
0x65: {  	_ =	shalt  }
0x66: {  	_ =	shalt  }
0x67: {  	_ =	shalt  }
0x68: {  	_ =	shalt  }
0x69: {  	_ =	shalt  }
0x6a: {  	_ =	shalt  }
0x6b: {  	_ =	shalt  }
0x6c: {  	_ =	shalt  }
0x6d: {  	_ =	shalt  }
0x6e: {  	_ =	shalt  }
0x6f: {  	_ =	shalt  }
0x70: {  	_ =	shalt  }
0x71: {  	_ =	shalt  }
0x72: {  	_ =	shalt  }
0x73: {  	_ =	shalt  }
0x74: {  	_ =	shalt  }
0x75: {  	_ =	shalt  }
0x76: {  	_ =	shalt  }
0x77: {  	_ =	shalt  }
0x78: {  	_ =	shalt  }
0x79: {  	_ =	shalt  }
0x7a: {  	_ =	shalt  }
0x7b: {  	_ =	shalt  }
0x7c: {  	_ =	shalt  }
0x7d: {  	_ =	shalt  }
0x7e: {  	_ =	shalt  }
0x7f: {  	_ =	shalt  }
0x80: {  	_ =	shalt  }
0x81: {  	_ =	shalt  }
0x82: {  	_ =	shalt  }
0x83: {  	_ =	shalt  }
0x84: {  	_ =	shalt  }
0x85: {  	_ =	shalt  }
0x86: {  	_ =	shalt  }
0x87: {  	_ =	shalt  }
.Lfunc_end0:
.L_simem_size_0:
called_computation_lowered:
.L_overlay_start_0:
0x88: {  	s2 =	sld [smem:$0x3FD9]  }
0x89: {  	s3 =	sld [smem:$0x3FFE];
	_ =	sdelay $0x1  }
0x8a: {  	s1 =	srdreg.scid  }
0x8b: {  	s0 =	sand.u32 $0x1, s1  }
0x8c: {  	s18 =	sshll.u32 s0, $0xA;
	s2 =	sadd.s32 s3, s2  }
0x8d: {  	s2 =	sadd.s32 s2, s18  }
0x8e: {  	[smem:$0x3FC4] =	sst s2  }
0x8f: {  	_ = 	snop  }
0x90: {  	s2 =	sld [smem:$0x3FC8]  }
0x91: {  	s19 =	sld [smem:$0x3FD0];
	(tm) =	ssettm $0x1  }
0x92: {  	s4 =	sld [smem:$0x3FFB];
	_ =	sdelay $0x3  }
0x93: {  	_ =	strace s4  }
0x94: {  	s4 =	sld [smem:$0x3FFC];
	_ =	sdelay $0x3  }
0x95: {  	_ =	strace s4  }
0x96: {  	s4 =	sld [smem:$0x3FFD];
	_ =	sdelay $0x3  }
0x97: {  	_ =	strace s4  }
0x98: {  	_ =	strace $0x8FFFFFFF  }
0x99: {  	s20 =	sld [smem:$0x3FDB];
	_ =	sdelay $0x1  }
0x9a: {  	s5 =	simm.s32 $_scs_section_size  }
0x9b: {  	s6 =	simm.s32 $_size__tile_overlayer_lowered;
	s7 =	simm.s32 $_tile_overlayer_lowered  }
0x9c: {  	s23 =	simm.s32 $0x1BFF;
	s22 =	sshll.u32 s7, $0x1;
	s4 =	sadd.s32 s5, s20  }
0x9d: {  	s8 =	simm.s32 $0x0;
	s21 =	sshll.u32 s6, $0x1;
	s6 =	sadd.s32 s22, s4  }
0x9e: {  	[timem:s8], [sflag:s23] =	dma.local [hbm:s6], s21  }
0x9f: {  	_ =	swait.ge [sflag:s23], s21  }
0xa0: {  	s5 =	ssub.s32 $0x0, s21;
	[sflag:s23] =	ssyncset.done $0x0  }
0xa1: {  	[sflag:s23] =	ssyncadd.s32 s5;
	_ =	sdelay $0x1  }
0xa2: {  	s24 =	simm.s32 $0x1B8B  }
0xa3: {  	_ =	swait.ge [sflag:s24], $0x1  }
0xa4: {  	[sflag:s24] =	ssyncset.done $0x0  }
0xa5: {  	s25 =	simm.s32 $0x1B8E;
	[sflag:s24] =	ssyncadd.s32 $0xFFFFFFFF  }
0xa6: {  	s26 =	simm.s32 $execute0_lowered;
	[smem:$0x3FD2] =	sst s25  }
0xa7: {  	s5 =	sshll.u32 s26, $0x1;
	_ =	strace $0x80000046;
	[dreg:$0x1] =	wrdreg $0xFFFFFFFF  }
0xa8: {  	s28 =	simm.s32 $_size_execute0_lowered;
	s4 =	sadd.s32 s4, s5;
	[dreg:$0x0] =	wrdreg $0x0  }
0xa9: {  	s5 =	sshll.u32 s28, $0x1;
	[dreg:$0x2] =	wrdreg s4  }
0xaa: {  	[dreg:$0x3] =	wrdreg s5  }
0xab: {  	[dreg:$0x4] =	wrdreg $0xC0  }
0xac: {  	_ =	task [dreg:s8], $0x5FFFF  }
0xad: {  	[dreg:$0x1] =	wrdreg $0xFFFFFFFF  }
0xae: {  	[dreg:$0x0] =	wrdreg $0x60  }
0xaf: {  	[dreg:$0x2] =	wrdreg s2  }
0xb0: {  	[dreg:$0x3] =	wrdreg s19  }
0xb1: {  	[dreg:$0x4] =	wrdreg $0x9  }
0xb2: {  	_ =	task.clear_ibuf [dreg:s8], $0x5FFFF;
	_ =	strace $0x90000046  }
0xb3: {  	s29 =	simm.s32 $0x9;
	_ =	strace $0x80000048  }
0xb4: {  	_ =	swait.ge [sflag:s29], $0x1  }
0xb5: {  	[sflag:s29] =	ssyncadd.s32 $0xFFFFFFFF  }
0xb6: {  	_ =	strace $0x90000048  }
0xb7: {  	_ =	sfence  }
0xb8: {  	s30 =	sld [smem:$0x0];
	_ =	sdelay $0x2  }
0xb9: {  	s31 =	sshll.u32 s1, $0xD;
	s1 =	sshrl.u32 s1, $0x2  }
0xba: {  	s3 =	sand.u32 $0x4000, s31;
	s1 =	sadd.s32 s1, s30  }
0xbb: {  	s0 =	sor.u32 s3, s0;
	s1 =	sshll.u32 s1, $0x11  }
0xbc: {  	s0 =	sor.u32 s1, s0  }
0xbd: {  	s0 =	sadd.s32 $0x8F2B, s0  }
0xbe: {  	[sflag:s0] =	ssyncadd.remote.s32 $0x1  }
0xbf: {  	_ =	sfence.sel $0xFFFF  }
0xc0: {  	[dreg:$0x0] =	wrdreg $0xFFFFFFFF;
	(pc) =	sbr.abs _section_cstart, $3  }
0xc1: {  	[dreg:$0x1] =	wrdreg $0xFFFFFFFF  }
0xc2: {  	_ =	task.clear_ibuf [dreg:s8], $0x2FFFF;
	_ =	strace $0x9FFFFFFF  }
0xc3: {  	(tm) =	ssettm $0x7FFFFFFF  }
tec
execute0_lowered:
.L_overlay_start_1:
0x0: {  	(tag) =	ssettag $0x1  }
0x1: {  	s2 =	rddreg [dreg:$0x0];
	s1 =	srdreg.scid  }
0x2: {  	s0 =	stileid.u32;
	s3 =	rddreg [dreg:$0x1]  }
0x3: {  	s13 =	simm.s32 $0x10000;
	s14 =	simm.s32 $0x2;
	s15 =	simm.s32 $0x4  }
0x4: {  	s16 =	simm.s32 $0x10400;
	s5 =	sand.u32 $0x1, s1;
	s4 =	sshll.u32 s0, $0x1  }
0x5: {  	s17 =	simm.s32 $0x3;
	s18 =	simm.s32 $0x0;
	s8 =	sor.u32 s5, s4  }
0x6: {  	s1 =	rddreg [dreg:$0x2];
	s4 =	simm.s32 $0x0;
	s9 =	smul.u32 $0x50000, s8  }
0x7: {  	s6 =	ssub.s32 $0x2, s5;
	s5 =	sadd.s32 $0x3A2000, s2;
	s10 =	smul.u32 $0x50, s8  }
0x8: {  	[smem:$0x7FF] =	sst s4;
	s7 =	sshrl.u32 s6, $0x1;
	s8 =	smul.u32 $0x2800, s8  }
0x9: {  	_ =	strace $0x80000047;
	s12 =	ssub.s32 s6, s7;
	s11 =	sshrl.u32 s9, $0x3  }
0xa: {  	s7 =	sor.u32 $0x8, s10;
	s9 =	sadd.s32 $0x1D20000, s9;
	s10 =	smax.u32 s12, $0x1  }
0xb: {  	s12 =	simm.s32 $0x1;
	s6 =	sadd.s32 s11, s5;
	s11 =	simm.s32 $0x8000  }
.LBB2_1:
0xc: {  	[tilespmem:s4], [sflag:$0x1] =	stream.linear.gather [hbm4b:s6+s4], $0x8000, $0x38;
	[tilespmem:$0x10800] =	vst v63  }
0xd: {  	s19 =	simm.s32 $0x0  }
.LBB2_2:
0xe: {  	s20 =	sshll.u32 s19, $0x4  }
0xf: {  	s20 =	sadd.s32 s20, s7  }
0x10: {  	s21 =	sshll.u32 s20, $0x9  }
0x11: {  	s21 =	sadd.s32 s21, s5  }
0x12: {  	[tilespmem:s11], [sflag:$0x2] =	stream.linear.gather [hbm4b:s21+s4], $0x8000, $0x38;
	[tilespmem:$0x10800] =	vst v63  }
0x13: {  	_ =	swait.ge [sflag:s12], $0x8000  }
0x14: {  	p0 =	seq.s32 s19, $0x0;
	[sflag:s12] =	ssyncset.done $0x0  }
0x15: {  	s22 =	simm.s32 @!p0 $0x3;
	[sflag:s12] =	ssyncadd.s32 $0xFFFF8000  }
0x16: {  	_ =	swait.ge @!p0 [sflag:s22], $0x400  }
0x17: {  	[sflag:s22] =	ssyncset.done @!p0 $0x0  }
0x18: {  	s21 =	sshll.u32 s19, $0x10;
	[sflag:s22] =	ssyncadd.s32 @!p0 $0xFFFFFC00;
	s22 =	simm.s32 $0x0  }
.LBB2_3:
0x19: {  	s23 =	sshll.u32 s22, $0xC  }
0x1a: {  	s23 =	sand.u32 $0x3FFFF000, s23  }
0x1b: {  	v0 =	vld [tilespmem:s23+$0x0]  }
0x1c: {  	v1 =	vld [tilespmem:s23+$0x80]  }
0x1d: {  	v2 =	vld [tilespmem:s23+$0x100]  }
0x1e: {  	v3 =	vld [tilespmem:s23+$0x180]  }
0x1f: {  	v4 =	vld [tilespmem:s23+$0x200]  }
0x20: {  	v5 =	vld [tilespmem:s23+$0x280]  }
0x21: {  	v6 =	vld [tilespmem:s23+$0x300]  }
0x22: {  	v7 =	vld [tilespmem:s23+$0x380]  }
0x23: {  	v8 =	vld [tilespmem:s23+$0x400]  }
0x24: {  	v9 =	vld [tilespmem:s23+$0x480]  }
0x25: {  	v10 =	vld [tilespmem:s23+$0x500]  }
0x26: {  	v11 =	vld [tilespmem:s23+$0x580]  }
0x27: {  	v12 =	vld [tilespmem:s23+$0x600]  }
0x28: {  	v13 =	vld [tilespmem:s23+$0x680]  }
0x29: {  	v14 =	vld [tilespmem:s23+$0x700]  }
0x2a: {  	v15 =	vld [tilespmem:s23+$0x780]  }
0x2b: {  	v16 =	vld [tilespmem:s23+$0x800]  }
0x2c: {  	v17 =	vld [tilespmem:s23+$0x880]  }
0x2d: {  	v18 =	vld [tilespmem:s23+$0x900]  }
0x2e: {  	v19 =	vld [tilespmem:s23+$0x980]  }
0x2f: {  	v20 =	vld [tilespmem:s23+$0xA00]  }
0x30: {  	v21 =	vld [tilespmem:s23+$0xA80]  }
0x31: {  	v22 =	vld [tilespmem:s23+$0xB00]  }
0x32: {  	v23 =	vld [tilespmem:s23+$0xB80]  }
0x33: {  	v24 =	vld [tilespmem:s23+$0xC00]  }
0x34: {  	v25 =	vld [tilespmem:s23+$0xC80]  }
0x35: {  	v26 =	vld [tilespmem:s23+$0xD00]  }
0x36: {  	v27 =	vld [tilespmem:s23+$0xD80]  }
0x37: {  	v28 =	vld [tilespmem:s23+$0xE00]  }
0x38: {  	v29 =	vld [tilespmem:s23+$0xE80];
	v0 =	vadd.f32 v1, v0;
	v53 =	vadd.f32 v3, v2  }
0x39: {  	v54 =	vld [tilespmem:s23+$0xF00];
	v55 =	vadd.f32 v5, v4;
	v56 =	vadd.f32 v7, v6  }
0x3a: {  	v57 =	vld [tilespmem:s23+$0xF80];
	v58 =	vadd.f32 v9, v8;
	v59 =	vadd.f32 v11, v10  }
0x3b: {  	v60 =	vadd.f32 v13, v12;
	v61 =	vadd.f32 v15, v14  }
0x3c: {  	v62 =	vadd.f32 v17, v16;
	v63 =	vadd.f32 v19, v18  }
0x3d: {  	v21 =	vadd.f32 v21, v20;
	v22 =	vadd.f32 v23, v22  }
0x3e: {  	v23 =	vadd.f32 v25, v24;
	v24 =	vadd.f32 v27, v26  }
0x3f: {  	v25 =	vadd.f32 v29, v28;
	v2 =	vadd.f32 v57, v54  }
0x40: {  	v0 =	vadd.f32 v53, v0;
	v26 =	vadd.f32 v56, v55  }
0x41: {  	v27 =	vadd.f32 v59, v58;
	v28 =	vadd.f32 v61, v60  }
0x42: {  	v29 =	vadd.f32 v63, v62;
	v30 =	vadd.f32 v22, v21  }
0x43: {  	v31 =	vadd.f32 v24, v23;
	v2 =	vadd.f32 v2, v25  }
0x44: {  	v0 =	vadd.f32 v26, v0;
	v32 =	vadd.f32 v28, v27  }
0x45: {  	v33 =	vadd.f32 v30, v29;
	v2 =	vadd.f32 v2, v31;
	_ =	sdelay $0x1  }
0x46: {  	v0 =	vadd.f32 v32, v0;
	v34 =	vadd.f32 v2, v33;
	_ =	sdelay $0x1  }
0x47: {  	s24 =	sshll.u32 s22, $0x7;
	v0 =	vadd.f32 v34, v0  }
0x48: {  	s24 =	sand.u32 $0x3FFFFF80, s24  }
0x49: {  	[tilespmem:s24+$0x10000] =	vst v0  }
0x4a: {  	v0 =	vld [tilespmem:s23+$0x10]  }
0x4b: {  	v35 =	vld [tilespmem:s23+$0x90]  }
0x4c: {  	v36 =	vld [tilespmem:s23+$0x110]  }
0x4d: {  	v37 =	vld [tilespmem:s23+$0x190]  }
0x4e: {  	v38 =	vld [tilespmem:s23+$0x210]  }
0x4f: {  	v39 =	vld [tilespmem:s23+$0x290]  }
0x50: {  	v40 =	vld [tilespmem:s23+$0x310]  }
0x51: {  	v41 =	vld [tilespmem:s23+$0x390]  }
0x52: {  	v42 =	vld [tilespmem:s23+$0x410]  }
0x53: {  	v43 =	vld [tilespmem:s23+$0x490]  }
0x54: {  	v44 =	vld [tilespmem:s23+$0x510]  }
0x55: {  	v45 =	vld [tilespmem:s23+$0x590]  }
0x56: {  	v46 =	vld [tilespmem:s23+$0x610]  }
0x57: {  	v47 =	vld [tilespmem:s23+$0x690]  }
0x58: {  	v48 =	vld [tilespmem:s23+$0x710]  }
0x59: {  	v49 =	vld [tilespmem:s23+$0x790]  }
0x5a: {  	v50 =	vld [tilespmem:s23+$0x810]  }
0x5b: {  	v51 =	vld [tilespmem:s23+$0x890]  }
0x5c: {  	v52 =	vld [tilespmem:s23+$0x910]  }
0x5d: {  	v53 =	vld [tilespmem:s23+$0x990]  }
0x5e: {  	v54 =	vld [tilespmem:s23+$0xA10]  }
0x5f: {  	v55 =	vld [tilespmem:s23+$0xA90]  }
0x60: {  	v56 =	vld [tilespmem:s23+$0xB10]  }
0x61: {  	v57 =	vld [tilespmem:s23+$0xB90]  }
0x62: {  	v58 =	vld [tilespmem:s23+$0xC10]  }
0x63: {  	v59 =	vld [tilespmem:s23+$0xC90]  }
0x64: {  	v60 =	vld [tilespmem:s23+$0xD10]  }
0x65: {  	v61 =	vld [tilespmem:s23+$0xD90];
	v0 =	vadd.f32 v35, v0;
	v31 =	vadd.f32 v37, v36  }
0x66: {  	v62 =	vld [tilespmem:s23+$0xE10];
	v33 =	vadd.f32 v39, v38;
	v34 =	vadd.f32 v41, v40  }
0x67: {  	v63 =	vld [tilespmem:s23+$0xE90];
	v36 =	vadd.f32 v43, v42;
	v37 =	vadd.f32 v45, v44  }
0x68: {  	v32 =	vld [tilespmem:s23+$0xF10];
	v38 =	vadd.f32 v47, v46;
	v39 =	vadd.f32 v49, v48  }
0x69: {  	v35 =	vld [tilespmem:s23+$0xF90];
	v40 =	vadd.f32 v51, v50;
	v41 =	vadd.f32 v53, v52  }
0x6a: {  	v42 =	vadd.f32 v55, v54;
	v43 =	vadd.f32 v57, v56  }
0x6b: {  	v44 =	vadd.f32 v59, v58;
	v45 =	vadd.f32 v61, v60  }
0x6c: {  	v46 =	vadd.f32 v63, v62;
	v0 =	vadd.f32 v31, v0  }
0x6d: {  	v47 =	vadd.f32 v34, v33;
	v48 =	vadd.f32 v37, v36  }
0x6e: {  	v49 =	vadd.f32 v39, v38;
	v2 =	vadd.f32 v35, v32  }
0x6f: {  	v50 =	vadd.f32 v41, v40;
	v51 =	vadd.f32 v43, v42  }
0x70: {  	v52 =	vadd.f32 v45, v44;
	v2 =	vadd.f32 v2, v46  }
0x71: {  	v0 =	vadd.f32 v47, v0;
	v53 =	vadd.f32 v49, v48  }
0x72: {  	v54 =	vadd.f32 v51, v50;
	v2 =	vadd.f32 v2, v52;
	_ =	sdelay $0x1  }
0x73: {  	v0 =	vadd.f32 v53, v0;
	v55 =	vadd.f32 v2, v54;
	_ =	sdelay $0x1  }
0x74: {  	v0 =	vadd.f32 v55, v0;
	_ =	sdelay $0x1  }
0x75: {  	[tilespmem:s24+$0x10010] =	vst v0  }
0x76: {  	v0 =	vld [tilespmem:s23+$0x20]  }
0x77: {  	v56 =	vld [tilespmem:s23+$0xA0]  }
0x78: {  	v57 =	vld [tilespmem:s23+$0x120]  }
0x79: {  	v58 =	vld [tilespmem:s23+$0x1A0]  }
0x7a: {  	v59 =	vld [tilespmem:s23+$0x220]  }
0x7b: {  	v60 =	vld [tilespmem:s23+$0x2A0]  }
0x7c: {  	v61 =	vld [tilespmem:s23+$0x320]  }
0x7d: {  	v62 =	vld [tilespmem:s23+$0x3A0]  }
0x7e: {  	v63 =	vld [tilespmem:s23+$0x420]  }
0x7f: {  	v32 =	vld [tilespmem:s23+$0x4A0]  }
0x80: {  	v33 =	vld [tilespmem:s23+$0x520]  }
0x81: {  	v34 =	vld [tilespmem:s23+$0x5A0]  }
0x82: {  	v35 =	vld [tilespmem:s23+$0x620]  }
0x83: {  	v36 =	vld [tilespmem:s23+$0x6A0]  }
0x84: {  	v37 =	vld [tilespmem:s23+$0x720]  }
0x85: {  	v38 =	vld [tilespmem:s23+$0x7A0]  }
0x86: {  	v39 =	vld [tilespmem:s23+$0x820]  }
0x87: {  	v40 =	vld [tilespmem:s23+$0x8A0]  }
0x88: {  	v41 =	vld [tilespmem:s23+$0x920]  }
0x89: {  	v42 =	vld [tilespmem:s23+$0x9A0]  }
0x8a: {  	v43 =	vld [tilespmem:s23+$0xA20]  }
0x8b: {  	v44 =	vld [tilespmem:s23+$0xAA0]  }
0x8c: {  	v45 =	vld [tilespmem:s23+$0xB20]  }
0x8d: {  	v46 =	vld [tilespmem:s23+$0xBA0]  }
0x8e: {  	v47 =	vld [tilespmem:s23+$0xC20]  }
0x8f: {  	v48 =	vld [tilespmem:s23+$0xCA0]  }
0x90: {  	v49 =	vld [tilespmem:s23+$0xD20]  }
0x91: {  	v50 =	vld [tilespmem:s23+$0xDA0];
	v0 =	vadd.f32 v56, v0;
	v53 =	vadd.f32 v58, v57  }
0x92: {  	v51 =	vld [tilespmem:s23+$0xE20];
	v55 =	vadd.f32 v60, v59;
	v56 =	vadd.f32 v62, v61  }
0x93: {  	v52 =	vld [tilespmem:s23+$0xEA0];
	v58 =	vadd.f32 v32, v63;
	v59 =	vadd.f32 v34, v33  }
0x94: {  	v54 =	vld [tilespmem:s23+$0xF20];
	v60 =	vadd.f32 v36, v35;
	v61 =	vadd.f32 v38, v37  }
0x95: {  	v57 =	vld [tilespmem:s23+$0xFA0];
	v62 =	vadd.f32 v40, v39;
	v63 =	vadd.f32 v42, v41  }
0x96: {  	v21 =	vadd.f32 v44, v43;
	v22 =	vadd.f32 v46, v45  }
0x97: {  	v23 =	vadd.f32 v48, v47;
	v24 =	vadd.f32 v50, v49  }
0x98: {  	v25 =	vadd.f32 v52, v51;
	v0 =	vadd.f32 v53, v0  }
0x99: {  	v26 =	vadd.f32 v56, v55;
	v27 =	vadd.f32 v59, v58  }
0x9a: {  	v28 =	vadd.f32 v61, v60;
	v2 =	vadd.f32 v57, v54  }
0x9b: {  	v29 =	vadd.f32 v63, v62;
	v30 =	vadd.f32 v22, v21  }
0x9c: {  	v31 =	vadd.f32 v24, v23;
	v2 =	vadd.f32 v2, v25  }
0x9d: {  	v0 =	vadd.f32 v26, v0;
	v32 =	vadd.f32 v28, v27  }
0x9e: {  	v33 =	vadd.f32 v30, v29;
	v2 =	vadd.f32 v2, v31;
	_ =	sdelay $0x1  }
0x9f: {  	v0 =	vadd.f32 v32, v0;
	v34 =	vadd.f32 v2, v33;
	_ =	sdelay $0x1  }
0xa0: {  	v0 =	vadd.f32 v34, v0;
	_ =	sdelay $0x1  }
0xa1: {  	[tilespmem:s24+$0x10020] =	vst v0  }
0xa2: {  	v0 =	vld [tilespmem:s23+$0x30]  }
0xa3: {  	v35 =	vld [tilespmem:s23+$0xB0]  }
0xa4: {  	v36 =	vld [tilespmem:s23+$0x130]  }
0xa5: {  	v37 =	vld [tilespmem:s23+$0x1B0]  }
0xa6: {  	v38 =	vld [tilespmem:s23+$0x230]  }
0xa7: {  	v39 =	vld [tilespmem:s23+$0x2B0]  }
0xa8: {  	v40 =	vld [tilespmem:s23+$0x330]  }
0xa9: {  	v41 =	vld [tilespmem:s23+$0x3B0]  }
0xaa: {  	v42 =	vld [tilespmem:s23+$0x430]  }
0xab: {  	v43 =	vld [tilespmem:s23+$0x4B0]  }
0xac: {  	v44 =	vld [tilespmem:s23+$0x530]  }
0xad: {  	v45 =	vld [tilespmem:s23+$0x5B0]  }
0xae: {  	v46 =	vld [tilespmem:s23+$0x630]  }
0xaf: {  	v47 =	vld [tilespmem:s23+$0x6B0]  }
0xb0: {  	v48 =	vld [tilespmem:s23+$0x730]  }
0xb1: {  	v49 =	vld [tilespmem:s23+$0x7B0]  }
0xb2: {  	v50 =	vld [tilespmem:s23+$0x830]  }
0xb3: {  	v51 =	vld [tilespmem:s23+$0x8B0]  }
0xb4: {  	v52 =	vld [tilespmem:s23+$0x930]  }
0xb5: {  	v53 =	vld [tilespmem:s23+$0x9B0]  }
0xb6: {  	v54 =	vld [tilespmem:s23+$0xA30]  }
0xb7: {  	v55 =	vld [tilespmem:s23+$0xAB0]  }
0xb8: {  	v56 =	vld [tilespmem:s23+$0xB30]  }
0xb9: {  	v57 =	vld [tilespmem:s23+$0xBB0]  }
0xba: {  	v58 =	vld [tilespmem:s23+$0xC30]  }
0xbb: {  	v59 =	vld [tilespmem:s23+$0xCB0]  }
0xbc: {  	v60 =	vld [tilespmem:s23+$0xD30]  }
0xbd: {  	v61 =	vld [tilespmem:s23+$0xDB0];
	v0 =	vadd.f32 v35, v0;
	v31 =	vadd.f32 v37, v36  }
0xbe: {  	v62 =	vld [tilespmem:s23+$0xE30];
	v33 =	vadd.f32 v39, v38;
	v34 =	vadd.f32 v41, v40  }
0xbf: {  	v63 =	vld [tilespmem:s23+$0xEB0];
	v36 =	vadd.f32 v43, v42;
	v37 =	vadd.f32 v45, v44  }
0xc0: {  	v32 =	vld [tilespmem:s23+$0xF30];
	v38 =	vadd.f32 v47, v46;
	v39 =	vadd.f32 v49, v48  }
0xc1: {  	v35 =	vld [tilespmem:s23+$0xFB0];
	v40 =	vadd.f32 v51, v50;
	v41 =	vadd.f32 v53, v52  }
0xc2: {  	v42 =	vadd.f32 v55, v54;
	v43 =	vadd.f32 v57, v56  }
0xc3: {  	v44 =	vadd.f32 v59, v58;
	v45 =	vadd.f32 v61, v60  }
0xc4: {  	v46 =	vadd.f32 v63, v62;
	v0 =	vadd.f32 v31, v0  }
0xc5: {  	v47 =	vadd.f32 v34, v33;
	v48 =	vadd.f32 v37, v36  }
0xc6: {  	v49 =	vadd.f32 v39, v38;
	v2 =	vadd.f32 v35, v32  }
0xc7: {  	v50 =	vadd.f32 v41, v40;
	v51 =	vadd.f32 v43, v42  }
0xc8: {  	v52 =	vadd.f32 v45, v44;
	v2 =	vadd.f32 v2, v46  }
0xc9: {  	v0 =	vadd.f32 v47, v0;
	v53 =	vadd.f32 v49, v48  }
0xca: {  	v54 =	vadd.f32 v51, v50;
	v2 =	vadd.f32 v2, v52;
	_ =	sdelay $0x1  }
0xcb: {  	v0 =	vadd.f32 v53, v0;
	v55 =	vadd.f32 v2, v54;
	_ =	sdelay $0x1  }
0xcc: {  	v0 =	vadd.f32 v55, v0;
	_ =	sdelay $0x1  }
0xcd: {  	[tilespmem:s24+$0x10030] =	vst v0  }
0xce: {  	v0 =	vld [tilespmem:s23+$0x40]  }
0xcf: {  	v56 =	vld [tilespmem:s23+$0xC0]  }
0xd0: {  	v57 =	vld [tilespmem:s23+$0x140]  }
0xd1: {  	v58 =	vld [tilespmem:s23+$0x1C0]  }
0xd2: {  	v59 =	vld [tilespmem:s23+$0x240]  }
0xd3: {  	v60 =	vld [tilespmem:s23+$0x2C0]  }
0xd4: {  	v61 =	vld [tilespmem:s23+$0x340]  }
0xd5: {  	v62 =	vld [tilespmem:s23+$0x3C0]  }
0xd6: {  	v63 =	vld [tilespmem:s23+$0x440]  }
0xd7: {  	v32 =	vld [tilespmem:s23+$0x4C0]  }
0xd8: {  	v33 =	vld [tilespmem:s23+$0x540]  }
0xd9: {  	v34 =	vld [tilespmem:s23+$0x5C0]  }
0xda: {  	v35 =	vld [tilespmem:s23+$0x640]  }
0xdb: {  	v36 =	vld [tilespmem:s23+$0x6C0]  }
0xdc: {  	v37 =	vld [tilespmem:s23+$0x740]  }
0xdd: {  	v38 =	vld [tilespmem:s23+$0x7C0]  }
0xde: {  	v39 =	vld [tilespmem:s23+$0x840]  }
0xdf: {  	v40 =	vld [tilespmem:s23+$0x8C0]  }
0xe0: {  	v41 =	vld [tilespmem:s23+$0x940]  }
0xe1: {  	v42 =	vld [tilespmem:s23+$0x9C0]  }
0xe2: {  	v43 =	vld [tilespmem:s23+$0xA40]  }
0xe3: {  	v44 =	vld [tilespmem:s23+$0xAC0]  }
0xe4: {  	v45 =	vld [tilespmem:s23+$0xB40]  }
0xe5: {  	v46 =	vld [tilespmem:s23+$0xBC0]  }
0xe6: {  	v47 =	vld [tilespmem:s23+$0xC40]  }
0xe7: {  	v48 =	vld [tilespmem:s23+$0xCC0]  }
0xe8: {  	v49 =	vld [tilespmem:s23+$0xD40]  }
0xe9: {  	v50 =	vld [tilespmem:s23+$0xDC0];
	v0 =	vadd.f32 v56, v0;
	v53 =	vadd.f32 v58, v57  }
0xea: {  	v51 =	vld [tilespmem:s23+$0xE40];
	v55 =	vadd.f32 v60, v59;
	v56 =	vadd.f32 v62, v61  }
0xeb: {  	v52 =	vld [tilespmem:s23+$0xEC0];
	v58 =	vadd.f32 v32, v63;
	v59 =	vadd.f32 v34, v33  }
0xec: {  	v54 =	vld [tilespmem:s23+$0xF40];
	v60 =	vadd.f32 v36, v35;
	v61 =	vadd.f32 v38, v37  }
0xed: {  	v57 =	vld [tilespmem:s23+$0xFC0];
	v62 =	vadd.f32 v40, v39;
	v63 =	vadd.f32 v42, v41  }
0xee: {  	v21 =	vadd.f32 v44, v43;
	v22 =	vadd.f32 v46, v45  }
0xef: {  	v23 =	vadd.f32 v48, v47;
	v24 =	vadd.f32 v50, v49  }
0xf0: {  	v25 =	vadd.f32 v52, v51;
	v0 =	vadd.f32 v53, v0  }
0xf1: {  	v26 =	vadd.f32 v56, v55;
	v27 =	vadd.f32 v59, v58  }
0xf2: {  	v28 =	vadd.f32 v61, v60;
	v2 =	vadd.f32 v57, v54  }
0xf3: {  	v29 =	vadd.f32 v63, v62;
	v30 =	vadd.f32 v22, v21  }
0xf4: {  	v31 =	vadd.f32 v24, v23;
	v2 =	vadd.f32 v2, v25  }
0xf5: {  	v0 =	vadd.f32 v26, v0;
	v32 =	vadd.f32 v28, v27  }
0xf6: {  	v33 =	vadd.f32 v30, v29;
	v2 =	vadd.f32 v2, v31;
	_ =	sdelay $0x1  }
0xf7: {  	v0 =	vadd.f32 v32, v0;
	v34 =	vadd.f32 v2, v33;
	_ =	sdelay $0x1  }
0xf8: {  	v0 =	vadd.f32 v34, v0;
	_ =	sdelay $0x1  }
0xf9: {  	[tilespmem:s24+$0x10040] =	vst v0  }
0xfa: {  	v0 =	vld [tilespmem:s23+$0x50]  }
0xfb: {  	v35 =	vld [tilespmem:s23+$0xD0]  }
0xfc: {  	v36 =	vld [tilespmem:s23+$0x150]  }
0xfd: {  	v37 =	vld [tilespmem:s23+$0x1D0]  }
0xfe: {  	v38 =	vld [tilespmem:s23+$0x250]  }
0xff: {  	v39 =	vld [tilespmem:s23+$0x2D0]  }
0x100: {  	v40 =	vld [tilespmem:s23+$0x350]  }
0x101: {  	v41 =	vld [tilespmem:s23+$0x3D0]  }
0x102: {  	v42 =	vld [tilespmem:s23+$0x450]  }
0x103: {  	v43 =	vld [tilespmem:s23+$0x4D0]  }
0x104: {  	v44 =	vld [tilespmem:s23+$0x550]  }
0x105: {  	v45 =	vld [tilespmem:s23+$0x5D0]  }
0x106: {  	v46 =	vld [tilespmem:s23+$0x650]  }
0x107: {  	v47 =	vld [tilespmem:s23+$0x6D0]  }
0x108: {  	v48 =	vld [tilespmem:s23+$0x750]  }
0x109: {  	v49 =	vld [tilespmem:s23+$0x7D0]  }
0x10a: {  	v50 =	vld [tilespmem:s23+$0x850]  }
0x10b: {  	v51 =	vld [tilespmem:s23+$0x8D0]  }
0x10c: {  	v52 =	vld [tilespmem:s23+$0x950]  }
0x10d: {  	v53 =	vld [tilespmem:s23+$0x9D0]  }
0x10e: {  	v54 =	vld [tilespmem:s23+$0xA50]  }
0x10f: {  	v55 =	vld [tilespmem:s23+$0xAD0]  }
0x110: {  	v56 =	vld [tilespmem:s23+$0xB50]  }
0x111: {  	v57 =	vld [tilespmem:s23+$0xBD0]  }
0x112: {  	v58 =	vld [tilespmem:s23+$0xC50]  }
0x113: {  	v59 =	vld [tilespmem:s23+$0xCD0]  }
0x114: {  	v60 =	vld [tilespmem:s23+$0xD50]  }
0x115: {  	v61 =	vld [tilespmem:s23+$0xDD0];
	v0 =	vadd.f32 v35, v0;
	v31 =	vadd.f32 v37, v36  }
0x116: {  	v62 =	vld [tilespmem:s23+$0xE50];
	v33 =	vadd.f32 v39, v38;
	v34 =	vadd.f32 v41, v40  }
0x117: {  	v63 =	vld [tilespmem:s23+$0xED0];
	v36 =	vadd.f32 v43, v42;
	v37 =	vadd.f32 v45, v44  }
0x118: {  	v32 =	vld [tilespmem:s23+$0xF50];
	v38 =	vadd.f32 v47, v46;
	v39 =	vadd.f32 v49, v48  }
0x119: {  	v35 =	vld [tilespmem:s23+$0xFD0];
	v40 =	vadd.f32 v51, v50;
	v41 =	vadd.f32 v53, v52  }
0x11a: {  	v42 =	vadd.f32 v55, v54;
	v43 =	vadd.f32 v57, v56  }
0x11b: {  	v44 =	vadd.f32 v59, v58;
	v45 =	vadd.f32 v61, v60  }
0x11c: {  	v46 =	vadd.f32 v63, v62;
	v0 =	vadd.f32 v31, v0  }
0x11d: {  	v47 =	vadd.f32 v34, v33;
	v48 =	vadd.f32 v37, v36  }
0x11e: {  	v49 =	vadd.f32 v39, v38;
	v2 =	vadd.f32 v35, v32  }
0x11f: {  	v50 =	vadd.f32 v41, v40;
	v51 =	vadd.f32 v43, v42  }
0x120: {  	v52 =	vadd.f32 v45, v44;
	v2 =	vadd.f32 v2, v46  }
0x121: {  	v0 =	vadd.f32 v47, v0;
	v53 =	vadd.f32 v49, v48  }
0x122: {  	v54 =	vadd.f32 v51, v50;
	v2 =	vadd.f32 v2, v52;
	_ =	sdelay $0x1  }
0x123: {  	v0 =	vadd.f32 v53, v0;
	v55 =	vadd.f32 v2, v54;
	_ =	sdelay $0x1  }
0x124: {  	v0 =	vadd.f32 v55, v0;
	_ =	sdelay $0x1  }
0x125: {  	[tilespmem:s24+$0x10050] =	vst v0  }
0x126: {  	v0 =	vld [tilespmem:s23+$0x60]  }
0x127: {  	v56 =	vld [tilespmem:s23+$0xE0]  }
0x128: {  	v57 =	vld [tilespmem:s23+$0x160]  }
0x129: {  	v58 =	vld [tilespmem:s23+$0x1E0]  }
0x12a: {  	v59 =	vld [tilespmem:s23+$0x260]  }
0x12b: {  	v60 =	vld [tilespmem:s23+$0x2E0]  }
0x12c: {  	v61 =	vld [tilespmem:s23+$0x360]  }
0x12d: {  	v62 =	vld [tilespmem:s23+$0x3E0]  }
0x12e: {  	v63 =	vld [tilespmem:s23+$0x460]  }
0x12f: {  	v32 =	vld [tilespmem:s23+$0x4E0]  }
0x130: {  	v33 =	vld [tilespmem:s23+$0x560]  }
0x131: {  	v34 =	vld [tilespmem:s23+$0x5E0]  }
0x132: {  	v35 =	vld [tilespmem:s23+$0x660]  }
0x133: {  	v36 =	vld [tilespmem:s23+$0x6E0]  }
0x134: {  	v37 =	vld [tilespmem:s23+$0x760]  }
0x135: {  	v38 =	vld [tilespmem:s23+$0x7E0]  }
0x136: {  	v39 =	vld [tilespmem:s23+$0x860]  }
0x137: {  	v40 =	vld [tilespmem:s23+$0x8E0]  }
0x138: {  	v41 =	vld [tilespmem:s23+$0x960]  }
0x139: {  	v42 =	vld [tilespmem:s23+$0x9E0]  }
0x13a: {  	v43 =	vld [tilespmem:s23+$0xA60]  }
0x13b: {  	v44 =	vld [tilespmem:s23+$0xAE0]  }
0x13c: {  	v45 =	vld [tilespmem:s23+$0xB60]  }
0x13d: {  	v46 =	vld [tilespmem:s23+$0xBE0]  }
0x13e: {  	v47 =	vld [tilespmem:s23+$0xC60]  }
0x13f: {  	v48 =	vld [tilespmem:s23+$0xCE0]  }
0x140: {  	v49 =	vld [tilespmem:s23+$0xD60]  }
0x141: {  	v50 =	vld [tilespmem:s23+$0xDE0];
	v0 =	vadd.f32 v56, v0;
	v53 =	vadd.f32 v58, v57  }
0x142: {  	v51 =	vld [tilespmem:s23+$0xE60];
	v55 =	vadd.f32 v60, v59;
	v56 =	vadd.f32 v62, v61  }
0x143: {  	v52 =	vld [tilespmem:s23+$0xEE0];
	v58 =	vadd.f32 v32, v63;
	v59 =	vadd.f32 v34, v33  }
0x144: {  	v54 =	vld [tilespmem:s23+$0xF60];
	v60 =	vadd.f32 v36, v35;
	v61 =	vadd.f32 v38, v37  }
0x145: {  	v57 =	vld [tilespmem:s23+$0xFE0];
	v62 =	vadd.f32 v40, v39;
	v63 =	vadd.f32 v42, v41  }
0x146: {  	v21 =	vadd.f32 v44, v43;
	v23 =	vadd.f32 v46, v45  }
0x147: {  	v30 =	vadd.f32 v48, v47;
	v31 =	vadd.f32 v50, v49  }
0x148: {  	v32 =	vadd.f32 v52, v51;
	v0 =	vadd.f32 v53, v0  }
0x149: {  	v33 =	vadd.f32 v56, v55;
	v34 =	vadd.f32 v59, v58  }
0x14a: {  	v35 =	vadd.f32 v61, v60;
	v2 =	vadd.f32 v57, v54  }
0x14b: {  	v36 =	vadd.f32 v63, v62;
	v37 =	vadd.f32 v23, v21  }
0x14c: {  	v38 =	vadd.f32 v31, v30;
	v2 =	vadd.f32 v2, v32  }
0x14d: {  	v0 =	vadd.f32 v33, v0;
	v39 =	vadd.f32 v35, v34  }
0x14e: {  	v40 =	vadd.f32 v37, v36;
	v2 =	vadd.f32 v2, v38;
	_ =	sdelay $0x1  }
0x14f: {  	v0 =	vadd.f32 v39, v0;
	v41 =	vadd.f32 v2, v40;
	_ =	sdelay $0x1  }
0x150: {  	v0 =	vadd.f32 v41, v0;
	_ =	sdelay $0x1  }
0x151: {  	[tilespmem:s24+$0x10060] =	vst v0  }
0x152: {  	v0 =	vld [tilespmem:s23+$0x70]  }
0x153: {  	v42 =	vld [tilespmem:s23+$0xF0]  }
0x154: {  	v43 =	vld [tilespmem:s23+$0x170]  }
0x155: {  	v44 =	vld [tilespmem:s23+$0x1F0]  }
0x156: {  	v45 =	vld [tilespmem:s23+$0x270]  }
0x157: {  	v46 =	vld [tilespmem:s23+$0x2F0]  }
0x158: {  	v47 =	vld [tilespmem:s23+$0x370]  }
0x159: {  	v48 =	vld [tilespmem:s23+$0x3F0]  }
0x15a: {  	v49 =	vld [tilespmem:s23+$0x470]  }
0x15b: {  	v50 =	vld [tilespmem:s23+$0x4F0]  }
0x15c: {  	v51 =	vld [tilespmem:s23+$0x570]  }
0x15d: {  	v52 =	vld [tilespmem:s23+$0x5F0]  }
0x15e: {  	v53 =	vld [tilespmem:s23+$0x670]  }
0x15f: {  	v54 =	vld [tilespmem:s23+$0x6F0]  }
0x160: {  	v55 =	vld [tilespmem:s23+$0x770]  }
0x161: {  	v56 =	vld [tilespmem:s23+$0x7F0]  }
0x162: {  	v57 =	vld [tilespmem:s23+$0x870]  }
0x163: {  	v58 =	vld [tilespmem:s23+$0x8F0]  }
0x164: {  	v59 =	vld [tilespmem:s23+$0x970]  }
0x165: {  	v60 =	vld [tilespmem:s23+$0x9F0]  }
0x166: {  	v61 =	vld [tilespmem:s23+$0xA70]  }
0x167: {  	v62 =	vld [tilespmem:s23+$0xAF0]  }
0x168: {  	v63 =	vld [tilespmem:s23+$0xB70]  }
0x169: {  	v32 =	vld [tilespmem:s23+$0xBF0]  }
0x16a: {  	v33 =	vld [tilespmem:s23+$0xC70]  }
0x16b: {  	v34 =	vld [tilespmem:s23+$0xCF0]  }
0x16c: {  	v35 =	vld [tilespmem:s23+$0xD70]  }
0x16d: {  	v36 =	vld [tilespmem:s23+$0xDF0];
	v0 =	vadd.f32 v42, v0;
	v39 =	vadd.f32 v44, v43  }
0x16e: {  	v37 =	vld [tilespmem:s23+$0xE70];
	v41 =	vadd.f32 v46, v45;
	v42 =	vadd.f32 v48, v47  }
0x16f: {  	v38 =	vld [tilespmem:s23+$0xEF0];
	v44 =	vadd.f32 v50, v49;
	v45 =	vadd.f32 v52, v51  }
0x170: {  	v40 =	vld [tilespmem:s23+$0xF70];
	v46 =	vadd.f32 v54, v53;
	v47 =	vadd.f32 v56, v55  }
0x171: {  	v43 =	vld [tilespmem:s23+$0xFF0];
	v48 =	vadd.f32 v58, v57;
	v49 =	vadd.f32 v60, v59  }
0x172: {  	v50 =	vadd.f32 v62, v61;
	v51 =	vadd.f32 v32, v63  }
0x173: {  	v52 =	vadd.f32 v34, v33;
	v53 =	vadd.f32 v36, v35  }
0x174: {  	v54 =	vadd.f32 v38, v37;
	v0 =	vadd.f32 v39, v0  }
0x175: {  	v55 =	vadd.f32 v42, v41;
	v56 =	vadd.f32 v45, v44  }
0x176: {  	v57 =	vadd.f32 v47, v46;
	v2 =	vadd.f32 v43, v40  }
0x177: {  	v58 =	vadd.f32 v49, v48;
	v59 =	vadd.f32 v51, v50  }
0x178: {  	v60 =	vadd.f32 v53, v52;
	v2 =	vadd.f32 v2, v54  }
0x179: {  	v0 =	vadd.f32 v55, v0;
	v61 =	vadd.f32 v57, v56  }
0x17a: {  	v62 =	vadd.f32 v59, v58;
	v2 =	vadd.f32 v2, v60  }
0x17b: {  	p1 =	sne.s32 s22, $0x7  }
.Ltmp0:
0x17c: {  	v0 =	vadd.f32 v61, v0;
	v63 =	vadd.f32 v2, v62;
	(pc) =	sbr.rel @p1 .LBB2_3-.Ltmp0, $3  }
0x17d: {  	_ = 	snop  }
0x17e: {  	v0 =	vadd.f32 v63, v0;
	_ =	sdelay $0x1  }
0x17f: {  	s22 =	sadd.s32 $0x1, s22;
	[tilespmem:s24+$0x10070] =	vst v0  }
0x180: {  	p1 =	sne.s32 s19, $0x4  }
.Ltmp1:
0x181: {  	s22 =	sshll.u32 s19, $0xB;
	(pc) =	sbr.rel @p1 .LBB2_6-.Ltmp1, $4  }
0x182: {  	s22 =	sadd.s32 s8, s22  }
0x183: {  	s22 =	sshrl.u32 s22, $0x3  }
0x184: {  	s22 =	sadd.s32 s3, s22  }
0x185: {  	[hbm4b:s22+s4] =	stream.linear.scatter [tilespmem:s13], [sflag:$0x3], $0x400, $0x38;
	[tilespmem:$0x10800] =	vst v63  }
.Ltmp2:
0x186: {  	(pc) =	sbr.rel .LBB2_7-.Ltmp2, $4  }
0x187: {  	_ = 	snop  }
0x188: {  	_ =	swait.ge [sflag:s14], $0x8000  }
0x189: {  	[sflag:s14] =	ssyncset.done $0x0  }
0x18a: {  	[sflag:s14] =	ssyncadd.s32 $0xFFFF8000  }
.LBB2_6:
0x18b: {  	s21 =	sadd.s32 s21, s9  }
0x18c: {  	s21 =	sshrl.u32 s21, $0x3  }
.Ltmp3:
0x18d: {  	s21 =	sadd.s32 s2, s21;
	(pc) =	sbr.rel @p0 .LBB2_8-.Ltmp3, $4  }
0x18e: {  	[tilespmem:s4], [sflag:$0x1] =	stream.linear.gather [hbm4b:s21+s4], $0x8000, $0x38;
	[tilespmem:$0x10800] =	vst v63  }
0x18f: {  	_ =	swait.ge [sflag:s14], $0x8000  }
0x190: {  	[sflag:s14] =	ssyncset.done $0x0  }
0x191: {  	[sflag:s14] =	ssyncadd.s32 $0xFFFF8000  }
.LBB2_7:
0x192: {  	_ =	swait.ge [sflag:s15], $0x400  }
0x193: {  	[sflag:s15] =	ssyncset.done $0x0  }
0x194: {  	[sflag:s15] =	ssyncadd.s32 $0xFFFFFC00  }
.LBB2_8:
0x195: {  	s21 =	simm.s32 $0x0  }
.LBB2_9:
0x196: {  	s22 =	sshll.u32 s21, $0xC  }
0x197: {  	s22 =	sand.u32 $0x3FFFF000, s22  }
0x198: {  	v0 =	vld [tilespmem:s22+$0x8000]  }
0x199: {  	v1 =	vld [tilespmem:s22+$0x8080]  }
0x19a: {  	v2 =	vld [tilespmem:s22+$0x8100]  }
0x19b: {  	v3 =	vld [tilespmem:s22+$0x8180]  }
0x19c: {  	v4 =	vld [tilespmem:s22+$0x8200]  }
0x19d: {  	v5 =	vld [tilespmem:s22+$0x8280]  }
0x19e: {  	v6 =	vld [tilespmem:s22+$0x8300]  }
0x19f: {  	v7 =	vld [tilespmem:s22+$0x8380]  }
0x1a0: {  	v8 =	vld [tilespmem:s22+$0x8400]  }
0x1a1: {  	v9 =	vld [tilespmem:s22+$0x8480]  }
0x1a2: {  	v10 =	vld [tilespmem:s22+$0x8500]  }
0x1a3: {  	v11 =	vld [tilespmem:s22+$0x8580]  }
0x1a4: {  	v12 =	vld [tilespmem:s22+$0x8600]  }
0x1a5: {  	v13 =	vld [tilespmem:s22+$0x8680]  }
0x1a6: {  	v14 =	vld [tilespmem:s22+$0x8700]  }
0x1a7: {  	v15 =	vld [tilespmem:s22+$0x8780]  }
0x1a8: {  	v16 =	vld [tilespmem:s22+$0x8800]  }
0x1a9: {  	v17 =	vld [tilespmem:s22+$0x8880]  }
0x1aa: {  	v18 =	vld [tilespmem:s22+$0x8900]  }
0x1ab: {  	v19 =	vld [tilespmem:s22+$0x8980]  }
0x1ac: {  	v20 =	vld [tilespmem:s22+$0x8A00]  }
0x1ad: {  	v21 =	vld [tilespmem:s22+$0x8A80]  }
0x1ae: {  	v22 =	vld [tilespmem:s22+$0x8B00]  }
0x1af: {  	v23 =	vld [tilespmem:s22+$0x8B80]  }
0x1b0: {  	v24 =	vld [tilespmem:s22+$0x8C00]  }
0x1b1: {  	v25 =	vld [tilespmem:s22+$0x8C80]  }
0x1b2: {  	v26 =	vld [tilespmem:s22+$0x8D00]  }
0x1b3: {  	v27 =	vld [tilespmem:s22+$0x8D80]  }
0x1b4: {  	v28 =	vld [tilespmem:s22+$0x8E00]  }
0x1b5: {  	v29 =	vld [tilespmem:s22+$0x8E80];
	v0 =	vadd.f32 v1, v0;
	v53 =	vadd.f32 v3, v2  }
0x1b6: {  	v54 =	vld [tilespmem:s22+$0x8F00];
	v55 =	vadd.f32 v5, v4;
	v56 =	vadd.f32 v7, v6  }
0x1b7: {  	v57 =	vld [tilespmem:s22+$0x8F80];
	v58 =	vadd.f32 v9, v8;
	v59 =	vadd.f32 v11, v10  }
0x1b8: {  	v60 =	vadd.f32 v13, v12;
	v61 =	vadd.f32 v15, v14  }
0x1b9: {  	v62 =	vadd.f32 v17, v16;
	v63 =	vadd.f32 v19, v18  }
0x1ba: {  	v21 =	vadd.f32 v21, v20;
	v22 =	vadd.f32 v23, v22  }
0x1bb: {  	v23 =	vadd.f32 v25, v24;
	v24 =	vadd.f32 v27, v26  }
0x1bc: {  	v25 =	vadd.f32 v29, v28;
	v2 =	vadd.f32 v57, v54  }
0x1bd: {  	v0 =	vadd.f32 v53, v0;
	v26 =	vadd.f32 v56, v55  }
0x1be: {  	v27 =	vadd.f32 v59, v58;
	v28 =	vadd.f32 v61, v60  }
0x1bf: {  	v29 =	vadd.f32 v63, v62;
	v30 =	vadd.f32 v22, v21  }
0x1c0: {  	v31 =	vadd.f32 v24, v23;
	v2 =	vadd.f32 v2, v25  }
0x1c1: {  	v0 =	vadd.f32 v26, v0;
	v32 =	vadd.f32 v28, v27  }
0x1c2: {  	v33 =	vadd.f32 v30, v29;
	v2 =	vadd.f32 v2, v31;
	_ =	sdelay $0x1  }
0x1c3: {  	v0 =	vadd.f32 v32, v0;
	v34 =	vadd.f32 v2, v33;
	_ =	sdelay $0x1  }
0x1c4: {  	s23 =	sshll.u32 s21, $0x7;
	v0 =	vadd.f32 v34, v0  }
0x1c5: {  	s23 =	sand.u32 $0x3FFFFF80, s23  }
0x1c6: {  	[tilespmem:s23+$0x10400] =	vst v0  }
0x1c7: {  	v0 =	vld [tilespmem:s22+$0x8010]  }
0x1c8: {  	v35 =	vld [tilespmem:s22+$0x8090]  }
0x1c9: {  	v36 =	vld [tilespmem:s22+$0x8110]  }
0x1ca: {  	v37 =	vld [tilespmem:s22+$0x8190]  }
0x1cb: {  	v38 =	vld [tilespmem:s22+$0x8210]  }
0x1cc: {  	v39 =	vld [tilespmem:s22+$0x8290]  }
0x1cd: {  	v40 =	vld [tilespmem:s22+$0x8310]  }
0x1ce: {  	v41 =	vld [tilespmem:s22+$0x8390]  }
0x1cf: {  	v42 =	vld [tilespmem:s22+$0x8410]  }
0x1d0: {  	v43 =	vld [tilespmem:s22+$0x8490]  }
0x1d1: {  	v44 =	vld [tilespmem:s22+$0x8510]  }
0x1d2: {  	v45 =	vld [tilespmem:s22+$0x8590]  }
0x1d3: {  	v46 =	vld [tilespmem:s22+$0x8610]  }
0x1d4: {  	v47 =	vld [tilespmem:s22+$0x8690]  }
0x1d5: {  	v48 =	vld [tilespmem:s22+$0x8710]  }
0x1d6: {  	v49 =	vld [tilespmem:s22+$0x8790]  }
0x1d7: {  	v50 =	vld [tilespmem:s22+$0x8810]  }
0x1d8: {  	v51 =	vld [tilespmem:s22+$0x8890]  }
0x1d9: {  	v52 =	vld [tilespmem:s22+$0x8910]  }
0x1da: {  	v53 =	vld [tilespmem:s22+$0x8990]  }
0x1db: {  	v54 =	vld [tilespmem:s22+$0x8A10]  }
0x1dc: {  	v55 =	vld [tilespmem:s22+$0x8A90]  }
0x1dd: {  	v56 =	vld [tilespmem:s22+$0x8B10]  }
0x1de: {  	v57 =	vld [tilespmem:s22+$0x8B90]  }
0x1df: {  	v58 =	vld [tilespmem:s22+$0x8C10]  }
0x1e0: {  	v59 =	vld [tilespmem:s22+$0x8C90]  }
0x1e1: {  	v60 =	vld [tilespmem:s22+$0x8D10]  }
0x1e2: {  	v61 =	vld [tilespmem:s22+$0x8D90];
	v0 =	vadd.f32 v35, v0;
	v31 =	vadd.f32 v37, v36  }
0x1e3: {  	v62 =	vld [tilespmem:s22+$0x8E10];
	v33 =	vadd.f32 v39, v38;
	v34 =	vadd.f32 v41, v40  }
0x1e4: {  	v63 =	vld [tilespmem:s22+$0x8E90];
	v36 =	vadd.f32 v43, v42;
	v37 =	vadd.f32 v45, v44  }
0x1e5: {  	v32 =	vld [tilespmem:s22+$0x8F10];
	v38 =	vadd.f32 v47, v46;
	v39 =	vadd.f32 v49, v48  }
0x1e6: {  	v35 =	vld [tilespmem:s22+$0x8F90];
	v40 =	vadd.f32 v51, v50;
	v41 =	vadd.f32 v53, v52  }
0x1e7: {  	v42 =	vadd.f32 v55, v54;
	v43 =	vadd.f32 v57, v56  }
0x1e8: {  	v44 =	vadd.f32 v59, v58;
	v45 =	vadd.f32 v61, v60  }
0x1e9: {  	v46 =	vadd.f32 v63, v62;
	v0 =	vadd.f32 v31, v0  }
0x1ea: {  	v47 =	vadd.f32 v34, v33;
	v48 =	vadd.f32 v37, v36  }
0x1eb: {  	v49 =	vadd.f32 v39, v38;
	v2 =	vadd.f32 v35, v32  }
0x1ec: {  	v50 =	vadd.f32 v41, v40;
	v51 =	vadd.f32 v43, v42  }
0x1ed: {  	v52 =	vadd.f32 v45, v44;
	v2 =	vadd.f32 v2, v46  }
0x1ee: {  	v0 =	vadd.f32 v47, v0;
	v53 =	vadd.f32 v49, v48  }
0x1ef: {  	v54 =	vadd.f32 v51, v50;
	v2 =	vadd.f32 v2, v52;
	_ =	sdelay $0x1  }
0x1f0: {  	v0 =	vadd.f32 v53, v0;
	v55 =	vadd.f32 v2, v54;
	_ =	sdelay $0x1  }
0x1f1: {  	v0 =	vadd.f32 v55, v0;
	_ =	sdelay $0x1  }
0x1f2: {  	[tilespmem:s23+$0x10410] =	vst v0  }
0x1f3: {  	v0 =	vld [tilespmem:s22+$0x8020]  }
0x1f4: {  	v56 =	vld [tilespmem:s22+$0x80A0]  }
0x1f5: {  	v57 =	vld [tilespmem:s22+$0x8120]  }
0x1f6: {  	v58 =	vld [tilespmem:s22+$0x81A0]  }
0x1f7: {  	v59 =	vld [tilespmem:s22+$0x8220]  }
0x1f8: {  	v60 =	vld [tilespmem:s22+$0x82A0]  }
0x1f9: {  	v61 =	vld [tilespmem:s22+$0x8320]  }
0x1fa: {  	v62 =	vld [tilespmem:s22+$0x83A0]  }
0x1fb: {  	v63 =	vld [tilespmem:s22+$0x8420]  }
0x1fc: {  	v32 =	vld [tilespmem:s22+$0x84A0]  }
0x1fd: {  	v33 =	vld [tilespmem:s22+$0x8520]  }
0x1fe: {  	v34 =	vld [tilespmem:s22+$0x85A0]  }
0x1ff: {  	v35 =	vld [tilespmem:s22+$0x8620]  }
0x200: {  	v36 =	vld [tilespmem:s22+$0x86A0]  }
0x201: {  	v37 =	vld [tilespmem:s22+$0x8720]  }
0x202: {  	v38 =	vld [tilespmem:s22+$0x87A0]  }
0x203: {  	v39 =	vld [tilespmem:s22+$0x8820]  }
0x204: {  	v40 =	vld [tilespmem:s22+$0x88A0]  }
0x205: {  	v41 =	vld [tilespmem:s22+$0x8920]  }
0x206: {  	v42 =	vld [tilespmem:s22+$0x89A0]  }
0x207: {  	v43 =	vld [tilespmem:s22+$0x8A20]  }
0x208: {  	v44 =	vld [tilespmem:s22+$0x8AA0]  }
0x209: {  	v45 =	vld [tilespmem:s22+$0x8B20]  }
0x20a: {  	v46 =	vld [tilespmem:s22+$0x8BA0]  }
0x20b: {  	v47 =	vld [tilespmem:s22+$0x8C20]  }
0x20c: {  	v48 =	vld [tilespmem:s22+$0x8CA0]  }
0x20d: {  	v49 =	vld [tilespmem:s22+$0x8D20]  }
0x20e: {  	v50 =	vld [tilespmem:s22+$0x8DA0];
	v0 =	vadd.f32 v56, v0;
	v53 =	vadd.f32 v58, v57  }
0x20f: {  	v51 =	vld [tilespmem:s22+$0x8E20];
	v55 =	vadd.f32 v60, v59;
	v56 =	vadd.f32 v62, v61  }
0x210: {  	v52 =	vld [tilespmem:s22+$0x8EA0];
	v58 =	vadd.f32 v32, v63;
	v59 =	vadd.f32 v34, v33  }
0x211: {  	v54 =	vld [tilespmem:s22+$0x8F20];
	v60 =	vadd.f32 v36, v35;
	v61 =	vadd.f32 v38, v37  }
0x212: {  	v57 =	vld [tilespmem:s22+$0x8FA0];
	v62 =	vadd.f32 v40, v39;
	v63 =	vadd.f32 v42, v41  }
0x213: {  	v21 =	vadd.f32 v44, v43;
	v22 =	vadd.f32 v46, v45  }
0x214: {  	v23 =	vadd.f32 v48, v47;
	v24 =	vadd.f32 v50, v49  }
0x215: {  	v25 =	vadd.f32 v52, v51;
	v0 =	vadd.f32 v53, v0  }
0x216: {  	v26 =	vadd.f32 v56, v55;
	v27 =	vadd.f32 v59, v58  }
0x217: {  	v28 =	vadd.f32 v61, v60;
	v2 =	vadd.f32 v57, v54  }
0x218: {  	v29 =	vadd.f32 v63, v62;
	v30 =	vadd.f32 v22, v21  }
0x219: {  	v31 =	vadd.f32 v24, v23;
	v2 =	vadd.f32 v2, v25  }
0x21a: {  	v0 =	vadd.f32 v26, v0;
	v32 =	vadd.f32 v28, v27  }
0x21b: {  	v33 =	vadd.f32 v30, v29;
	v2 =	vadd.f32 v2, v31;
	_ =	sdelay $0x1  }
0x21c: {  	v0 =	vadd.f32 v32, v0;
	v34 =	vadd.f32 v2, v33;
	_ =	sdelay $0x1  }
0x21d: {  	v0 =	vadd.f32 v34, v0;
	_ =	sdelay $0x1  }
0x21e: {  	[tilespmem:s23+$0x10420] =	vst v0  }
0x21f: {  	v0 =	vld [tilespmem:s22+$0x8030]  }
0x220: {  	v35 =	vld [tilespmem:s22+$0x80B0]  }
0x221: {  	v36 =	vld [tilespmem:s22+$0x8130]  }
0x222: {  	v37 =	vld [tilespmem:s22+$0x81B0]  }
0x223: {  	v38 =	vld [tilespmem:s22+$0x8230]  }
0x224: {  	v39 =	vld [tilespmem:s22+$0x82B0]  }
0x225: {  	v40 =	vld [tilespmem:s22+$0x8330]  }
0x226: {  	v41 =	vld [tilespmem:s22+$0x83B0]  }
0x227: {  	v42 =	vld [tilespmem:s22+$0x8430]  }
0x228: {  	v43 =	vld [tilespmem:s22+$0x84B0]  }
0x229: {  	v44 =	vld [tilespmem:s22+$0x8530]  }
0x22a: {  	v45 =	vld [tilespmem:s22+$0x85B0]  }
0x22b: {  	v46 =	vld [tilespmem:s22+$0x8630]  }
0x22c: {  	v47 =	vld [tilespmem:s22+$0x86B0]  }
0x22d: {  	v48 =	vld [tilespmem:s22+$0x8730]  }
0x22e: {  	v49 =	vld [tilespmem:s22+$0x87B0]  }
0x22f: {  	v50 =	vld [tilespmem:s22+$0x8830]  }
0x230: {  	v51 =	vld [tilespmem:s22+$0x88B0]  }
0x231: {  	v52 =	vld [tilespmem:s22+$0x8930]  }
0x232: {  	v53 =	vld [tilespmem:s22+$0x89B0]  }
0x233: {  	v54 =	vld [tilespmem:s22+$0x8A30]  }
0x234: {  	v55 =	vld [tilespmem:s22+$0x8AB0]  }
0x235: {  	v56 =	vld [tilespmem:s22+$0x8B30]  }
0x236: {  	v57 =	vld [tilespmem:s22+$0x8BB0]  }
0x237: {  	v58 =	vld [tilespmem:s22+$0x8C30]  }
0x238: {  	v59 =	vld [tilespmem:s22+$0x8CB0]  }
0x239: {  	v60 =	vld [tilespmem:s22+$0x8D30]  }
0x23a: {  	v61 =	vld [tilespmem:s22+$0x8DB0];
	v0 =	vadd.f32 v35, v0;
	v31 =	vadd.f32 v37, v36  }
0x23b: {  	v62 =	vld [tilespmem:s22+$0x8E30];
	v33 =	vadd.f32 v39, v38;
	v34 =	vadd.f32 v41, v40  }
0x23c: {  	v63 =	vld [tilespmem:s22+$0x8EB0];
	v36 =	vadd.f32 v43, v42;
	v37 =	vadd.f32 v45, v44  }
0x23d: {  	v32 =	vld [tilespmem:s22+$0x8F30];
	v38 =	vadd.f32 v47, v46;
	v39 =	vadd.f32 v49, v48  }
0x23e: {  	v35 =	vld [tilespmem:s22+$0x8FB0];
	v40 =	vadd.f32 v51, v50;
	v41 =	vadd.f32 v53, v52  }
0x23f: {  	v42 =	vadd.f32 v55, v54;
	v43 =	vadd.f32 v57, v56  }
0x240: {  	v44 =	vadd.f32 v59, v58;
	v45 =	vadd.f32 v61, v60  }
0x241: {  	v46 =	vadd.f32 v63, v62;
	v0 =	vadd.f32 v31, v0  }
0x242: {  	v47 =	vadd.f32 v34, v33;
	v48 =	vadd.f32 v37, v36  }
0x243: {  	v49 =	vadd.f32 v39, v38;
	v2 =	vadd.f32 v35, v32  }
0x244: {  	v50 =	vadd.f32 v41, v40;
	v51 =	vadd.f32 v43, v42  }
0x245: {  	v52 =	vadd.f32 v45, v44;
	v2 =	vadd.f32 v2, v46  }
0x246: {  	v0 =	vadd.f32 v47, v0;
	v53 =	vadd.f32 v49, v48  }
0x247: {  	v54 =	vadd.f32 v51, v50;
	v2 =	vadd.f32 v2, v52;
	_ =	sdelay $0x1  }
0x248: {  	v0 =	vadd.f32 v53, v0;
	v55 =	vadd.f32 v2, v54;
	_ =	sdelay $0x1  }
0x249: {  	v0 =	vadd.f32 v55, v0;
	_ =	sdelay $0x1  }
0x24a: {  	[tilespmem:s23+$0x10430] =	vst v0  }
0x24b: {  	v0 =	vld [tilespmem:s22+$0x8040]  }
0x24c: {  	v56 =	vld [tilespmem:s22+$0x80C0]  }
0x24d: {  	v57 =	vld [tilespmem:s22+$0x8140]  }
0x24e: {  	v58 =	vld [tilespmem:s22+$0x81C0]  }
0x24f: {  	v59 =	vld [tilespmem:s22+$0x8240]  }
0x250: {  	v60 =	vld [tilespmem:s22+$0x82C0]  }
0x251: {  	v61 =	vld [tilespmem:s22+$0x8340]  }
0x252: {  	v62 =	vld [tilespmem:s22+$0x83C0]  }
0x253: {  	v63 =	vld [tilespmem:s22+$0x8440]  }
0x254: {  	v32 =	vld [tilespmem:s22+$0x84C0]  }
0x255: {  	v33 =	vld [tilespmem:s22+$0x8540]  }
0x256: {  	v34 =	vld [tilespmem:s22+$0x85C0]  }
0x257: {  	v35 =	vld [tilespmem:s22+$0x8640]  }
0x258: {  	v36 =	vld [tilespmem:s22+$0x86C0]  }
0x259: {  	v37 =	vld [tilespmem:s22+$0x8740]  }
0x25a: {  	v38 =	vld [tilespmem:s22+$0x87C0]  }
0x25b: {  	v39 =	vld [tilespmem:s22+$0x8840]  }
0x25c: {  	v40 =	vld [tilespmem:s22+$0x88C0]  }
0x25d: {  	v41 =	vld [tilespmem:s22+$0x8940]  }
0x25e: {  	v42 =	vld [tilespmem:s22+$0x89C0]  }
0x25f: {  	v43 =	vld [tilespmem:s22+$0x8A40]  }
0x260: {  	v44 =	vld [tilespmem:s22+$0x8AC0]  }
0x261: {  	v45 =	vld [tilespmem:s22+$0x8B40]  }
0x262: {  	v46 =	vld [tilespmem:s22+$0x8BC0]  }
0x263: {  	v47 =	vld [tilespmem:s22+$0x8C40]  }
0x264: {  	v48 =	vld [tilespmem:s22+$0x8CC0]  }
0x265: {  	v49 =	vld [tilespmem:s22+$0x8D40]  }
0x266: {  	v50 =	vld [tilespmem:s22+$0x8DC0];
	v0 =	vadd.f32 v56, v0;
	v53 =	vadd.f32 v58, v57  }
0x267: {  	v51 =	vld [tilespmem:s22+$0x8E40];
	v55 =	vadd.f32 v60, v59;
	v56 =	vadd.f32 v62, v61  }
0x268: {  	v52 =	vld [tilespmem:s22+$0x8EC0];
	v58 =	vadd.f32 v32, v63;
	v59 =	vadd.f32 v34, v33  }
0x269: {  	v54 =	vld [tilespmem:s22+$0x8F40];
	v60 =	vadd.f32 v36, v35;
	v61 =	vadd.f32 v38, v37  }
0x26a: {  	v57 =	vld [tilespmem:s22+$0x8FC0];
	v62 =	vadd.f32 v40, v39;
	v63 =	vadd.f32 v42, v41  }
0x26b: {  	v21 =	vadd.f32 v44, v43;
	v22 =	vadd.f32 v46, v45  }
0x26c: {  	v23 =	vadd.f32 v48, v47;
	v24 =	vadd.f32 v50, v49  }
0x26d: {  	v25 =	vadd.f32 v52, v51;
	v0 =	vadd.f32 v53, v0  }
0x26e: {  	v26 =	vadd.f32 v56, v55;
	v27 =	vadd.f32 v59, v58  }
0x26f: {  	v28 =	vadd.f32 v61, v60;
	v2 =	vadd.f32 v57, v54  }
0x270: {  	v29 =	vadd.f32 v63, v62;
	v30 =	vadd.f32 v22, v21  }
0x271: {  	v31 =	vadd.f32 v24, v23;
	v2 =	vadd.f32 v2, v25  }
0x272: {  	v0 =	vadd.f32 v26, v0;
	v32 =	vadd.f32 v28, v27  }
0x273: {  	v33 =	vadd.f32 v30, v29;
	v2 =	vadd.f32 v2, v31;
	_ =	sdelay $0x1  }
0x274: {  	v0 =	vadd.f32 v32, v0;
	v34 =	vadd.f32 v2, v33;
	_ =	sdelay $0x1  }
0x275: {  	v0 =	vadd.f32 v34, v0;
	_ =	sdelay $0x1  }
0x276: {  	[tilespmem:s23+$0x10440] =	vst v0  }
0x277: {  	v0 =	vld [tilespmem:s22+$0x8050]  }
0x278: {  	v35 =	vld [tilespmem:s22+$0x80D0]  }
0x279: {  	v36 =	vld [tilespmem:s22+$0x8150]  }
0x27a: {  	v37 =	vld [tilespmem:s22+$0x81D0]  }
0x27b: {  	v38 =	vld [tilespmem:s22+$0x8250]  }
0x27c: {  	v39 =	vld [tilespmem:s22+$0x82D0]  }
0x27d: {  	v40 =	vld [tilespmem:s22+$0x8350]  }
0x27e: {  	v41 =	vld [tilespmem:s22+$0x83D0]  }
0x27f: {  	v42 =	vld [tilespmem:s22+$0x8450]  }
0x280: {  	v43 =	vld [tilespmem:s22+$0x84D0]  }
0x281: {  	v44 =	vld [tilespmem:s22+$0x8550]  }
0x282: {  	v45 =	vld [tilespmem:s22+$0x85D0]  }
0x283: {  	v46 =	vld [tilespmem:s22+$0x8650]  }
0x284: {  	v47 =	vld [tilespmem:s22+$0x86D0]  }
0x285: {  	v48 =	vld [tilespmem:s22+$0x8750]  }
0x286: {  	v49 =	vld [tilespmem:s22+$0x87D0]  }
0x287: {  	v50 =	vld [tilespmem:s22+$0x8850]  }
0x288: {  	v51 =	vld [tilespmem:s22+$0x88D0]  }
0x289: {  	v52 =	vld [tilespmem:s22+$0x8950]  }
0x28a: {  	v53 =	vld [tilespmem:s22+$0x89D0]  }
0x28b: {  	v54 =	vld [tilespmem:s22+$0x8A50]  }
0x28c: {  	v55 =	vld [tilespmem:s22+$0x8AD0]  }
0x28d: {  	v56 =	vld [tilespmem:s22+$0x8B50]  }
0x28e: {  	v57 =	vld [tilespmem:s22+$0x8BD0]  }
0x28f: {  	v58 =	vld [tilespmem:s22+$0x8C50]  }
0x290: {  	v59 =	vld [tilespmem:s22+$0x8CD0]  }
0x291: {  	v60 =	vld [tilespmem:s22+$0x8D50]  }
0x292: {  	v61 =	vld [tilespmem:s22+$0x8DD0];
	v0 =	vadd.f32 v35, v0;
	v31 =	vadd.f32 v37, v36  }
0x293: {  	v62 =	vld [tilespmem:s22+$0x8E50];
	v33 =	vadd.f32 v39, v38;
	v34 =	vadd.f32 v41, v40  }
0x294: {  	v63 =	vld [tilespmem:s22+$0x8ED0];
	v36 =	vadd.f32 v43, v42;
	v37 =	vadd.f32 v45, v44  }
0x295: {  	v32 =	vld [tilespmem:s22+$0x8F50];
	v38 =	vadd.f32 v47, v46;
	v39 =	vadd.f32 v49, v48  }
0x296: {  	v35 =	vld [tilespmem:s22+$0x8FD0];
	v40 =	vadd.f32 v51, v50;
	v41 =	vadd.f32 v53, v52  }
0x297: {  	v42 =	vadd.f32 v55, v54;
	v43 =	vadd.f32 v57, v56  }
0x298: {  	v44 =	vadd.f32 v59, v58;
	v45 =	vadd.f32 v61, v60  }
0x299: {  	v46 =	vadd.f32 v63, v62;
	v0 =	vadd.f32 v31, v0  }
0x29a: {  	v47 =	vadd.f32 v34, v33;
	v48 =	vadd.f32 v37, v36  }
0x29b: {  	v49 =	vadd.f32 v39, v38;
	v2 =	vadd.f32 v35, v32  }
0x29c: {  	v50 =	vadd.f32 v41, v40;
	v51 =	vadd.f32 v43, v42  }
0x29d: {  	v52 =	vadd.f32 v45, v44;
	v2 =	vadd.f32 v2, v46  }
0x29e: {  	v0 =	vadd.f32 v47, v0;
	v53 =	vadd.f32 v49, v48  }
0x29f: {  	v54 =	vadd.f32 v51, v50;
	v2 =	vadd.f32 v2, v52;
	_ =	sdelay $0x1  }
0x2a0: {  	v0 =	vadd.f32 v53, v0;
	v55 =	vadd.f32 v2, v54;
	_ =	sdelay $0x1  }
0x2a1: {  	v0 =	vadd.f32 v55, v0;
	_ =	sdelay $0x1  }
0x2a2: {  	[tilespmem:s23+$0x10450] =	vst v0  }
0x2a3: {  	v0 =	vld [tilespmem:s22+$0x8060]  }
0x2a4: {  	v56 =	vld [tilespmem:s22+$0x80E0]  }
0x2a5: {  	v57 =	vld [tilespmem:s22+$0x8160]  }
0x2a6: {  	v58 =	vld [tilespmem:s22+$0x81E0]  }
0x2a7: {  	v59 =	vld [tilespmem:s22+$0x8260]  }
0x2a8: {  	v60 =	vld [tilespmem:s22+$0x82E0]  }
0x2a9: {  	v61 =	vld [tilespmem:s22+$0x8360]  }
0x2aa: {  	v62 =	vld [tilespmem:s22+$0x83E0]  }
0x2ab: {  	v63 =	vld [tilespmem:s22+$0x8460]  }
0x2ac: {  	v32 =	vld [tilespmem:s22+$0x84E0]  }
0x2ad: {  	v33 =	vld [tilespmem:s22+$0x8560]  }
0x2ae: {  	v34 =	vld [tilespmem:s22+$0x85E0]  }
0x2af: {  	v35 =	vld [tilespmem:s22+$0x8660]  }
0x2b0: {  	v36 =	vld [tilespmem:s22+$0x86E0]  }
0x2b1: {  	v37 =	vld [tilespmem:s22+$0x8760]  }
0x2b2: {  	v38 =	vld [tilespmem:s22+$0x87E0]  }
0x2b3: {  	v39 =	vld [tilespmem:s22+$0x8860]  }
0x2b4: {  	v40 =	vld [tilespmem:s22+$0x88E0]  }
0x2b5: {  	v41 =	vld [tilespmem:s22+$0x8960]  }
0x2b6: {  	v42 =	vld [tilespmem:s22+$0x89E0]  }
0x2b7: {  	v43 =	vld [tilespmem:s22+$0x8A60]  }
0x2b8: {  	v44 =	vld [tilespmem:s22+$0x8AE0]  }
0x2b9: {  	v45 =	vld [tilespmem:s22+$0x8B60]  }
0x2ba: {  	v46 =	vld [tilespmem:s22+$0x8BE0]  }
0x2bb: {  	v47 =	vld [tilespmem:s22+$0x8C60]  }
0x2bc: {  	v48 =	vld [tilespmem:s22+$0x8CE0]  }
0x2bd: {  	v49 =	vld [tilespmem:s22+$0x8D60]  }
0x2be: {  	v50 =	vld [tilespmem:s22+$0x8DE0];
	v0 =	vadd.f32 v56, v0;
	v53 =	vadd.f32 v58, v57  }
0x2bf: {  	v51 =	vld [tilespmem:s22+$0x8E60];
	v55 =	vadd.f32 v60, v59;
	v56 =	vadd.f32 v62, v61  }
0x2c0: {  	v52 =	vld [tilespmem:s22+$0x8EE0];
	v58 =	vadd.f32 v32, v63;
	v59 =	vadd.f32 v34, v33  }
0x2c1: {  	v54 =	vld [tilespmem:s22+$0x8F60];
	v60 =	vadd.f32 v36, v35;
	v61 =	vadd.f32 v38, v37  }
0x2c2: {  	v57 =	vld [tilespmem:s22+$0x8FE0];
	v62 =	vadd.f32 v40, v39;
	v63 =	vadd.f32 v42, v41  }
0x2c3: {  	v21 =	vadd.f32 v44, v43;
	v23 =	vadd.f32 v46, v45  }
0x2c4: {  	v30 =	vadd.f32 v48, v47;
	v31 =	vadd.f32 v50, v49  }
0x2c5: {  	v32 =	vadd.f32 v52, v51;
	v0 =	vadd.f32 v53, v0  }
0x2c6: {  	v33 =	vadd.f32 v56, v55;
	v34 =	vadd.f32 v59, v58  }
0x2c7: {  	v35 =	vadd.f32 v61, v60;
	v2 =	vadd.f32 v57, v54  }
0x2c8: {  	v36 =	vadd.f32 v63, v62;
	v37 =	vadd.f32 v23, v21  }
0x2c9: {  	v38 =	vadd.f32 v31, v30;
	v2 =	vadd.f32 v2, v32  }
0x2ca: {  	v0 =	vadd.f32 v33, v0;
	v39 =	vadd.f32 v35, v34  }
0x2cb: {  	v40 =	vadd.f32 v37, v36;
	v2 =	vadd.f32 v2, v38;
	_ =	sdelay $0x1  }
0x2cc: {  	v0 =	vadd.f32 v39, v0;
	v41 =	vadd.f32 v2, v40;
	_ =	sdelay $0x1  }
0x2cd: {  	v0 =	vadd.f32 v41, v0;
	_ =	sdelay $0x1  }
0x2ce: {  	[tilespmem:s23+$0x10460] =	vst v0  }
0x2cf: {  	v0 =	vld [tilespmem:s22+$0x8070]  }
0x2d0: {  	v42 =	vld [tilespmem:s22+$0x80F0]  }
0x2d1: {  	v43 =	vld [tilespmem:s22+$0x8170]  }
0x2d2: {  	v44 =	vld [tilespmem:s22+$0x81F0]  }
0x2d3: {  	v45 =	vld [tilespmem:s22+$0x8270]  }
0x2d4: {  	v46 =	vld [tilespmem:s22+$0x82F0]  }
0x2d5: {  	v47 =	vld [tilespmem:s22+$0x8370]  }
0x2d6: {  	v48 =	vld [tilespmem:s22+$0x83F0]  }
0x2d7: {  	v49 =	vld [tilespmem:s22+$0x8470]  }
0x2d8: {  	v50 =	vld [tilespmem:s22+$0x84F0]  }
0x2d9: {  	v51 =	vld [tilespmem:s22+$0x8570]  }
0x2da: {  	v52 =	vld [tilespmem:s22+$0x85F0]  }
0x2db: {  	v53 =	vld [tilespmem:s22+$0x8670]  }
0x2dc: {  	v54 =	vld [tilespmem:s22+$0x86F0]  }
0x2dd: {  	v55 =	vld [tilespmem:s22+$0x8770]  }
0x2de: {  	v56 =	vld [tilespmem:s22+$0x87F0]  }
0x2df: {  	v57 =	vld [tilespmem:s22+$0x8870]  }
0x2e0: {  	v58 =	vld [tilespmem:s22+$0x88F0]  }
0x2e1: {  	v59 =	vld [tilespmem:s22+$0x8970]  }
0x2e2: {  	v60 =	vld [tilespmem:s22+$0x89F0]  }
0x2e3: {  	v61 =	vld [tilespmem:s22+$0x8A70]  }
0x2e4: {  	v62 =	vld [tilespmem:s22+$0x8AF0]  }
0x2e5: {  	v63 =	vld [tilespmem:s22+$0x8B70]  }
0x2e6: {  	v32 =	vld [tilespmem:s22+$0x8BF0]  }
0x2e7: {  	v33 =	vld [tilespmem:s22+$0x8C70]  }
0x2e8: {  	v34 =	vld [tilespmem:s22+$0x8CF0]  }
0x2e9: {  	v35 =	vld [tilespmem:s22+$0x8D70]  }
0x2ea: {  	v36 =	vld [tilespmem:s22+$0x8DF0];
	v0 =	vadd.f32 v42, v0;
	v39 =	vadd.f32 v44, v43  }
0x2eb: {  	v37 =	vld [tilespmem:s22+$0x8E70];
	v41 =	vadd.f32 v46, v45;
	v42 =	vadd.f32 v48, v47  }
0x2ec: {  	v38 =	vld [tilespmem:s22+$0x8EF0];
	v44 =	vadd.f32 v50, v49;
	v45 =	vadd.f32 v52, v51  }
0x2ed: {  	v40 =	vld [tilespmem:s22+$0x8F70];
	v46 =	vadd.f32 v54, v53;
	v47 =	vadd.f32 v56, v55  }
0x2ee: {  	v43 =	vld [tilespmem:s22+$0x8FF0];
	v48 =	vadd.f32 v58, v57;
	v49 =	vadd.f32 v60, v59  }
0x2ef: {  	v50 =	vadd.f32 v62, v61;
	v51 =	vadd.f32 v32, v63  }
0x2f0: {  	v52 =	vadd.f32 v34, v33;
	v53 =	vadd.f32 v36, v35  }
0x2f1: {  	v54 =	vadd.f32 v38, v37;
	v0 =	vadd.f32 v39, v0  }
0x2f2: {  	v55 =	vadd.f32 v42, v41;
	v56 =	vadd.f32 v45, v44  }
0x2f3: {  	v57 =	vadd.f32 v47, v46;
	v2 =	vadd.f32 v43, v40  }
0x2f4: {  	v58 =	vadd.f32 v49, v48;
	v59 =	vadd.f32 v51, v50  }
0x2f5: {  	v60 =	vadd.f32 v53, v52;
	v2 =	vadd.f32 v2, v54  }
0x2f6: {  	v0 =	vadd.f32 v55, v0;
	v61 =	vadd.f32 v57, v56  }
0x2f7: {  	v62 =	vadd.f32 v59, v58;
	v2 =	vadd.f32 v2, v60  }
0x2f8: {  	p0 =	sne.s32 s21, $0x7  }
.Ltmp4:
0x2f9: {  	v0 =	vadd.f32 v61, v0;
	v63 =	vadd.f32 v2, v62;
	(pc) =	sbr.rel @p0 .LBB2_9-.Ltmp4, $3  }
0x2fa: {  	_ = 	snop  }
0x2fb: {  	v0 =	vadd.f32 v63, v0;
	_ =	sdelay $0x1  }
0x2fc: {  	s21 =	sadd.s32 $0x1, s21;
	[tilespmem:s23+$0x10470] =	vst v0  }
0x2fd: {  	s19 =	sadd.s32 $0x1, s19  }
0x2fe: {  	p0 =	sne.s32 s19, $0x5  }
.Ltmp5:
0x2ff: {  	_ = 	snop;
	(pc) =	sbr.rel @p0 .LBB2_2-.Ltmp5, $4  }
0x300: {  	_ = 	snop  }
0x301: {  	s20 =	sshll.u32 s20, $0x4  }
0x302: {  	s20 =	sadd.s32 s3, s20  }
0x303: {  	[hbm4b:s20+s4] =	stream.linear.scatter [tilespmem:s16], [sflag:$0x4], $0x400, $0x38;
	[tilespmem:$0x10800] =	vst v63  }
0x304: {  	s18 =	sadd.s32 $0x1, s18  }
0x305: {  	_ =	swait.ge [sflag:s17], $0x400;
	p0 =	sne.s32 s18, s10  }
.Ltmp6:
0x306: {  	[sflag:s17] =	ssyncset.done $0x0;
	(pc) =	sbr.rel @p0 .LBB2_1-.Ltmp6, $4  }
0x307: {  	[sflag:s17] =	ssyncadd.s32 $0xFFFFFC00  }
0x308: {  	_ =	swait.ge [sflag:s15], $0x400  }
0x309: {  	[sflag:s15] =	ssyncset.done $0x0  }
0x30a: {  	[sflag:s15] =	ssyncadd.s32 $0xFFFFFC00  }
0x30b: {  	_ =	sfence.sel $0x180000  }
0x30c: {  	[bflag:$0x0] =	sbarrier.arrive $0xFFFF  }
0x30d: {  	p0 =	sne.s32 s0, $0x0;
	_ =	strace $0x90000047  }
0x30e: {  	s0 =	sadd.s32 @!p0 $0x100000, s1;
	[bflag:$0x2] =	sbarrier.arrive $0xFFFF  }
0x30f: {  	[sflag:s0] =	ssyncadd.tile.s32 @!p0 $0x1;
	_ =	shalt  }
.Lfunc_end2:
_tile_overlayer_lowered:
.L_overlay_start_2:
0x310: {  	(tag) =	ssettag $0x2  }
0x311: {  	s0 =	rddreg [dreg:$0x0];
	s2 =	stileid.u32  }
0x312: {  	s1 =	rddreg [dreg:$0x1];
	p0 =	sne.s32 s2, $0x0  }
0x313: {  	s3 =	rddreg [dreg:$0x2];
	[bflag:$0x3] =	sbarrier.arrive $0xFFFF;
	s2 =	simm.s32 @!p0 $0x1C05  }
0x314: {  	[timem:s3], [sflag:s2] =	dma.local @!p0 [hbm:s0], s1  }
0x315: {  	s0 =	simm.s32 @!p0 $0x5  }
0x316: {  	_ =	swait.ge @!p0 [sflag:s0], s1  }
0x317: {  	s1 =	ssub.s32 @!p0 $0x0, s1;
	[sflag:s0] =	ssyncset.done @!p0 $0x0  }
0x318: {  	[sflag:s0] =	ssyncadd.s32 @!p0 s1  }
0x319: {  	[bflag:$0x3] =	sbarrier.arrive $0xFFFF  }
0x31a: {  	_ =	shalt  }

</sc_bundles>
